<compile_context>
chip_gen: v7x
topology: tpu7x:2x2x1
jax: 0.10.2.dev20260603
libtpu: 0.0.44.dev20260713+nightly
codegen_flags: <defaults>
</compile_context>

<pallas_src>
import functools

import jax
import jax.numpy as jnp
from jax import lax
from jax.experimental import pallas as pl
from jax.experimental.pallas import tpu as pltpu
from jax.experimental.pallas import tpu_sc as plsc

N_TRAIN = 100000
DIM = 128
K = 16
CW = 128
N_PAD = 100352
NCHUNK = N_PAD // CW
TT = 2048
BIG = 3.0e38

NC, NS = 2, 16
NW = NC * NS


def _tc_body(x_ref, xt_ref, s_ref, cmin_ref):
    j = pl.program_id(1)
    xb = x_ref[...]
    tb = xt_ref[...]
    dot = lax.dot_general(xb, tb, (((1,), (1,)), ((), ())),
                          preferred_element_type=jnp.float32)
    a2 = jnp.sum(xb * xb, axis=1, keepdims=True)
    b2 = jnp.sum(tb * tb, axis=1)[None, :]
    d2 = (a2 + b2) - 2.0 * dot
    d2 = jnp.maximum(d2, 1e-12)
    bq = xb.shape[0]
    col = j * TT + lax.broadcasted_iota(jnp.int32, (bq, TT), 1)
    d2 = jnp.where(col < N_TRAIN, d2, jnp.float32(BIG))
    s_ref[...] = d2
    mins = [jnp.min(d2[:, c * CW:(c + 1) * CW], axis=1)[None, :]
            for c in range(TT // CW)]
    cmin_ref[...] = jnp.concatenate(mins, axis=0)


def _distances_and_chunkmins(x, x_train):
    nq = x.shape[0]
    bq = min(1024, nq)
    grid = (nq // bq, N_PAD // TT)
    return pl.pallas_call(
        _tc_body,
        grid=grid,
        in_specs=[
            pl.BlockSpec((bq, DIM), lambda i, j: (i, 0)),
            pl.BlockSpec((TT, DIM), lambda i, j: (j, 0)),
        ],
        out_specs=[
            pl.BlockSpec((bq, TT), lambda i, j: (i, j)),
            pl.BlockSpec((TT // CW, bq), lambda i, j: (j, i)),
        ],
        out_shape=[
            jax.ShapeDtypeStruct((nq, N_PAD), jnp.float32),
            jax.ShapeDtypeStruct((NCHUNK, nq), jnp.float32),
        ],
    )(x, x_train)


def _tr_body(in_ref, out_ref):
    out_ref[...] = in_ref[...].T


def _transpose_cmin(cmin_t):
    nq = cmin_t.shape[1]
    bq = min(1024, nq)
    return pl.pallas_call(
        _tr_body,
        grid=(nq // bq,),
        in_specs=[pl.BlockSpec((NCHUNK, bq), lambda i: (0, i))],
        out_specs=pl.BlockSpec((bq, NCHUNK), lambda i: (i, 0)),
        out_shape=jax.ShapeDtypeStruct((nq, NCHUNK), jnp.float32),
    )(cmin_t)


def _iota16():
    return lax.iota(jnp.int32, 16)


def _merge16(v, ids, carry):
    run_val, run_id = carry
    sv, si = plsc.sort_key_val(v, ids, descending=True)
    take = sv < run_val
    nv = jnp.where(take, sv, run_val)
    ni = jnp.where(take, si, run_id)
    return tuple(plsc.sort_key_val(nv, ni))


def _sc_select(cmin_q, s, ypad):
    nq = cmin_q.shape[0]
    qpw = nq // NW
    mesh = plsc.VectorSubcoreMesh(core_axis_name="c", subcore_axis_name="s")

    @functools.partial(
        pl.kernel,
        out_type=jax.ShapeDtypeStruct((nq,), jnp.float32),
        mesh=mesh,
        scratch_types=[
            pltpu.VMEM((2, NCHUNK), jnp.float32),
            pltpu.VMEM((K, CW), jnp.float32),
            pltpu.VMEM((N_PAD,), jnp.float32),
            pltpu.VMEM((qpw,), jnp.float32),
            pltpu.SemaphoreType.DMA,
            pltpu.SemaphoreType.DMA,
        ],
        compiler_params=pltpu.CompilerParams(needs_layout_passes=False),
    )
    def body(cmin_hbm, s_hbm, y_hbm, out_hbm, cmr, cand, yv, ob, semA, semC):
        wid = lax.axis_index("s") * NC + lax.axis_index("c")
        q0 = wid * qpw
        pltpu.async_copy(cmin_hbm.at[q0], cmr.at[0], semC)
        pltpu.sync_copy(y_hbm, yv)

        def per_query(i, acc):
            q = q0 + i
            b = i & 1
            pltpu.make_async_copy(cmin_hbm.at[q], cmr.at[b], semC).wait()
            init = (jnp.full((16,), BIG, jnp.float32),
                    jnp.zeros((16,), jnp.int32))

            def cvec(k, carry):
                return _merge16(cmr[b, pl.ds(k * 16, 16)],
                                k * 16 + _iota16(), carry)

            _, cm_id = lax.fori_loop(0, NCHUNK // 16, cvec, init)
            copies = []
            for r in range(K):
                cr = cm_id[r]
                copies.append(pltpu.async_copy(
                    s_hbm.at[q, pl.ds(cr * CW, CW)], cand.at[r], semA))

            @pl.when(i + 1 < qpw)
            def _():
                pltpu.async_copy(cmin_hbm.at[q + 1], cmr.at[1 - b], semC)

            for c in copies:
                c.wait()

            def row_body(r, carry):
                def vec(k, carry):
                    return _merge16(cand[r, pl.ds(k * 16, 16)],
                                    r * CW + k * 16 + _iota16(), carry)

                return lax.fori_loop(0, CW // 16, vec, carry)

            _, top_id = lax.fori_loop(0, K, row_body, init)
            dnums = lax.GatherDimensionNumbers(
                offset_dims=(), collapsed_slice_dims=(0,),
                start_index_map=(0,))
            gchunk = lax.gather(
                cm_id, lax.shift_right_logical(top_id, 7)[:, None], dnums,
                (1,), mode=lax.GatherScatterMode.PROMISE_IN_BOUNDS)
            gidx = gchunk * CW + lax.bitwise_and(top_id, 127)
            y16 = plsc.load_gather(yv, [gidx])
            pred = jnp.sum(y16) * jnp.float32(1.0 / K)
            return jnp.where(_iota16() == (i & 15), pred, acc)

        def qgroup(g, _):
            acc = lax.fori_loop(0, 16, lambda t, a: per_query(g * 16 + t, a),
                                jnp.zeros((16,), jnp.float32))
            ob[pl.ds(g * 16, 16)] = acc
            return 0

        lax.fori_loop(0, qpw // 16, qgroup, 0)
        pltpu.sync_copy(ob, out_hbm.at[pl.ds(q0, qpw)])

    return body(cmin_q, s, ypad)


_SPLITS = (1024, 1024, 1024, 1024)


def kernel(x, x_train, y_train, batch_size):
    del batch_size
    ypad = jnp.pad(y_train.reshape(-1), (0, N_PAD - N_TRAIN))
    preds = []
    off = 0
    for nh in _SPLITS:
        xh = lax.slice_in_dim(x, off, off + nh, axis=0)
        off += nh
        s, cmin_t = _distances_and_chunkmins(xh, x_train)
        cmin_q = _transpose_cmin(cmin_t)
        preds.append(_sc_select(cmin_q, s, ypad))
    return jnp.concatenate(preds).reshape(-1, 1)

# --- scband reference (transcript-rebuilt; emitter-appended) ---
"""Pipeline reference for scband-knnmodel-63917703299132 (READ-ONLY COPY).

The authoritative reference and input builder live on the scoring server;
editing this copy changes nothing except your own understanding.
"""

import jax, jax.numpy as jnp
import numpy as np

K_NEIGHBORS = 16

_BATCH_SIZE_STATIC = 1024


def setup_inputs(seed: int = 0) -> dict:
    key = jax.random.key(seed)
    k1, k2, k3 = jax.random.split(key, 3)
    x = jax.random.normal(k1, (4096, 128), dtype=jnp.float32)
    x_train = jax.random.normal(k2, (100000, 128), dtype=jnp.float32)
    y_train = jax.random.uniform(k3, (100000, 1), dtype=jnp.float32)
    return {"x": x, "x_train": x_train, "y_train": y_train, "batch_size": 1024}


def _cdist(a, b):
    # Euclidean distance matrix, same math as torch.cdist(p=2)
    a2 = jnp.sum(a * a, axis=1, keepdims=True)          # [m, 1]
    b2 = jnp.sum(b * b, axis=1)[None, :]                # [1, n]
    d2 = a2 + b2 - 2.0 * (a @ b.T)
    return jnp.sqrt(jnp.maximum(d2, 1e-12))


def reference(x, x_train, y_train, batch_size):
    preds = []
    num_batches = (x.shape[0] + _BATCH_SIZE_STATIC - 1) // _BATCH_SIZE_STATIC
    for step in range(num_batches):
        start = step * batch_size
        x_batch = jax.lax.dynamic_slice(
            x, (start, jnp.zeros_like(start)), (_BATCH_SIZE_STATIC, x.shape[1])
        )                                               # [b, d]
        distances = _cdist(x_batch, x_train)            # [b, n_train]
        # smallest-k distances -> top_k on negated distances
        _, indices = jax.lax.top_k(-distances, K_NEIGHBORS)  # [b, k]
        knn_targets = y_train[indices]                  # gather: [b, k, 1]
        pred_batch = jnp.mean(knn_targets, axis=1)      # [b, 1]
        preds.append(pred_batch)
    return jnp.concatenate(preds, axis=0)

if __name__ == "__main__":
    import jax
    _d = setup_inputs()
    print(jax.jit(kernel)(*tuple(_d.values())))

</pallas_src>

<mosaic_0001>
#map = affine_map<(d0, d1) -> (0, 0)>
#map1 = affine_map<(d0, d1) -> (0)>
module attributes {stable_mosaic.version = 14 : i64} {
  func.func @body(%arg0: i32, %arg1: i32, %arg2: memref<1024x784xf32, #tpu.memory_space<hbm>>, %arg3: memref<1024x100352xf32, #tpu.memory_space<hbm>>, %arg4: memref<100352xf32, #tpu.memory_space<hbm>>, %arg5: memref<1024xf32, #tpu.memory_space<hbm>>, %arg6: memref<2x784xf32, #tpu.memory_space<vmem>>, %arg7: memref<16x128xf32, #tpu.memory_space<vmem>>, %arg8: memref<100352xf32, #tpu.memory_space<vmem>>, %arg9: memref<32xf32, #tpu.memory_space<vmem>>, %arg10: memref<!tpu.dma_semaphore, #tpu.memory_space<semaphore_mem>>, %arg11: memref<!tpu.dma_semaphore, #tpu.memory_space<semaphore_mem>>) attributes {dimension_semantics = [#tpu.dimension_semantics<core_parallel>, #tpu.dimension_semantics<subcore_parallel>], iteration_bounds = array<i64: 2, 16>, scalar_prefetch = 0 : i64, scratch_operands = 6 : i64, tpu.core_type = #tpu.core_type<sc_vector_subcore>, window_params = [{transform_indices = #map}, {transform_indices = #map}, {transform_indices = #map1}, {transform_indices = #map1}]} {
    %mul3A = arith.constant 2 : i32
    %mul3A_0 = arith.muli %arg1, %mul3A : i32
    %add3A = arith.addi %mul3A_0, %arg0 : i32
    %mul3A_1 = arith.constant 32 : i32
    %mul3A_2 = arith.muli %add3A, %mul3A_1 : i32
    %dma_start3A = arith.constant 0 : i32
    %dma_start3A_3 = arith.constant 0 : i32
    %dma_start3A_4 = tpu.memref_slice %arg6[%dma_start3A, %dma_start3A_3] : memref<2x784xf32, #tpu.memory_space<vmem>> -> memref<1x784xf32, #tpu.memory_space<vmem>>
    %dma_start3A_5 = tpu.memref_squeeze %dma_start3A_4 : memref<1x784xf32, #tpu.memory_space<vmem>> -> memref<784xf32, #tpu.memory_space<vmem>>
    %dma_start3A_6 = arith.constant 0 : i32
    %dma_start3A_7 = tpu.memref_slice %arg2[%mul3A_2, %dma_start3A_6] : memref<1024x784xf32, #tpu.memory_space<hbm>> -> memref<1x784xf32, #tpu.memory_space<hbm>>
    %dma_start3A_8 = tpu.memref_squeeze %dma_start3A_7 : memref<1x784xf32, #tpu.memory_space<hbm>> -> memref<784xf32, #tpu.memory_space<hbm>>
    %dma_start3A_9 = arith.constant 0 : i32
    %dma_start3A_10 = tpu.memref_slice %arg6[%dma_start3A, %dma_start3A_9] : memref<2x784xf32, #tpu.memory_space<vmem>> -> memref<1x784xf32, #tpu.memory_space<vmem>>
    %dma_start3A_11 = tpu.memref_squeeze %dma_start3A_10 : memref<1x784xf32, #tpu.memory_space<vmem>> -> memref<784xf32, #tpu.memory_space<vmem>>
    %dma_start3A_12 = arith.constant 0 : i32
    %dma_start3A_13 = tpu.memref_slice %arg2[%mul3A_2, %dma_start3A_12] : memref<1024x784xf32, #tpu.memory_space<hbm>> -> memref<1x784xf32, #tpu.memory_space<hbm>>
    %dma_start3A_14 = tpu.memref_squeeze %dma_start3A_13 : memref<1x784xf32, #tpu.memory_space<hbm>> -> memref<784xf32, #tpu.memory_space<hbm>>
    tpu.enqueue_dma source(%dma_start3A_14 : memref<784xf32, #tpu.memory_space<hbm>>) target(%dma_start3A_11 : memref<784xf32, #tpu.memory_space<vmem>>) target_semaphore(%arg11 : memref<!tpu.dma_semaphore, #tpu.memory_space<semaphore_mem>>)
    "tpu.region"() ({
      %run_scoped3A = tpu.sem_alloc : memref<!tpu.dma_semaphore, #tpu.memory_space<semaphore_mem>>
      tpu.enqueue_dma source(%arg4 : memref<100352xf32, #tpu.memory_space<hbm>>) target(%arg8 : memref<100352xf32, #tpu.memory_space<vmem>>) target_semaphore(%run_scoped3A : memref<!tpu.dma_semaphore, #tpu.memory_space<semaphore_mem>>)
      tpu.wait_dma2 semaphore(%run_scoped3A : memref<!tpu.dma_semaphore, #tpu.memory_space<semaphore_mem>>) src(%arg4 : memref<100352xf32, #tpu.memory_space<hbm>>) dst(%arg8 : memref<100352xf32, #tpu.memory_space<vmem>>)
      tpu.yield
    }) : () -> ()
    %scan3A = arith.constant 0 : i32
    %scan3A_15 = arith.constant 0 : i32
    %scan3A_16 = arith.constant 2 : i32
    %scan3A_17 = arith.addi %scan3A_15, %scan3A_16 : i32
    %scan3A_18 = arith.constant 1 : i32
    %scan3A_19 = scf.for %scan3A_21 = %scan3A_15 to %scan3A_17 step %scan3A_18 iter_args(%scan3A_22 = %scan3A) -> (i32)  : i32 {
      %broadcast_in_dim3A = arith.constant 0.000000e+00 : f32
      %broadcast_in_dim3A_23 = vector.broadcast %broadcast_in_dim3A : f32 to vector<16xf32>
      %scan3A_24 = arith.constant 0 : i32
      %scan3A_25 = arith.constant 16 : i32
      %scan3A_26 = arith.addi %scan3A_24, %scan3A_25 : i32
      %scan3A_27 = arith.constant 1 : i32
      %scan3A_28 = scf.for %scan3A_34 = %scan3A_24 to %scan3A_26 step %scan3A_27 iter_args(%scan3A_35 = %broadcast_in_dim3A_23) -> (vector<16xf32>)  : i32 {
        %mul3A_36 = arith.constant 16 : i32
        %mul3A_37 = arith.muli %scan3A_21, %mul3A_36 : i32
        %add3A_38 = arith.addi %mul3A_37, %scan3A_34 : i32
        %add3A_39 = arith.addi %mul3A_2, %add3A_38 : i32
        %and3A = arith.constant 1 : i32
        %and3A_40 = arith.andi %add3A_38, %and3A : i32
        %dma_wait3A = arith.constant 0 : i32
        %dma_wait3A_41 = tpu.memref_slice %arg6[%and3A_40, %dma_wait3A] : memref<2x784xf32, #tpu.memory_space<vmem>> -> memref<1x784xf32, #tpu.memory_space<vmem>>
        %dma_wait3A_42 = tpu.memref_squeeze %dma_wait3A_41 : memref<1x784xf32, #tpu.memory_space<vmem>> -> memref<784xf32, #tpu.memory_space<vmem>>
        %dma_wait3A_43 = arith.constant 0 : i32
        %dma_wait3A_44 = tpu.memref_slice %arg2[%add3A_39, %dma_wait3A_43] : memref<1024x784xf32, #tpu.memory_space<hbm>> -> memref<1x784xf32, #tpu.memory_space<hbm>>
        %dma_wait3A_45 = tpu.memref_squeeze %dma_wait3A_44 : memref<1x784xf32, #tpu.memory_space<hbm>> -> memref<784xf32, #tpu.memory_space<hbm>>
        %dma_wait3A_46 = arith.constant 0 : i32
        %dma_wait3A_47 = tpu.memref_slice %arg6[%and3A_40, %dma_wait3A_46] : memref<2x784xf32, #tpu.memory_space<vmem>> -> memref<1x784xf32, #tpu.memory_space<vmem>>
        %dma_wait3A_48 = tpu.memref_squeeze %dma_wait3A_47 : memref<1x784xf32, #tpu.memory_space<vmem>> -> memref<784xf32, #tpu.memory_space<vmem>>
        %dma_wait3A_49 = arith.constant 0 : i32
        %dma_wait3A_50 = tpu.memref_slice %arg2[%add3A_39, %dma_wait3A_49] : memref<1024x784xf32, #tpu.memory_space<hbm>> -> memref<1x784xf32, #tpu.memory_space<hbm>>
        %dma_wait3A_51 = tpu.memref_squeeze %dma_wait3A_50 : memref<1x784xf32, #tpu.memory_space<hbm>> -> memref<784xf32, #tpu.memory_space<hbm>>
        tpu.wait_dma2 semaphore(%arg11 : memref<!tpu.dma_semaphore, #tpu.memory_space<semaphore_mem>>) src(%dma_wait3A_51 : memref<784xf32, #tpu.memory_space<hbm>>) dst(%dma_wait3A_48 : memref<784xf32, #tpu.memory_space<vmem>>)
        %broadcast_in_dim3A_52 = arith.constant 3.000000e+38 : f32
        %broadcast_in_dim3A_53 = vector.broadcast %broadcast_in_dim3A_52 : f32 to vector<16xf32>
        %broadcast_in_dim3A_54 = arith.constant 0 : i32
        %broadcast_in_dim3A_55 = vector.broadcast %broadcast_in_dim3A_54 : i32 to vector<16xi32>
        %scan3A_56 = arith.constant 0 : i32
        %scan3A_57 = arith.constant 49 : i32
        %scan3A_58 = arith.addi %scan3A_56, %scan3A_57 : i32
        %scan3A_59 = arith.constant 1 : i32
        %scan3A_60:2 = scf.for %scan3A_507 = %scan3A_56 to %scan3A_58 step %scan3A_59 iter_args(%scan3A_508 = %broadcast_in_dim3A_53, %scan3A_509 = %broadcast_in_dim3A_55) -> (vector<16xf32>, vector<16xi32>)  : i32 {
          %mul3A_510 = arith.constant 16 : i32
          %mul3A_511 = arith.muli %scan3A_507, %mul3A_510 : i32
          %get3A = arith.index_cast %and3A_40 : i32 to index
          %get3A_512 = arith.index_cast %mul3A_511 : i32 to index
          %get3A_513 = tpu.vector_load %arg6[%get3A, %get3A_512] {strides = array<i32>} : memref<2x784xf32, #tpu.memory_space<vmem>>, vector<16xf32>,
          %mul3A_514 = arith.constant 16 : i32
          %mul3A_515 = arith.muli %scan3A_507, %mul3A_514 : i32
          %iota3A_516 = tpu.iota {dimensions = array<i32: 0>} : vector<16xi32>
          %add3A_517 = vector.broadcast %mul3A_515 : i32 to vector<16xi32>
          %add3A_518 = arith.addi %add3A_517, %iota3A_516 : vector<16xi32>
          %masked_sort3A = arith.constant dense<true> : vector<16xi1>
          %masked_sort3A_519, %masked_sort3A_520, %masked_sort3A_521 = tpu.sort %get3A_513, %add3A_518 masked %masked_sort3A {descending = true} : (vector<16xf32>, vector<16xi32>, vector<16xi1>) -> (vector<16xi1>, vector<16xf32>, vector<16xi32>)
          %lt3A_522 = arith.cmpf olt, %masked_sort3A_520, %scan3A_508 : vector<16xf32>
          %select_n3A_523 = arith.select %lt3A_522, %masked_sort3A_520, %scan3A_508 : vector<16xi1>, vector<16xf32>
          %select_n3A_524 = arith.select %lt3A_522, %masked_sort3A_521, %scan3A_509 : vector<16xi1>, vector<16xi32>
          %masked_sort3A_525 = arith.constant dense<true> : vector<16xi1>
          %masked_sort3A_526, %masked_sort3A_527, %masked_sort3A_528 = tpu.sort %select_n3A_523, %select_n3A_524 masked %masked_sort3A_525 : (vector<16xf32>, vector<16xi32>, vector<16xi1>) -> (vector<16xi1>, vector<16xf32>, vector<16xi32>)
          scf.yield %masked_sort3A_527, %masked_sort3A_528 : vector<16xf32>, vector<16xi32>
        }
        %scan3A_61 = arith.constant 49 : i32
        %slice3A = vector.extract_strided_slice %scan3A_60#1 {offsets = [0], sizes = [1], strides = [1]} : vector<16xi32> to vector<1xi32>
        %squeeze3A = vector.extract %slice3A[0] : i32 from vector<1xi32>
        %mul3A_62 = arith.constant 128 : i32
        %mul3A_63 = arith.muli %squeeze3A, %mul3A_62 : i32
        %dma_start3A_64 = arith.constant 0 : i32
        %dma_start3A_65 = arith.constant 0 : i32
        %dma_start3A_66 = tpu.memref_slice %arg7[%dma_start3A_64, %dma_start3A_65] : memref<16x128xf32, #tpu.memory_space<vmem>> -> memref<1x128xf32, #tpu.memory_space<vmem>>
        %dma_start3A_67 = tpu.memref_squeeze %dma_start3A_66 : memref<1x128xf32, #tpu.memory_space<vmem>> -> memref<128xf32, #tpu.memory_space<vmem>>
        %dma_start3A_68 = tpu.memref_slice %arg3[%add3A_39, %mul3A_63] : memref<1024x100352xf32, #tpu.memory_space<hbm>> -> memref<1x128xf32, #tpu.memory_space<hbm>>
        %dma_start3A_69 = tpu.memref_squeeze %dma_start3A_68 : memref<1x128xf32, #tpu.memory_space<hbm>> -> memref<128xf32, #tpu.memory_space<hbm>>
        %dma_start3A_70 = arith.constant 0 : i32
        %dma_start3A_71 = tpu.memref_slice %arg7[%dma_start3A_64, %dma_start3A_70] : memref<16x128xf32, #tpu.memory_space<vmem>> -> memref<1x128xf32, #tpu.memory_space<vmem>>
        %dma_start3A_72 = tpu.memref_squeeze %dma_start3A_71 : memref<1x128xf32, #tpu.memory_space<vmem>> -> memref<128xf32, #tpu.memory_space<vmem>>
        %dma_start3A_73 = tpu.memref_slice %arg3[%add3A_39, %mul3A_63] : memref<1024x100352xf32, #tpu.memory_space<hbm>> -> memref<1x128xf32, #tpu.memory_space<hbm>>
        %dma_start3A_74 = tpu.memref_squeeze %dma_start3A_73 : memref<1x128xf32, #tpu.memory_space<hbm>> -> memref<128xf32, #tpu.memory_space<hbm>>
        tpu.enqueue_dma source(%dma_start3A_74 : memref<128xf32, #tpu.memory_space<hbm>>) target(%dma_start3A_72 : memref<128xf32, #tpu.memory_space<vmem>>) target_semaphore(%arg10 : memref<!tpu.dma_semaphore, #tpu.memory_space<semaphore_mem>>)
        %slice3A_75 = vector.extract_strided_slice %scan3A_60#1 {offsets = [1], sizes = [1], strides = [1]} : vector<16xi32> to vector<1xi32>
        %squeeze3A_76 = vector.extract %slice3A_75[0] : i32 from vector<1xi32>
        %mul3A_77 = arith.constant 128 : i32
        %mul3A_78 = arith.muli %squeeze3A_76, %mul3A_77 : i32
        %dma_start3A_79 = arith.constant 1 : i32
        %dma_start3A_80 = arith.constant 0 : i32
        %dma_start3A_81 = tpu.memref_slice %arg7[%dma_start3A_79, %dma_start3A_80] : memref<16x128xf32, #tpu.memory_space<vmem>> -> memref<1x128xf32, #tpu.memory_space<vmem>>
        %dma_start3A_82 = tpu.memref_squeeze %dma_start3A_81 : memref<1x128xf32, #tpu.memory_space<vmem>> -> memref<128xf32, #tpu.memory_space<vmem>>
        %dma_start3A_83 = tpu.memref_slice %arg3[%add3A_39, %mul3A_78] : memref<1024x100352xf32, #tpu.memory_space<hbm>> -> memref<1x128xf32, #tpu.memory_space<hbm>>
        %dma_start3A_84 = tpu.memref_squeeze %dma_start3A_83 : memref<1x128xf32, #tpu.memory_space<hbm>> -> memref<128xf32, #tpu.memory_space<hbm>>
        %dma_start3A_85 = arith.constant 0 : i32
        %dma_start3A_86 = tpu.memref_slice %arg7[%dma_start3A_79, %dma_start3A_85] : memref<16x128xf32, #tpu.memory_space<vmem>> -> memref<1x128xf32, #tpu.memory_space<vmem>>
        %dma_start3A_87 = tpu.memref_squeeze %dma_start3A_86 : memref<1x128xf32, #tpu.memory_space<vmem>> -> memref<128xf32, #tpu.memory_space<vmem>>
        %dma_start3A_88 = tpu.memref_slice %arg3[%add3A_39, %mul3A_78] : memref<1024x100352xf32, #tpu.memory_space<hbm>> -> memref<1x128xf32, #tpu.memory_space<hbm>>
        %dma_start3A_89 = tpu.memref_squeeze %dma_start3A_88 : memref<1x128xf32, #tpu.memory_space<hbm>> -> memref<128xf32, #tpu.memory_space<hbm>>
        tpu.enqueue_dma source(%dma_start3A_89 : memref<128xf32, #tpu.memory_space<hbm>>) target(%dma_start3A_87 : memref<128xf32, #tpu.memory_space<vmem>>) target_semaphore(%arg10 : memref<!tpu.dma_semaphore, #tpu.memory_space<semaphore_mem>>)
        %slice3A_90 = vector.extract_strided_slice %scan3A_60#1 {offsets = [2], sizes = [1], strides = [1]} : vector<16xi32> to vector<1xi32>
        %squeeze3A_91 = vector.extract %slice3A_90[0] : i32 from vector<1xi32>
        %mul3A_92 = arith.constant 128 : i32
        %mul3A_93 = arith.muli %squeeze3A_91, %mul3A_92 : i32
        %dma_start3A_94 = arith.constant 2 : i32
        %dma_start3A_95 = arith.constant 0 : i32
        %dma_start3A_96 = tpu.memref_slice %arg7[%dma_start3A_94, %dma_start3A_95] : memref<16x128xf32, #tpu.memory_space<vmem>> -> memref<1x128xf32, #tpu.memory_space<vmem>>
        %dma_start3A_97 = tpu.memref_squeeze %dma_start3A_96 : memref<1x128xf32, #tpu.memory_space<vmem>> -> memref<128xf32, #tpu.memory_space<vmem>>
        %dma_start3A_98 = tpu.memref_slice %arg3[%add3A_39, %mul3A_93] : memref<1024x100352xf32, #tpu.memory_space<hbm>> -> memref<1x128xf32, #tpu.memory_space<hbm>>
        %dma_start3A_99 = tpu.memref_squeeze %dma_start3A_98 : memref<1x128xf32, #tpu.memory_space<hbm>> -> memref<128xf32, #tpu.memory_space<hbm>>
        %dma_start3A_100 = arith.constant 0 : i32
        %dma_start3A_101 = tpu.memref_slice %arg7[%dma_start3A_94, %dma_start3A_100] : memref<16x128xf32, #tpu.memory_space<vmem>> -> memref<1x128xf32, #tpu.memory_space<vmem>>
        %dma_start3A_102 = tpu.memref_squeeze %dma_start3A_101 : memref<1x128xf32, #tpu.memory_space<vmem>> -> memref<128xf32, #tpu.memory_space<vmem>>
        %dma_start3A_103 = tpu.memref_slice %arg3[%add3A_39, %mul3A_93] : memref<1024x100352xf32, #tpu.memory_space<hbm>> -> memref<1x128xf32, #tpu.memory_space<hbm>>
        %dma_start3A_104 = tpu.memref_squeeze %dma_start3A_103 : memref<1x128xf32, #tpu.memory_space<hbm>> -> memref<128xf32, #tpu.memory_space<hbm>>
        tpu.enqueue_dma source(%dma_start3A_104 : memref<128xf32, #tpu.memory_space<hbm>>) target(%dma_start3A_102 : memref<128xf32, #tpu.memory_space<vmem>>) target_semaphore(%arg10 : memref<!tpu.dma_semaphore, #tpu.memory_space<semaphore_mem>>)
        %slice3A_105 = vector.extract_strided_slice %scan3A_60#1 {offsets = [3], sizes = [1], strides = [1]} : vector<16xi32> to vector<1xi32>
        %squeeze3A_106 = vector.extract %slice3A_105[0] : i32 from vector<1xi32>
        %mul3A_107 = arith.constant 128 : i32
        %mul3A_108 = arith.muli %squeeze3A_106, %mul3A_107 : i32
        %dma_start3A_109 = arith.constant 3 : i32
        %dma_start3A_110 = arith.constant 0 : i32
        %dma_start3A_111 = tpu.memref_slice %arg7[%dma_start3A_109, %dma_start3A_110] : memref<16x128xf32, #tpu.memory_space<vmem>> -> memref<1x128xf32, #tpu.memory_space<vmem>>
        %dma_start3A_112 = tpu.memref_squeeze %dma_start3A_111 : memref<1x128xf32, #tpu.memory_space<vmem>> -> memref<128xf32, #tpu.memory_space<vmem>>
        %dma_start3A_113 = tpu.memref_slice %arg3[%add3A_39, %mul3A_108] : memref<1024x100352xf32, #tpu.memory_space<hbm>> -> memref<1x128xf32, #tpu.memory_space<hbm>>
        %dma_start3A_114 = tpu.memref_squeeze %dma_start3A_113 : memref<1x128xf32, #tpu.memory_space<hbm>> -> memref<128xf32, #tpu.memory_space<hbm>>
        %dma_start3A_115 = arith.constant 0 : i32
        %dma_start3A_116 = tpu.memref_slice %arg7[%dma_start3A_109, %dma_start3A_115] : memref<16x128xf32, #tpu.memory_space<vmem>> -> memref<1x128xf32, #tpu.memory_space<vmem>>
        %dma_start3A_117 = tpu.memref_squeeze %dma_start3A_116 : memref<1x128xf32, #tpu.memory_space<vmem>> -> memref<128xf32, #tpu.memory_space<vmem>>
        %dma_start3A_118 = tpu.memref_slice %arg3[%add3A_39, %mul3A_108] : memref<1024x100352xf32, #tpu.memory_space<hbm>> -> memref<1x128xf32, #tpu.memory_space<hbm>>
        %dma_start3A_119 = tpu.memref_squeeze %dma_start3A_118 : memref<1x128xf32, #tpu.memory_space<hbm>> -> memref<128xf32, #tpu.memory_space<hbm>>
        tpu.enqueue_dma source(%dma_start3A_119 : memref<128xf32, #tpu.memory_space<hbm>>) target(%dma_start3A_117 : memref<128xf32, #tpu.memory_space<vmem>>) target_semaphore(%arg10 : memref<!tpu.dma_semaphore, #tpu.memory_space<semaphore_mem>>)
        %slice3A_120 = vector.extract_strided_slice %scan3A_60#1 {offsets = [4], sizes = [1], strides = [1]} : vector<16xi32> to vector<1xi32>
        %squeeze3A_121 = vector.extract %slice3A_120[0] : i32 from vector<1xi32>
        %mul3A_122 = arith.constant 128 : i32
        %mul3A_123 = arith.muli %squeeze3A_121, %mul3A_122 : i32
        %dma_start3A_124 = arith.constant 4 : i32
        %dma_start3A_125 = arith.constant 0 : i32
        %dma_start3A_126 = tpu.memref_slice %arg7[%dma_start3A_124, %dma_start3A_125] : memref<16x128xf32, #tpu.memory_space<vmem>> -> memref<1x128xf32, #tpu.memory_space<vmem>>
        %dma_start3A_127 = tpu.memref_squeeze %dma_start3A_126 : memref<1x128xf32, #tpu.memory_space<vmem>> -> memref<128xf32, #tpu.memory_space<vmem>>
        %dma_start3A_128 = tpu.memref_slice %arg3[%add3A_39, %mul3A_123] : memref<1024x100352xf32, #tpu.memory_space<hbm>> -> memref<1x128xf32, #tpu.memory_space<hbm>>
        %dma_start3A_129 = tpu.memref_squeeze %dma_start3A_128 : memref<1x128xf32, #tpu.memory_space<hbm>> -> memref<128xf32, #tpu.memory_space<hbm>>
        %dma_start3A_130 = arith.constant 0 : i32
        %dma_start3A_131 = tpu.memref_slice %arg7[%dma_start3A_124, %dma_start3A_130] : memref<16x128xf32, #tpu.memory_space<vmem>> -> memref<1x128xf32, #tpu.memory_space<vmem>>
        %dma_start3A_132 = tpu.memref_squeeze %dma_start3A_131 : memref<1x128xf32, #tpu.memory_space<vmem>> -> memref<128xf32, #tpu.memory_space<vmem>>
        %dma_start3A_133 = tpu.memref_slice %arg3[%add3A_39, %mul3A_123] : memref<1024x100352xf32, #tpu.memory_space<hbm>> -> memref<1x128xf32, #tpu.memory_space<hbm>>
        %dma_start3A_134 = tpu.memref_squeeze %dma_start3A_133 : memref<1x128xf32, #tpu.memory_space<hbm>> -> memref<128xf32, #tpu.memory_space<hbm>>
        tpu.enqueue_dma source(%dma_start3A_134 : memref<128xf32, #tpu.memory_space<hbm>>) target(%dma_start3A_132 : memref<128xf32, #tpu.memory_space<vmem>>) target_semaphore(%arg10 : memref<!tpu.dma_semaphore, #tpu.memory_space<semaphore_mem>>)
        %slice3A_135 = vector.extract_strided_slice %scan3A_60#1 {offsets = [5], sizes = [1], strides = [1]} : vector<16xi32> to vector<1xi32>
        %squeeze3A_136 = vector.extract %slice3A_135[0] : i32 from vector<1xi32>
        %mul3A_137 = arith.constant 128 : i32
        %mul3A_138 = arith.muli %squeeze3A_136, %mul3A_137 : i32
        %dma_start3A_139 = arith.constant 5 : i32
        %dma_start3A_140 = arith.constant 0 : i32
        %dma_start3A_141 = tpu.memref_slice %arg7[%dma_start3A_139, %dma_start3A_140] : memref<16x128xf32, #tpu.memory_space<vmem>> -> memref<1x128xf32, #tpu.memory_space<vmem>>
        %dma_start3A_142 = tpu.memref_squeeze %dma_start3A_141 : memref<1x128xf32, #tpu.memory_space<vmem>> -> memref<128xf32, #tpu.memory_space<vmem>>
        %dma_start3A_143 = tpu.memref_slice %arg3[%add3A_39, %mul3A_138] : memref<1024x100352xf32, #tpu.memory_space<hbm>> -> memref<1x128xf32, #tpu.memory_space<hbm>>
        %dma_start3A_144 = tpu.memref_squeeze %dma_start3A_143 : memref<1x128xf32, #tpu.memory_space<hbm>> -> memref<128xf32, #tpu.memory_space<hbm>>
        %dma_start3A_145 = arith.constant 0 : i32
        %dma_start3A_146 = tpu.memref_slice %arg7[%dma_start3A_139, %dma_start3A_145] : memref<16x128xf32, #tpu.memory_space<vmem>> -> memref<1x128xf32, #tpu.memory_space<vmem>>
        %dma_start3A_147 = tpu.memref_squeeze %dma_start3A_146 : memref<1x128xf32, #tpu.memory_space<vmem>> -> memref<128xf32, #tpu.memory_space<vmem>>
        %dma_start3A_148 = tpu.memref_slice %arg3[%add3A_39, %mul3A_138] : memref<1024x100352xf32, #tpu.memory_space<hbm>> -> memref<1x128xf32, #tpu.memory_space<hbm>>
        %dma_start3A_149 = tpu.memref_squeeze %dma_start3A_148 : memref<1x128xf32, #tpu.memory_space<hbm>> -> memref<128xf32, #tpu.memory_space<hbm>>
        tpu.enqueue_dma source(%dma_start3A_149 : memref<128xf32, #tpu.memory_space<hbm>>) target(%dma_start3A_147 : memref<128xf32, #tpu.memory_space<vmem>>) target_semaphore(%arg10 : memref<!tpu.dma_semaphore, #tpu.memory_space<semaphore_mem>>)
        %slice3A_150 = vector.extract_strided_slice %scan3A_60#1 {offsets = [6], sizes = [1], strides = [1]} : vector<16xi32> to vector<1xi32>
        %squeeze3A_151 = vector.extract %slice3A_150[0] : i32 from vector<1xi32>
        %mul3A_152 = arith.constant 128 : i32
        %mul3A_153 = arith.muli %squeeze3A_151, %mul3A_152 : i32
        %dma_start3A_154 = arith.constant 6 : i32
        %dma_start3A_155 = arith.constant 0 : i32
        %dma_start3A_156 = tpu.memref_slice %arg7[%dma_start3A_154, %dma_start3A_155] : memref<16x128xf32, #tpu.memory_space<vmem>> -> memref<1x128xf32, #tpu.memory_space<vmem>>
        %dma_start3A_157 = tpu.memref_squeeze %dma_start3A_156 : memref<1x128xf32, #tpu.memory_space<vmem>> -> memref<128xf32, #tpu.memory_space<vmem>>
        %dma_start3A_158 = tpu.memref_slice %arg3[%add3A_39, %mul3A_153] : memref<1024x100352xf32, #tpu.memory_space<hbm>> -> memref<1x128xf32, #tpu.memory_space<hbm>>
        %dma_start3A_159 = tpu.memref_squeeze %dma_start3A_158 : memref<1x128xf32, #tpu.memory_space<hbm>> -> memref<128xf32, #tpu.memory_space<hbm>>
        %dma_start3A_160 = arith.constant 0 : i32
        %dma_start3A_161 = tpu.memref_slice %arg7[%dma_start3A_154, %dma_start3A_160] : memref<16x128xf32, #tpu.memory_space<vmem>> -> memref<1x128xf32, #tpu.memory_space<vmem>>
        %dma_start3A_162 = tpu.memref_squeeze %dma_start3A_161 : memref<1x128xf32, #tpu.memory_space<vmem>> -> memref<128xf32, #tpu.memory_space<vmem>>
        %dma_start3A_163 = tpu.memref_slice %arg3[%add3A_39, %mul3A_153] : memref<1024x100352xf32, #tpu.memory_space<hbm>> -> memref<1x128xf32, #tpu.memory_space<hbm>>
        %dma_start3A_164 = tpu.memref_squeeze %dma_start3A_163 : memref<1x128xf32, #tpu.memory_space<hbm>> -> memref<128xf32, #tpu.memory_space<hbm>>
        tpu.enqueue_dma source(%dma_start3A_164 : memref<128xf32, #tpu.memory_space<hbm>>) target(%dma_start3A_162 : memref<128xf32, #tpu.memory_space<vmem>>) target_semaphore(%arg10 : memref<!tpu.dma_semaphore, #tpu.memory_space<semaphore_mem>>)
        %slice3A_165 = vector.extract_strided_slice %scan3A_60#1 {offsets = [7], sizes = [1], strides = [1]} : vector<16xi32> to vector<1xi32>
        %squeeze3A_166 = vector.extract %slice3A_165[0] : i32 from vector<1xi32>
        %mul3A_167 = arith.constant 128 : i32
        %mul3A_168 = arith.muli %squeeze3A_166, %mul3A_167 : i32
        %dma_start3A_169 = arith.constant 7 : i32
        %dma_start3A_170 = arith.constant 0 : i32
        %dma_start3A_171 = tpu.memref_slice %arg7[%dma_start3A_169, %dma_start3A_170] : memref<16x128xf32, #tpu.memory_space<vmem>> -> memref<1x128xf32, #tpu.memory_space<vmem>>
        %dma_start3A_172 = tpu.memref_squeeze %dma_start3A_171 : memref<1x128xf32, #tpu.memory_space<vmem>> -> memref<128xf32, #tpu.memory_space<vmem>>
        %dma_start3A_173 = tpu.memref_slice %arg3[%add3A_39, %mul3A_168] : memref<1024x100352xf32, #tpu.memory_space<hbm>> -> memref<1x128xf32, #tpu.memory_space<hbm>>
        %dma_start3A_174 = tpu.memref_squeeze %dma_start3A_173 : memref<1x128xf32, #tpu.memory_space<hbm>> -> memref<128xf32, #tpu.memory_space<hbm>>
        %dma_start3A_175 = arith.constant 0 : i32
        %dma_start3A_176 = tpu.memref_slice %arg7[%dma_start3A_169, %dma_start3A_175] : memref<16x128xf32, #tpu.memory_space<vmem>> -> memref<1x128xf32, #tpu.memory_space<vmem>>
        %dma_start3A_177 = tpu.memref_squeeze %dma_start3A_176 : memref<1x128xf32, #tpu.memory_space<vmem>> -> memref<128xf32, #tpu.memory_space<vmem>>
        %dma_start3A_178 = tpu.memref_slice %arg3[%add3A_39, %mul3A_168] : memref<1024x100352xf32, #tpu.memory_space<hbm>> -> memref<1x128xf32, #tpu.memory_space<hbm>>
        %dma_start3A_179 = tpu.memref_squeeze %dma_start3A_178 : memref<1x128xf32, #tpu.memory_space<hbm>> -> memref<128xf32, #tpu.memory_space<hbm>>
        tpu.enqueue_dma source(%dma_start3A_179 : memref<128xf32, #tpu.memory_space<hbm>>) target(%dma_start3A_177 : memref<128xf32, #tpu.memory_space<vmem>>) target_semaphore(%arg10 : memref<!tpu.dma_semaphore, #tpu.memory_space<semaphore_mem>>)
        %slice3A_180 = vector.extract_strided_slice %scan3A_60#1 {offsets = [8], sizes = [1], strides = [1]} : vector<16xi32> to vector<1xi32>
        %squeeze3A_181 = vector.extract %slice3A_180[0] : i32 from vector<1xi32>
        %mul3A_182 = arith.constant 128 : i32
        %mul3A_183 = arith.muli %squeeze3A_181, %mul3A_182 : i32
        %dma_start3A_184 = arith.constant 8 : i32
        %dma_start3A_185 = arith.constant 0 : i32
        %dma_start3A_186 = tpu.memref_slice %arg7[%dma_start3A_184, %dma_start3A_185] : memref<16x128xf32, #tpu.memory_space<vmem>> -> memref<1x128xf32, #tpu.memory_space<vmem>>
        %dma_start3A_187 = tpu.memref_squeeze %dma_start3A_186 : memref<1x128xf32, #tpu.memory_space<vmem>> -> memref<128xf32, #tpu.memory_space<vmem>>
        %dma_start3A_188 = tpu.memref_slice %arg3[%add3A_39, %mul3A_183] : memref<1024x100352xf32, #tpu.memory_space<hbm>> -> memref<1x128xf32, #tpu.memory_space<hbm>>
        %dma_start3A_189 = tpu.memref_squeeze %dma_start3A_188 : memref<1x128xf32, #tpu.memory_space<hbm>> -> memref<128xf32, #tpu.memory_space<hbm>>
        %dma_start3A_190 = arith.constant 0 : i32
        %dma_start3A_191 = tpu.memref_slice %arg7[%dma_start3A_184, %dma_start3A_190] : memref<16x128xf32, #tpu.memory_space<vmem>> -> memref<1x128xf32, #tpu.memory_space<vmem>>
        %dma_start3A_192 = tpu.memref_squeeze %dma_start3A_191 : memref<1x128xf32, #tpu.memory_space<vmem>> -> memref<128xf32, #tpu.memory_space<vmem>>
        %dma_start3A_193 = tpu.memref_slice %arg3[%add3A_39, %mul3A_183] : memref<1024x100352xf32, #tpu.memory_space<hbm>> -> memref<1x128xf32, #tpu.memory_space<hbm>>
        %dma_start3A_194 = tpu.memref_squeeze %dma_start3A_193 : memref<1x128xf32, #tpu.memory_space<hbm>> -> memref<128xf32, #tpu.memory_space<hbm>>
        tpu.enqueue_dma source(%dma_start3A_194 : memref<128xf32, #tpu.memory_space<hbm>>) target(%dma_start3A_192 : memref<128xf32, #tpu.memory_space<vmem>>) target_semaphore(%arg10 : memref<!tpu.dma_semaphore, #tpu.memory_space<semaphore_mem>>)
        %slice3A_195 = vector.extract_strided_slice %scan3A_60#1 {offsets = [9], sizes = [1], strides = [1]} : vector<16xi32> to vector<1xi32>
        %squeeze3A_196 = vector.extract %slice3A_195[0] : i32 from vector<1xi32>
        %mul3A_197 = arith.constant 128 : i32
        %mul3A_198 = arith.muli %squeeze3A_196, %mul3A_197 : i32
        %dma_start3A_199 = arith.constant 9 : i32
        %dma_start3A_200 = arith.constant 0 : i32
        %dma_start3A_201 = tpu.memref_slice %arg7[%dma_start3A_199, %dma_start3A_200] : memref<16x128xf32, #tpu.memory_space<vmem>> -> memref<1x128xf32, #tpu.memory_space<vmem>>
        %dma_start3A_202 = tpu.memref_squeeze %dma_start3A_201 : memref<1x128xf32, #tpu.memory_space<vmem>> -> memref<128xf32, #tpu.memory_space<vmem>>
        %dma_start3A_203 = tpu.memref_slice %arg3[%add3A_39, %mul3A_198] : memref<1024x100352xf32, #tpu.memory_space<hbm>> -> memref<1x128xf32, #tpu.memory_space<hbm>>
        %dma_start3A_204 = tpu.memref_squeeze %dma_start3A_203 : memref<1x128xf32, #tpu.memory_space<hbm>> -> memref<128xf32, #tpu.memory_space<hbm>>
        %dma_start3A_205 = arith.constant 0 : i32
        %dma_start3A_206 = tpu.memref_slice %arg7[%dma_start3A_199, %dma_start3A_205] : memref<16x128xf32, #tpu.memory_space<vmem>> -> memref<1x128xf32, #tpu.memory_space<vmem>>
        %dma_start3A_207 = tpu.memref_squeeze %dma_start3A_206 : memref<1x128xf32, #tpu.memory_space<vmem>> -> memref<128xf32, #tpu.memory_space<vmem>>
        %dma_start3A_208 = tpu.memref_slice %arg3[%add3A_39, %mul3A_198] : memref<1024x100352xf32, #tpu.memory_space<hbm>> -> memref<1x128xf32, #tpu.memory_space<hbm>>
        %dma_start3A_209 = tpu.memref_squeeze %dma_start3A_208 : memref<1x128xf32, #tpu.memory_space<hbm>> -> memref<128xf32, #tpu.memory_space<hbm>>
        tpu.enqueue_dma source(%dma_start3A_209 : memref<128xf32, #tpu.memory_space<hbm>>) target(%dma_start3A_207 : memref<128xf32, #tpu.memory_space<vmem>>) target_semaphore(%arg10 : memref<!tpu.dma_semaphore, #tpu.memory_space<semaphore_mem>>)
        %slice3A_210 = vector.extract_strided_slice %scan3A_60#1 {offsets = [10], sizes = [1], strides = [1]} : vector<16xi32> to vector<1xi32>
        %squeeze3A_211 = vector.extract %slice3A_210[0] : i32 from vector<1xi32>
        %mul3A_212 = arith.constant 128 : i32
        %mul3A_213 = arith.muli %squeeze3A_211, %mul3A_212 : i32
        %dma_start3A_214 = arith.constant 10 : i32
        %dma_start3A_215 = arith.constant 0 : i32
        %dma_start3A_216 = tpu.memref_slice %arg7[%dma_start3A_214, %dma_start3A_215] : memref<16x128xf32, #tpu.memory_space<vmem>> -> memref<1x128xf32, #tpu.memory_space<vmem>>
        %dma_start3A_217 = tpu.memref_squeeze %dma_start3A_216 : memref<1x128xf32, #tpu.memory_space<vmem>> -> memref<128xf32, #tpu.memory_space<vmem>>
        %dma_start3A_218 = tpu.memref_slice %arg3[%add3A_39, %mul3A_213] : memref<1024x100352xf32, #tpu.memory_space<hbm>> -> memref<1x128xf32, #tpu.memory_space<hbm>>
        %dma_start3A_219 = tpu.memref_squeeze %dma_start3A_218 : memref<1x128xf32, #tpu.memory_space<hbm>> -> memref<128xf32, #tpu.memory_space<hbm>>
        %dma_start3A_220 = arith.constant 0 : i32
        %dma_start3A_221 = tpu.memref_slice %arg7[%dma_start3A_214, %dma_start3A_220] : memref<16x128xf32, #tpu.memory_space<vmem>> -> memref<1x128xf32, #tpu.memory_space<vmem>>
        %dma_start3A_222 = tpu.memref_squeeze %dma_start3A_221 : memref<1x128xf32, #tpu.memory_space<vmem>> -> memref<128xf32, #tpu.memory_space<vmem>>
        %dma_start3A_223 = tpu.memref_slice %arg3[%add3A_39, %mul3A_213] : memref<1024x100352xf32, #tpu.memory_space<hbm>> -> memref<1x128xf32, #tpu.memory_space<hbm>>
        %dma_start3A_224 = tpu.memref_squeeze %dma_start3A_223 : memref<1x128xf32, #tpu.memory_space<hbm>> -> memref<128xf32, #tpu.memory_space<hbm>>
        tpu.enqueue_dma source(%dma_start3A_224 : memref<128xf32, #tpu.memory_space<hbm>>) target(%dma_start3A_222 : memref<128xf32, #tpu.memory_space<vmem>>) target_semaphore(%arg10 : memref<!tpu.dma_semaphore, #tpu.memory_space<semaphore_mem>>)
        %slice3A_225 = vector.extract_strided_slice %scan3A_60#1 {offsets = [11], sizes = [1], strides = [1]} : vector<16xi32> to vector<1xi32>
        %squeeze3A_226 = vector.extract %slice3A_225[0] : i32 from vector<1xi32>
        %mul3A_227 = arith.constant 128 : i32
        %mul3A_228 = arith.muli %squeeze3A_226, %mul3A_227 : i32
        %dma_start3A_229 = arith.constant 11 : i32
        %dma_start3A_230 = arith.constant 0 : i32
        %dma_start3A_231 = tpu.memref_slice %arg7[%dma_start3A_229, %dma_start3A_230] : memref<16x128xf32, #tpu.memory_space<vmem>> -> memref<1x128xf32, #tpu.memory_space<vmem>>
        %dma_start3A_232 = tpu.memref_squeeze %dma_start3A_231 : memref<1x128xf32, #tpu.memory_space<vmem>> -> memref<128xf32, #tpu.memory_space<vmem>>
        %dma_start3A_233 = tpu.memref_slice %arg3[%add3A_39, %mul3A_228] : memref<1024x100352xf32, #tpu.memory_space<hbm>> -> memref<1x128xf32, #tpu.memory_space<hbm>>
        %dma_start3A_234 = tpu.memref_squeeze %dma_start3A_233 : memref<1x128xf32, #tpu.memory_space<hbm>> -> memref<128xf32, #tpu.memory_space<hbm>>
        %dma_start3A_235 = arith.constant 0 : i32
        %dma_start3A_236 = tpu.memref_slice %arg7[%dma_start3A_229, %dma_start3A_235] : memref<16x128xf32, #tpu.memory_space<vmem>> -> memref<1x128xf32, #tpu.memory_space<vmem>>
        %dma_start3A_237 = tpu.memref_squeeze %dma_start3A_236 : memref<1x128xf32, #tpu.memory_space<vmem>> -> memref<128xf32, #tpu.memory_space<vmem>>
        %dma_start3A_238 = tpu.memref_slice %arg3[%add3A_39, %mul3A_228] : memref<1024x100352xf32, #tpu.memory_space<hbm>> -> memref<1x128xf32, #tpu.memory_space<hbm>>
        %dma_start3A_239 = tpu.memref_squeeze %dma_start3A_238 : memref<1x128xf32, #tpu.memory_space<hbm>> -> memref<128xf32, #tpu.memory_space<hbm>>
        tpu.enqueue_dma source(%dma_start3A_239 : memref<128xf32, #tpu.memory_space<hbm>>) target(%dma_start3A_237 : memref<128xf32, #tpu.memory_space<vmem>>) target_semaphore(%arg10 : memref<!tpu.dma_semaphore, #tpu.memory_space<semaphore_mem>>)
        %slice3A_240 = vector.extract_strided_slice %scan3A_60#1 {offsets = [12], sizes = [1], strides = [1]} : vector<16xi32> to vector<1xi32>
        %squeeze3A_241 = vector.extract %slice3A_240[0] : i32 from vector<1xi32>
        %mul3A_242 = arith.constant 128 : i32
        %mul3A_243 = arith.muli %squeeze3A_241, %mul3A_242 : i32
        %dma_start3A_244 = arith.constant 12 : i32
        %dma_start3A_245 = arith.constant 0 : i32
        %dma_start3A_246 = tpu.memref_slice %arg7[%dma_start3A_244, %dma_start3A_245] : memref<16x128xf32, #tpu.memory_space<vmem>> -> memref<1x128xf32, #tpu.memory_space<vmem>>
        %dma_start3A_247 = tpu.memref_squeeze %dma_start3A_246 : memref<1x128xf32, #tpu.memory_space<vmem>> -> memref<128xf32, #tpu.memory_space<vmem>>
        %dma_start3A_248 = tpu.memref_slice %arg3[%add3A_39, %mul3A_243] : memref<1024x100352xf32, #tpu.memory_space<hbm>> -> memref<1x128xf32, #tpu.memory_space<hbm>>
        %dma_start3A_249 = tpu.memref_squeeze %dma_start3A_248 : memref<1x128xf32, #tpu.memory_space<hbm>> -> memref<128xf32, #tpu.memory_space<hbm>>
        %dma_start3A_250 = arith.constant 0 : i32
        %dma_start3A_251 = tpu.memref_slice %arg7[%dma_start3A_244, %dma_start3A_250] : memref<16x128xf32, #tpu.memory_space<vmem>> -> memref<1x128xf32, #tpu.memory_space<vmem>>
        %dma_start3A_252 = tpu.memref_squeeze %dma_start3A_251 : memref<1x128xf32, #tpu.memory_space<vmem>> -> memref<128xf32, #tpu.memory_space<vmem>>
        %dma_start3A_253 = tpu.memref_slice %arg3[%add3A_39, %mul3A_243] : memref<1024x100352xf32, #tpu.memory_space<hbm>> -> memref<1x128xf32, #tpu.memory_space<hbm>>
        %dma_start3A_254 = tpu.memref_squeeze %dma_start3A_253 : memref<1x128xf32, #tpu.memory_space<hbm>> -> memref<128xf32, #tpu.memory_space<hbm>>
        tpu.enqueue_dma source(%dma_start3A_254 : memref<128xf32, #tpu.memory_space<hbm>>) target(%dma_start3A_252 : memref<128xf32, #tpu.memory_space<vmem>>) target_semaphore(%arg10 : memref<!tpu.dma_semaphore, #tpu.memory_space<semaphore_mem>>)
        %slice3A_255 = vector.extract_strided_slice %scan3A_60#1 {offsets = [13], sizes = [1], strides = [1]} : vector<16xi32> to vector<1xi32>
        %squeeze3A_256 = vector.extract %slice3A_255[0] : i32 from vector<1xi32>
        %mul3A_257 = arith.constant 128 : i32
        %mul3A_258 = arith.muli %squeeze3A_256, %mul3A_257 : i32
        %dma_start3A_259 = arith.constant 13 : i32
        %dma_start3A_260 = arith.constant 0 : i32
        %dma_start3A_261 = tpu.memref_slice %arg7[%dma_start3A_259, %dma_start3A_260] : memref<16x128xf32, #tpu.memory_space<vmem>> -> memref<1x128xf32, #tpu.memory_space<vmem>>
        %dma_start3A_262 = tpu.memref_squeeze %dma_start3A_261 : memref<1x128xf32, #tpu.memory_space<vmem>> -> memref<128xf32, #tpu.memory_space<vmem>>
        %dma_start3A_263 = tpu.memref_slice %arg3[%add3A_39, %mul3A_258] : memref<1024x100352xf32, #tpu.memory_space<hbm>> -> memref<1x128xf32, #tpu.memory_space<hbm>>
        %dma_start3A_264 = tpu.memref_squeeze %dma_start3A_263 : memref<1x128xf32, #tpu.memory_space<hbm>> -> memref<128xf32, #tpu.memory_space<hbm>>
        %dma_start3A_265 = arith.constant 0 : i32
        %dma_start3A_266 = tpu.memref_slice %arg7[%dma_start3A_259, %dma_start3A_265] : memref<16x128xf32, #tpu.memory_space<vmem>> -> memref<1x128xf32, #tpu.memory_space<vmem>>
        %dma_start3A_267 = tpu.memref_squeeze %dma_start3A_266 : memref<1x128xf32, #tpu.memory_space<vmem>> -> memref<128xf32, #tpu.memory_space<vmem>>
        %dma_start3A_268 = tpu.memref_slice %arg3[%add3A_39, %mul3A_258] : memref<1024x100352xf32, #tpu.memory_space<hbm>> -> memref<1x128xf32, #tpu.memory_space<hbm>>
        %dma_start3A_269 = tpu.memref_squeeze %dma_start3A_268 : memref<1x128xf32, #tpu.memory_space<hbm>> -> memref<128xf32, #tpu.memory_space<hbm>>
        tpu.enqueue_dma source(%dma_start3A_269 : memref<128xf32, #tpu.memory_space<hbm>>) target(%dma_start3A_267 : memref<128xf32, #tpu.memory_space<vmem>>) target_semaphore(%arg10 : memref<!tpu.dma_semaphore, #tpu.memory_space<semaphore_mem>>)
        %slice3A_270 = vector.extract_strided_slice %scan3A_60#1 {offsets = [14], sizes = [1], strides = [1]} : vector<16xi32> to vector<1xi32>
        %squeeze3A_271 = vector.extract %slice3A_270[0] : i32 from vector<1xi32>
        %mul3A_272 = arith.constant 128 : i32
        %mul3A_273 = arith.muli %squeeze3A_271, %mul3A_272 : i32
        %dma_start3A_274 = arith.constant 14 : i32
        %dma_start3A_275 = arith.constant 0 : i32
        %dma_start3A_276 = tpu.memref_slice %arg7[%dma_start3A_274, %dma_start3A_275] : memref<16x128xf32, #tpu.memory_space<vmem>> -> memref<1x128xf32, #tpu.memory_space<vmem>>
        %dma_start3A_277 = tpu.memref_squeeze %dma_start3A_276 : memref<1x128xf32, #tpu.memory_space<vmem>> -> memref<128xf32, #tpu.memory_space<vmem>>
        %dma_start3A_278 = tpu.memref_slice %arg3[%add3A_39, %mul3A_273] : memref<1024x100352xf32, #tpu.memory_space<hbm>> -> memref<1x128xf32, #tpu.memory_space<hbm>>
        %dma_start3A_279 = tpu.memref_squeeze %dma_start3A_278 : memref<1x128xf32, #tpu.memory_space<hbm>> -> memref<128xf32, #tpu.memory_space<hbm>>
        %dma_start3A_280 = arith.constant 0 : i32
        %dma_start3A_281 = tpu.memref_slice %arg7[%dma_start3A_274, %dma_start3A_280] : memref<16x128xf32, #tpu.memory_space<vmem>> -> memref<1x128xf32, #tpu.memory_space<vmem>>
        %dma_start3A_282 = tpu.memref_squeeze %dma_start3A_281 : memref<1x128xf32, #tpu.memory_space<vmem>> -> memref<128xf32, #tpu.memory_space<vmem>>
        %dma_start3A_283 = tpu.memref_slice %arg3[%add3A_39, %mul3A_273] : memref<1024x100352xf32, #tpu.memory_space<hbm>> -> memref<1x128xf32, #tpu.memory_space<hbm>>
        %dma_start3A_284 = tpu.memref_squeeze %dma_start3A_283 : memref<1x128xf32, #tpu.memory_space<hbm>> -> memref<128xf32, #tpu.memory_space<hbm>>
        tpu.enqueue_dma source(%dma_start3A_284 : memref<128xf32, #tpu.memory_space<hbm>>) target(%dma_start3A_282 : memref<128xf32, #tpu.memory_space<vmem>>) target_semaphore(%arg10 : memref<!tpu.dma_semaphore, #tpu.memory_space<semaphore_mem>>)
        %slice3A_285 = vector.extract_strided_slice %scan3A_60#1 {offsets = [15], sizes = [1], strides = [1]} : vector<16xi32> to vector<1xi32>
        %squeeze3A_286 = vector.extract %slice3A_285[0] : i32 from vector<1xi32>
        %mul3A_287 = arith.constant 128 : i32
        %mul3A_288 = arith.muli %squeeze3A_286, %mul3A_287 : i32
        %dma_start3A_289 = arith.constant 15 : i32
        %dma_start3A_290 = arith.constant 0 : i32
        %dma_start3A_291 = tpu.memref_slice %arg7[%dma_start3A_289, %dma_start3A_290] : memref<16x128xf32, #tpu.memory_space<vmem>> -> memref<1x128xf32, #tpu.memory_space<vmem>>
        %dma_start3A_292 = tpu.memref_squeeze %dma_start3A_291 : memref<1x128xf32, #tpu.memory_space<vmem>> -> memref<128xf32, #tpu.memory_space<vmem>>
        %dma_start3A_293 = tpu.memref_slice %arg3[%add3A_39, %mul3A_288] : memref<1024x100352xf32, #tpu.memory_space<hbm>> -> memref<1x128xf32, #tpu.memory_space<hbm>>
        %dma_start3A_294 = tpu.memref_squeeze %dma_start3A_293 : memref<1x128xf32, #tpu.memory_space<hbm>> -> memref<128xf32, #tpu.memory_space<hbm>>
        %dma_start3A_295 = arith.constant 0 : i32
        %dma_start3A_296 = tpu.memref_slice %arg7[%dma_start3A_289, %dma_start3A_295] : memref<16x128xf32, #tpu.memory_space<vmem>> -> memref<1x128xf32, #tpu.memory_space<vmem>>
        %dma_start3A_297 = tpu.memref_squeeze %dma_start3A_296 : memref<1x128xf32, #tpu.memory_space<vmem>> -> memref<128xf32, #tpu.memory_space<vmem>>
        %dma_start3A_298 = tpu.memref_slice %arg3[%add3A_39, %mul3A_288] : memref<1024x100352xf32, #tpu.memory_space<hbm>> -> memref<1x128xf32, #tpu.memory_space<hbm>>
        %dma_start3A_299 = tpu.memref_squeeze %dma_start3A_298 : memref<1x128xf32, #tpu.memory_space<hbm>> -> memref<128xf32, #tpu.memory_space<hbm>>
        tpu.enqueue_dma source(%dma_start3A_299 : memref<128xf32, #tpu.memory_space<hbm>>) target(%dma_start3A_297 : memref<128xf32, #tpu.memory_space<vmem>>) target_semaphore(%arg10 : memref<!tpu.dma_semaphore, #tpu.memory_space<semaphore_mem>>)
        %add3A_300 = arith.constant 1 : i32
        %add3A_301 = arith.addi %add3A_38, %add3A_300 : i32
        %lt3A = arith.constant 32 : i32
        %lt3A_302 = arith.cmpi slt, %add3A_301, %lt3A : i32
        %convert_element_type3A = arith.extui %lt3A_302 : i1 to i32
        %cond3A = arith.constant 0 : i32
        %cond3A_303 = arith.cmpi ne, %convert_element_type3A, %cond3A : i32
        scf.if %cond3A_303 {
          %add3A_507 = arith.constant 1 : i32
          %add3A_508 = arith.addi %add3A_39, %add3A_507 : i32
          %sub3A = arith.constant 1 : i32
          %sub3A_509 = arith.subi %sub3A, %and3A_40 : i32
          %dma_start3A_510 = arith.constant 0 : i32
          %dma_start3A_511 = tpu.memref_slice %arg6[%sub3A_509, %dma_start3A_510] : memref<2x784xf32, #tpu.memory_space<vmem>> -> memref<1x784xf32, #tpu.memory_space<vmem>>
          %dma_start3A_512 = tpu.memref_squeeze %dma_start3A_511 : memref<1x784xf32, #tpu.memory_space<vmem>> -> memref<784xf32, #tpu.memory_space<vmem>>
          %dma_start3A_513 = arith.constant 0 : i32
          %dma_start3A_514 = tpu.memref_slice %arg2[%add3A_508, %dma_start3A_513] : memref<1024x784xf32, #tpu.memory_space<hbm>> -> memref<1x784xf32, #tpu.memory_space<hbm>>
          %dma_start3A_515 = tpu.memref_squeeze %dma_start3A_514 : memref<1x784xf32, #tpu.memory_space<hbm>> -> memref<784xf32, #tpu.memory_space<hbm>>
          %dma_start3A_516 = arith.constant 0 : i32
          %dma_start3A_517 = tpu.memref_slice %arg6[%sub3A_509, %dma_start3A_516] : memref<2x784xf32, #tpu.memory_space<vmem>> -> memref<1x784xf32, #tpu.memory_space<vmem>>
          %dma_start3A_518 = tpu.memref_squeeze %dma_start3A_517 : memref<1x784xf32, #tpu.memory_space<vmem>> -> memref<784xf32, #tpu.memory_space<vmem>>
          %dma_start3A_519 = arith.constant 0 : i32
          %dma_start3A_520 = tpu.memref_slice %arg2[%add3A_508, %dma_start3A_519] : memref<1024x784xf32, #tpu.memory_space<hbm>> -> memref<1x784xf32, #tpu.memory_space<hbm>>
          %dma_start3A_521 = tpu.memref_squeeze %dma_start3A_520 : memref<1x784xf32, #tpu.memory_space<hbm>> -> memref<784xf32, #tpu.memory_space<hbm>>
          tpu.enqueue_dma source(%dma_start3A_521 : memref<784xf32, #tpu.memory_space<hbm>>) target(%dma_start3A_518 : memref<784xf32, #tpu.memory_space<vmem>>) target_semaphore(%arg11 : memref<!tpu.dma_semaphore, #tpu.memory_space<semaphore_mem>>)
        } else {
        }
        %dma_wait3A_304 = arith.constant 0 : i32
        %dma_wait3A_305 = arith.constant 0 : i32
        %dma_wait3A_306 = tpu.memref_slice %arg7[%dma_wait3A_304, %dma_wait3A_305] : memref<16x128xf32, #tpu.memory_space<vmem>> -> memref<1x128xf32, #tpu.memory_space<vmem>>
        %dma_wait3A_307 = tpu.memref_squeeze %dma_wait3A_306 : memref<1x128xf32, #tpu.memory_space<vmem>> -> memref<128xf32, #tpu.memory_space<vmem>>
        %dma_wait3A_308 = tpu.memref_slice %arg3[%add3A_39, %mul3A_63] : memref<1024x100352xf32, #tpu.memory_space<hbm>> -> memref<1x128xf32, #tpu.memory_space<hbm>>
        %dma_wait3A_309 = tpu.memref_squeeze %dma_wait3A_308 : memref<1x128xf32, #tpu.memory_space<hbm>> -> memref<128xf32, #tpu.memory_space<hbm>>
        %dma_wait3A_310 = arith.constant 0 : i32
        %dma_wait3A_311 = tpu.memref_slice %arg7[%dma_wait3A_304, %dma_wait3A_310] : memref<16x128xf32, #tpu.memory_space<vmem>> -> memref<1x128xf32, #tpu.memory_space<vmem>>
        %dma_wait3A_312 = tpu.memref_squeeze %dma_wait3A_311 : memref<1x128xf32, #tpu.memory_space<vmem>> -> memref<128xf32, #tpu.memory_space<vmem>>
        %dma_wait3A_313 = tpu.memref_slice %arg3[%add3A_39, %mul3A_63] : memref<1024x100352xf32, #tpu.memory_space<hbm>> -> memref<1x128xf32, #tpu.memory_space<hbm>>
        %dma_wait3A_314 = tpu.memref_squeeze %dma_wait3A_313 : memref<1x128xf32, #tpu.memory_space<hbm>> -> memref<128xf32, #tpu.memory_space<hbm>>
        tpu.wait_dma2 semaphore(%arg10 : memref<!tpu.dma_semaphore, #tpu.memory_space<semaphore_mem>>) src(%dma_wait3A_314 : memref<128xf32, #tpu.memory_space<hbm>>) dst(%dma_wait3A_312 : memref<128xf32, #tpu.memory_space<vmem>>)
        %dma_wait3A_315 = arith.constant 1 : i32
        %dma_wait3A_316 = arith.constant 0 : i32
        %dma_wait3A_317 = tpu.memref_slice %arg7[%dma_wait3A_315, %dma_wait3A_316] : memref<16x128xf32, #tpu.memory_space<vmem>> -> memref<1x128xf32, #tpu.memory_space<vmem>>
        %dma_wait3A_318 = tpu.memref_squeeze %dma_wait3A_317 : memref<1x128xf32, #tpu.memory_space<vmem>> -> memref<128xf32, #tpu.memory_space<vmem>>
        %dma_wait3A_319 = tpu.memref_slice %arg3[%add3A_39, %mul3A_78] : memref<1024x100352xf32, #tpu.memory_space<hbm>> -> memref<1x128xf32, #tpu.memory_space<hbm>>
        %dma_wait3A_320 = tpu.memref_squeeze %dma_wait3A_319 : memref<1x128xf32, #tpu.memory_space<hbm>> -> memref<128xf32, #tpu.memory_space<hbm>>
        %dma_wait3A_321 = arith.constant 0 : i32
        %dma_wait3A_322 = tpu.memref_slice %arg7[%dma_wait3A_315, %dma_wait3A_321] : memref<16x128xf32, #tpu.memory_space<vmem>> -> memref<1x128xf32, #tpu.memory_space<vmem>>
        %dma_wait3A_323 = tpu.memref_squeeze %dma_wait3A_322 : memref<1x128xf32, #tpu.memory_space<vmem>> -> memref<128xf32, #tpu.memory_space<vmem>>
        %dma_wait3A_324 = tpu.memref_slice %arg3[%add3A_39, %mul3A_78] : memref<1024x100352xf32, #tpu.memory_space<hbm>> -> memref<1x128xf32, #tpu.memory_space<hbm>>
        %dma_wait3A_325 = tpu.memref_squeeze %dma_wait3A_324 : memref<1x128xf32, #tpu.memory_space<hbm>> -> memref<128xf32, #tpu.memory_space<hbm>>
        tpu.wait_dma2 semaphore(%arg10 : memref<!tpu.dma_semaphore, #tpu.memory_space<semaphore_mem>>) src(%dma_wait3A_325 : memref<128xf32, #tpu.memory_space<hbm>>) dst(%dma_wait3A_323 : memref<128xf32, #tpu.memory_space<vmem>>)
        %dma_wait3A_326 = arith.constant 2 : i32
        %dma_wait3A_327 = arith.constant 0 : i32
        %dma_wait3A_328 = tpu.memref_slice %arg7[%dma_wait3A_326, %dma_wait3A_327] : memref<16x128xf32, #tpu.memory_space<vmem>> -> memref<1x128xf32, #tpu.memory_space<vmem>>
        %dma_wait3A_329 = tpu.memref_squeeze %dma_wait3A_328 : memref<1x128xf32, #tpu.memory_space<vmem>> -> memref<128xf32, #tpu.memory_space<vmem>>
        %dma_wait3A_330 = tpu.memref_slice %arg3[%add3A_39, %mul3A_93] : memref<1024x100352xf32, #tpu.memory_space<hbm>> -> memref<1x128xf32, #tpu.memory_space<hbm>>
        %dma_wait3A_331 = tpu.memref_squeeze %dma_wait3A_330 : memref<1x128xf32, #tpu.memory_space<hbm>> -> memref<128xf32, #tpu.memory_space<hbm>>
        %dma_wait3A_332 = arith.constant 0 : i32
        %dma_wait3A_333 = tpu.memref_slice %arg7[%dma_wait3A_326, %dma_wait3A_332] : memref<16x128xf32, #tpu.memory_space<vmem>> -> memref<1x128xf32, #tpu.memory_space<vmem>>
        %dma_wait3A_334 = tpu.memref_squeeze %dma_wait3A_333 : memref<1x128xf32, #tpu.memory_space<vmem>> -> memref<128xf32, #tpu.memory_space<vmem>>
        %dma_wait3A_335 = tpu.memref_slice %arg3[%add3A_39, %mul3A_93] : memref<1024x100352xf32, #tpu.memory_space<hbm>> -> memref<1x128xf32, #tpu.memory_space<hbm>>
        %dma_wait3A_336 = tpu.memref_squeeze %dma_wait3A_335 : memref<1x128xf32, #tpu.memory_space<hbm>> -> memref<128xf32, #tpu.memory_space<hbm>>
        tpu.wait_dma2 semaphore(%arg10 : memref<!tpu.dma_semaphore, #tpu.memory_space<semaphore_mem>>) src(%dma_wait3A_336 : memref<128xf32, #tpu.memory_space<hbm>>) dst(%dma_wait3A_334 : memref<128xf32, #tpu.memory_space<vmem>>)
        %dma_wait3A_337 = arith.constant 3 : i32
        %dma_wait3A_338 = arith.constant 0 : i32
        %dma_wait3A_339 = tpu.memref_slice %arg7[%dma_wait3A_337, %dma_wait3A_338] : memref<16x128xf32, #tpu.memory_space<vmem>> -> memref<1x128xf32, #tpu.memory_space<vmem>>
        %dma_wait3A_340 = tpu.memref_squeeze %dma_wait3A_339 : memref<1x128xf32, #tpu.memory_space<vmem>> -> memref<128xf32, #tpu.memory_space<vmem>>
        %dma_wait3A_341 = tpu.memref_slice %arg3[%add3A_39, %mul3A_108] : memref<1024x100352xf32, #tpu.memory_space<hbm>> -> memref<1x128xf32, #tpu.memory_space<hbm>>
        %dma_wait3A_342 = tpu.memref_squeeze %dma_wait3A_341 : memref<1x128xf32, #tpu.memory_space<hbm>> -> memref<128xf32, #tpu.memory_space<hbm>>
        %dma_wait3A_343 = arith.constant 0 : i32
        %dma_wait3A_344 = tpu.memref_slice %arg7[%dma_wait3A_337, %dma_wait3A_343] : memref<16x128xf32, #tpu.memory_space<vmem>> -> memref<1x128xf32, #tpu.memory_space<vmem>>
        %dma_wait3A_345 = tpu.memref_squeeze %dma_wait3A_344 : memref<1x128xf32, #tpu.memory_space<vmem>> -> memref<128xf32, #tpu.memory_space<vmem>>
        %dma_wait3A_346 = tpu.memref_slice %arg3[%add3A_39, %mul3A_108] : memref<1024x100352xf32, #tpu.memory_space<hbm>> -> memref<1x128xf32, #tpu.memory_space<hbm>>
        %dma_wait3A_347 = tpu.memref_squeeze %dma_wait3A_346 : memref<1x128xf32, #tpu.memory_space<hbm>> -> memref<128xf32, #tpu.memory_space<hbm>>
        tpu.wait_dma2 semaphore(%arg10 : memref<!tpu.dma_semaphore, #tpu.memory_space<semaphore_mem>>) src(%dma_wait3A_347 : memref<128xf32, #tpu.memory_space<hbm>>) dst(%dma_wait3A_345 : memref<128xf32, #tpu.memory_space<vmem>>)
        %dma_wait3A_348 = arith.constant 4 : i32
        %dma_wait3A_349 = arith.constant 0 : i32
        %dma_wait3A_350 = tpu.memref_slice %arg7[%dma_wait3A_348, %dma_wait3A_349] : memref<16x128xf32, #tpu.memory_space<vmem>> -> memref<1x128xf32, #tpu.memory_space<vmem>>
        %dma_wait3A_351 = tpu.memref_squeeze %dma_wait3A_350 : memref<1x128xf32, #tpu.memory_space<vmem>> -> memref<128xf32, #tpu.memory_space<vmem>>
        %dma_wait3A_352 = tpu.memref_slice %arg3[%add3A_39, %mul3A_123] : memref<1024x100352xf32, #tpu.memory_space<hbm>> -> memref<1x128xf32, #tpu.memory_space<hbm>>
        %dma_wait3A_353 = tpu.memref_squeeze %dma_wait3A_352 : memref<1x128xf32, #tpu.memory_space<hbm>> -> memref<128xf32, #tpu.memory_space<hbm>>
        %dma_wait3A_354 = arith.constant 0 : i32
        %dma_wait3A_355 = tpu.memref_slice %arg7[%dma_wait3A_348, %dma_wait3A_354] : memref<16x128xf32, #tpu.memory_space<vmem>> -> memref<1x128xf32, #tpu.memory_space<vmem>>
        %dma_wait3A_356 = tpu.memref_squeeze %dma_wait3A_355 : memref<1x128xf32, #tpu.memory_space<vmem>> -> memref<128xf32, #tpu.memory_space<vmem>>
        %dma_wait3A_357 = tpu.memref_slice %arg3[%add3A_39, %mul3A_123] : memref<1024x100352xf32, #tpu.memory_space<hbm>> -> memref<1x128xf32, #tpu.memory_space<hbm>>
        %dma_wait3A_358 = tpu.memref_squeeze %dma_wait3A_357 : memref<1x128xf32, #tpu.memory_space<hbm>> -> memref<128xf32, #tpu.memory_space<hbm>>
        tpu.wait_dma2 semaphore(%arg10 : memref<!tpu.dma_semaphore, #tpu.memory_space<semaphore_mem>>) src(%dma_wait3A_358 : memref<128xf32, #tpu.memory_space<hbm>>) dst(%dma_wait3A_356 : memref<128xf32, #tpu.memory_space<vmem>>)
        %dma_wait3A_359 = arith.constant 5 : i32
        %dma_wait3A_360 = arith.constant 0 : i32
        %dma_wait3A_361 = tpu.memref_slice %arg7[%dma_wait3A_359, %dma_wait3A_360] : memref<16x128xf32, #tpu.memory_space<vmem>> -> memref<1x128xf32, #tpu.memory_space<vmem>>
        %dma_wait3A_362 = tpu.memref_squeeze %dma_wait3A_361 : memref<1x128xf32, #tpu.memory_space<vmem>> -> memref<128xf32, #tpu.memory_space<vmem>>
        %dma_wait3A_363 = tpu.memref_slice %arg3[%add3A_39, %mul3A_138] : memref<1024x100352xf32, #tpu.memory_space<hbm>> -> memref<1x128xf32, #tpu.memory_space<hbm>>
        %dma_wait3A_364 = tpu.memref_squeeze %dma_wait3A_363 : memref<1x128xf32, #tpu.memory_space<hbm>> -> memref<128xf32, #tpu.memory_space<hbm>>
        %dma_wait3A_365 = arith.constant 0 : i32
        %dma_wait3A_366 = tpu.memref_slice %arg7[%dma_wait3A_359, %dma_wait3A_365] : memref<16x128xf32, #tpu.memory_space<vmem>> -> memref<1x128xf32, #tpu.memory_space<vmem>>
        %dma_wait3A_367 = tpu.memref_squeeze %dma_wait3A_366 : memref<1x128xf32, #tpu.memory_space<vmem>> -> memref<128xf32, #tpu.memory_space<vmem>>
        %dma_wait3A_368 = tpu.memref_slice %arg3[%add3A_39, %mul3A_138] : memref<1024x100352xf32, #tpu.memory_space<hbm>> -> memref<1x128xf32, #tpu.memory_space<hbm>>
        %dma_wait3A_369 = tpu.memref_squeeze %dma_wait3A_368 : memref<1x128xf32, #tpu.memory_space<hbm>> -> memref<128xf32, #tpu.memory_space<hbm>>
        tpu.wait_dma2 semaphore(%arg10 : memref<!tpu.dma_semaphore, #tpu.memory_space<semaphore_mem>>) src(%dma_wait3A_369 : memref<128xf32, #tpu.memory_space<hbm>>) dst(%dma_wait3A_367 : memref<128xf32, #tpu.memory_space<vmem>>)
        %dma_wait3A_370 = arith.constant 6 : i32
        %dma_wait3A_371 = arith.constant 0 : i32
        %dma_wait3A_372 = tpu.memref_slice %arg7[%dma_wait3A_370, %dma_wait3A_371] : memref<16x128xf32, #tpu.memory_space<vmem>> -> memref<1x128xf32, #tpu.memory_space<vmem>>
        %dma_wait3A_373 = tpu.memref_squeeze %dma_wait3A_372 : memref<1x128xf32, #tpu.memory_space<vmem>> -> memref<128xf32, #tpu.memory_space<vmem>>
        %dma_wait3A_374 = tpu.memref_slice %arg3[%add3A_39, %mul3A_153] : memref<1024x100352xf32, #tpu.memory_space<hbm>> -> memref<1x128xf32, #tpu.memory_space<hbm>>
        %dma_wait3A_375 = tpu.memref_squeeze %dma_wait3A_374 : memref<1x128xf32, #tpu.memory_space<hbm>> -> memref<128xf32, #tpu.memory_space<hbm>>
        %dma_wait3A_376 = arith.constant 0 : i32
        %dma_wait3A_377 = tpu.memref_slice %arg7[%dma_wait3A_370, %dma_wait3A_376] : memref<16x128xf32, #tpu.memory_space<vmem>> -> memref<1x128xf32, #tpu.memory_space<vmem>>
        %dma_wait3A_378 = tpu.memref_squeeze %dma_wait3A_377 : memref<1x128xf32, #tpu.memory_space<vmem>> -> memref<128xf32, #tpu.memory_space<vmem>>
        %dma_wait3A_379 = tpu.memref_slice %arg3[%add3A_39, %mul3A_153] : memref<1024x100352xf32, #tpu.memory_space<hbm>> -> memref<1x128xf32, #tpu.memory_space<hbm>>
        %dma_wait3A_380 = tpu.memref_squeeze %dma_wait3A_379 : memref<1x128xf32, #tpu.memory_space<hbm>> -> memref<128xf32, #tpu.memory_space<hbm>>
        tpu.wait_dma2 semaphore(%arg10 : memref<!tpu.dma_semaphore, #tpu.memory_space<semaphore_mem>>) src(%dma_wait3A_380 : memref<128xf32, #tpu.memory_space<hbm>>) dst(%dma_wait3A_378 : memref<128xf32, #tpu.memory_space<vmem>>)
        %dma_wait3A_381 = arith.constant 7 : i32
        %dma_wait3A_382 = arith.constant 0 : i32
        %dma_wait3A_383 = tpu.memref_slice %arg7[%dma_wait3A_381, %dma_wait3A_382] : memref<16x128xf32, #tpu.memory_space<vmem>> -> memref<1x128xf32, #tpu.memory_space<vmem>>
        %dma_wait3A_384 = tpu.memref_squeeze %dma_wait3A_383 : memref<1x128xf32, #tpu.memory_space<vmem>> -> memref<128xf32, #tpu.memory_space<vmem>>
        %dma_wait3A_385 = tpu.memref_slice %arg3[%add3A_39, %mul3A_168] : memref<1024x100352xf32, #tpu.memory_space<hbm>> -> memref<1x128xf32, #tpu.memory_space<hbm>>
        %dma_wait3A_386 = tpu.memref_squeeze %dma_wait3A_385 : memref<1x128xf32, #tpu.memory_space<hbm>> -> memref<128xf32, #tpu.memory_space<hbm>>
        %dma_wait3A_387 = arith.constant 0 : i32
        %dma_wait3A_388 = tpu.memref_slice %arg7[%dma_wait3A_381, %dma_wait3A_387] : memref<16x128xf32, #tpu.memory_space<vmem>> -> memref<1x128xf32, #tpu.memory_space<vmem>>
        %dma_wait3A_389 = tpu.memref_squeeze %dma_wait3A_388 : memref<1x128xf32, #tpu.memory_space<vmem>> -> memref<128xf32, #tpu.memory_space<vmem>>
        %dma_wait3A_390 = tpu.memref_slice %arg3[%add3A_39, %mul3A_168] : memref<1024x100352xf32, #tpu.memory_space<hbm>> -> memref<1x128xf32, #tpu.memory_space<hbm>>
        %dma_wait3A_391 = tpu.memref_squeeze %dma_wait3A_390 : memref<1x128xf32, #tpu.memory_space<hbm>> -> memref<128xf32, #tpu.memory_space<hbm>>
        tpu.wait_dma2 semaphore(%arg10 : memref<!tpu.dma_semaphore, #tpu.memory_space<semaphore_mem>>) src(%dma_wait3A_391 : memref<128xf32, #tpu.memory_space<hbm>>) dst(%dma_wait3A_389 : memref<128xf32, #tpu.memory_space<vmem>>)
        %dma_wait3A_392 = arith.constant 8 : i32
        %dma_wait3A_393 = arith.constant 0 : i32
        %dma_wait3A_394 = tpu.memref_slice %arg7[%dma_wait3A_392, %dma_wait3A_393] : memref<16x128xf32, #tpu.memory_space<vmem>> -> memref<1x128xf32, #tpu.memory_space<vmem>>
        %dma_wait3A_395 = tpu.memref_squeeze %dma_wait3A_394 : memref<1x128xf32, #tpu.memory_space<vmem>> -> memref<128xf32, #tpu.memory_space<vmem>>
        %dma_wait3A_396 = tpu.memref_slice %arg3[%add3A_39, %mul3A_183] : memref<1024x100352xf32, #tpu.memory_space<hbm>> -> memref<1x128xf32, #tpu.memory_space<hbm>>
        %dma_wait3A_397 = tpu.memref_squeeze %dma_wait3A_396 : memref<1x128xf32, #tpu.memory_space<hbm>> -> memref<128xf32, #tpu.memory_space<hbm>>
        %dma_wait3A_398 = arith.constant 0 : i32
        %dma_wait3A_399 = tpu.memref_slice %arg7[%dma_wait3A_392, %dma_wait3A_398] : memref<16x128xf32, #tpu.memory_space<vmem>> -> memref<1x128xf32, #tpu.memory_space<vmem>>
        %dma_wait3A_400 = tpu.memref_squeeze %dma_wait3A_399 : memref<1x128xf32, #tpu.memory_space<vmem>> -> memref<128xf32, #tpu.memory_space<vmem>>
        %dma_wait3A_401 = tpu.memref_slice %arg3[%add3A_39, %mul3A_183] : memref<1024x100352xf32, #tpu.memory_space<hbm>> -> memref<1x128xf32, #tpu.memory_space<hbm>>
        %dma_wait3A_402 = tpu.memref_squeeze %dma_wait3A_401 : memref<1x128xf32, #tpu.memory_space<hbm>> -> memref<128xf32, #tpu.memory_space<hbm>>
        tpu.wait_dma2 semaphore(%arg10 : memref<!tpu.dma_semaphore, #tpu.memory_space<semaphore_mem>>) src(%dma_wait3A_402 : memref<128xf32, #tpu.memory_space<hbm>>) dst(%dma_wait3A_400 : memref<128xf32, #tpu.memory_space<vmem>>)
        %dma_wait3A_403 = arith.constant 9 : i32
        %dma_wait3A_404 = arith.constant 0 : i32
        %dma_wait3A_405 = tpu.memref_slice %arg7[%dma_wait3A_403, %dma_wait3A_404] : memref<16x128xf32, #tpu.memory_space<vmem>> -> memref<1x128xf32, #tpu.memory_space<vmem>>
        %dma_wait3A_406 = tpu.memref_squeeze %dma_wait3A_405 : memref<1x128xf32, #tpu.memory_space<vmem>> -> memref<128xf32, #tpu.memory_space<vmem>>
        %dma_wait3A_407 = tpu.memref_slice %arg3[%add3A_39, %mul3A_198] : memref<1024x100352xf32, #tpu.memory_space<hbm>> -> memref<1x128xf32, #tpu.memory_space<hbm>>
        %dma_wait3A_408 = tpu.memref_squeeze %dma_wait3A_407 : memref<1x128xf32, #tpu.memory_space<hbm>> -> memref<128xf32, #tpu.memory_space<hbm>>
        %dma_wait3A_409 = arith.constant 0 : i32
        %dma_wait3A_410 = tpu.memref_slice %arg7[%dma_wait3A_403, %dma_wait3A_409] : memref<16x128xf32, #tpu.memory_space<vmem>> -> memref<1x128xf32, #tpu.memory_space<vmem>>
        %dma_wait3A_411 = tpu.memref_squeeze %dma_wait3A_410 : memref<1x128xf32, #tpu.memory_space<vmem>> -> memref<128xf32, #tpu.memory_space<vmem>>
        %dma_wait3A_412 = tpu.memref_slice %arg3[%add3A_39, %mul3A_198] : memref<1024x100352xf32, #tpu.memory_space<hbm>> -> memref<1x128xf32, #tpu.memory_space<hbm>>
        %dma_wait3A_413 = tpu.memref_squeeze %dma_wait3A_412 : memref<1x128xf32, #tpu.memory_space<hbm>> -> memref<128xf32, #tpu.memory_space<hbm>>
        tpu.wait_dma2 semaphore(%arg10 : memref<!tpu.dma_semaphore, #tpu.memory_space<semaphore_mem>>) src(%dma_wait3A_413 : memref<128xf32, #tpu.memory_space<hbm>>) dst(%dma_wait3A_411 : memref<128xf32, #tpu.memory_space<vmem>>)
        %dma_wait3A_414 = arith.constant 10 : i32
        %dma_wait3A_415 = arith.constant 0 : i32
        %dma_wait3A_416 = tpu.memref_slice %arg7[%dma_wait3A_414, %dma_wait3A_415] : memref<16x128xf32, #tpu.memory_space<vmem>> -> memref<1x128xf32, #tpu.memory_space<vmem>>
        %dma_wait3A_417 = tpu.memref_squeeze %dma_wait3A_416 : memref<1x128xf32, #tpu.memory_space<vmem>> -> memref<128xf32, #tpu.memory_space<vmem>>
        %dma_wait3A_418 = tpu.memref_slice %arg3[%add3A_39, %mul3A_213] : memref<1024x100352xf32, #tpu.memory_space<hbm>> -> memref<1x128xf32, #tpu.memory_space<hbm>>
        %dma_wait3A_419 = tpu.memref_squeeze %dma_wait3A_418 : memref<1x128xf32, #tpu.memory_space<hbm>> -> memref<128xf32, #tpu.memory_space<hbm>>
        %dma_wait3A_420 = arith.constant 0 : i32
        %dma_wait3A_421 = tpu.memref_slice %arg7[%dma_wait3A_414, %dma_wait3A_420] : memref<16x128xf32, #tpu.memory_space<vmem>> -> memref<1x128xf32, #tpu.memory_space<vmem>>
        %dma_wait3A_422 = tpu.memref_squeeze %dma_wait3A_421 : memref<1x128xf32, #tpu.memory_space<vmem>> -> memref<128xf32, #tpu.memory_space<vmem>>
        %dma_wait3A_423 = tpu.memref_slice %arg3[%add3A_39, %mul3A_213] : memref<1024x100352xf32, #tpu.memory_space<hbm>> -> memref<1x128xf32, #tpu.memory_space<hbm>>
        %dma_wait3A_424 = tpu.memref_squeeze %dma_wait3A_423 : memref<1x128xf32, #tpu.memory_space<hbm>> -> memref<128xf32, #tpu.memory_space<hbm>>
        tpu.wait_dma2 semaphore(%arg10 : memref<!tpu.dma_semaphore, #tpu.memory_space<semaphore_mem>>) src(%dma_wait3A_424 : memref<128xf32, #tpu.memory_space<hbm>>) dst(%dma_wait3A_422 : memref<128xf32, #tpu.memory_space<vmem>>)
        %dma_wait3A_425 = arith.constant 11 : i32
        %dma_wait3A_426 = arith.constant 0 : i32
        %dma_wait3A_427 = tpu.memref_slice %arg7[%dma_wait3A_425, %dma_wait3A_426] : memref<16x128xf32, #tpu.memory_space<vmem>> -> memref<1x128xf32, #tpu.memory_space<vmem>>
        %dma_wait3A_428 = tpu.memref_squeeze %dma_wait3A_427 : memref<1x128xf32, #tpu.memory_space<vmem>> -> memref<128xf32, #tpu.memory_space<vmem>>
        %dma_wait3A_429 = tpu.memref_slice %arg3[%add3A_39, %mul3A_228] : memref<1024x100352xf32, #tpu.memory_space<hbm>> -> memref<1x128xf32, #tpu.memory_space<hbm>>
        %dma_wait3A_430 = tpu.memref_squeeze %dma_wait3A_429 : memref<1x128xf32, #tpu.memory_space<hbm>> -> memref<128xf32, #tpu.memory_space<hbm>>
        %dma_wait3A_431 = arith.constant 0 : i32
        %dma_wait3A_432 = tpu.memref_slice %arg7[%dma_wait3A_425, %dma_wait3A_431] : memref<16x128xf32, #tpu.memory_space<vmem>> -> memref<1x128xf32, #tpu.memory_space<vmem>>
        %dma_wait3A_433 = tpu.memref_squeeze %dma_wait3A_432 : memref<1x128xf32, #tpu.memory_space<vmem>> -> memref<128xf32, #tpu.memory_space<vmem>>
        %dma_wait3A_434 = tpu.memref_slice %arg3[%add3A_39, %mul3A_228] : memref<1024x100352xf32, #tpu.memory_space<hbm>> -> memref<1x128xf32, #tpu.memory_space<hbm>>
        %dma_wait3A_435 = tpu.memref_squeeze %dma_wait3A_434 : memref<1x128xf32, #tpu.memory_space<hbm>> -> memref<128xf32, #tpu.memory_space<hbm>>
        tpu.wait_dma2 semaphore(%arg10 : memref<!tpu.dma_semaphore, #tpu.memory_space<semaphore_mem>>) src(%dma_wait3A_435 : memref<128xf32, #tpu.memory_space<hbm>>) dst(%dma_wait3A_433 : memref<128xf32, #tpu.memory_space<vmem>>)
        %dma_wait3A_436 = arith.constant 12 : i32
        %dma_wait3A_437 = arith.constant 0 : i32
        %dma_wait3A_438 = tpu.memref_slice %arg7[%dma_wait3A_436, %dma_wait3A_437] : memref<16x128xf32, #tpu.memory_space<vmem>> -> memref<1x128xf32, #tpu.memory_space<vmem>>
        %dma_wait3A_439 = tpu.memref_squeeze %dma_wait3A_438 : memref<1x128xf32, #tpu.memory_space<vmem>> -> memref<128xf32, #tpu.memory_space<vmem>>
        %dma_wait3A_440 = tpu.memref_slice %arg3[%add3A_39, %mul3A_243] : memref<1024x100352xf32, #tpu.memory_space<hbm>> -> memref<1x128xf32, #tpu.memory_space<hbm>>
        %dma_wait3A_441 = tpu.memref_squeeze %dma_wait3A_440 : memref<1x128xf32, #tpu.memory_space<hbm>> -> memref<128xf32, #tpu.memory_space<hbm>>
        %dma_wait3A_442 = arith.constant 0 : i32
        %dma_wait3A_443 = tpu.memref_slice %arg7[%dma_wait3A_436, %dma_wait3A_442] : memref<16x128xf32, #tpu.memory_space<vmem>> -> memref<1x128xf32, #tpu.memory_space<vmem>>
        %dma_wait3A_444 = tpu.memref_squeeze %dma_wait3A_443 : memref<1x128xf32, #tpu.memory_space<vmem>> -> memref<128xf32, #tpu.memory_space<vmem>>
        %dma_wait3A_445 = tpu.memref_slice %arg3[%add3A_39, %mul3A_243] : memref<1024x100352xf32, #tpu.memory_space<hbm>> -> memref<1x128xf32, #tpu.memory_space<hbm>>
        %dma_wait3A_446 = tpu.memref_squeeze %dma_wait3A_445 : memref<1x128xf32, #tpu.memory_space<hbm>> -> memref<128xf32, #tpu.memory_space<hbm>>
        tpu.wait_dma2 semaphore(%arg10 : memref<!tpu.dma_semaphore, #tpu.memory_space<semaphore_mem>>) src(%dma_wait3A_446 : memref<128xf32, #tpu.memory_space<hbm>>) dst(%dma_wait3A_444 : memref<128xf32, #tpu.memory_space<vmem>>)
        %dma_wait3A_447 = arith.constant 13 : i32
        %dma_wait3A_448 = arith.constant 0 : i32
        %dma_wait3A_449 = tpu.memref_slice %arg7[%dma_wait3A_447, %dma_wait3A_448] : memref<16x128xf32, #tpu.memory_space<vmem>> -> memref<1x128xf32, #tpu.memory_space<vmem>>
        %dma_wait3A_450 = tpu.memref_squeeze %dma_wait3A_449 : memref<1x128xf32, #tpu.memory_space<vmem>> -> memref<128xf32, #tpu.memory_space<vmem>>
        %dma_wait3A_451 = tpu.memref_slice %arg3[%add3A_39, %mul3A_258] : memref<1024x100352xf32, #tpu.memory_space<hbm>> -> memref<1x128xf32, #tpu.memory_space<hbm>>
        %dma_wait3A_452 = tpu.memref_squeeze %dma_wait3A_451 : memref<1x128xf32, #tpu.memory_space<hbm>> -> memref<128xf32, #tpu.memory_space<hbm>>
        %dma_wait3A_453 = arith.constant 0 : i32
        %dma_wait3A_454 = tpu.memref_slice %arg7[%dma_wait3A_447, %dma_wait3A_453] : memref<16x128xf32, #tpu.memory_space<vmem>> -> memref<1x128xf32, #tpu.memory_space<vmem>>
        %dma_wait3A_455 = tpu.memref_squeeze %dma_wait3A_454 : memref<1x128xf32, #tpu.memory_space<vmem>> -> memref<128xf32, #tpu.memory_space<vmem>>
        %dma_wait3A_456 = tpu.memref_slice %arg3[%add3A_39, %mul3A_258] : memref<1024x100352xf32, #tpu.memory_space<hbm>> -> memref<1x128xf32, #tpu.memory_space<hbm>>
        %dma_wait3A_457 = tpu.memref_squeeze %dma_wait3A_456 : memref<1x128xf32, #tpu.memory_space<hbm>> -> memref<128xf32, #tpu.memory_space<hbm>>
        tpu.wait_dma2 semaphore(%arg10 : memref<!tpu.dma_semaphore, #tpu.memory_space<semaphore_mem>>) src(%dma_wait3A_457 : memref<128xf32, #tpu.memory_space<hbm>>) dst(%dma_wait3A_455 : memref<128xf32, #tpu.memory_space<vmem>>)
        %dma_wait3A_458 = arith.constant 14 : i32
        %dma_wait3A_459 = arith.constant 0 : i32
        %dma_wait3A_460 = tpu.memref_slice %arg7[%dma_wait3A_458, %dma_wait3A_459] : memref<16x128xf32, #tpu.memory_space<vmem>> -> memref<1x128xf32, #tpu.memory_space<vmem>>
        %dma_wait3A_461 = tpu.memref_squeeze %dma_wait3A_460 : memref<1x128xf32, #tpu.memory_space<vmem>> -> memref<128xf32, #tpu.memory_space<vmem>>
        %dma_wait3A_462 = tpu.memref_slice %arg3[%add3A_39, %mul3A_273] : memref<1024x100352xf32, #tpu.memory_space<hbm>> -> memref<1x128xf32, #tpu.memory_space<hbm>>
        %dma_wait3A_463 = tpu.memref_squeeze %dma_wait3A_462 : memref<1x128xf32, #tpu.memory_space<hbm>> -> memref<128xf32, #tpu.memory_space<hbm>>
        %dma_wait3A_464 = arith.constant 0 : i32
        %dma_wait3A_465 = tpu.memref_slice %arg7[%dma_wait3A_458, %dma_wait3A_464] : memref<16x128xf32, #tpu.memory_space<vmem>> -> memref<1x128xf32, #tpu.memory_space<vmem>>
        %dma_wait3A_466 = tpu.memref_squeeze %dma_wait3A_465 : memref<1x128xf32, #tpu.memory_space<vmem>> -> memref<128xf32, #tpu.memory_space<vmem>>
        %dma_wait3A_467 = tpu.memref_slice %arg3[%add3A_39, %mul3A_273] : memref<1024x100352xf32, #tpu.memory_space<hbm>> -> memref<1x128xf32, #tpu.memory_space<hbm>>
        %dma_wait3A_468 = tpu.memref_squeeze %dma_wait3A_467 : memref<1x128xf32, #tpu.memory_space<hbm>> -> memref<128xf32, #tpu.memory_space<hbm>>
        tpu.wait_dma2 semaphore(%arg10 : memref<!tpu.dma_semaphore, #tpu.memory_space<semaphore_mem>>) src(%dma_wait3A_468 : memref<128xf32, #tpu.memory_space<hbm>>) dst(%dma_wait3A_466 : memref<128xf32, #tpu.memory_space<vmem>>)
        %dma_wait3A_469 = arith.constant 15 : i32
        %dma_wait3A_470 = arith.constant 0 : i32
        %dma_wait3A_471 = tpu.memref_slice %arg7[%dma_wait3A_469, %dma_wait3A_470] : memref<16x128xf32, #tpu.memory_space<vmem>> -> memref<1x128xf32, #tpu.memory_space<vmem>>
        %dma_wait3A_472 = tpu.memref_squeeze %dma_wait3A_471 : memref<1x128xf32, #tpu.memory_space<vmem>> -> memref<128xf32, #tpu.memory_space<vmem>>
        %dma_wait3A_473 = tpu.memref_slice %arg3[%add3A_39, %mul3A_288] : memref<1024x100352xf32, #tpu.memory_space<hbm>> -> memref<1x128xf32, #tpu.memory_space<hbm>>
        %dma_wait3A_474 = tpu.memref_squeeze %dma_wait3A_473 : memref<1x128xf32, #tpu.memory_space<hbm>> -> memref<128xf32, #tpu.memory_space<hbm>>
        %dma_wait3A_475 = arith.constant 0 : i32
        %dma_wait3A_476 = tpu.memref_slice %arg7[%dma_wait3A_469, %dma_wait3A_475] : memref<16x128xf32, #tpu.memory_space<vmem>> -> memref<1x128xf32, #tpu.memory_space<vmem>>
        %dma_wait3A_477 = tpu.memref_squeeze %dma_wait3A_476 : memref<1x128xf32, #tpu.memory_space<vmem>> -> memref<128xf32, #tpu.memory_space<vmem>>
        %dma_wait3A_478 = tpu.memref_slice %arg3[%add3A_39, %mul3A_288] : memref<1024x100352xf32, #tpu.memory_space<hbm>> -> memref<1x128xf32, #tpu.memory_space<hbm>>
        %dma_wait3A_479 = tpu.memref_squeeze %dma_wait3A_478 : memref<1x128xf32, #tpu.memory_space<hbm>> -> memref<128xf32, #tpu.memory_space<hbm>>
        tpu.wait_dma2 semaphore(%arg10 : memref<!tpu.dma_semaphore, #tpu.memory_space<semaphore_mem>>) src(%dma_wait3A_479 : memref<128xf32, #tpu.memory_space<hbm>>) dst(%dma_wait3A_477 : memref<128xf32, #tpu.memory_space<vmem>>)
        %scan3A_480 = arith.constant 0 : i32
        %scan3A_481 = arith.constant 16 : i32
        %scan3A_482 = arith.addi %scan3A_480, %scan3A_481 : i32
        %scan3A_483 = arith.constant 1 : i32
        %scan3A_484:2 = scf.for %scan3A_507 = %scan3A_480 to %scan3A_482 step %scan3A_483 iter_args(%scan3A_508 = %broadcast_in_dim3A_53, %scan3A_509 = %broadcast_in_dim3A_55) -> (vector<16xf32>, vector<16xi32>)  : i32 {
          %scan3A_510 = arith.constant 0 : i32
          %scan3A_511 = arith.constant 8 : i32
          %scan3A_512 = arith.addi %scan3A_510, %scan3A_511 : i32
          %scan3A_513 = arith.constant 1 : i32
          %scan3A_514:2 = scf.for %scan3A_516 = %scan3A_510 to %scan3A_512 step %scan3A_513 iter_args(%scan3A_517 = %scan3A_508, %scan3A_518 = %scan3A_509) -> (vector<16xf32>, vector<16xi32>)  : i32 {
            %mul3A_519 = arith.constant 16 : i32
            %mul3A_520 = arith.muli %scan3A_516, %mul3A_519 : i32
            %get3A = arith.index_cast %scan3A_507 : i32 to index
            %get3A_521 = arith.index_cast %mul3A_520 : i32 to index
            %get3A_522 = tpu.vector_load %arg7[%get3A, %get3A_521] {strides = array<i32>} : memref<16x128xf32, #tpu.memory_space<vmem>>, vector<16xf32>,
            %mul3A_523 = arith.constant 128 : i32
            %mul3A_524 = arith.muli %scan3A_507, %mul3A_523 : i32
            %mul3A_525 = arith.constant 16 : i32
            %mul3A_526 = arith.muli %scan3A_516, %mul3A_525 : i32
            %add3A_527 = arith.addi %mul3A_524, %mul3A_526 : i32
            %iota3A_528 = tpu.iota {dimensions = array<i32: 0>} : vector<16xi32>
            %add3A_529 = vector.broadcast %add3A_527 : i32 to vector<16xi32>
            %add3A_530 = arith.addi %add3A_529, %iota3A_528 : vector<16xi32>
            %masked_sort3A = arith.constant dense<true> : vector<16xi1>
            %masked_sort3A_531, %masked_sort3A_532, %masked_sort3A_533 = tpu.sort %get3A_522, %add3A_530 masked %masked_sort3A {descending = true} : (vector<16xf32>, vector<16xi32>, vector<16xi1>) -> (vector<16xi1>, vector<16xf32>, vector<16xi32>)
            %lt3A_534 = arith.cmpf olt, %masked_sort3A_532, %scan3A_517 : vector<16xf32>
            %select_n3A_535 = arith.select %lt3A_534, %masked_sort3A_532, %scan3A_517 : vector<16xi1>, vector<16xf32>
            %select_n3A_536 = arith.select %lt3A_534, %masked_sort3A_533, %scan3A_518 : vector<16xi1>, vector<16xi32>
            %masked_sort3A_537 = arith.constant dense<true> : vector<16xi1>
            %masked_sort3A_538, %masked_sort3A_539, %masked_sort3A_540 = tpu.sort %select_n3A_535, %select_n3A_536 masked %masked_sort3A_537 : (vector<16xf32>, vector<16xi32>, vector<16xi1>) -> (vector<16xi1>, vector<16xf32>, vector<16xi32>)
            scf.yield %masked_sort3A_539, %masked_sort3A_540 : vector<16xf32>, vector<16xi32>
          }
          %scan3A_515 = arith.constant 8 : i32
          scf.yield %scan3A_514#0, %scan3A_514#1 : vector<16xf32>, vector<16xi32>
        }
        %scan3A_485 = arith.constant 16 : i32
        %shift_right_logical3A = arith.constant 7 : i32
        %shift_right_logical3A_486 = vector.broadcast %shift_right_logical3A : i32 to vector<16xi32>
        %shift_right_logical3A_487 = arith.shrui %scan3A_484#1, %shift_right_logical3A_486 : vector<16xi32>
        %broadcast_in_dim3A_488 = vector.shape_cast %shift_right_logical3A_487 : vector<16xi32> to vector<16x1xi32>
        %gather3A = vector.shape_cast %broadcast_in_dim3A_488 : vector<16x1xi32> to vector<16xi32>
        %gather3A_489 = tpu.dynamic_gather %scan3A_60#1[%gather3A] in [0] : vector<16xi32>, vector<16xi32> -> vector<16xi32>
        %mul3A_490 = arith.constant 128 : i32
        %mul3A_491 = vector.broadcast %mul3A_490 : i32 to vector<16xi32>
        %mul3A_492 = arith.muli %gather3A_489, %mul3A_491 : vector<16xi32>
        %and3A_493 = arith.constant 127 : i32
        %and3A_494 = vector.broadcast %and3A_493 : i32 to vector<16xi32>
        %and3A_495 = arith.andi %scan3A_484#1, %and3A_494 : vector<16xi32>
        %add3A_496 = arith.addi %mul3A_492, %and3A_495 : vector<16xi32>
        %gather3A_497 = tpu.vector_load_idx %arg8[%add3A_496] : memref<100352xf32, #tpu.memory_space<vmem>>[vector<16xi32>], vector<16xf32>,
        %reduce_sum3A = arith.constant true
        %reduce_sum3A_498 = vector.broadcast %reduce_sum3A : i1 to vector<16xi1>
        %reduce_sum3A_499 = tpu.scan <sum>, %gather3A_497 masked %reduce_sum3A_498 : vector<16xf32>, vector<16xi1> -> vector<16xf32>
        %reduce_sum3A_500 = vector.extract %reduce_sum3A_499[15] : f32 from vector<16xf32>
        %mul3A_501 = arith.constant 6.250000e-02 : f32
        %mul3A_502 = arith.mulf %reduce_sum3A_500, %mul3A_501 : f32
        %iota3A = tpu.iota {dimensions = array<i32: 0>} : vector<16xi32>
        %and3A_503 = arith.constant 15 : i32
        %and3A_504 = arith.andi %add3A_38, %and3A_503 : i32
        %eq3A = vector.broadcast %and3A_504 : i32 to vector<16xi32>
        %eq3A_505 = arith.cmpi eq, %iota3A, %eq3A : vector<16xi32>
        %broadcast_in_dim3A_506 = vector.broadcast %mul3A_502 : f32 to vector<16xf32>
        %select_n3A = arith.select %eq3A_505, %broadcast_in_dim3A_506, %scan3A_35 : vector<16xi1>, vector<16xf32>
        scf.yield %select_n3A : vector<16xf32>
      }
      %scan3A_29 = arith.constant 16 : i32
      %mul3A_30 = arith.constant 16 : i32
      %mul3A_31 = arith.muli %scan3A_21, %mul3A_30 : i32
      %swap3A = arith.index_cast %mul3A_31 : i32 to index
      %swap3A_32 = tpu.vector_load %arg9[%swap3A] {strides = array<i32>} : memref<32xf32, #tpu.memory_space<vmem>>, vector<16xf32>,
      tpu.vector_store %arg9[%swap3A], %scan3A_28 {strides = array<i32>} : memref<32xf32, #tpu.memory_space<vmem>>, vector<16xf32>,
      %scan3A_33 = arith.constant 0 : i32
      scf.yield %scan3A_33 : i32
    }
    %scan3A_20 = arith.constant 2 : i32
    "tpu.region"() ({
      %run_scoped3A = tpu.sem_alloc : memref<!tpu.dma_semaphore, #tpu.memory_space<semaphore_mem>>
      %dma_start3A_21 = tpu.memref_slice %arg5[%mul3A_2] : memref<1024xf32, #tpu.memory_space<hbm>> -> memref<32xf32, #tpu.memory_space<hbm>>
      %dma_start3A_22 = tpu.memref_slice %arg5[%mul3A_2] : memref<1024xf32, #tpu.memory_space<hbm>> -> memref<32xf32, #tpu.memory_space<hbm>>
      tpu.enqueue_dma source(%arg9 : memref<32xf32, #tpu.memory_space<vmem>>) target(%dma_start3A_22 : memref<32xf32, #tpu.memory_space<hbm>>) target_semaphore(%run_scoped3A : memref<!tpu.dma_semaphore, #tpu.memory_space<semaphore_mem>>)
      %dma_wait3A = tpu.memref_slice %arg5[%mul3A_2] : memref<1024xf32, #tpu.memory_space<hbm>> -> memref<32xf32, #tpu.memory_space<hbm>>
      %dma_wait3A_23 = tpu.memref_slice %arg5[%mul3A_2] : memref<1024xf32, #tpu.memory_space<hbm>> -> memref<32xf32, #tpu.memory_space<hbm>>
      tpu.wait_dma2 semaphore(%run_scoped3A : memref<!tpu.dma_semaphore, #tpu.memory_space<semaphore_mem>>) src(%arg9 : memref<32xf32, #tpu.memory_space<vmem>>) dst(%dma_wait3A_23 : memref<32xf32, #tpu.memory_space<hbm>>)
      tpu.yield
    }) : () -> ()
    return
  }
}

#map = affine_map<(d0, d1) -> (0, 0)>
#map1 = affine_map<(d0, d1) -> (0)>
module attributes {stable_mosaic.version = 14 : i64} {
  func.func @body(%arg0: i32, %arg1: i32, %arg2: memref<1024x784xf32, #tpu.memory_space<hbm>>, %arg3: memref<1024x100352xf32, #tpu.memory_space<hbm>>, %arg4: memref<100352xf32, #tpu.memory_space<hbm>>, %arg5: memref<1024xf32, #tpu.memory_space<hbm>>, %arg6: memref<2x784xf32, #tpu.memory_space<vmem>>, %arg7: memref<16x128xf32, #tpu.memory_space<vmem>>, %arg8: memref<100352xf32, #tpu.memory_space<vmem>>, %arg9: memref<32xf32, #tpu.memory_space<vmem>>, %arg10: memref<!tpu.dma_semaphore, #tpu.memory_space<semaphore_mem>>, %arg11: memref<!tpu.dma_semaphore, #tpu.memory_space<semaphore_mem>>) attributes {dimension_semantics = [#tpu.dimension_semantics<core_parallel>, #tpu.dimension_semantics<subcore_parallel>], iteration_bounds = array<i64: 2, 16>, scalar_prefetch = 0 : i64, scratch_operands = 6 : i64, tpu.core_type = #tpu.core_type<sc_vector_subcore>, window_params = [{transform_indices = #map}, {transform_indices = #map}, {transform_indices = #map1}, {transform_indices = #map1}]} {
    %mul3A = arith.constant 2 : i32
    %mul3A_0 = arith.muli %arg1, %mul3A : i32
    %add3A = arith.addi %mul3A_0, %arg0 : i32
    %mul3A_1 = arith.constant 32 : i32
    %mul3A_2 = arith.muli %add3A, %mul3A_1 : i32
    %dma_start3A = arith.constant 0 : i32
    %dma_start3A_3 = arith.constant 0 : i32
    %dma_start3A_4 = tpu.memref_slice %arg6[%dma_start3A, %dma_start3A_3] : memref<2x784xf32, #tpu.memory_space<vmem>> -> memref<1x784xf32, #tpu.memory_space<vmem>>
    %dma_start3A_5 = tpu.memref_squeeze %dma_start3A_4 : memref<1x784xf32, #tpu.memory_space<vmem>> -> memref<784xf32, #tpu.memory_space<vmem>>
    %dma_start3A_6 = arith.constant 0 : i32
    %dma_start3A_7 = tpu.memref_slice %arg2[%mul3A_2, %dma_start3A_6] : memref<1024x784xf32, #tpu.memory_space<hbm>> -> memref<1x784xf32, #tpu.memory_space<hbm>>
    %dma_start3A_8 = tpu.memref_squeeze %dma_start3A_7 : memref<1x784xf32, #tpu.memory_space<hbm>> -> memref<784xf32, #tpu.memory_space<hbm>>
    %dma_start3A_9 = arith.constant 0 : i32
    %dma_start3A_10 = tpu.memref_slice %arg6[%dma_start3A, %dma_start3A_9] : memref<2x784xf32, #tpu.memory_space<vmem>> -> memref<1x784xf32, #tpu.memory_space<vmem>>
    %dma_start3A_11 = tpu.memref_squeeze %dma_start3A_10 : memref<1x784xf32, #tpu.memory_space<vmem>> -> memref<784xf32, #tpu.memory_space<vmem>>
    %dma_start3A_12 = arith.constant 0 : i32
    %dma_start3A_13 = tpu.memref_slice %arg2[%mul3A_2, %dma_start3A_12] : memref<1024x784xf32, #tpu.memory_space<hbm>> -> memref<1x784xf32, #tpu.memory_space<hbm>>
    %dma_start3A_14 = tpu.memref_squeeze %dma_start3A_13 : memref<1x784xf32, #tpu.memory_space<hbm>> -> memref<784xf32, #tpu.memory_space<hbm>>
    tpu.enqueue_dma source(%dma_start3A_14 : memref<784xf32, #tpu.memory_space<hbm>>) target(%dma_start3A_11 : memref<784xf32, #tpu.memory_space<vmem>>) target_semaphore(%arg11 : memref<!tpu.dma_semaphore, #tpu.memory_space<semaphore_mem>>)
    "tpu.region"() ({
      %run_scoped3A = tpu.sem_alloc : memref<!tpu.dma_semaphore, #tpu.memory_space<semaphore_mem>>
      tpu.enqueue_dma source(%arg4 : memref<100352xf32, #tpu.memory_space<hbm>>) target(%arg8 : memref<100352xf32, #tpu.memory_space<vmem>>) target_semaphore(%run_scoped3A : memref<!tpu.dma_semaphore, #tpu.memory_space<semaphore_mem>>)
      tpu.wait_dma2 semaphore(%run_scoped3A : memref<!tpu.dma_semaphore, #tpu.memory_space<semaphore_mem>>) src(%arg4 : memref<100352xf32, #tpu.memory_space<hbm>>) dst(%arg8 : memref<100352xf32, #tpu.memory_space<vmem>>)
      tpu.yield
    }) : () -> ()
    %scan3A = arith.constant 0 : i32
    %scan3A_15 = arith.constant 0 : i32
    %scan3A_16 = arith.constant 2 : i32
    %scan3A_17 = arith.addi %scan3A_15, %scan3A_16 : i32
    %scan3A_18 = arith.constant 1 : i32
    %scan3A_19 = scf.for %scan3A_21 = %scan3A_15 to %scan3A_17 step %scan3A_18 iter_args(%scan3A_22 = %scan3A) -> (i32)  : i32 {
      %broadcast_in_dim3A = arith.constant 0.000000e+00 : f32
      %broadcast_in_dim3A_23 = vector.broadcast %broadcast_in_dim3A : f32 to vector<16xf32>
      %scan3A_24 = arith.constant 0 : i32
      %scan3A_25 = arith.constant 16 : i32
      %scan3A_26 = arith.addi %scan3A_24, %scan3A_25 : i32
      %scan3A_27 = arith.constant 1 : i32
      %scan3A_28 = scf.for %scan3A_34 = %scan3A_24 to %scan3A_26 step %scan3A_27 iter_args(%scan3A_35 = %broadcast_in_dim3A_23) -> (vector<16xf32>)  : i32 {
        %mul3A_36 = arith.constant 16 : i32
        %mul3A_37 = arith.muli %scan3A_21, %mul3A_36 : i32
        %add3A_38 = arith.addi %mul3A_37, %scan3A_34 : i32
        %add3A_39 = arith.addi %mul3A_2, %add3A_38 : i32
        %and3A = arith.constant 1 : i32
        %and3A_40 = arith.andi %add3A_38, %and3A : i32
        %dma_wait3A = arith.constant 0 : i32
        %dma_wait3A_41 = tpu.memref_slice %arg6[%and3A_40, %dma_wait3A] : memref<2x784xf32, #tpu.memory_space<vmem>> -> memref<1x784xf32, #tpu.memory_space<vmem>>
        %dma_wait3A_42 = tpu.memref_squeeze %dma_wait3A_41 : memref<1x784xf32, #tpu.memory_space<vmem>> -> memref<784xf32, #tpu.memory_space<vmem>>
        %dma_wait3A_43 = arith.constant 0 : i32
        %dma_wait3A_44 = tpu.memref_slice %arg2[%add3A_39, %dma_wait3A_43] : memref<1024x784xf32, #tpu.memory_space<hbm>> -> memref<1x784xf32, #tpu.memory_space<hbm>>
        %dma_wait3A_45 = tpu.memref_squeeze %dma_wait3A_44 : memref<1x784xf32, #tpu.memory_space<hbm>> -> memref<784xf32, #tpu.memory_space<hbm>>
        %dma_wait3A_46 = arith.constant 0 : i32
        %dma_wait3A_47 = tpu.memref_slice %arg6[%and3A_40, %dma_wait3A_46] : memref<2x784xf32, #tpu.memory_space<vmem>> -> memref<1x784xf32, #tpu.memory_space<vmem>>
        %dma_wait3A_48 = tpu.memref_squeeze %dma_wait3A_47 : memref<1x784xf32, #tpu.memory_space<vmem>> -> memref<784xf32, #tpu.memory_space<vmem>>
        %dma_wait3A_49 = arith.constant 0 : i32
        %dma_wait3A_50 = tpu.memref_slice %arg2[%add3A_39, %dma_wait3A_49] : memref<1024x784xf32, #tpu.memory_space<hbm>> -> memref<1x784xf32, #tpu.memory_space<hbm>>
        %dma_wait3A_51 = tpu.memref_squeeze %dma_wait3A_50 : memref<1x784xf32, #tpu.memory_space<hbm>> -> memref<784xf32, #tpu.memory_space<hbm>>
        tpu.wait_dma2 semaphore(%arg11 : memref<!tpu.dma_semaphore, #tpu.memory_space<semaphore_mem>>) src(%dma_wait3A_51 : memref<784xf32, #tpu.memory_space<hbm>>) dst(%dma_wait3A_48 : memref<784xf32, #tpu.memory_space<vmem>>)
        %broadcast_in_dim3A_52 = arith.constant 3.000000e+38 : f32
        %broadcast_in_dim3A_53 = vector.broadcast %broadcast_in_dim3A_52 : f32 to vector<16xf32>
        %broadcast_in_dim3A_54 = arith.constant 0 : i32
        %broadcast_in_dim3A_55 = vector.broadcast %broadcast_in_dim3A_54 : i32 to vector<16xi32>
        %scan3A_56 = arith.constant 0 : i32
        %scan3A_57 = arith.constant 49 : i32
        %scan3A_58 = arith.addi %scan3A_56, %scan3A_57 : i32
        %scan3A_59 = arith.constant 1 : i32
        %scan3A_60:2 = scf.for %scan3A_507 = %scan3A_56 to %scan3A_58 step %scan3A_59 iter_args(%scan3A_508 = %broadcast_in_dim3A_53, %scan3A_509 = %broadcast_in_dim3A_55) -> (vector<16xf32>, vector<16xi32>)  : i32 {
          %mul3A_510 = arith.constant 16 : i32
          %mul3A_511 = arith.muli %scan3A_507, %mul3A_510 : i32
          %get3A = arith.index_cast %and3A_40 : i32 to index
          %get3A_512 = arith.index_cast %mul3A_511 : i32 to index
          %get3A_513 = tpu.vector_load %arg6[%get3A, %get3A_512] {strides = array<i32>} : memref<2x784xf32, #tpu.memory_space<vmem>>, vector<16xf32>,
          %mul3A_514 = arith.constant 16 : i32
          %mul3A_515 = arith.muli %scan3A_507, %mul3A_514 : i32
          %iota3A_516 = tpu.iota {dimensions = array<i32: 0>} : vector<16xi32>
          %add3A_517 = vector.broadcast %mul3A_515 : i32 to vector<16xi32>
          %add3A_518 = arith.addi %add3A_517, %iota3A_516 : vector<16xi32>
          %masked_sort3A = arith.constant dense<true> : vector<16xi1>
          %masked_sort3A_519, %masked_sort3A_520, %masked_sort3A_521 = tpu.sort %get3A_513, %add3A_518 masked %masked_sort3A {descending = true} : (vector<16xf32>, vector<16xi32>, vector<16xi1>) -> (vector<16xi1>, vector<16xf32>, vector<16xi32>)
          %lt3A_522 = arith.cmpf olt, %masked_sort3A_520, %scan3A_508 : vector<16xf32>
          %select_n3A_523 = arith.select %lt3A_522, %masked_sort3A_520, %scan3A_508 : vector<16xi1>, vector<16xf32>
          %select_n3A_524 = arith.select %lt3A_522, %masked_sort3A_521, %scan3A_509 : vector<16xi1>, vector<16xi32>
          %masked_sort3A_525 = arith.constant dense<true> : vector<16xi1>
          %masked_sort3A_526, %masked_sort3A_527, %masked_sort3A_528 = tpu.sort %select_n3A_523, %select_n3A_524 masked %masked_sort3A_525 : (vector<16xf32>, vector<16xi32>, vector<16xi1>) -> (vector<16xi1>, vector<16xf32>, vector<16xi32>)
          scf.yield %masked_sort3A_527, %masked_sort3A_528 : vector<16xf32>, vector<16xi32>
        }
        %scan3A_61 = arith.constant 49 : i32
        %slice3A = vector.extract_strided_slice %scan3A_60#1 {offsets = [0], sizes = [1], strides = [1]} : vector<16xi32> to vector<1xi32>
        %squeeze3A = vector.extract %slice3A[0] : i32 from vector<1xi32>
        %mul3A_62 = arith.constant 128 : i32
        %mul3A_63 = arith.muli %squeeze3A, %mul3A_62 : i32
        %dma_start3A_64 = arith.constant 0 : i32
        %dma_start3A_65 = arith.constant 0 : i32
        %dma_start3A_66 = tpu.memref_slice %arg7[%dma_start3A_64, %dma_start3A_65] : memref<16x128xf32, #tpu.memory_space<vmem>> -> memref<1x128xf32, #tpu.memory_space<vmem>>
        %dma_start3A_67 = tpu.memref_squeeze %dma_start3A_66 : memref<1x128xf32, #tpu.memory_space<vmem>> -> memref<128xf32, #tpu.memory_space<vmem>>
        %dma_start3A_68 = tpu.memref_slice %arg3[%add3A_39, %mul3A_63] : memref<1024x100352xf32, #tpu.memory_space<hbm>> -> memref<1x128xf32, #tpu.memory_space<hbm>>
        %dma_start3A_69 = tpu.memref_squeeze %dma_start3A_68 : memref<1x128xf32, #tpu.memory_space<hbm>> -> memref<128xf32, #tpu.memory_space<hbm>>
        %dma_start3A_70 = arith.constant 0 : i32
        %dma_start3A_71 = tpu.memref_slice %arg7[%dma_start3A_64, %dma_start3A_70] : memref<16x128xf32, #tpu.memory_space<vmem>> -> memref<1x128xf32, #tpu.memory_space<vmem>>
        %dma_start3A_72 = tpu.memref_squeeze %dma_start3A_71 : memref<1x128xf32, #tpu.memory_space<vmem>> -> memref<128xf32, #tpu.memory_space<vmem>>
        %dma_start3A_73 = tpu.memref_slice %arg3[%add3A_39, %mul3A_63] : memref<1024x100352xf32, #tpu.memory_space<hbm>> -> memref<1x128xf32, #tpu.memory_space<hbm>>
        %dma_start3A_74 = tpu.memref_squeeze %dma_start3A_73 : memref<1x128xf32, #tpu.memory_space<hbm>> -> memref<128xf32, #tpu.memory_space<hbm>>
        tpu.enqueue_dma source(%dma_start3A_74 : memref<128xf32, #tpu.memory_space<hbm>>) target(%dma_start3A_72 : memref<128xf32, #tpu.memory_space<vmem>>) target_semaphore(%arg10 : memref<!tpu.dma_semaphore, #tpu.memory_space<semaphore_mem>>)
        %slice3A_75 = vector.extract_strided_slice %scan3A_60#1 {offsets = [1], sizes = [1], strides = [1]} : vector<16xi32> to vector<1xi32>
        %squeeze3A_76 = vector.extract %slice3A_75[0] : i32 from vector<1xi32>
        %mul3A_77 = arith.constant 128 : i32
        %mul3A_78 = arith.muli %squeeze3A_76, %mul3A_77 : i32
        %dma_start3A_79 = arith.constant 1 : i32
        %dma_start3A_80 = arith.constant 0 : i32
        %dma_start3A_81 = tpu.memref_slice %arg7[%dma_start3A_79, %dma_start3A_80] : memref<16x128xf32, #tpu.memory_space<vmem>> -> memref<1x128xf32, #tpu.memory_space<vmem>>
        %dma_start3A_82 = tpu.memref_squeeze %dma_start3A_81 : memref<1x128xf32, #tpu.memory_space<vmem>> -> memref<128xf32, #tpu.memory_space<vmem>>
        %dma_start3A_83 = tpu.memref_slice %arg3[%add3A_39, %mul3A_78] : memref<1024x100352xf32, #tpu.memory_space<hbm>> -> memref<1x128xf32, #tpu.memory_space<hbm>>
        %dma_start3A_84 = tpu.memref_squeeze %dma_start3A_83 : memref<1x128xf32, #tpu.memory_space<hbm>> -> memref<128xf32, #tpu.memory_space<hbm>>
        %dma_start3A_85 = arith.constant 0 : i32
        %dma_start3A_86 = tpu.memref_slice %arg7[%dma_start3A_79, %dma_start3A_85] : memref<16x128xf32, #tpu.memory_space<vmem>> -> memref<1x128xf32, #tpu.memory_space<vmem>>
        %dma_start3A_87 = tpu.memref_squeeze %dma_start3A_86 : memref<1x128xf32, #tpu.memory_space<vmem>> -> memref<128xf32, #tpu.memory_space<vmem>>
        %dma_start3A_88 = tpu.memref_slice %arg3[%add3A_39, %mul3A_78] : memref<1024x100352xf32, #tpu.memory_space<hbm>> -> memref<1x128xf32, #tpu.memory_space<hbm>>
        %dma_start3A_89 = tpu.memref_squeeze %dma_start3A_88 : memref<1x128xf32, #tpu.memory_space<hbm>> -> memref<128xf32, #tpu.memory_space<hbm>>
        tpu.enqueue_dma source(%dma_start3A_89 : memref<128xf32, #tpu.memory_space<hbm>>) target(%dma_start3A_87 : memref<128xf32, #tpu.memory_space<vmem>>) target_semaphore(%arg10 : memref<!tpu.dma_semaphore, #tpu.memory_space<semaphore_mem>>)
        %slice3A_90 = vector.extract_strided_slice %scan3A_60#1 {offsets = [2], sizes = [1], strides = [1]} : vector<16xi32> to vector<1xi32>
        %squeeze3A_91 = vector.extract %slice3A_90[0] : i32 from vector<1xi32>
        %mul3A_92 = arith.constant 128 : i32
        %mul3A_93 = arith.muli %squeeze3A_91, %mul3A_92 : i32
        %dma_start3A_94 = arith.constant 2 : i32
        %dma_start3A_95 = arith.constant 0 : i32
        %dma_start3A_96 = tpu.memref_slice %arg7[%dma_start3A_94, %dma_start3A_95] : memref<16x128xf32, #tpu.memory_space<vmem>> -> memref<1x128xf32, #tpu.memory_space<vmem>>
        %dma_start3A_97 = tpu.memref_squeeze %dma_start3A_96 : memref<1x128xf32, #tpu.memory_space<vmem>> -> memref<128xf32, #tpu.memory_space<vmem>>
        %dma_start3A_98 = tpu.memref_slice %arg3[%add3A_39, %mul3A_93] : memref<1024x100352xf32, #tpu.memory_space<hbm>> -> memref<1x128xf32, #tpu.memory_space<hbm>>
        %dma_start3A_99 = tpu.memref_squeeze %dma_start3A_98 : memref<1x128xf32, #tpu.memory_space<hbm>> -> memref<128xf32, #tpu.memory_space<hbm>>
        %dma_start3A_100 = arith.constant 0 : i32
        %dma_start3A_101 = tpu.memref_slice %arg7[%dma_start3A_94, %dma_start3A_100] : memref<16x128xf32, #tpu.memory_space<vmem>> -> memref<1x128xf32, #tpu.memory_space<vmem>>
        %dma_start3A_102 = tpu.memref_squeeze %dma_start3A_101 : memref<1x128xf32, #tpu.memory_space<vmem>> -> memref<128xf32, #tpu.memory_space<vmem>>
        %dma_start3A_103 = tpu.memref_slice %arg3[%add3A_39, %mul3A_93] : memref<1024x100352xf32, #tpu.memory_space<hbm>> -> memref<1x128xf32, #tpu.memory_space<hbm>>
        %dma_start3A_104 = tpu.memref_squeeze %dma_start3A_103 : memref<1x128xf32, #tpu.memory_space<hbm>> -> memref<128xf32, #tpu.memory_space<hbm>>
        tpu.enqueue_dma source(%dma_start3A_104 : memref<128xf32, #tpu.memory_space<hbm>>) target(%dma_start3A_102 : memref<128xf32, #tpu.memory_space<vmem>>) target_semaphore(%arg10 : memref<!tpu.dma_semaphore, #tpu.memory_space<semaphore_mem>>)
        %slice3A_105 = vector.extract_strided_slice %scan3A_60#1 {offsets = [3], sizes = [1], strides = [1]} : vector<16xi32> to vector<1xi32>
        %squeeze3A_106 = vector.extract %slice3A_105[0] : i32 from vector<1xi32>
        %mul3A_107 = arith.constant 128 : i32
        %mul3A_108 = arith.muli %squeeze3A_106, %mul3A_107 : i32
        %dma_start3A_109 = arith.constant 3 : i32
        %dma_start3A_110 = arith.constant 0 : i32
        %dma_start3A_111 = tpu.memref_slice %arg7[%dma_start3A_109, %dma_start3A_110] : memref<16x128xf32, #tpu.memory_space<vmem>> -> memref<1x128xf32, #tpu.memory_space<vmem>>
        %dma_start3A_112 = tpu.memref_squeeze %dma_start3A_111 : memref<1x128xf32, #tpu.memory_space<vmem>> -> memref<128xf32, #tpu.memory_space<vmem>>
        %dma_start3A_113 = tpu.memref_slice %arg3[%add3A_39, %mul3A_108] : memref<1024x100352xf32, #tpu.memory_space<hbm>> -> memref<1x128xf32, #tpu.memory_space<hbm>>
        %dma_start3A_114 = tpu.memref_squeeze %dma_start3A_113 : memref<1x128xf32, #tpu.memory_space<hbm>> -> memref<128xf32, #tpu.memory_space<hbm>>
        %dma_start3A_115 = arith.constant 0 : i32
        %dma_start3A_116 = tpu.memref_slice %arg7[%dma_start3A_109, %dma_start3A_115] : memref<16x128xf32, #tpu.memory_space<vmem>> -> memref<1x128xf32, #tpu.memory_space<vmem>>
        %dma_start3A_117 = tpu.memref_squeeze %dma_start3A_116 : memref<1x128xf32, #tpu.memory_space<vmem>> -> memref<128xf32, #tpu.memory_space<vmem>>
        %dma_start3A_118 = tpu.memref_slice %arg3[%add3A_39, %mul3A_108] : memref<1024x100352xf32, #tpu.memory_space<hbm>> -> memref<1x128xf32, #tpu.memory_space<hbm>>
        %dma_start3A_119 = tpu.memref_squeeze %dma_start3A_118 : memref<1x128xf32, #tpu.memory_space<hbm>> -> memref<128xf32, #tpu.memory_space<hbm>>
        tpu.enqueue_dma source(%dma_start3A_119 : memref<128xf32, #tpu.memory_space<hbm>>) target(%dma_start3A_117 : memref<128xf32, #tpu.memory_space<vmem>>) target_semaphore(%arg10 : memref<!tpu.dma_semaphore, #tpu.memory_space<semaphore_mem>>)
        %slice3A_120 = vector.extract_strided_slice %scan3A_60#1 {offsets = [4], sizes = [1], strides = [1]} : vector<16xi32> to vector<1xi32>
        %squeeze3A_121 = vector.extract %slice3A_120[0] : i32 from vector<1xi32>
        %mul3A_122 = arith.constant 128 : i32
        %mul3A_123 = arith.muli %squeeze3A_121, %mul3A_122 : i32
        %dma_start3A_124 = arith.constant 4 : i32
        %dma_start3A_125 = arith.constant 0 : i32
        %dma_start3A_126 = tpu.memref_slice %arg7[%dma_start3A_124, %dma_start3A_125] : memref<16x128xf32, #tpu.memory_space<vmem>> -> memref<1x128xf32, #tpu.memory_space<vmem>>
        %dma_start3A_127 = tpu.memref_squeeze %dma_start3A_126 : memref<1x128xf32, #tpu.memory_space<vmem>> -> memref<128xf32, #tpu.memory_space<vmem>>
        %dma_start3A_128 = tpu.memref_slice %arg3[%add3A_39, %mul3A_123] : memref<1024x100352xf32, #tpu.memory_space<hbm>> -> memref<1x128xf32, #tpu.memory_space<hbm>>
        %dma_start3A_129 = tpu.memref_squeeze %dma_start3A_128 : memref<1x128xf32, #tpu.memory_space<hbm>> -> memref<128xf32, #tpu.memory_space<hbm>>
        %dma_start3A_130 = arith.constant 0 : i32
        %dma_start3A_131 = tpu.memref_slice %arg7[%dma_start3A_124, %dma_start3A_130] : memref<16x128xf32, #tpu.memory_space<vmem>> -> memref<1x128xf32, #tpu.memory_space<vmem>>
        %dma_start3A_132 = tpu.memref_squeeze %dma_start3A_131 : memref<1x128xf32, #tpu.memory_space<vmem>> -> memref<128xf32, #tpu.memory_space<vmem>>
        %dma_start3A_133 = tpu.memref_slice %arg3[%add3A_39, %mul3A_123] : memref<1024x100352xf32, #tpu.memory_space<hbm>> -> memref<1x128xf32, #tpu.memory_space<hbm>>
        %dma_start3A_134 = tpu.memref_squeeze %dma_start3A_133 : memref<1x128xf32, #tpu.memory_space<hbm>> -> memref<128xf32, #tpu.memory_space<hbm>>
        tpu.enqueue_dma source(%dma_start3A_134 : memref<128xf32, #tpu.memory_space<hbm>>) target(%dma_start3A_132 : memref<128xf32, #tpu.memory_space<vmem>>) target_semaphore(%arg10 : memref<!tpu.dma_semaphore, #tpu.memory_space<semaphore_mem>>)
        %slice3A_135 = vector.extract_strided_slice %scan3A_60#1 {offsets = [5], sizes = [1], strides = [1]} : vector<16xi32> to vector<1xi32>
        %squeeze3A_136 = vector.extract %slice3A_135[0] : i32 from vector<1xi32>
        %mul3A_137 = arith.constant 128 : i32
        %mul3A_138 = arith.muli %squeeze3A_136, %mul3A_137 : i32
        %dma_start3A_139 = arith.constant 5 : i32
        %dma_start3A_140 = arith.constant 0 : i32
        %dma_start3A_141 = tpu.memref_slice %arg7[%dma_start3A_139, %dma_start3A_140] : memref<16x128xf32, #tpu.memory_space<vmem>> -> memref<1x128xf32, #tpu.memory_space<vmem>>
        %dma_start3A_142 = tpu.memref_squeeze %dma_start3A_141 : memref<1x128xf32, #tpu.memory_space<vmem>> -> memref<128xf32, #tpu.memory_space<vmem>>
        %dma_start3A_143 = tpu.memref_slice %arg3[%add3A_39, %mul3A_138] : memref<1024x100352xf32, #tpu.memory_space<hbm>> -> memref<1x128xf32, #tpu.memory_space<hbm>>
        %dma_start3A_144 = tpu.memref_squeeze %dma_start3A_143 : memref<1x128xf32, #tpu.memory_space<hbm>> -> memref<128xf32, #tpu.memory_space<hbm>>
        %dma_start3A_145 = arith.constant 0 : i32
        %dma_start3A_146 = tpu.memref_slice %arg7[%dma_start3A_139, %dma_start3A_145] : memref<16x128xf32, #tpu.memory_space<vmem>> -> memref<1x128xf32, #tpu.memory_space<vmem>>
        %dma_start3A_147 = tpu.memref_squeeze %dma_start3A_146 : memref<1x128xf32, #tpu.memory_space<vmem>> -> memref<128xf32, #tpu.memory_space<vmem>>
        %dma_start3A_148 = tpu.memref_slice %arg3[%add3A_39, %mul3A_138] : memref<1024x100352xf32, #tpu.memory_space<hbm>> -> memref<1x128xf32, #tpu.memory_space<hbm>>
        %dma_start3A_149 = tpu.memref_squeeze %dma_start3A_148 : memref<1x128xf32, #tpu.memory_space<hbm>> -> memref<128xf32, #tpu.memory_space<hbm>>
        tpu.enqueue_dma source(%dma_start3A_149 : memref<128xf32, #tpu.memory_space<hbm>>) target(%dma_start3A_147 : memref<128xf32, #tpu.memory_space<vmem>>) target_semaphore(%arg10 : memref<!tpu.dma_semaphore, #tpu.memory_space<semaphore_mem>>)
        %slice3A_150 = vector.extract_strided_slice %scan3A_60#1 {offsets = [6], sizes = [1], strides = [1]} : vector<16xi32> to vector<1xi32>
        %squeeze3A_151 = vector.extract %slice3A_150[0] : i32 from vector<1xi32>
        %mul3A_152 = arith.constant 128 : i32
        %mul3A_153 = arith.muli %squeeze3A_151, %mul3A_152 : i32
        %dma_start3A_154 = arith.constant 6 : i32
        %dma_start3A_155 = arith.constant 0 : i32
        %dma_start3A_156 = tpu.memref_slice %arg7[%dma_start3A_154, %dma_start3A_155] : memref<16x128xf32, #tpu.memory_space<vmem>> -> memref<1x128xf32, #tpu.memory_space<vmem>>
        %dma_start3A_157 = tpu.memref_squeeze %dma_start3A_156 : memref<1x128xf32, #tpu.memory_space<vmem>> -> memref<128xf32, #tpu.memory_space<vmem>>
        %dma_start3A_158 = tpu.memref_slice %arg3[%add3A_39, %mul3A_153] : memref<1024x100352xf32, #tpu.memory_space<hbm>> -> memref<1x128xf32, #tpu.memory_space<hbm>>
        %dma_start3A_159 = tpu.memref_squeeze %dma_start3A_158 : memref<1x128xf32, #tpu.memory_space<hbm>> -> memref<128xf32, #tpu.memory_space<hbm>>
        %dma_start3A_160 = arith.constant 0 : i32
        %dma_start3A_161 = tpu.memref_slice %arg7[%dma_start3A_154, %dma_start3A_160] : memref<16x128xf32, #tpu.memory_space<vmem>> -> memref<1x128xf32, #tpu.memory_space<vmem>>
        %dma_start3A_162 = tpu.memref_squeeze %dma_start3A_161 : memref<1x128xf32, #tpu.memory_space<vmem>> -> memref<128xf32, #tpu.memory_space<vmem>>
        %dma_start3A_163 = tpu.memref_slice %arg3[%add3A_39, %mul3A_153] : memref<1024x100352xf32, #tpu.memory_space<hbm>> -> memref<1x128xf32, #tpu.memory_space<hbm>>
        %dma_start3A_164 = tpu.memref_squeeze %dma_start3A_163 : memref<1x128xf32, #tpu.memory_space<hbm>> -> memref<128xf32, #tpu.memory_space<hbm>>
        tpu.enqueue_dma source(%dma_start3A_164 : memref<128xf32, #tpu.memory_space<hbm>>) target(%dma_start3A_162 : memref<128xf32, #tpu.memory_space<vmem>>) target_semaphore(%arg10 : memref<!tpu.dma_semaphore, #tpu.memory_space<semaphore_mem>>)
        %slice3A_165 = vector.extract_strided_slice %scan3A_60#1 {offsets = [7], sizes = [1], strides = [1]} : vector<16xi32> to vector<1xi32>
        %squeeze3A_166 = vector.extract %slice3A_165[0] : i32 from vector<1xi32>
        %mul3A_167 = arith.constant 128 : i32
        %mul3A_168 = arith.muli %squeeze3A_166, %mul3A_167 : i32
        %dma_start3A_169 = arith.constant 7 : i32
        %dma_start3A_170 = arith.constant 0 : i32
        %dma_start3A_171 = tpu.memref_slice %arg7[%dma_start3A_169, %dma_start3A_170] : memref<16x128xf32, #tpu.memory_space<vmem>> -> memref<1x128xf32, #tpu.memory_space<vmem>>
        %dma_start3A_172 = tpu.memref_squeeze %dma_start3A_171 : memref<1x128xf32, #tpu.memory_space<vmem>> -> memref<128xf32, #tpu.memory_space<vmem>>
        %dma_start3A_173 = tpu.memref_slice %arg3[%add3A_39, %mul3A_168] : memref<1024x100352xf32, #tpu.memory_space<hbm>> -> memref<1x128xf32, #tpu.memory_space<hbm>>
        %dma_start3A_174 = tpu.memref_squeeze %dma_start3A_173 : memref<1x128xf32, #tpu.memory_space<hbm>> -> memref<128xf32, #tpu.memory_space<hbm>>
        %dma_start3A_175 = arith.constant 0 : i32
        %dma_start3A_176 = tpu.memref_slice %arg7[%dma_start3A_169, %dma_start3A_175] : memref<16x128xf32, #tpu.memory_space<vmem>> -> memref<1x128xf32, #tpu.memory_space<vmem>>
        %dma_start3A_177 = tpu.memref_squeeze %dma_start3A_176 : memref<1x128xf32, #tpu.memory_space<vmem>> -> memref<128xf32, #tpu.memory_space<vmem>>
        %dma_start3A_178 = tpu.memref_slice %arg3[%add3A_39, %mul3A_168] : memref<1024x100352xf32, #tpu.memory_space<hbm>> -> memref<1x128xf32, #tpu.memory_space<hbm>>
        %dma_start3A_179 = tpu.memref_squeeze %dma_start3A_178 : memref<1x128xf32, #tpu.memory_space<hbm>> -> memref<128xf32, #tpu.memory_space<hbm>>
        tpu.enqueue_dma source(%dma_start3A_179 : memref<128xf32, #tpu.memory_space<hbm>>) target(%dma_start3A_177 : memref<128xf32, #tpu.memory_space<vmem>>) target_semaphore(%arg10 : memref<!tpu.dma_semaphore, #tpu.memory_space<semaphore_mem>>)
        %slice3A_180 = vector.extract_strided_slice %scan3A_60#1 {offsets = [8], sizes = [1], strides = [1]} : vector<16xi32> to vector<1xi32>
        %squeeze3A_181 = vector.extract %slice3A_180[0] : i32 from vector<1xi32>
        %mul3A_182 = arith.constant 128 : i32
        %mul3A_183 = arith.muli %squeeze3A_181, %mul3A_182 : i32
        %dma_start3A_184 = arith.constant 8 : i32
        %dma_start3A_185 = arith.constant 0 : i32
        %dma_start3A_186 = tpu.memref_slice %arg7[%dma_start3A_184, %dma_start3A_185] : memref<16x128xf32, #tpu.memory_space<vmem>> -> memref<1x128xf32, #tpu.memory_space<vmem>>
        %dma_start3A_187 = tpu.memref_squeeze %dma_start3A_186 : memref<1x128xf32, #tpu.memory_space<vmem>> -> memref<128xf32, #tpu.memory_space<vmem>>
        %dma_start3A_188 = tpu.memref_slice %arg3[%add3A_39, %mul3A_183] : memref<1024x100352xf32, #tpu.memory_space<hbm>> -> memref<1x128xf32, #tpu.memory_space<hbm>>
        %dma_start3A_189 = tpu.memref_squeeze %dma_start3A_188 : memref<1x128xf32, #tpu.memory_space<hbm>> -> memref<128xf32, #tpu.memory_space<hbm>>
        %dma_start3A_190 = arith.constant 0 : i32
        %dma_start3A_191 = tpu.memref_slice %arg7[%dma_start3A_184, %dma_start3A_190] : memref<16x128xf32, #tpu.memory_space<vmem>> -> memref<1x128xf32, #tpu.memory_space<vmem>>
        %dma_start3A_192 = tpu.memref_squeeze %dma_start3A_191 : memref<1x128xf32, #tpu.memory_space<vmem>> -> memref<128xf32, #tpu.memory_space<vmem>>
        %dma_start3A_193 = tpu.memref_slice %arg3[%add3A_39, %mul3A_183] : memref<1024x100352xf32, #tpu.memory_space<hbm>> -> memref<1x128xf32, #tpu.memory_space<hbm>>
        %dma_start3A_194 = tpu.memref_squeeze %dma_start3A_193 : memref<1x128xf32, #tpu.memory_space<hbm>> -> memref<128xf32, #tpu.memory_space<hbm>>
        tpu.enqueue_dma source(%dma_start3A_194 : memref<128xf32, #tpu.memory_space<hbm>>) target(%dma_start3A_192 : memref<128xf32, #tpu.memory_space<vmem>>) target_semaphore(%arg10 : memref<!tpu.dma_semaphore, #tpu.memory_space<semaphore_mem>>)
        %slice3A_195 = vector.extract_strided_slice %scan3A_60#1 {offsets = [9], sizes = [1], strides = [1]} : vector<16xi32> to vector<1xi32>
        %squeeze3A_196 = vector.extract %slice3A_195[0] : i32 from vector<1xi32>
        %mul3A_197 = arith.constant 128 : i32
        %mul3A_198 = arith.muli %squeeze3A_196, %mul3A_197 : i32
        %dma_start3A_199 = arith.constant 9 : i32
        %dma_start3A_200 = arith.constant 0 : i32
        %dma_start3A_201 = tpu.memref_slice %arg7[%dma_start3A_199, %dma_start3A_200] : memref<16x128xf32, #tpu.memory_space<vmem>> -> memref<1x128xf32, #tpu.memory_space<vmem>>
        %dma_start3A_202 = tpu.memref_squeeze %dma_start3A_201 : memref<1x128xf32, #tpu.memory_space<vmem>> -> memref<128xf32, #tpu.memory_space<vmem>>
        %dma_start3A_203 = tpu.memref_slice %arg3[%add3A_39, %mul3A_198] : memref<1024x100352xf32, #tpu.memory_space<hbm>> -> memref<1x128xf32, #tpu.memory_space<hbm>>
        %dma_start3A_204 = tpu.memref_squeeze %dma_start3A_203 : memref<1x128xf32, #tpu.memory_space<hbm>> -> memref<128xf32, #tpu.memory_space<hbm>>
        %dma_start3A_205 = arith.constant 0 : i32
        %dma_start3A_206 = tpu.memref_slice %arg7[%dma_start3A_199, %dma_start3A_205] : memref<16x128xf32, #tpu.memory_space<vmem>> -> memref<1x128xf32, #tpu.memory_space<vmem>>
        %dma_start3A_207 = tpu.memref_squeeze %dma_start3A_206 : memref<1x128xf32, #tpu.memory_space<vmem>> -> memref<128xf32, #tpu.memory_space<vmem>>
        %dma_start3A_208 = tpu.memref_slice %arg3[%add3A_39, %mul3A_198] : memref<1024x100352xf32, #tpu.memory_space<hbm>> -> memref<1x128xf32, #tpu.memory_space<hbm>>
        %dma_start3A_209 = tpu.memref_squeeze %dma_start3A_208 : memref<1x128xf32, #tpu.memory_space<hbm>> -> memref<128xf32, #tpu.memory_space<hbm>>
        tpu.enqueue_dma source(%dma_start3A_209 : memref<128xf32, #tpu.memory_space<hbm>>) target(%dma_start3A_207 : memref<128xf32, #tpu.memory_space<vmem>>) target_semaphore(%arg10 : memref<!tpu.dma_semaphore, #tpu.memory_space<semaphore_mem>>)
        %slice3A_210 = vector.extract_strided_slice %scan3A_60#1 {offsets = [10], sizes = [1], strides = [1]} : vector<16xi32> to vector<1xi32>
        %squeeze3A_211 = vector.extract %slice3A_210[0] : i32 from vector<1xi32>
        %mul3A_212 = arith.constant 128 : i32
        %mul3A_213 = arith.muli %squeeze3A_211, %mul3A_212 : i32
        %dma_start3A_214 = arith.constant 10 : i32
        %dma_start3A_215 = arith.constant 0 : i32
        %dma_start3A_216 = tpu.memref_slice %arg7[%dma_start3A_214, %dma_start3A_215] : memref<16x128xf32, #tpu.memory_space<vmem>> -> memref<1x128xf32, #tpu.memory_space<vmem>>
        %dma_start3A_217 = tpu.memref_squeeze %dma_start3A_216 : memref<1x128xf32, #tpu.memory_space<vmem>> -> memref<128xf32, #tpu.memory_space<vmem>>
        %dma_start3A_218 = tpu.memref_slice %arg3[%add3A_39, %mul3A_213] : memref<1024x100352xf32, #tpu.memory_space<hbm>> -> memref<1x128xf32, #tpu.memory_space<hbm>>
        %dma_start3A_219 = tpu.memref_squeeze %dma_start3A_218 : memref<1x128xf32, #tpu.memory_space<hbm>> -> memref<128xf32, #tpu.memory_space<hbm>>
        %dma_start3A_220 = arith.constant 0 : i32
        %dma_start3A_221 = tpu.memref_slice %arg7[%dma_start3A_214, %dma_start3A_220] : memref<16x128xf32, #tpu.memory_space<vmem>> -> memref<1x128xf32, #tpu.memory_space<vmem>>
        %dma_start3A_222 = tpu.memref_squeeze %dma_start3A_221 : memref<1x128xf32, #tpu.memory_space<vmem>> -> memref<128xf32, #tpu.memory_space<vmem>>
        %dma_start3A_223 = tpu.memref_slice %arg3[%add3A_39, %mul3A_213] : memref<1024x100352xf32, #tpu.memory_space<hbm>> -> memref<1x128xf32, #tpu.memory_space<hbm>>
        %dma_start3A_224 = tpu.memref_squeeze %dma_start3A_223 : memref<1x128xf32, #tpu.memory_space<hbm>> -> memref<128xf32, #tpu.memory_space<hbm>>
        tpu.enqueue_dma source(%dma_start3A_224 : memref<128xf32, #tpu.memory_space<hbm>>) target(%dma_start3A_222 : memref<128xf32, #tpu.memory_space<vmem>>) target_semaphore(%arg10 : memref<!tpu.dma_semaphore, #tpu.memory_space<semaphore_mem>>)
        %slice3A_225 = vector.extract_strided_slice %scan3A_60#1 {offsets = [11], sizes = [1], strides = [1]} : vector<16xi32> to vector<1xi32>
        %squeeze3A_226 = vector.extract %slice3A_225[0] : i32 from vector<1xi32>
        %mul3A_227 = arith.constant 128 : i32
        %mul3A_228 = arith.muli %squeeze3A_226, %mul3A_227 : i32
        %dma_start3A_229 = arith.constant 11 : i32
        %dma_start3A_230 = arith.constant 0 : i32
        %dma_start3A_231 = tpu.memref_slice %arg7[%dma_start3A_229, %dma_start3A_230] : memref<16x128xf32, #tpu.memory_space<vmem>> -> memref<1x128xf32, #tpu.memory_space<vmem>>
        %dma_start3A_232 = tpu.memref_squeeze %dma_start3A_231 : memref<1x128xf32, #tpu.memory_space<vmem>> -> memref<128xf32, #tpu.memory_space<vmem>>
        %dma_start3A_233 = tpu.memref_slice %arg3[%add3A_39, %mul3A_228] : memref<1024x100352xf32, #tpu.memory_space<hbm>> -> memref<1x128xf32, #tpu.memory_space<hbm>>
        %dma_start3A_234 = tpu.memref_squeeze %dma_start3A_233 : memref<1x128xf32, #tpu.memory_space<hbm>> -> memref<128xf32, #tpu.memory_space<hbm>>
        %dma_start3A_235 = arith.constant 0 : i32
        %dma_start3A_236 = tpu.memref_slice %arg7[%dma_start3A_229, %dma_start3A_235] : memref<16x128xf32, #tpu.memory_space<vmem>> -> memref<1x128xf32, #tpu.memory_space<vmem>>
        %dma_start3A_237 = tpu.memref_squeeze %dma_start3A_236 : memref<1x128xf32, #tpu.memory_space<vmem>> -> memref<128xf32, #tpu.memory_space<vmem>>
        %dma_start3A_238 = tpu.memref_slice %arg3[%add3A_39, %mul3A_228] : memref<1024x100352xf32, #tpu.memory_space<hbm>> -> memref<1x128xf32, #tpu.memory_space<hbm>>
        %dma_start3A_239 = tpu.memref_squeeze %dma_start3A_238 : memref<1x128xf32, #tpu.memory_space<hbm>> -> memref<128xf32, #tpu.memory_space<hbm>>
        tpu.enqueue_dma source(%dma_start3A_239 : memref<128xf32, #tpu.memory_space<hbm>>) target(%dma_start3A_237 : memref<128xf32, #tpu.memory_space<vmem>>) target_semaphore(%arg10 : memref<!tpu.dma_semaphore, #tpu.memory_space<semaphore_mem>>)
        %slice3A_240 = vector.extract_strided_slice %scan3A_60#1 {offsets = [12], sizes = [1], strides = [1]} : vector<16xi32> to vector<1xi32>
        %squeeze3A_241 = vector.extract %slice3A_240[0] : i32 from vector<1xi32>
        %mul3A_242 = arith.constant 128 : i32
        %mul3A_243 = arith.muli %squeeze3A_241, %mul3A_242 : i32
        %dma_start3A_244 = arith.constant 12 : i32
        %dma_start3A_245 = arith.constant 0 : i32
        %dma_start3A_246 = tpu.memref_slice %arg7[%dma_start3A_244, %dma_start3A_245] : memref<16x128xf32, #tpu.memory_space<vmem>> -> memref<1x128xf32, #tpu.memory_space<vmem>>
        %dma_start3A_247 = tpu.memref_squeeze %dma_start3A_246 : memref<1x128xf32, #tpu.memory_space<vmem>> -> memref<128xf32, #tpu.memory_space<vmem>>
        %dma_start3A_248 = tpu.memref_slice %arg3[%add3A_39, %mul3A_243] : memref<1024x100352xf32, #tpu.memory_space<hbm>> -> memref<1x128xf32, #tpu.memory_space<hbm>>
        %dma_start3A_249 = tpu.memref_squeeze %dma_start3A_248 : memref<1x128xf32, #tpu.memory_space<hbm>> -> memref<128xf32, #tpu.memory_space<hbm>>
        %dma_start3A_250 = arith.constant 0 : i32
        %dma_start3A_251 = tpu.memref_slice %arg7[%dma_start3A_244, %dma_start3A_250] : memref<16x128xf32, #tpu.memory_space<vmem>> -> memref<1x128xf32, #tpu.memory_space<vmem>>
        %dma_start3A_252 = tpu.memref_squeeze %dma_start3A_251 : memref<1x128xf32, #tpu.memory_space<vmem>> -> memref<128xf32, #tpu.memory_space<vmem>>
        %dma_start3A_253 = tpu.memref_slice %arg3[%add3A_39, %mul3A_243] : memref<1024x100352xf32, #tpu.memory_space<hbm>> -> memref<1x128xf32, #tpu.memory_space<hbm>>
        %dma_start3A_254 = tpu.memref_squeeze %dma_start3A_253 : memref<1x128xf32, #tpu.memory_space<hbm>> -> memref<128xf32, #tpu.memory_space<hbm>>
        tpu.enqueue_dma source(%dma_start3A_254 : memref<128xf32, #tpu.memory_space<hbm>>) target(%dma_start3A_252 : memref<128xf32, #tpu.memory_space<vmem>>) target_semaphore(%arg10 : memref<!tpu.dma_semaphore, #tpu.memory_space<semaphore_mem>>)
        %slice3A_255 = vector.extract_strided_slice %scan3A_60#1 {offsets = [13], sizes = [1], strides = [1]} : vector<16xi32> to vector<1xi32>
        %squeeze3A_256 = vector.extract %slice3A_255[0] : i32 from vector<1xi32>
        %mul3A_257 = arith.constant 128 : i32
        %mul3A_258 = arith.muli %squeeze3A_256, %mul3A_257 : i32
        %dma_start3A_259 = arith.constant 13 : i32
        %dma_start3A_260 = arith.constant 0 : i32
        %dma_start3A_261 = tpu.memref_slice %arg7[%dma_start3A_259, %dma_start3A_260] : memref<16x128xf32, #tpu.memory_space<vmem>> -> memref<1x128xf32, #tpu.memory_space<vmem>>
        %dma_start3A_262 = tpu.memref_squeeze %dma_start3A_261 : memref<1x128xf32, #tpu.memory_space<vmem>> -> memref<128xf32, #tpu.memory_space<vmem>>
        %dma_start3A_263 = tpu.memref_slice %arg3[%add3A_39, %mul3A_258] : memref<1024x100352xf32, #tpu.memory_space<hbm>> -> memref<1x128xf32, #tpu.memory_space<hbm>>
        %dma_start3A_264 = tpu.memref_squeeze %dma_start3A_263 : memref<1x128xf32, #tpu.memory_space<hbm>> -> memref<128xf32, #tpu.memory_space<hbm>>
        %dma_start3A_265 = arith.constant 0 : i32
        %dma_start3A_266 = tpu.memref_slice %arg7[%dma_start3A_259, %dma_start3A_265] : memref<16x128xf32, #tpu.memory_space<vmem>> -> memref<1x128xf32, #tpu.memory_space<vmem>>
        %dma_start3A_267 = tpu.memref_squeeze %dma_start3A_266 : memref<1x128xf32, #tpu.memory_space<vmem>> -> memref<128xf32, #tpu.memory_space<vmem>>
        %dma_start3A_268 = tpu.memref_slice %arg3[%add3A_39, %mul3A_258] : memref<1024x100352xf32, #tpu.memory_space<hbm>> -> memref<1x128xf32, #tpu.memory_space<hbm>>
        %dma_start3A_269 = tpu.memref_squeeze %dma_start3A_268 : memref<1x128xf32, #tpu.memory_space<hbm>> -> memref<128xf32, #tpu.memory_space<hbm>>
        tpu.enqueue_dma source(%dma_start3A_269 : memref<128xf32, #tpu.memory_space<hbm>>) target(%dma_start3A_267 : memref<128xf32, #tpu.memory_space<vmem>>) target_semaphore(%arg10 : memref<!tpu.dma_semaphore, #tpu.memory_space<semaphore_mem>>)
        %slice3A_270 = vector.extract_strided_slice %scan3A_60#1 {offsets = [14], sizes = [1], strides = [1]} : vector<16xi32> to vector<1xi32>
        %squeeze3A_271 = vector.extract %slice3A_270[0] : i32 from vector<1xi32>
        %mul3A_272 = arith.constant 128 : i32
        %mul3A_273 = arith.muli %squeeze3A_271, %mul3A_272 : i32
        %dma_start3A_274 = arith.constant 14 : i32
        %dma_start3A_275 = arith.constant 0 : i32
        %dma_start3A_276 = tpu.memref_slice %arg7[%dma_start3A_274, %dma_start3A_275] : memref<16x128xf32, #tpu.memory_space<vmem>> -> memref<1x128xf32, #tpu.memory_space<vmem>>
        %dma_start3A_277 = tpu.memref_squeeze %dma_start3A_276 : memref<1x128xf32, #tpu.memory_space<vmem>> -> memref<128xf32, #tpu.memory_space<vmem>>
        %dma_start3A_278 = tpu.memref_slice %arg3[%add3A_39, %mul3A_273] : memref<1024x100352xf32, #tpu.memory_space<hbm>> -> memref<1x128xf32, #tpu.memory_space<hbm>>
        %dma_start3A_279 = tpu.memref_squeeze %dma_start3A_278 : memref<1x128xf32, #tpu.memory_space<hbm>> -> memref<128xf32, #tpu.memory_space<hbm>>
        %dma_start3A_280 = arith.constant 0 : i32
        %dma_start3A_281 = tpu.memref_slice %arg7[%dma_start3A_274, %dma_start3A_280] : memref<16x128xf32, #tpu.memory_space<vmem>> -> memref<1x128xf32, #tpu.memory_space<vmem>>
        %dma_start3A_282 = tpu.memref_squeeze %dma_start3A_281 : memref<1x128xf32, #tpu.memory_space<vmem>> -> memref<128xf32, #tpu.memory_space<vmem>>
        %dma_start3A_283 = tpu.memref_slice %arg3[%add3A_39, %mul3A_273] : memref<1024x100352xf32, #tpu.memory_space<hbm>> -> memref<1x128xf32, #tpu.memory_space<hbm>>
        %dma_start3A_284 = tpu.memref_squeeze %dma_start3A_283 : memref<1x128xf32, #tpu.memory_space<hbm>> -> memref<128xf32, #tpu.memory_space<hbm>>
        tpu.enqueue_dma source(%dma_start3A_284 : memref<128xf32, #tpu.memory_space<hbm>>) target(%dma_start3A_282 : memref<128xf32, #tpu.memory_space<vmem>>) target_semaphore(%arg10 : memref<!tpu.dma_semaphore, #tpu.memory_space<semaphore_mem>>)
        %slice3A_285 = vector.extract_strided_slice %scan3A_60#1 {offsets = [15], sizes = [1], strides = [1]} : vector<16xi32> to vector<1xi32>
        %squeeze3A_286 = vector.extract %slice3A_285[0] : i32 from vector<1xi32>
        %mul3A_287 = arith.constant 128 : i32
        %mul3A_288 = arith.muli %squeeze3A_286, %mul3A_287 : i32
        %dma_start3A_289 = arith.constant 15 : i32
        %dma_start3A_290 = arith.constant 0 : i32
        %dma_start3A_291 = tpu.memref_slice %arg7[%dma_start3A_289, %dma_start3A_290] : memref<16x128xf32, #tpu.memory_space<vmem>> -> memref<1x128xf32, #tpu.memory_space<vmem>>
        %dma_start3A_292 = tpu.memref_squeeze %dma_start3A_291 : memref<1x128xf32, #tpu.memory_space<vmem>> -> memref<128xf32, #tpu.memory_space<vmem>>
        %dma_start3A_293 = tpu.memref_slice %arg3[%add3A_39, %mul3A_288] : memref<1024x100352xf32, #tpu.memory_space<hbm>> -> memref<1x128xf32, #tpu.memory_space<hbm>>
        %dma_start3A_294 = tpu.memref_squeeze %dma_start3A_293 : memref<1x128xf32, #tpu.memory_space<hbm>> -> memref<128xf32, #tpu.memory_space<hbm>>
        %dma_start3A_295 = arith.constant 0 : i32
        %dma_start3A_296 = tpu.memref_slice %arg7[%dma_start3A_289, %dma_start3A_295] : memref<16x128xf32, #tpu.memory_space<vmem>> -> memref<1x128xf32, #tpu.memory_space<vmem>>
        %dma_start3A_297 = tpu.memref_squeeze %dma_start3A_296 : memref<1x128xf32, #tpu.memory_space<vmem>> -> memref<128xf32, #tpu.memory_space<vmem>>
        %dma_start3A_298 = tpu.memref_slice %arg3[%add3A_39, %mul3A_288] : memref<1024x100352xf32, #tpu.memory_space<hbm>> -> memref<1x128xf32, #tpu.memory_space<hbm>>
        %dma_start3A_299 = tpu.memref_squeeze %dma_start3A_298 : memref<1x128xf32, #tpu.memory_space<hbm>> -> memref<128xf32, #tpu.memory_space<hbm>>
        tpu.enqueue_dma source(%dma_start3A_299 : memref<128xf32, #tpu.memory_space<hbm>>) target(%dma_start3A_297 : memref<128xf32, #tpu.memory_space<vmem>>) target_semaphore(%arg10 : memref<!tpu.dma_semaphore, #tpu.memory_space<semaphore_mem>>)
        %add3A_300 = arith.constant 1 : i32
        %add3A_301 = arith.addi %add3A_38, %add3A_300 : i32
        %lt3A = arith.constant 32 : i32
        %lt3A_302 = arith.cmpi slt, %add3A_301, %lt3A : i32
        %convert_element_type3A = arith.extui %lt3A_302 : i1 to i32
        %cond3A = arith.constant 0 : i32
        %cond3A_303 = arith.cmpi ne, %convert_element_type3A, %cond3A : i32
        scf.if %cond3A_303 {
          %add3A_507 = arith.constant 1 : i32
          %add3A_508 = arith.addi %add3A_39, %add3A_507 : i32
          %sub3A = arith.constant 1 : i32
          %sub3A_509 = arith.subi %sub3A, %and3A_40 : i32
          %dma_start3A_510 = arith.constant 0 : i32
          %dma_start3A_511 = tpu.memref_slice %arg6[%sub3A_509, %dma_start3A_510] : memref<2x784xf32, #tpu.memory_space<vmem>> -> memref<1x784xf32, #tpu.memory_space<vmem>>
          %dma_start3A_512 = tpu.memref_squeeze %dma_start3A_511 : memref<1x784xf32, #tpu.memory_space<vmem>> -> memref<784xf32, #tpu.memory_space<vmem>>
          %dma_start3A_513 = arith.constant 0 : i32
          %dma_start3A_514 = tpu.memref_slice %arg2[%add3A_508, %dma_start3A_513] : memref<1024x784xf32, #tpu.memory_space<hbm>> -> memref<1x784xf32, #tpu.memory_space<hbm>>
          %dma_start3A_515 = tpu.memref_squeeze %dma_start3A_514 : memref<1x784xf32, #tpu.memory_space<hbm>> -> memref<784xf32, #tpu.memory_space<hbm>>
          %dma_start3A_516 = arith.constant 0 : i32
          %dma_start3A_517 = tpu.memref_slice %arg6[%sub3A_509, %dma_start3A_516] : memref<2x784xf32, #tpu.memory_space<vmem>> -> memref<1x784xf32, #tpu.memory_space<vmem>>
          %dma_start3A_518 = tpu.memref_squeeze %dma_start3A_517 : memref<1x784xf32, #tpu.memory_space<vmem>> -> memref<784xf32, #tpu.memory_space<vmem>>
          %dma_start3A_519 = arith.constant 0 : i32
          %dma_start3A_520 = tpu.memref_slice %arg2[%add3A_508, %dma_start3A_519] : memref<1024x784xf32, #tpu.memory_space<hbm>> -> memref<1x784xf32, #tpu.memory_space<hbm>>
          %dma_start3A_521 = tpu.memref_squeeze %dma_start3A_520 : memref<1x784xf32, #tpu.memory_space<hbm>> -> memref<784xf32, #tpu.memory_space<hbm>>
          tpu.enqueue_dma source(%dma_start3A_521 : memref<784xf32, #tpu.memory_space<hbm>>) target(%dma_start3A_518 : memref<784xf32, #tpu.memory_space<vmem>>) target_semaphore(%arg11 : memref<!tpu.dma_semaphore, #tpu.memory_space<semaphore_mem>>)
        } else {
        }
        %dma_wait3A_304 = arith.constant 0 : i32
        %dma_wait3A_305 = arith.constant 0 : i32
        %dma_wait3A_306 = tpu.memref_slice %arg7[%dma_wait3A_304, %dma_wait3A_305] : memref<16x128xf32, #tpu.memory_space<vmem>> -> memref<1x128xf32, #tpu.memory_space<vmem>>
        %dma_wait3A_307 = tpu.memref_squeeze %dma_wait3A_306 : memref<1x128xf32, #tpu.memory_space<vmem>> -> memref<128xf32, #tpu.memory_space<vmem>>
        %dma_wait3A_308 = tpu.memref_slice %arg3[%add3A_39, %mul3A_63] : memref<1024x100352xf32, #tpu.memory_space<hbm>> -> memref<1x128xf32, #tpu.memory_space<hbm>>
        %dma_wait3A_309 = tpu.memref_squeeze %dma_wait3A_308 : memref<1x128xf32, #tpu.memory_space<hbm>> -> memref<128xf32, #tpu.memory_space<hbm>>
        %dma_wait3A_310 = arith.constant 0 : i32
        %dma_wait3A_311 = tpu.memref_slice %arg7[%dma_wait3A_304, %dma_wait3A_310] : memref<16x128xf32, #tpu.memory_space<vmem>> -> memref<1x128xf32, #tpu.memory_space<vmem>>
        %dma_wait3A_312 = tpu.memref_squeeze %dma_wait3A_311 : memref<1x128xf32, #tpu.memory_space<vmem>> -> memref<128xf32, #tpu.memory_space<vmem>>
        %dma_wait3A_313 = tpu.memref_slice %arg3[%add3A_39, %mul3A_63] : memref<1024x100352xf32, #tpu.memory_space<hbm>> -> memref<1x128xf32, #tpu.memory_space<hbm>>
        %dma_wait3A_314 = tpu.memref_squeeze %dma_wait3A_313 : memref<1x128xf32, #tpu.memory_space<hbm>> -> memref<128xf32, #tpu.memory_space<hbm>>
        tpu.wait_dma2 semaphore(%arg10 : memref<!tpu.dma_semaphore, #tpu.memory_space<semaphore_mem>>) src(%dma_wait3A_314 : memref<128xf32, #tpu.memory_space<hbm>>) dst(%dma_wait3A_312 : memref<128xf32, #tpu.memory_space<vmem>>)
        %dma_wait3A_315 = arith.constant 1 : i32
        %dma_wait3A_316 = arith.constant 0 : i32
        %dma_wait3A_317 = tpu.memref_slice %arg7[%dma_wait3A_315, %dma_wait3A_316] : memref<16x128xf32, #tpu.memory_space<vmem>> -> memref<1x128xf32, #tpu.memory_space<vmem>>
        %dma_wait3A_318 = tpu.memref_squeeze %dma_wait3A_317 : memref<1x128xf32, #tpu.memory_space<vmem>> -> memref<128xf32, #tpu.memory_space<vmem>>
        %dma_wait3A_319 = tpu.memref_slice %arg3[%add3A_39, %mul3A_78] : memref<1024x100352xf32, #tpu.memory_space<hbm>> -> memref<1x128xf32, #tpu.memory_space<hbm>>
        %dma_wait3A_320 = tpu.memref_squeeze %dma_wait3A_319 : memref<1x128xf32, #tpu.memory_space<hbm>> -> memref<128xf32, #tpu.memory_space<hbm>>
        %dma_wait3A_321 = arith.constant 0 : i32
        %dma_wait3A_322 = tpu.memref_slice %arg7[%dma_wait3A_315, %dma_wait3A_321] : memref<16x128xf32, #tpu.memory_space<vmem>> -> memref<1x128xf32, #tpu.memory_space<vmem>>
        %dma_wait3A_323 = tpu.memref_squeeze %dma_wait3A_322 : memref<1x128xf32, #tpu.memory_space<vmem>> -> memref<128xf32, #tpu.memory_space<vmem>>
        %dma_wait3A_324 = tpu.memref_slice %arg3[%add3A_39, %mul3A_78] : memref<1024x100352xf32, #tpu.memory_space<hbm>> -> memref<1x128xf32, #tpu.memory_space<hbm>>
        %dma_wait3A_325 = tpu.memref_squeeze %dma_wait3A_324 : memref<1x128xf32, #tpu.memory_space<hbm>> -> memref<128xf32, #tpu.memory_space<hbm>>
        tpu.wait_dma2 semaphore(%arg10 : memref<!tpu.dma_semaphore, #tpu.memory_space<semaphore_mem>>) src(%dma_wait3A_325 : memref<128xf32, #tpu.memory_space<hbm>>) dst(%dma_wait3A_323 : memref<128xf32, #tpu.memory_space<vmem>>)
        %dma_wait3A_326 = arith.constant 2 : i32
        %dma_wait3A_327 = arith.constant 0 : i32
        %dma_wait3A_328 = tpu.memref_slice %arg7[%dma_wait3A_326, %dma_wait3A_327] : memref<16x128xf32, #tpu.memory_space<vmem>> -> memref<1x128xf32, #tpu.memory_space<vmem>>
        %dma_wait3A_329 = tpu.memref_squeeze %dma_wait3A_328 : memref<1x128xf32, #tpu.memory_space<vmem>> -> memref<128xf32, #tpu.memory_space<vmem>>
        %dma_wait3A_330 = tpu.memref_slice %arg3[%add3A_39, %mul3A_93] : memref<1024x100352xf32, #tpu.memory_space<hbm>> -> memref<1x128xf32, #tpu.memory_space<hbm>>
        %dma_wait3A_331 = tpu.memref_squeeze %dma_wait3A_330 : memref<1x128xf32, #tpu.memory_space<hbm>> -> memref<128xf32, #tpu.memory_space<hbm>>
        %dma_wait3A_332 = arith.constant 0 : i32
        %dma_wait3A_333 = tpu.memref_slice %arg7[%dma_wait3A_326, %dma_wait3A_332] : memref<16x128xf32, #tpu.memory_space<vmem>> -> memref<1x128xf32, #tpu.memory_space<vmem>>
        %dma_wait3A_334 = tpu.memref_squeeze %dma_wait3A_333 : memref<1x128xf32, #tpu.memory_space<vmem>> -> memref<128xf32, #tpu.memory_space<vmem>>
        %dma_wait3A_335 = tpu.memref_slice %arg3[%add3A_39, %mul3A_93] : memref<1024x100352xf32, #tpu.memory_space<hbm>> -> memref<1x128xf32, #tpu.memory_space<hbm>>
        %dma_wait3A_336 = tpu.memref_squeeze %dma_wait3A_335 : memref<1x128xf32, #tpu.memory_space<hbm>> -> memref<128xf32, #tpu.memory_space<hbm>>
        tpu.wait_dma2 semaphore(%arg10 : memref<!tpu.dma_semaphore, #tpu.memory_space<semaphore_mem>>) src(%dma_wait3A_336 : memref<128xf32, #tpu.memory_space<hbm>>) dst(%dma_wait3A_334 : memref<128xf32, #tpu.memory_space<vmem>>)
        %dma_wait3A_337 = arith.constant 3 : i32
        %dma_wait3A_338 = arith.constant 0 : i32
        %dma_wait3A_339 = tpu.memref_slice %arg7[%dma_wait3A_337, %dma_wait3A_338] : memref<16x128xf32, #tpu.memory_space<vmem>> -> memref<1x128xf32, #tpu.memory_space<vmem>>
        %dma_wait3A_340 = tpu.memref_squeeze %dma_wait3A_339 : memref<1x128xf32, #tpu.memory_space<vmem>> -> memref<128xf32, #tpu.memory_space<vmem>>
        %dma_wait3A_341 = tpu.memref_slice %arg3[%add3A_39, %mul3A_108] : memref<1024x100352xf32, #tpu.memory_space<hbm>> -> memref<1x128xf32, #tpu.memory_space<hbm>>
        %dma_wait3A_342 = tpu.memref_squeeze %dma_wait3A_341 : memref<1x128xf32, #tpu.memory_space<hbm>> -> memref<128xf32, #tpu.memory_space<hbm>>
        %dma_wait3A_343 = arith.constant 0 : i32
        %dma_wait3A_344 = tpu.memref_slice %arg7[%dma_wait3A_337, %dma_wait3A_343] : memref<16x128xf32, #tpu.memory_space<vmem>> -> memref<1x128xf32, #tpu.memory_space<vmem>>
        %dma_wait3A_345 = tpu.memref_squeeze %dma_wait3A_344 : memref<1x128xf32, #tpu.memory_space<vmem>> -> memref<128xf32, #tpu.memory_space<vmem>>
        %dma_wait3A_346 = tpu.memref_slice %arg3[%add3A_39, %mul3A_108] : memref<1024x100352xf32, #tpu.memory_space<hbm>> -> memref<1x128xf32, #tpu.memory_space<hbm>>
        %dma_wait3A_347 = tpu.memref_squeeze %dma_wait3A_346 : memref<1x128xf32, #tpu.memory_space<hbm>> -> memref<128xf32, #tpu.memory_space<hbm>>
        tpu.wait_dma2 semaphore(%arg10 : memref<!tpu.dma_semaphore, #tpu.memory_space<semaphore_mem>>) src(%dma_wait3A_347 : memref<128xf32, #tpu.memory_space<hbm>>) dst(%dma_wait3A_345 : memref<128xf32, #tpu.memory_space<vmem>>)
        %dma_wait3A_348 = arith.constant 4 : i32
        %dma_wait3A_349 = arith.constant 0 : i32
        %dma_wait3A_350 = tpu.memref_slice %arg7[%dma_wait3A_348, %dma_wait3A_349] : memref<16x128xf32, #tpu.memory_space<vmem>> -> memref<1x128xf32, #tpu.memory_space<vmem>>
        %dma_wait3A_351 = tpu.memref_squeeze %dma_wait3A_350 : memref<1x128xf32, #tpu.memory_space<vmem>> -> memref<128xf32, #tpu.memory_space<vmem>>
        %dma_wait3A_352 = tpu.memref_slice %arg3[%add3A_39, %mul3A_123] : memref<1024x100352xf32, #tpu.memory_space<hbm>> -> memref<1x128xf32, #tpu.memory_space<hbm>>
        %dma_wait3A_353 = tpu.memref_squeeze %dma_wait3A_352 : memref<1x128xf32, #tpu.memory_space<hbm>> -> memref<128xf32, #tpu.memory_space<hbm>>
        %dma_wait3A_354 = arith.constant 0 : i32
        %dma_wait3A_355 = tpu.memref_slice %arg7[%dma_wait3A_348, %dma_wait3A_354] : memref<16x128xf32, #tpu.memory_space<vmem>> -> memref<1x128xf32, #tpu.memory_space<vmem>>
        %dma_wait3A_356 = tpu.memref_squeeze %dma_wait3A_355 : memref<1x128xf32, #tpu.memory_space<vmem>> -> memref<128xf32, #tpu.memory_space<vmem>>
        %dma_wait3A_357 = tpu.memref_slice %arg3[%add3A_39, %mul3A_123] : memref<1024x100352xf32, #tpu.memory_space<hbm>> -> memref<1x128xf32, #tpu.memory_space<hbm>>
        %dma_wait3A_358 = tpu.memref_squeeze %dma_wait3A_357 : memref<1x128xf32, #tpu.memory_space<hbm>> -> memref<128xf32, #tpu.memory_space<hbm>>
        tpu.wait_dma2 semaphore(%arg10 : memref<!tpu.dma_semaphore, #tpu.memory_space<semaphore_mem>>) src(%dma_wait3A_358 : memref<128xf32, #tpu.memory_space<hbm>>) dst(%dma_wait3A_356 : memref<128xf32, #tpu.memory_space<vmem>>)
        %dma_wait3A_359 = arith.constant 5 : i32
        %dma_wait3A_360 = arith.constant 0 : i32
        %dma_wait3A_361 = tpu.memref_slice %arg7[%dma_wait3A_359, %dma_wait3A_360] : memref<16x128xf32, #tpu.memory_space<vmem>> -> memref<1x128xf32, #tpu.memory_space<vmem>>
        %dma_wait3A_362 = tpu.memref_squeeze %dma_wait3A_361 : memref<1x128xf32, #tpu.memory_space<vmem>> -> memref<128xf32, #tpu.memory_space<vmem>>
        %dma_wait3A_363 = tpu.memref_slice %arg3[%add3A_39, %mul3A_138] : memref<1024x100352xf32, #tpu.memory_space<hbm>> -> memref<1x128xf32, #tpu.memory_space<hbm>>
        %dma_wait3A_364 = tpu.memref_squeeze %dma_wait3A_363 : memref<1x128xf32, #tpu.memory_space<hbm>> -> memref<128xf32, #tpu.memory_space<hbm>>
        %dma_wait3A_365 = arith.constant 0 : i32
        %dma_wait3A_366 = tpu.memref_slice %arg7[%dma_wait3A_359, %dma_wait3A_365] : memref<16x128xf32, #tpu.memory_space<vmem>> -> memref<1x128xf32, #tpu.memory_space<vmem>>
        %dma_wait3A_367 = tpu.memref_squeeze %dma_wait3A_366 : memref<1x128xf32, #tpu.memory_space<vmem>> -> memref<128xf32, #tpu.memory_space<vmem>>
        %dma_wait3A_368 = tpu.memref_slice %arg3[%add3A_39, %mul3A_138] : memref<1024x100352xf32, #tpu.memory_space<hbm>> -> memref<1x128xf32, #tpu.memory_space<hbm>>
        %dma_wait3A_369 = tpu.memref_squeeze %dma_wait3A_368 : memref<1x128xf32, #tpu.memory_space<hbm>> -> memref<128xf32, #tpu.memory_space<hbm>>
        tpu.wait_dma2 semaphore(%arg10 : memref<!tpu.dma_semaphore, #tpu.memory_space<semaphore_mem>>) src(%dma_wait3A_369 : memref<128xf32, #tpu.memory_space<hbm>>) dst(%dma_wait3A_367 : memref<128xf32, #tpu.memory_space<vmem>>)
        %dma_wait3A_370 = arith.constant 6 : i32
        %dma_wait3A_371 = arith.constant 0 : i32
        %dma_wait3A_372 = tpu.memref_slice %arg7[%dma_wait3A_370, %dma_wait3A_371] : memref<16x128xf32, #tpu.memory_space<vmem>> -> memref<1x128xf32, #tpu.memory_space<vmem>>
        %dma_wait3A_373 = tpu.memref_squeeze %dma_wait3A_372 : memref<1x128xf32, #tpu.memory_space<vmem>> -> memref<128xf32, #tpu.memory_space<vmem>>
        %dma_wait3A_374 = tpu.memref_slice %arg3[%add3A_39, %mul3A_153] : memref<1024x100352xf32, #tpu.memory_space<hbm>> -> memref<1x128xf32, #tpu.memory_space<hbm>>
        %dma_wait3A_375 = tpu.memref_squeeze %dma_wait3A_374 : memref<1x128xf32, #tpu.memory_space<hbm>> -> memref<128xf32, #tpu.memory_space<hbm>>
        %dma_wait3A_376 = arith.constant 0 : i32
        %dma_wait3A_377 = tpu.memref_slice %arg7[%dma_wait3A_370, %dma_wait3A_376] : memref<16x128xf32, #tpu.memory_space<vmem>> -> memref<1x128xf32, #tpu.memory_space<vmem>>
        %dma_wait3A_378 = tpu.memref_squeeze %dma_wait3A_377 : memref<1x128xf32, #tpu.memory_space<vmem>> -> memref<128xf32, #tpu.memory_space<vmem>>
        %dma_wait3A_379 = tpu.memref_slice %arg3[%add3A_39, %mul3A_153] : memref<1024x100352xf32, #tpu.memory_space<hbm>> -> memref<1x128xf32, #tpu.memory_space<hbm>>
        %dma_wait3A_380 = tpu.memref_squeeze %dma_wait3A_379 : memref<1x128xf32, #tpu.memory_space<hbm>> -> memref<128xf32, #tpu.memory_space<hbm>>
        tpu.wait_dma2 semaphore(%arg10 : memref<!tpu.dma_semaphore, #tpu.memory_space<semaphore_mem>>) src(%dma_wait3A_380 : memref<128xf32, #tpu.memory_space<hbm>>) dst(%dma_wait3A_378 : memref<128xf32, #tpu.memory_space<vmem>>)
        %dma_wait3A_381 = arith.constant 7 : i32
        %dma_wait3A_382 = arith.constant 0 : i32
        %dma_wait3A_383 = tpu.memref_slice %arg7[%dma_wait3A_381, %dma_wait3A_382] : memref<16x128xf32, #tpu.memory_space<vmem>> -> memref<1x128xf32, #tpu.memory_space<vmem>>
        %dma_wait3A_384 = tpu.memref_squeeze %dma_wait3A_383 : memref<1x128xf32, #tpu.memory_space<vmem>> -> memref<128xf32, #tpu.memory_space<vmem>>
        %dma_wait3A_385 = tpu.memref_slice %arg3[%add3A_39, %mul3A_168] : memref<1024x100352xf32, #tpu.memory_space<hbm>> -> memref<1x128xf32, #tpu.memory_space<hbm>>
        %dma_wait3A_386 = tpu.memref_squeeze %dma_wait3A_385 : memref<1x128xf32, #tpu.memory_space<hbm>> -> memref<128xf32, #tpu.memory_space<hbm>>
        %dma_wait3A_387 = arith.constant 0 : i32
        %dma_wait3A_388 = tpu.memref_slice %arg7[%dma_wait3A_381, %dma_wait3A_387] : memref<16x128xf32, #tpu.memory_space<vmem>> -> memref<1x128xf32, #tpu.memory_space<vmem>>
        %dma_wait3A_389 = tpu.memref_squeeze %dma_wait3A_388 : memref<1x128xf32, #tpu.memory_space<vmem>> -> memref<128xf32, #tpu.memory_space<vmem>>
        %dma_wait3A_390 = tpu.memref_slice %arg3[%add3A_39, %mul3A_168] : memref<1024x100352xf32, #tpu.memory_space<hbm>> -> memref<1x128xf32, #tpu.memory_space<hbm>>
        %dma_wait3A_391 = tpu.memref_squeeze %dma_wait3A_390 : memref<1x128xf32, #tpu.memory_space<hbm>> -> memref<128xf32, #tpu.memory_space<hbm>>
        tpu.wait_dma2 semaphore(%arg10 : memref<!tpu.dma_semaphore, #tpu.memory_space<semaphore_mem>>) src(%dma_wait3A_391 : memref<128xf32, #tpu.memory_space<hbm>>) dst(%dma_wait3A_389 : memref<128xf32, #tpu.memory_space<vmem>>)
        %dma_wait3A_392 = arith.constant 8 : i32
        %dma_wait3A_393 = arith.constant 0 : i32
        %dma_wait3A_394 = tpu.memref_slice %arg7[%dma_wait3A_392, %dma_wait3A_393] : memref<16x128xf32, #tpu.memory_space<vmem>> -> memref<1x128xf32, #tpu.memory_space<vmem>>
        %dma_wait3A_395 = tpu.memref_squeeze %dma_wait3A_394 : memref<1x128xf32, #tpu.memory_space<vmem>> -> memref<128xf32, #tpu.memory_space<vmem>>
        %dma_wait3A_396 = tpu.memref_slice %arg3[%add3A_39, %mul3A_183] : memref<1024x100352xf32, #tpu.memory_space<hbm>> -> memref<1x128xf32, #tpu.memory_space<hbm>>
        %dma_wait3A_397 = tpu.memref_squeeze %dma_wait3A_396 : memref<1x128xf32, #tpu.memory_space<hbm>> -> memref<128xf32, #tpu.memory_space<hbm>>
        %dma_wait3A_398 = arith.constant 0 : i32
        %dma_wait3A_399 = tpu.memref_slice %arg7[%dma_wait3A_392, %dma_wait3A_398] : memref<16x128xf32, #tpu.memory_space<vmem>> -> memref<1x128xf32, #tpu.memory_space<vmem>>
        %dma_wait3A_400 = tpu.memref_squeeze %dma_wait3A_399 : memref<1x128xf32, #tpu.memory_space<vmem>> -> memref<128xf32, #tpu.memory_space<vmem>>
        %dma_wait3A_401 = tpu.memref_slice %arg3[%add3A_39, %mul3A_183] : memref<1024x100352xf32, #tpu.memory_space<hbm>> -> memref<1x128xf32, #tpu.memory_space<hbm>>
        %dma_wait3A_402 = tpu.memref_squeeze %dma_wait3A_401 : memref<1x128xf32, #tpu.memory_space<hbm>> -> memref<128xf32, #tpu.memory_space<hbm>>
        tpu.wait_dma2 semaphore(%arg10 : memref<!tpu.dma_semaphore, #tpu.memory_space<semaphore_mem>>) src(%dma_wait3A_402 : memref<128xf32, #tpu.memory_space<hbm>>) dst(%dma_wait3A_400 : memref<128xf32, #tpu.memory_space<vmem>>)
        %dma_wait3A_403 = arith.constant 9 : i32
        %dma_wait3A_404 = arith.constant 0 : i32
        %dma_wait3A_405 = tpu.memref_slice %arg7[%dma_wait3A_403, %dma_wait3A_404] : memref<16x128xf32, #tpu.memory_space<vmem>> -> memref<1x128xf32, #tpu.memory_space<vmem>>
        %dma_wait3A_406 = tpu.memref_squeeze %dma_wait3A_405 : memref<1x128xf32, #tpu.memory_space<vmem>> -> memref<128xf32, #tpu.memory_space<vmem>>
        %dma_wait3A_407 = tpu.memref_slice %arg3[%add3A_39, %mul3A_198] : memref<1024x100352xf32, #tpu.memory_space<hbm>> -> memref<1x128xf32, #tpu.memory_space<hbm>>
        %dma_wait3A_408 = tpu.memref_squeeze %dma_wait3A_407 : memref<1x128xf32, #tpu.memory_space<hbm>> -> memref<128xf32, #tpu.memory_space<hbm>>
        %dma_wait3A_409 = arith.constant 0 : i32
        %dma_wait3A_410 = tpu.memref_slice %arg7[%dma_wait3A_403, %dma_wait3A_409] : memref<16x128xf32, #tpu.memory_space<vmem>> -> memref<1x128xf32, #tpu.memory_space<vmem>>
        %dma_wait3A_411 = tpu.memref_squeeze %dma_wait3A_410 : memref<1x128xf32, #tpu.memory_space<vmem>> -> memref<128xf32, #tpu.memory_space<vmem>>
        %dma_wait3A_412 = tpu.memref_slice %arg3[%add3A_39, %mul3A_198] : memref<1024x100352xf32, #tpu.memory_space<hbm>> -> memref<1x128xf32, #tpu.memory_space<hbm>>
        %dma_wait3A_413 = tpu.memref_squeeze %dma_wait3A_412 : memref<1x128xf32, #tpu.memory_space<hbm>> -> memref<128xf32, #tpu.memory_space<hbm>>
        tpu.wait_dma2 semaphore(%arg10 : memref<!tpu.dma_semaphore, #tpu.memory_space<semaphore_mem>>) src(%dma_wait3A_413 : memref<128xf32, #tpu.memory_space<hbm>>) dst(%dma_wait3A_411 : memref<128xf32, #tpu.memory_space<vmem>>)
        %dma_wait3A_414 = arith.constant 10 : i32
        %dma_wait3A_415 = arith.constant 0 : i32
        %dma_wait3A_416 = tpu.memref_slice %arg7[%dma_wait3A_414, %dma_wait3A_415] : memref<16x128xf32, #tpu.memory_space<vmem>> -> memref<1x128xf32, #tpu.memory_space<vmem>>
        %dma_wait3A_417 = tpu.memref_squeeze %dma_wait3A_416 : memref<1x128xf32, #tpu.memory_space<vmem>> -> memref<128xf32, #tpu.memory_space<vmem>>
        %dma_wait3A_418 = tpu.memref_slice %arg3[%add3A_39, %mul3A_213] : memref<1024x100352xf32, #tpu.memory_space<hbm>> -> memref<1x128xf32, #tpu.memory_space<hbm>>
        %dma_wait3A_419 = tpu.memref_squeeze %dma_wait3A_418 : memref<1x128xf32, #tpu.memory_space<hbm>> -> memref<128xf32, #tpu.memory_space<hbm>>
        %dma_wait3A_420 = arith.constant 0 : i32
        %dma_wait3A_421 = tpu.memref_slice %arg7[%dma_wait3A_414, %dma_wait3A_420] : memref<16x128xf32, #tpu.memory_space<vmem>> -> memref<1x128xf32, #tpu.memory_space<vmem>>
        %dma_wait3A_422 = tpu.memref_squeeze %dma_wait3A_421 : memref<1x128xf32, #tpu.memory_space<vmem>> -> memref<128xf32, #tpu.memory_space<vmem>>
        %dma_wait3A_423 = tpu.memref_slice %arg3[%add3A_39, %mul3A_213] : memref<1024x100352xf32, #tpu.memory_space<hbm>> -> memref<1x128xf32, #tpu.memory_space<hbm>>
        %dma_wait3A_424 = tpu.memref_squeeze %dma_wait3A_423 : memref<1x128xf32, #tpu.memory_space<hbm>> -> memref<128xf32, #tpu.memory_space<hbm>>
        tpu.wait_dma2 semaphore(%arg10 : memref<!tpu.dma_semaphore, #tpu.memory_space<semaphore_mem>>) src(%dma_wait3A_424 : memref<128xf32, #tpu.memory_space<hbm>>) dst(%dma_wait3A_422 : memref<128xf32, #tpu.memory_space<vmem>>)
        %dma_wait3A_425 = arith.constant 11 : i32
        %dma_wait3A_426 = arith.constant 0 : i32
        %dma_wait3A_427 = tpu.memref_slice %arg7[%dma_wait3A_425, %dma_wait3A_426] : memref<16x128xf32, #tpu.memory_space<vmem>> -> memref<1x128xf32, #tpu.memory_space<vmem>>
        %dma_wait3A_428 = tpu.memref_squeeze %dma_wait3A_427 : memref<1x128xf32, #tpu.memory_space<vmem>> -> memref<128xf32, #tpu.memory_space<vmem>>
        %dma_wait3A_429 = tpu.memref_slice %arg3[%add3A_39, %mul3A_228] : memref<1024x100352xf32, #tpu.memory_space<hbm>> -> memref<1x128xf32, #tpu.memory_space<hbm>>
        %dma_wait3A_430 = tpu.memref_squeeze %dma_wait3A_429 : memref<1x128xf32, #tpu.memory_space<hbm>> -> memref<128xf32, #tpu.memory_space<hbm>>
        %dma_wait3A_431 = arith.constant 0 : i32
        %dma_wait3A_432 = tpu.memref_slice %arg7[%dma_wait3A_425, %dma_wait3A_431] : memref<16x128xf32, #tpu.memory_space<vmem>> -> memref<1x128xf32, #tpu.memory_space<vmem>>
        %dma_wait3A_433 = tpu.memref_squeeze %dma_wait3A_432 : memref<1x128xf32, #tpu.memory_space<vmem>> -> memref<128xf32, #tpu.memory_space<vmem>>
        %dma_wait3A_434 = tpu.memref_slice %arg3[%add3A_39, %mul3A_228] : memref<1024x100352xf32, #tpu.memory_space<hbm>> -> memref<1x128xf32, #tpu.memory_space<hbm>>
        %dma_wait3A_435 = tpu.memref_squeeze %dma_wait3A_434 : memref<1x128xf32, #tpu.memory_space<hbm>> -> memref<128xf32, #tpu.memory_space<hbm>>
        tpu.wait_dma2 semaphore(%arg10 : memref<!tpu.dma_semaphore, #tpu.memory_space<semaphore_mem>>) src(%dma_wait3A_435 : memref<128xf32, #tpu.memory_space<hbm>>) dst(%dma_wait3A_433 : memref<128xf32, #tpu.memory_space<vmem>>)
        %dma_wait3A_436 = arith.constant 12 : i32
        %dma_wait3A_437 = arith.constant 0 : i32
        %dma_wait3A_438 = tpu.memref_slice %arg7[%dma_wait3A_436, %dma_wait3A_437] : memref<16x128xf32, #tpu.memory_space<vmem>> -> memref<1x128xf32, #tpu.memory_space<vmem>>
        %dma_wait3A_439 = tpu.memref_squeeze %dma_wait3A_438 : memref<1x128xf32, #tpu.memory_space<vmem>> -> memref<128xf32, #tpu.memory_space<vmem>>
        %dma_wait3A_440 = tpu.memref_slice %arg3[%add3A_39, %mul3A_243] : memref<1024x100352xf32, #tpu.memory_space<hbm>> -> memref<1x128xf32, #tpu.memory_space<hbm>>
        %dma_wait3A_441 = tpu.memref_squeeze %dma_wait3A_440 : memref<1x128xf32, #tpu.memory_space<hbm>> -> memref<128xf32, #tpu.memory_space<hbm>>
        %dma_wait3A_442 = arith.constant 0 : i32
        %dma_wait3A_443 = tpu.memref_slice %arg7[%dma_wait3A_436, %dma_wait3A_442] : memref<16x128xf32, #tpu.memory_space<vmem>> -> memref<1x128xf32, #tpu.memory_space<vmem>>
        %dma_wait3A_444 = tpu.memref_squeeze %dma_wait3A_443 : memref<1x128xf32, #tpu.memory_space<vmem>> -> memref<128xf32, #tpu.memory_space<vmem>>
        %dma_wait3A_445 = tpu.memref_slice %arg3[%add3A_39, %mul3A_243] : memref<1024x100352xf32, #tpu.memory_space<hbm>> -> memref<1x128xf32, #tpu.memory_space<hbm>>
        %dma_wait3A_446 = tpu.memref_squeeze %dma_wait3A_445 : memref<1x128xf32, #tpu.memory_space<hbm>> -> memref<128xf32, #tpu.memory_space<hbm>>
        tpu.wait_dma2 semaphore(%arg10 : memref<!tpu.dma_semaphore, #tpu.memory_space<semaphore_mem>>) src(%dma_wait3A_446 : memref<128xf32, #tpu.memory_space<hbm>>) dst(%dma_wait3A_444 : memref<128xf32, #tpu.memory_space<vmem>>)
        %dma_wait3A_447 = arith.constant 13 : i32
        %dma_wait3A_448 = arith.constant 0 : i32
        %dma_wait3A_449 = tpu.memref_slice %arg7[%dma_wait3A_447, %dma_wait3A_448] : memref<16x128xf32, #tpu.memory_space<vmem>> -> memref<1x128xf32, #tpu.memory_space<vmem>>
        %dma_wait3A_450 = tpu.memref_squeeze %dma_wait3A_449 : memref<1x128xf32, #tpu.memory_space<vmem>> -> memref<128xf32, #tpu.memory_space<vmem>>
        %dma_wait3A_451 = tpu.memref_slice %arg3[%add3A_39, %mul3A_258] : memref<1024x100352xf32, #tpu.memory_space<hbm>> -> memref<1x128xf32, #tpu.memory_space<hbm>>
        %dma_wait3A_452 = tpu.memref_squeeze %dma_wait3A_451 : memref<1x128xf32, #tpu.memory_space<hbm>> -> memref<128xf32, #tpu.memory_space<hbm>>
        %dma_wait3A_453 = arith.constant 0 : i32
        %dma_wait3A_454 = tpu.memref_slice %arg7[%dma_wait3A_447, %dma_wait3A_453] : memref<16x128xf32, #tpu.memory_space<vmem>> -> memref<1x128xf32, #tpu.memory_space<vmem>>
        %dma_wait3A_455 = tpu.memref_squeeze %dma_wait3A_454 : memref<1x128xf32, #tpu.memory_space<vmem>> -> memref<128xf32, #tpu.memory_space<vmem>>
        %dma_wait3A_456 = tpu.memref_slice %arg3[%add3A_39, %mul3A_258] : memref<1024x100352xf32, #tpu.memory_space<hbm>> -> memref<1x128xf32, #tpu.memory_space<hbm>>
        %dma_wait3A_457 = tpu.memref_squeeze %dma_wait3A_456 : memref<1x128xf32, #tpu.memory_space<hbm>> -> memref<128xf32, #tpu.memory_space<hbm>>
        tpu.wait_dma2 semaphore(%arg10 : memref<!tpu.dma_semaphore, #tpu.memory_space<semaphore_mem>>) src(%dma_wait3A_457 : memref<128xf32, #tpu.memory_space<hbm>>) dst(%dma_wait3A_455 : memref<128xf32, #tpu.memory_space<vmem>>)
        %dma_wait3A_458 = arith.constant 14 : i32
        %dma_wait3A_459 = arith.constant 0 : i32
        %dma_wait3A_460 = tpu.memref_slice %arg7[%dma_wait3A_458, %dma_wait3A_459] : memref<16x128xf32, #tpu.memory_space<vmem>> -> memref<1x128xf32, #tpu.memory_space<vmem>>
        %dma_wait3A_461 = tpu.memref_squeeze %dma_wait3A_460 : memref<1x128xf32, #tpu.memory_space<vmem>> -> memref<128xf32, #tpu.memory_space<vmem>>
        %dma_wait3A_462 = tpu.memref_slice %arg3[%add3A_39, %mul3A_273] : memref<1024x100352xf32, #tpu.memory_space<hbm>> -> memref<1x128xf32, #tpu.memory_space<hbm>>
        %dma_wait3A_463 = tpu.memref_squeeze %dma_wait3A_462 : memref<1x128xf32, #tpu.memory_space<hbm>> -> memref<128xf32, #tpu.memory_space<hbm>>
        %dma_wait3A_464 = arith.constant 0 : i32
        %dma_wait3A_465 = tpu.memref_slice %arg7[%dma_wait3A_458, %dma_wait3A_464] : memref<16x128xf32, #tpu.memory_space<vmem>> -> memref<1x128xf32, #tpu.memory_space<vmem>>
        %dma_wait3A_466 = tpu.memref_squeeze %dma_wait3A_465 : memref<1x128xf32, #tpu.memory_space<vmem>> -> memref<128xf32, #tpu.memory_space<vmem>>
        %dma_wait3A_467 = tpu.memref_slice %arg3[%add3A_39, %mul3A_273] : memref<1024x100352xf32, #tpu.memory_space<hbm>> -> memref<1x128xf32, #tpu.memory_space<hbm>>
        %dma_wait3A_468 = tpu.memref_squeeze %dma_wait3A_467 : memref<1x128xf32, #tpu.memory_space<hbm>> -> memref<128xf32, #tpu.memory_space<hbm>>
        tpu.wait_dma2 semaphore(%arg10 : memref<!tpu.dma_semaphore, #tpu.memory_space<semaphore_mem>>) src(%dma_wait3A_468 : memref<128xf32, #tpu.memory_space<hbm>>) dst(%dma_wait3A_466 : memref<128xf32, #tpu.memory_space<vmem>>)
        %dma_wait3A_469 = arith.constant 15 : i32
        %dma_wait3A_470 = arith.constant 0 : i32
        %dma_wait3A_471 = tpu.memref_slice %arg7[%dma_wait3A_469, %dma_wait3A_470] : memref<16x128xf32, #tpu.memory_space<vmem>> -> memref<1x128xf32, #tpu.memory_space<vmem>>
        %dma_wait3A_472 = tpu.memref_squeeze %dma_wait3A_471 : memref<1x128xf32, #tpu.memory_space<vmem>> -> memref<128xf32, #tpu.memory_space<vmem>>
        %dma_wait3A_473 = tpu.memref_slice %arg3[%add3A_39, %mul3A_288] : memref<1024x100352xf32, #tpu.memory_space<hbm>> -> memref<1x128xf32, #tpu.memory_space<hbm>>
        %dma_wait3A_474 = tpu.memref_squeeze %dma_wait3A_473 : memref<1x128xf32, #tpu.memory_space<hbm>> -> memref<128xf32, #tpu.memory_space<hbm>>
        %dma_wait3A_475 = arith.constant 0 : i32
        %dma_wait3A_476 = tpu.memref_slice %arg7[%dma_wait3A_469, %dma_wait3A_475] : memref<16x128xf32, #tpu.memory_space<vmem>> -> memref<1x128xf32, #tpu.memory_space<vmem>>
        %dma_wait3A_477 = tpu.memref_squeeze %dma_wait3A_476 : memref<1x128xf32, #tpu.memory_space<vmem>> -> memref<128xf32, #tpu.memory_space<vmem>>
        %dma_wait3A_478 = tpu.memref_slice %arg3[%add3A_39, %mul3A_288] : memref<1024x100352xf32, #tpu.memory_space<hbm>> -> memref<1x128xf32, #tpu.memory_space<hbm>>
        %dma_wait3A_479 = tpu.memref_squeeze %dma_wait3A_478 : memref<1x128xf32, #tpu.memory_space<hbm>> -> memref<128xf32, #tpu.memory_space<hbm>>
        tpu.wait_dma2 semaphore(%arg10 : memref<!tpu.dma_semaphore, #tpu.memory_space<semaphore_mem>>) src(%dma_wait3A_479 : memref<128xf32, #tpu.memory_space<hbm>>) dst(%dma_wait3A_477 : memref<128xf32, #tpu.memory_space<vmem>>)
        %scan3A_480 = arith.constant 0 : i32
        %scan3A_481 = arith.constant 16 : i32
        %scan3A_482 = arith.addi %scan3A_480, %scan3A_481 : i32
        %scan3A_483 = arith.constant 1 : i32
        %scan3A_484:2 = scf.for %scan3A_507 = %scan3A_480 to %scan3A_482 step %scan3A_483 iter_args(%scan3A_508 = %broadcast_in_dim3A_53, %scan3A_509 = %broadcast_in_dim3A_55) -> (vector<16xf32>, vector<16xi32>)  : i32 {
          %scan3A_510 = arith.constant 0 : i32
          %scan3A_511 = arith.constant 8 : i32
          %scan3A_512 = arith.addi %scan3A_510, %scan3A_511 : i32
          %scan3A_513 = arith.constant 1 : i32
          %scan3A_514:2 = scf.for %scan3A_516 = %scan3A_510 to %scan3A_512 step %scan3A_513 iter_args(%scan3A_517 = %scan3A_508, %scan3A_518 = %scan3A_509) -> (vector<16xf32>, vector<16xi32>)  : i32 {
            %mul3A_519 = arith.constant 16 : i32
            %mul3A_520 = arith.muli %scan3A_516, %mul3A_519 : i32
            %get3A = arith.index_cast %scan3A_507 : i32 to index
            %get3A_521 = arith.index_cast %mul3A_520 : i32 to index
            %get3A_522 = tpu.vector_load %arg7[%get3A, %get3A_521] {strides = array<i32>} : memref<16x128xf32, #tpu.memory_space<vmem>>, vector<16xf32>,
            %mul3A_523 = arith.constant 128 : i32
            %mul3A_524 = arith.muli %scan3A_507, %mul3A_523 : i32
            %mul3A_525 = arith.constant 16 : i32
            %mul3A_526 = arith.muli %scan3A_516, %mul3A_525 : i32
            %add3A_527 = arith.addi %mul3A_524, %mul3A_526 : i32
            %iota3A_528 = tpu.iota {dimensions = array<i32: 0>} : vector<16xi32>
            %add3A_529 = vector.broadcast %add3A_527 : i32 to vector<16xi32>
            %add3A_530 = arith.addi %add3A_529, %iota3A_528 : vector<16xi32>
            %masked_sort3A = arith.constant dense<true> : vector<16xi1>
            %masked_sort3A_531, %masked_sort3A_532, %masked_sort3A_533 = tpu.sort %get3A_522, %add3A_530 masked %masked_sort3A {descending = true} : (vector<16xf32>, vector<16xi32>, vector<16xi1>) -> (vector<16xi1>, vector<16xf32>, vector<16xi32>)
            %lt3A_534 = arith.cmpf olt, %masked_sort3A_532, %scan3A_517 : vector<16xf32>
            %select_n3A_535 = arith.select %lt3A_534, %masked_sort3A_532, %scan3A_517 : vector<16xi1>, vector<16xf32>
            %select_n3A_536 = arith.select %lt3A_534, %masked_sort3A_533, %scan3A_518 : vector<16xi1>, vector<16xi32>
            %masked_sort3A_537 = arith.constant dense<true> : vector<16xi1>
            %masked_sort3A_538, %masked_sort3A_539, %masked_sort3A_540 = tpu.sort %select_n3A_535, %select_n3A_536 masked %masked_sort3A_537 : (vector<16xf32>, vector<16xi32>, vector<16xi1>) -> (vector<16xi1>, vector<16xf32>, vector<16xi32>)
            scf.yield %masked_sort3A_539, %masked_sort3A_540 : vector<16xf32>, vector<16xi32>
          }
          %scan3A_515 = arith.constant 8 : i32
          scf.yield %scan3A_514#0, %scan3A_514#1 : vector<16xf32>, vector<16xi32>
        }
        %scan3A_485 = arith.constant 16 : i32
        %shift_right_logical3A = arith.constant 7 : i32
        %shift_right_logical3A_486 = vector.broadcast %shift_right_logical3A : i32 to vector<16xi32>
        %shift_right_logical3A_487 = arith.shrui %scan3A_484#1, %shift_right_logical3A_486 : vector<16xi32>
        %broadcast_in_dim3A_488 = vector.shape_cast %shift_right_logical3A_487 : vector<16xi32> to vector<16x1xi32>
        %gather3A = vector.shape_cast %broadcast_in_dim3A_488 : vector<16x1xi32> to vector<16xi32>
        %gather3A_489 = tpu.dynamic_gather %scan3A_60#1[%gather3A] in [0] : vector<16xi32>, vector<16xi32> -> vector<16xi32>
        %mul3A_490 = arith.constant 128 : i32
        %mul3A_491 = vector.broadcast %mul3A_490 : i32 to vector<16xi32>
        %mul3A_492 = arith.muli %gather3A_489, %mul3A_491 : vector<16xi32>
        %and3A_493 = arith.constant 127 : i32
        %and3A_494 = vector.broadcast %and3A_493 : i32 to vector<16xi32>
        %and3A_495 = arith.andi %scan3A_484#1, %and3A_494 : vector<16xi32>
        %add3A_496 = arith.addi %mul3A_492, %and3A_495 : vector<16xi32>
        %gather3A_497 = tpu.vector_load_idx %arg8[%add3A_496] : memref<100352xf32, #tpu.memory_space<vmem>>[vector<16xi32>], vector<16xf32>,
        %reduce_sum3A = arith.constant true
        %reduce_sum3A_498 = vector.broadcast %reduce_sum3A : i1 to vector<16xi1>
        %reduce_sum3A_499 = tpu.scan <sum>, %gather3A_497 masked %reduce_sum3A_498 : vector<16xf32>, vector<16xi1> -> vector<16xf32>
        %reduce_sum3A_500 = vector.extract %reduce_sum3A_499[15] : f32 from vector<16xf32>
        %mul3A_501 = arith.constant 6.250000e-02 : f32
        %mul3A_502 = arith.mulf %reduce_sum3A_500, %mul3A_501 : f32
        %iota3A = tpu.iota {dimensions = array<i32: 0>} : vector<16xi32>
        %and3A_503 = arith.constant 15 : i32
        %and3A_504 = arith.andi %add3A_38, %and3A_503 : i32
        %eq3A = vector.broadcast %and3A_504 : i32 to vector<16xi32>
        %eq3A_505 = arith.cmpi eq, %iota3A, %eq3A : vector<16xi32>
        %broadcast_in_dim3A_506 = vector.broadcast %mul3A_502 : f32 to vector<16xf32>
        %select_n3A = arith.select %eq3A_505, %broadcast_in_dim3A_506, %scan3A_35 : vector<16xi1>, vector<16xf32>
        scf.yield %select_n3A : vector<16xf32>
      }
      %scan3A_29 = arith.constant 16 : i32
      %mul3A_30 = arith.constant 16 : i32
      %mul3A_31 = arith.muli %scan3A_21, %mul3A_30 : i32
      %swap3A = arith.index_cast %mul3A_31 : i32 to index
      %swap3A_32 = tpu.vector_load %arg9[%swap3A] {strides = array<i32>} : memref<32xf32, #tpu.memory_space<vmem>>, vector<16xf32>,
      tpu.vector_store %arg9[%swap3A], %scan3A_28 {strides = array<i32>} : memref<32xf32, #tpu.memory_space<vmem>>, vector<16xf32>,
      %scan3A_33 = arith.constant 0 : i32
      scf.yield %scan3A_33 : i32
    }
    %scan3A_20 = arith.constant 2 : i32
    "tpu.region"() ({
      %run_scoped3A = tpu.sem_alloc : memref<!tpu.dma_semaphore, #tpu.memory_space<semaphore_mem>>
      %dma_start3A_21 = tpu.memref_slice %arg5[%mul3A_2] : memref<1024xf32, #tpu.memory_space<hbm>> -> memref<32xf32, #tpu.memory_space<hbm>>
      %dma_start3A_22 = tpu.memref_slice %arg5[%mul3A_2] : memref<1024xf32, #tpu.memory_space<hbm>> -> memref<32xf32, #tpu.memory_space<hbm>>
      tpu.enqueue_dma source(%arg9 : memref<32xf32, #tpu.memory_space<vmem>>) target(%dma_start3A_22 : memref<32xf32, #tpu.memory_space<hbm>>) target_semaphore(%run_scoped3A : memref<!tpu.dma_semaphore, #tpu.memory_space<semaphore_mem>>)
      %dma_wait3A = tpu.memref_slice %arg5[%mul3A_2] : memref<1024xf32, #tpu.memory_space<hbm>> -> memref<32xf32, #tpu.memory_space<hbm>>
      %dma_wait3A_23 = tpu.memref_slice %arg5[%mul3A_2] : memref<1024xf32, #tpu.memory_space<hbm>> -> memref<32xf32, #tpu.memory_space<hbm>>
      tpu.wait_dma2 semaphore(%run_scoped3A : memref<!tpu.dma_semaphore, #tpu.memory_space<semaphore_mem>>) src(%arg9 : memref<32xf32, #tpu.memory_space<vmem>>) dst(%dma_wait3A_23 : memref<32xf32, #tpu.memory_space<hbm>>)
      tpu.yield
    }) : () -> ()
    return
  }
}

#map = affine_map<(d0, d1) -> (0, 0)>
#map1 = affine_map<(d0, d1) -> (0)>
module attributes {stable_mosaic.version = 14 : i64} {
  func.func @body(%arg0: i32, %arg1: i32, %arg2: memref<1024x784xf32, #tpu.memory_space<hbm>>, %arg3: memref<1024x100352xf32, #tpu.memory_space<hbm>>, %arg4: memref<100352xf32, #tpu.memory_space<hbm>>, %arg5: memref<1024xf32, #tpu.memory_space<hbm>>, %arg6: memref<2x784xf32, #tpu.memory_space<vmem>>, %arg7: memref<16x128xf32, #tpu.memory_space<vmem>>, %arg8: memref<100352xf32, #tpu.memory_space<vmem>>, %arg9: memref<32xf32, #tpu.memory_space<vmem>>, %arg10: memref<!tpu.dma_semaphore, #tpu.memory_space<semaphore_mem>>, %arg11: memref<!tpu.dma_semaphore, #tpu.memory_space<semaphore_mem>>) attributes {dimension_semantics = [#tpu.dimension_semantics<core_parallel>, #tpu.dimension_semantics<subcore_parallel>], iteration_bounds = array<i64: 2, 16>, scalar_prefetch = 0 : i64, scratch_operands = 6 : i64, tpu.core_type = #tpu.core_type<sc_vector_subcore>, window_params = [{transform_indices = #map}, {transform_indices = #map}, {transform_indices = #map1}, {transform_indices = #map1}]} {
    %mul3A = arith.constant 2 : i32
    %mul3A_0 = arith.muli %arg1, %mul3A : i32
    %add3A = arith.addi %mul3A_0, %arg0 : i32
    %mul3A_1 = arith.constant 32 : i32
    %mul3A_2 = arith.muli %add3A, %mul3A_1 : i32
    %dma_start3A = arith.constant 0 : i32
    %dma_start3A_3 = arith.constant 0 : i32
    %dma_start3A_4 = tpu.memref_slice %arg6[%dma_start3A, %dma_start3A_3] : memref<2x784xf32, #tpu.memory_space<vmem>> -> memref<1x784xf32, #tpu.memory_space<vmem>>
    %dma_start3A_5 = tpu.memref_squeeze %dma_start3A_4 : memref<1x784xf32, #tpu.memory_space<vmem>> -> memref<784xf32, #tpu.memory_space<vmem>>
    %dma_start3A_6 = arith.constant 0 : i32
    %dma_start3A_7 = tpu.memref_slice %arg2[%mul3A_2, %dma_start3A_6] : memref<1024x784xf32, #tpu.memory_space<hbm>> -> memref<1x784xf32, #tpu.memory_space<hbm>>
    %dma_start3A_8 = tpu.memref_squeeze %dma_start3A_7 : memref<1x784xf32, #tpu.memory_space<hbm>> -> memref<784xf32, #tpu.memory_space<hbm>>
    %dma_start3A_9 = arith.constant 0 : i32
    %dma_start3A_10 = tpu.memref_slice %arg6[%dma_start3A, %dma_start3A_9] : memref<2x784xf32, #tpu.memory_space<vmem>> -> memref<1x784xf32, #tpu.memory_space<vmem>>
    %dma_start3A_11 = tpu.memref_squeeze %dma_start3A_10 : memref<1x784xf32, #tpu.memory_space<vmem>> -> memref<784xf32, #tpu.memory_space<vmem>>
    %dma_start3A_12 = arith.constant 0 : i32
    %dma_start3A_13 = tpu.memref_slice %arg2[%mul3A_2, %dma_start3A_12] : memref<1024x784xf32, #tpu.memory_space<hbm>> -> memref<1x784xf32, #tpu.memory_space<hbm>>
    %dma_start3A_14 = tpu.memref_squeeze %dma_start3A_13 : memref<1x784xf32, #tpu.memory_space<hbm>> -> memref<784xf32, #tpu.memory_space<hbm>>
    tpu.enqueue_dma source(%dma_start3A_14 : memref<784xf32, #tpu.memory_space<hbm>>) target(%dma_start3A_11 : memref<784xf32, #tpu.memory_space<vmem>>) target_semaphore(%arg11 : memref<!tpu.dma_semaphore, #tpu.memory_space<semaphore_mem>>)
    "tpu.region"() ({
      %run_scoped3A = tpu.sem_alloc : memref<!tpu.dma_semaphore, #tpu.memory_space<semaphore_mem>>
      tpu.enqueue_dma source(%arg4 : memref<100352xf32, #tpu.memory_space<hbm>>) target(%arg8 : memref<100352xf32, #tpu.memory_space<vmem>>) target_semaphore(%run_scoped3A : memref<!tpu.dma_semaphore, #tpu.memory_space<semaphore_mem>>)
      tpu.wait_dma2 semaphore(%run_scoped3A : memref<!tpu.dma_semaphore, #tpu.memory_space<semaphore_mem>>) src(%arg4 : memref<100352xf32, #tpu.memory_space<hbm>>) dst(%arg8 : memref<100352xf32, #tpu.memory_space<vmem>>)
      tpu.yield
    }) : () -> ()
    %scan3A = arith.constant 0 : i32
    %scan3A_15 = arith.constant 0 : i32
    %scan3A_16 = arith.constant 2 : i32
    %scan3A_17 = arith.addi %scan3A_15, %scan3A_16 : i32
    %scan3A_18 = arith.constant 1 : i32
    %scan3A_19 = scf.for %scan3A_21 = %scan3A_15 to %scan3A_17 step %scan3A_18 iter_args(%scan3A_22 = %scan3A) -> (i32)  : i32 {
      %broadcast_in_dim3A = arith.constant 0.000000e+00 : f32
      %broadcast_in_dim3A_23 = vector.broadcast %broadcast_in_dim3A : f32 to vector<16xf32>
      %scan3A_24 = arith.constant 0 : i32
      %scan3A_25 = arith.constant 16 : i32
      %scan3A_26 = arith.addi %scan3A_24, %scan3A_25 : i32
      %scan3A_27 = arith.constant 1 : i32
      %scan3A_28 = scf.for %scan3A_34 = %scan3A_24 to %scan3A_26 step %scan3A_27 iter_args(%scan3A_35 = %broadcast_in_dim3A_23) -> (vector<16xf32>)  : i32 {
        %mul3A_36 = arith.constant 16 : i32
        %mul3A_37 = arith.muli %scan3A_21, %mul3A_36 : i32
        %add3A_38 = arith.addi %mul3A_37, %scan3A_34 : i32
        %add3A_39 = arith.addi %mul3A_2, %add3A_38 : i32
        %and3A = arith.constant 1 : i32
        %and3A_40 = arith.andi %add3A_38, %and3A : i32
        %dma_wait3A = arith.constant 0 : i32
        %dma_wait3A_41 = tpu.memref_slice %arg6[%and3A_40, %dma_wait3A] : memref<2x784xf32, #tpu.memory_space<vmem>> -> memref<1x784xf32, #tpu.memory_space<vmem>>
        %dma_wait3A_42 = tpu.memref_squeeze %dma_wait3A_41 : memref<1x784xf32, #tpu.memory_space<vmem>> -> memref<784xf32, #tpu.memory_space<vmem>>
        %dma_wait3A_43 = arith.constant 0 : i32
        %dma_wait3A_44 = tpu.memref_slice %arg2[%add3A_39, %dma_wait3A_43] : memref<1024x784xf32, #tpu.memory_space<hbm>> -> memref<1x784xf32, #tpu.memory_space<hbm>>
        %dma_wait3A_45 = tpu.memref_squeeze %dma_wait3A_44 : memref<1x784xf32, #tpu.memory_space<hbm>> -> memref<784xf32, #tpu.memory_space<hbm>>
        %dma_wait3A_46 = arith.constant 0 : i32
        %dma_wait3A_47 = tpu.memref_slice %arg6[%and3A_40, %dma_wait3A_46] : memref<2x784xf32, #tpu.memory_space<vmem>> -> memref<1x784xf32, #tpu.memory_space<vmem>>
        %dma_wait3A_48 = tpu.memref_squeeze %dma_wait3A_47 : memref<1x784xf32, #tpu.memory_space<vmem>> -> memref<784xf32, #tpu.memory_space<vmem>>
        %dma_wait3A_49 = arith.constant 0 : i32
        %dma_wait3A_50 = tpu.memref_slice %arg2[%add3A_39, %dma_wait3A_49] : memref<1024x784xf32, #tpu.memory_space<hbm>> -> memref<1x784xf32, #tpu.memory_space<hbm>>
        %dma_wait3A_51 = tpu.memref_squeeze %dma_wait3A_50 : memref<1x784xf32, #tpu.memory_space<hbm>> -> memref<784xf32, #tpu.memory_space<hbm>>
        tpu.wait_dma2 semaphore(%arg11 : memref<!tpu.dma_semaphore, #tpu.memory_space<semaphore_mem>>) src(%dma_wait3A_51 : memref<784xf32, #tpu.memory_space<hbm>>) dst(%dma_wait3A_48 : memref<784xf32, #tpu.memory_space<vmem>>)
        %broadcast_in_dim3A_52 = arith.constant 3.000000e+38 : f32
        %broadcast_in_dim3A_53 = vector.broadcast %broadcast_in_dim3A_52 : f32 to vector<16xf32>
        %broadcast_in_dim3A_54 = arith.constant 0 : i32
        %broadcast_in_dim3A_55 = vector.broadcast %broadcast_in_dim3A_54 : i32 to vector<16xi32>
        %scan3A_56 = arith.constant 0 : i32
        %scan3A_57 = arith.constant 49 : i32
        %scan3A_58 = arith.addi %scan3A_56, %scan3A_57 : i32
        %scan3A_59 = arith.constant 1 : i32
        %scan3A_60:2 = scf.for %scan3A_507 = %scan3A_56 to %scan3A_58 step %scan3A_59 iter_args(%scan3A_508 = %broadcast_in_dim3A_53, %scan3A_509 = %broadcast_in_dim3A_55) -> (vector<16xf32>, vector<16xi32>)  : i32 {
          %mul3A_510 = arith.constant 16 : i32
          %mul3A_511 = arith.muli %scan3A_507, %mul3A_510 : i32
          %get3A = arith.index_cast %and3A_40 : i32 to index
          %get3A_512 = arith.index_cast %mul3A_511 : i32 to index
          %get3A_513 = tpu.vector_load %arg6[%get3A, %get3A_512] {strides = array<i32>} : memref<2x784xf32, #tpu.memory_space<vmem>>, vector<16xf32>,
          %mul3A_514 = arith.constant 16 : i32
          %mul3A_515 = arith.muli %scan3A_507, %mul3A_514 : i32
          %iota3A_516 = tpu.iota {dimensions = array<i32: 0>} : vector<16xi32>
          %add3A_517 = vector.broadcast %mul3A_515 : i32 to vector<16xi32>
          %add3A_518 = arith.addi %add3A_517, %iota3A_516 : vector<16xi32>
          %masked_sort3A = arith.constant dense<true> : vector<16xi1>
          %masked_sort3A_519, %masked_sort3A_520, %masked_sort3A_521 = tpu.sort %get3A_513, %add3A_518 masked %masked_sort3A {descending = true} : (vector<16xf32>, vector<16xi32>, vector<16xi1>) -> (vector<16xi1>, vector<16xf32>, vector<16xi32>)
          %lt3A_522 = arith.cmpf olt, %masked_sort3A_520, %scan3A_508 : vector<16xf32>
          %select_n3A_523 = arith.select %lt3A_522, %masked_sort3A_520, %scan3A_508 : vector<16xi1>, vector<16xf32>
          %select_n3A_524 = arith.select %lt3A_522, %masked_sort3A_521, %scan3A_509 : vector<16xi1>, vector<16xi32>
          %masked_sort3A_525 = arith.constant dense<true> : vector<16xi1>
          %masked_sort3A_526, %masked_sort3A_527, %masked_sort3A_528 = tpu.sort %select_n3A_523, %select_n3A_524 masked %masked_sort3A_525 : (vector<16xf32>, vector<16xi32>, vector<16xi1>) -> (vector<16xi1>, vector<16xf32>, vector<16xi32>)
          scf.yield %masked_sort3A_527, %masked_sort3A_528 : vector<16xf32>, vector<16xi32>
        }
        %scan3A_61 = arith.constant 49 : i32
        %slice3A = vector.extract_strided_slice %scan3A_60#1 {offsets = [0], sizes = [1], strides = [1]} : vector<16xi32> to vector<1xi32>
        %squeeze3A = vector.extract %slice3A[0] : i32 from vector<1xi32>
        %mul3A_62 = arith.constant 128 : i32
        %mul3A_63 = arith.muli %squeeze3A, %mul3A_62 : i32
        %dma_start3A_64 = arith.constant 0 : i32
        %dma_start3A_65 = arith.constant 0 : i32
        %dma_start3A_66 = tpu.memref_slice %arg7[%dma_start3A_64, %dma_start3A_65] : memref<16x128xf32, #tpu.memory_space<vmem>> -> memref<1x128xf32, #tpu.memory_space<vmem>>
        %dma_start3A_67 = tpu.memref_squeeze %dma_start3A_66 : memref<1x128xf32, #tpu.memory_space<vmem>> -> memref<128xf32, #tpu.memory_space<vmem>>
        %dma_start3A_68 = tpu.memref_slice %arg3[%add3A_39, %mul3A_63] : memref<1024x100352xf32, #tpu.memory_space<hbm>> -> memref<1x128xf32, #tpu.memory_space<hbm>>
        %dma_start3A_69 = tpu.memref_squeeze %dma_start3A_68 : memref<1x128xf32, #tpu.memory_space<hbm>> -> memref<128xf32, #tpu.memory_space<hbm>>
        %dma_start3A_70 = arith.constant 0 : i32
        %dma_start3A_71 = tpu.memref_slice %arg7[%dma_start3A_64, %dma_start3A_70] : memref<16x128xf32, #tpu.memory_space<vmem>> -> memref<1x128xf32, #tpu.memory_space<vmem>>
        %dma_start3A_72 = tpu.memref_squeeze %dma_start3A_71 : memref<1x128xf32, #tpu.memory_space<vmem>> -> memref<128xf32, #tpu.memory_space<vmem>>
        %dma_start3A_73 = tpu.memref_slice %arg3[%add3A_39, %mul3A_63] : memref<1024x100352xf32, #tpu.memory_space<hbm>> -> memref<1x128xf32, #tpu.memory_space<hbm>>
        %dma_start3A_74 = tpu.memref_squeeze %dma_start3A_73 : memref<1x128xf32, #tpu.memory_space<hbm>> -> memref<128xf32, #tpu.memory_space<hbm>>
        tpu.enqueue_dma source(%dma_start3A_74 : memref<128xf32, #tpu.memory_space<hbm>>) target(%dma_start3A_72 : memref<128xf32, #tpu.memory_space<vmem>>) target_semaphore(%arg10 : memref<!tpu.dma_semaphore, #tpu.memory_space<semaphore_mem>>)
        %slice3A_75 = vector.extract_strided_slice %scan3A_60#1 {offsets = [1], sizes = [1], strides = [1]} : vector<16xi32> to vector<1xi32>
        %squeeze3A_76 = vector.extract %slice3A_75[0] : i32 from vector<1xi32>
        %mul3A_77 = arith.constant 128 : i32
        %mul3A_78 = arith.muli %squeeze3A_76, %mul3A_77 : i32
        %dma_start3A_79 = arith.constant 1 : i32
        %dma_start3A_80 = arith.constant 0 : i32
        %dma_start3A_81 = tpu.memref_slice %arg7[%dma_start3A_79, %dma_start3A_80] : memref<16x128xf32, #tpu.memory_space<vmem>> -> memref<1x128xf32, #tpu.memory_space<vmem>>
        %dma_start3A_82 = tpu.memref_squeeze %dma_start3A_81 : memref<1x128xf32, #tpu.memory_space<vmem>> -> memref<128xf32, #tpu.memory_space<vmem>>
        %dma_start3A_83 = tpu.memref_slice %arg3[%add3A_39, %mul3A_78] : memref<1024x100352xf32, #tpu.memory_space<hbm>> -> memref<1x128xf32, #tpu.memory_space<hbm>>
        %dma_start3A_84 = tpu.memref_squeeze %dma_start3A_83 : memref<1x128xf32, #tpu.memory_space<hbm>> -> memref<128xf32, #tpu.memory_space<hbm>>
        %dma_start3A_85 = arith.constant 0 : i32
        %dma_start3A_86 = tpu.memref_slice %arg7[%dma_start3A_79, %dma_start3A_85] : memref<16x128xf32, #tpu.memory_space<vmem>> -> memref<1x128xf32, #tpu.memory_space<vmem>>
        %dma_start3A_87 = tpu.memref_squeeze %dma_start3A_86 : memref<1x128xf32, #tpu.memory_space<vmem>> -> memref<128xf32, #tpu.memory_space<vmem>>
        %dma_start3A_88 = tpu.memref_slice %arg3[%add3A_39, %mul3A_78] : memref<1024x100352xf32, #tpu.memory_space<hbm>> -> memref<1x128xf32, #tpu.memory_space<hbm>>
        %dma_start3A_89 = tpu.memref_squeeze %dma_start3A_88 : memref<1x128xf32, #tpu.memory_space<hbm>> -> memref<128xf32, #tpu.memory_space<hbm>>
        tpu.enqueue_dma source(%dma_start3A_89 : memref<128xf32, #tpu.memory_space<hbm>>) target(%dma_start3A_87 : memref<128xf32, #tpu.memory_space<vmem>>) target_semaphore(%arg10 : memref<!tpu.dma_semaphore, #tpu.memory_space<semaphore_mem>>)
        %slice3A_90 = vector.extract_strided_slice %scan3A_60#1 {offsets = [2], sizes = [1], strides = [1]} : vector<16xi32> to vector<1xi32>
        %squeeze3A_91 = vector.extract %slice3A_90[0] : i32 from vector<1xi32>
        %mul3A_92 = arith.constant 128 : i32
        %mul3A_93 = arith.muli %squeeze3A_91, %mul3A_92 : i32
        %dma_start3A_94 = arith.constant 2 : i32
        %dma_start3A_95 = arith.constant 0 : i32
        %dma_start3A_96 = tpu.memref_slice %arg7[%dma_start3A_94, %dma_start3A_95] : memref<16x128xf32, #tpu.memory_space<vmem>> -> memref<1x128xf32, #tpu.memory_space<vmem>>
        %dma_start3A_97 = tpu.memref_squeeze %dma_start3A_96 : memref<1x128xf32, #tpu.memory_space<vmem>> -> memref<128xf32, #tpu.memory_space<vmem>>
        %dma_start3A_98 = tpu.memref_slice %arg3[%add3A_39, %mul3A_93] : memref<1024x100352xf32, #tpu.memory_space<hbm>> -> memref<1x128xf32, #tpu.memory_space<hbm>>
        %dma_start3A_99 = tpu.memref_squeeze %dma_start3A_98 : memref<1x128xf32, #tpu.memory_space<hbm>> -> memref<128xf32, #tpu.memory_space<hbm>>
        %dma_start3A_100 = arith.constant 0 : i32
        %dma_start3A_101 = tpu.memref_slice %arg7[%dma_start3A_94, %dma_start3A_100] : memref<16x128xf32, #tpu.memory_space<vmem>> -> memref<1x128xf32, #tpu.memory_space<vmem>>
        %dma_start3A_102 = tpu.memref_squeeze %dma_start3A_101 : memref<1x128xf32, #tpu.memory_space<vmem>> -> memref<128xf32, #tpu.memory_space<vmem>>
        %dma_start3A_103 = tpu.memref_slice %arg3[%add3A_39, %mul3A_93] : memref<1024x100352xf32, #tpu.memory_space<hbm>> -> memref<1x128xf32, #tpu.memory_space<hbm>>
        %dma_start3A_104 = tpu.memref_squeeze %dma_start3A_103 : memref<1x128xf32, #tpu.memory_space<hbm>> -> memref<128xf32, #tpu.memory_space<hbm>>
        tpu.enqueue_dma source(%dma_start3A_104 : memref<128xf32, #tpu.memory_space<hbm>>) target(%dma_start3A_102 : memref<128xf32, #tpu.memory_space<vmem>>) target_semaphore(%arg10 : memref<!tpu.dma_semaphore, #tpu.memory_space<semaphore_mem>>)
        %slice3A_105 = vector.extract_strided_slice %scan3A_60#1 {offsets = [3], sizes = [1], strides = [1]} : vector<16xi32> to vector<1xi32>
        %squeeze3A_106 = vector.extract %slice3A_105[0] : i32 from vector<1xi32>
        %mul3A_107 = arith.constant 128 : i32
        %mul3A_108 = arith.muli %squeeze3A_106, %mul3A_107 : i32
        %dma_start3A_109 = arith.constant 3 : i32
        %dma_start3A_110 = arith.constant 0 : i32
        %dma_start3A_111 = tpu.memref_slice %arg7[%dma_start3A_109, %dma_start3A_110] : memref<16x128xf32, #tpu.memory_space<vmem>> -> memref<1x128xf32, #tpu.memory_space<vmem>>
        %dma_start3A_112 = tpu.memref_squeeze %dma_start3A_111 : memref<1x128xf32, #tpu.memory_space<vmem>> -> memref<128xf32, #tpu.memory_space<vmem>>
        %dma_start3A_113 = tpu.memref_slice %arg3[%add3A_39, %mul3A_108] : memref<1024x100352xf32, #tpu.memory_space<hbm>> -> memref<1x128xf32, #tpu.memory_space<hbm>>
        %dma_start3A_114 = tpu.memref_squeeze %dma_start3A_113 : memref<1x128xf32, #tpu.memory_space<hbm>> -> memref<128xf32, #tpu.memory_space<hbm>>
        %dma_start3A_115 = arith.constant 0 : i32
        %dma_start3A_116 = tpu.memref_slice %arg7[%dma_start3A_109, %dma_start3A_115] : memref<16x128xf32, #tpu.memory_space<vmem>> -> memref<1x128xf32, #tpu.memory_space<vmem>>
        %dma_start3A_117 = tpu.memref_squeeze %dma_start3A_116 : memref<1x128xf32, #tpu.memory_space<vmem>> -> memref<128xf32, #tpu.memory_space<vmem>>
        %dma_start3A_118 = tpu.memref_slice %arg3[%add3A_39, %mul3A_108] : memref<1024x100352xf32, #tpu.memory_space<hbm>> -> memref<1x128xf32, #tpu.memory_space<hbm>>
        %dma_start3A_119 = tpu.memref_squeeze %dma_start3A_118 : memref<1x128xf32, #tpu.memory_space<hbm>> -> memref<128xf32, #tpu.memory_space<hbm>>
        tpu.enqueue_dma source(%dma_start3A_119 : memref<128xf32, #tpu.memory_space<hbm>>) target(%dma_start3A_117 : memref<128xf32, #tpu.memory_space<vmem>>) target_semaphore(%arg10 : memref<!tpu.dma_semaphore, #tpu.memory_space<semaphore_mem>>)
        %slice3A_120 = vector.extract_strided_slice %scan3A_60#1 {offsets = [4], sizes = [1], strides = [1]} : vector<16xi32> to vector<1xi32>
        %squeeze3A_121 = vector.extract %slice3A_120[0] : i32 from vector<1xi32>
        %mul3A_122 = arith.constant 128 : i32
        %mul3A_123 = arith.muli %squeeze3A_121, %mul3A_122 : i32
        %dma_start3A_124 = arith.constant 4 : i32
        %dma_start3A_125 = arith.constant 0 : i32
        %dma_start3A_126 = tpu.memref_slice %arg7[%dma_start3A_124, %dma_start3A_125] : memref<16x128xf32, #tpu.memory_space<vmem>> -> memref<1x128xf32, #tpu.memory_space<vmem>>
        %dma_start3A_127 = tpu.memref_squeeze %dma_start3A_126 : memref<1x128xf32, #tpu.memory_space<vmem>> -> memref<128xf32, #tpu.memory_space<vmem>>
        %dma_start3A_128 = tpu.memref_slice %arg3[%add3A_39, %mul3A_123] : memref<1024x100352xf32, #tpu.memory_space<hbm>> -> memref<1x128xf32, #tpu.memory_space<hbm>>
        %dma_start3A_129 = tpu.memref_squeeze %dma_start3A_128 : memref<1x128xf32, #tpu.memory_space<hbm>> -> memref<128xf32, #tpu.memory_space<hbm>>
        %dma_start3A_130 = arith.constant 0 : i32
        %dma_start3A_131 = tpu.memref_slice %arg7[%dma_start3A_124, %dma_start3A_130] : memref<16x128xf32, #tpu.memory_space<vmem>> -> memref<1x128xf32, #tpu.memory_space<vmem>>
        %dma_start3A_132 = tpu.memref_squeeze %dma_start3A_131 : memref<1x128xf32, #tpu.memory_space<vmem>> -> memref<128xf32, #tpu.memory_space<vmem>>
        %dma_start3A_133 = tpu.memref_slice %arg3[%add3A_39, %mul3A_123] : memref<1024x100352xf32, #tpu.memory_space<hbm>> -> memref<1x128xf32, #tpu.memory_space<hbm>>
        %dma_start3A_134 = tpu.memref_squeeze %dma_start3A_133 : memref<1x128xf32, #tpu.memory_space<hbm>> -> memref<128xf32, #tpu.memory_space<hbm>>
        tpu.enqueue_dma source(%dma_start3A_134 : memref<128xf32, #tpu.memory_space<hbm>>) target(%dma_start3A_132 : memref<128xf32, #tpu.memory_space<vmem>>) target_semaphore(%arg10 : memref<!tpu.dma_semaphore, #tpu.memory_space<semaphore_mem>>)
        %slice3A_135 = vector.extract_strided_slice %scan3A_60#1 {offsets = [5], sizes = [1], strides = [1]} : vector<16xi32> to vector<1xi32>
        %squeeze3A_136 = vector.extract %slice3A_135[0] : i32 from vector<1xi32>
        %mul3A_137 = arith.constant 128 : i32
        %mul3A_138 = arith.muli %squeeze3A_136, %mul3A_137 : i32
        %dma_start3A_139 = arith.constant 5 : i32
        %dma_start3A_140 = arith.constant 0 : i32
        %dma_start3A_141 = tpu.memref_slice %arg7[%dma_start3A_139, %dma_start3A_140] : memref<16x128xf32, #tpu.memory_space<vmem>> -> memref<1x128xf32, #tpu.memory_space<vmem>>
        %dma_start3A_142 = tpu.memref_squeeze %dma_start3A_141 : memref<1x128xf32, #tpu.memory_space<vmem>> -> memref<128xf32, #tpu.memory_space<vmem>>
        %dma_start3A_143 = tpu.memref_slice %arg3[%add3A_39, %mul3A_138] : memref<1024x100352xf32, #tpu.memory_space<hbm>> -> memref<1x128xf32, #tpu.memory_space<hbm>>
        %dma_start3A_144 = tpu.memref_squeeze %dma_start3A_143 : memref<1x128xf32, #tpu.memory_space<hbm>> -> memref<128xf32, #tpu.memory_space<hbm>>
        %dma_start3A_145 = arith.constant 0 : i32
        %dma_start3A_146 = tpu.memref_slice %arg7[%dma_start3A_139, %dma_start3A_145] : memref<16x128xf32, #tpu.memory_space<vmem>> -> memref<1x128xf32, #tpu.memory_space<vmem>>
        %dma_start3A_147 = tpu.memref_squeeze %dma_start3A_146 : memref<1x128xf32, #tpu.memory_space<vmem>> -> memref<128xf32, #tpu.memory_space<vmem>>
        %dma_start3A_148 = tpu.memref_slice %arg3[%add3A_39, %mul3A_138] : memref<1024x100352xf32, #tpu.memory_space<hbm>> -> memref<1x128xf32, #tpu.memory_space<hbm>>
        %dma_start3A_149 = tpu.memref_squeeze %dma_start3A_148 : memref<1x128xf32, #tpu.memory_space<hbm>> -> memref<128xf32, #tpu.memory_space<hbm>>
        tpu.enqueue_dma source(%dma_start3A_149 : memref<128xf32, #tpu.memory_space<hbm>>) target(%dma_start3A_147 : memref<128xf32, #tpu.memory_space<vmem>>) target_semaphore(%arg10 : memref<!tpu.dma_semaphore, #tpu.memory_space<semaphore_mem>>)
        %slice3A_150 = vector.extract_strided_slice %scan3A_60#1 {offsets = [6], sizes = [1], strides = [1]} : vector<16xi32> to vector<1xi32>
        %squeeze3A_151 = vector.extract %slice3A_150[0] : i32 from vector<1xi32>
        %mul3A_152 = arith.constant 128 : i32
        %mul3A_153 = arith.muli %squeeze3A_151, %mul3A_152 : i32
        %dma_start3A_154 = arith.constant 6 : i32
        %dma_start3A_155 = arith.constant 0 : i32
        %dma_start3A_156 = tpu.memref_slice %arg7[%dma_start3A_154, %dma_start3A_155] : memref<16x128xf32, #tpu.memory_space<vmem>> -> memref<1x128xf32, #tpu.memory_space<vmem>>
        %dma_start3A_157 = tpu.memref_squeeze %dma_start3A_156 : memref<1x128xf32, #tpu.memory_space<vmem>> -> memref<128xf32, #tpu.memory_space<vmem>>
        %dma_start3A_158 = tpu.memref_slice %arg3[%add3A_39, %mul3A_153] : memref<1024x100352xf32, #tpu.memory_space<hbm>> -> memref<1x128xf32, #tpu.memory_space<hbm>>
        %dma_start3A_159 = tpu.memref_squeeze %dma_start3A_158 : memref<1x128xf32, #tpu.memory_space<hbm>> -> memref<128xf32, #tpu.memory_space<hbm>>
        %dma_start3A_160 = arith.constant 0 : i32
        %dma_start3A_161 = tpu.memref_slice %arg7[%dma_start3A_154, %dma_start3A_160] : memref<16x128xf32, #tpu.memory_space<vmem>> -> memref<1x128xf32, #tpu.memory_space<vmem>>
        %dma_start3A_162 = tpu.memref_squeeze %dma_start3A_161 : memref<1x128xf32, #tpu.memory_space<vmem>> -> memref<128xf32, #tpu.memory_space<vmem>>
        %dma_start3A_163 = tpu.memref_slice %arg3[%add3A_39, %mul3A_153] : memref<1024x100352xf32, #tpu.memory_space<hbm>> -> memref<1x128xf32, #tpu.memory_space<hbm>>
        %dma_start3A_164 = tpu.memref_squeeze %dma_start3A_163 : memref<1x128xf32, #tpu.memory_space<hbm>> -> memref<128xf32, #tpu.memory_space<hbm>>
        tpu.enqueue_dma source(%dma_start3A_164 : memref<128xf32, #tpu.memory_space<hbm>>) target(%dma_start3A_162 : memref<128xf32, #tpu.memory_space<vmem>>) target_semaphore(%arg10 : memref<!tpu.dma_semaphore, #tpu.memory_space<semaphore_mem>>)
        %slice3A_165 = vector.extract_strided_slice %scan3A_60#1 {offsets = [7], sizes = [1], strides = [1]} : vector<16xi32> to vector<1xi32>
        %squeeze3A_166 = vector.extract %slice3A_165[0] : i32 from vector<1xi32>
        %mul3A_167 = arith.constant 128 : i32
        %mul3A_168 = arith.muli %squeeze3A_166, %mul3A_167 : i32
        %dma_start3A_169 = arith.constant 7 : i32
        %dma_start3A_170 = arith.constant 0 : i32
        %dma_start3A_171 = tpu.memref_slice %arg7[%dma_start3A_169, %dma_start3A_170] : memref<16x128xf32, #tpu.memory_space<vmem>> -> memref<1x128xf32, #tpu.memory_space<vmem>>
        %dma_start3A_172 = tpu.memref_squeeze %dma_start3A_171 : memref<1x128xf32, #tpu.memory_space<vmem>> -> memref<128xf32, #tpu.memory_space<vmem>>
        %dma_start3A_173 = tpu.memref_slice %arg3[%add3A_39, %mul3A_168] : memref<1024x100352xf32, #tpu.memory_space<hbm>> -> memref<1x128xf32, #tpu.memory_space<hbm>>
        %dma_start3A_174 = tpu.memref_squeeze %dma_start3A_173 : memref<1x128xf32, #tpu.memory_space<hbm>> -> memref<128xf32, #tpu.memory_space<hbm>>
        %dma_start3A_175 = arith.constant 0 : i32
        %dma_start3A_176 = tpu.memref_slice %arg7[%dma_start3A_169, %dma_start3A_175] : memref<16x128xf32, #tpu.memory_space<vmem>> -> memref<1x128xf32, #tpu.memory_space<vmem>>
        %dma_start3A_177 = tpu.memref_squeeze %dma_start3A_176 : memref<1x128xf32, #tpu.memory_space<vmem>> -> memref<128xf32, #tpu.memory_space<vmem>>
        %dma_start3A_178 = tpu.memref_slice %arg3[%add3A_39, %mul3A_168] : memref<1024x100352xf32, #tpu.memory_space<hbm>> -> memref<1x128xf32, #tpu.memory_space<hbm>>
        %dma_start3A_179 = tpu.memref_squeeze %dma_start3A_178 : memref<1x128xf32, #tpu.memory_space<hbm>> -> memref<128xf32, #tpu.memory_space<hbm>>
        tpu.enqueue_dma source(%dma_start3A_179 : memref<128xf32, #tpu.memory_space<hbm>>) target(%dma_start3A_177 : memref<128xf32, #tpu.memory_space<vmem>>) target_semaphore(%arg10 : memref<!tpu.dma_semaphore, #tpu.memory_space<semaphore_mem>>)
        %slice3A_180 = vector.extract_strided_slice %scan3A_60#1 {offsets = [8], sizes = [1], strides = [1]} : vector<16xi32> to vector<1xi32>
        %squeeze3A_181 = vector.extract %slice3A_180[0] : i32 from vector<1xi32>
        %mul3A_182 = arith.constant 128 : i32
        %mul3A_183 = arith.muli %squeeze3A_181, %mul3A_182 : i32
        %dma_start3A_184 = arith.constant 8 : i32
        %dma_start3A_185 = arith.constant 0 : i32
        %dma_start3A_186 = tpu.memref_slice %arg7[%dma_start3A_184, %dma_start3A_185] : memref<16x128xf32, #tpu.memory_space<vmem>> -> memref<1x128xf32, #tpu.memory_space<vmem>>
        %dma_start3A_187 = tpu.memref_squeeze %dma_start3A_186 : memref<1x128xf32, #tpu.memory_space<vmem>> -> memref<128xf32, #tpu.memory_space<vmem>>
        %dma_start3A_188 = tpu.memref_slice %arg3[%add3A_39, %mul3A_183] : memref<1024x100352xf32, #tpu.memory_space<hbm>> -> memref<1x128xf32, #tpu.memory_space<hbm>>
        %dma_start3A_189 = tpu.memref_squeeze %dma_start3A_188 : memref<1x128xf32, #tpu.memory_space<hbm>> -> memref<128xf32, #tpu.memory_space<hbm>>
        %dma_start3A_190 = arith.constant 0 : i32
        %dma_start3A_191 = tpu.memref_slice %arg7[%dma_start3A_184, %dma_start3A_190] : memref<16x128xf32, #tpu.memory_space<vmem>> -> memref<1x128xf32, #tpu.memory_space<vmem>>
        %dma_start3A_192 = tpu.memref_squeeze %dma_start3A_191 : memref<1x128xf32, #tpu.memory_space<vmem>> -> memref<128xf32, #tpu.memory_space<vmem>>
        %dma_start3A_193 = tpu.memref_slice %arg3[%add3A_39, %mul3A_183] : memref<1024x100352xf32, #tpu.memory_space<hbm>> -> memref<1x128xf32, #tpu.memory_space<hbm>>
        %dma_start3A_194 = tpu.memref_squeeze %dma_start3A_193 : memref<1x128xf32, #tpu.memory_space<hbm>> -> memref<128xf32, #tpu.memory_space<hbm>>
        tpu.enqueue_dma source(%dma_start3A_194 : memref<128xf32, #tpu.memory_space<hbm>>) target(%dma_start3A_192 : memref<128xf32, #tpu.memory_space<vmem>>) target_semaphore(%arg10 : memref<!tpu.dma_semaphore, #tpu.memory_space<semaphore_mem>>)
        %slice3A_195 = vector.extract_strided_slice %scan3A_60#1 {offsets = [9], sizes = [1], strides = [1]} : vector<16xi32> to vector<1xi32>
        %squeeze3A_196 = vector.extract %slice3A_195[0] : i32 from vector<1xi32>
        %mul3A_197 = arith.constant 128 : i32
        %mul3A_198 = arith.muli %squeeze3A_196, %mul3A_197 : i32
        %dma_start3A_199 = arith.constant 9 : i32
        %dma_start3A_200 = arith.constant 0 : i32
        %dma_start3A_201 = tpu.memref_slice %arg7[%dma_start3A_199, %dma_start3A_200] : memref<16x128xf32, #tpu.memory_space<vmem>> -> memref<1x128xf32, #tpu.memory_space<vmem>>
        %dma_start3A_202 = tpu.memref_squeeze %dma_start3A_201 : memref<1x128xf32, #tpu.memory_space<vmem>> -> memref<128xf32, #tpu.memory_space<vmem>>
        %dma_start3A_203 = tpu.memref_slice %arg3[%add3A_39, %mul3A_198] : memref<1024x100352xf32, #tpu.memory_space<hbm>> -> memref<1x128xf32, #tpu.memory_space<hbm>>
        %dma_start3A_204 = tpu.memref_squeeze %dma_start3A_203 : memref<1x128xf32, #tpu.memory_space<hbm>> -> memref<128xf32, #tpu.memory_space<hbm>>
        %dma_start3A_205 = arith.constant 0 : i32
        %dma_start3A_206 = tpu.memref_slice %arg7[%dma_start3A_199, %dma_start3A_205] : memref<16x128xf32, #tpu.memory_space<vmem>> -> memref<1x128xf32, #tpu.memory_space<vmem>>
        %dma_start3A_207 = tpu.memref_squeeze %dma_start3A_206 : memref<1x128xf32, #tpu.memory_space<vmem>> -> memref<128xf32, #tpu.memory_space<vmem>>
        %dma_start3A_208 = tpu.memref_slice %arg3[%add3A_39, %mul3A_198] : memref<1024x100352xf32, #tpu.memory_space<hbm>> -> memref<1x128xf32, #tpu.memory_space<hbm>>
        %dma_start3A_209 = tpu.memref_squeeze %dma_start3A_208 : memref<1x128xf32, #tpu.memory_space<hbm>> -> memref<128xf32, #tpu.memory_space<hbm>>
        tpu.enqueue_dma source(%dma_start3A_209 : memref<128xf32, #tpu.memory_space<hbm>>) target(%dma_start3A_207 : memref<128xf32, #tpu.memory_space<vmem>>) target_semaphore(%arg10 : memref<!tpu.dma_semaphore, #tpu.memory_space<semaphore_mem>>)
        %slice3A_210 = vector.extract_strided_slice %scan3A_60#1 {offsets = [10], sizes = [1], strides = [1]} : vector<16xi32> to vector<1xi32>
        %squeeze3A_211 = vector.extract %slice3A_210[0] : i32 from vector<1xi32>
        %mul3A_212 = arith.constant 128 : i32
        %mul3A_213 = arith.muli %squeeze3A_211, %mul3A_212 : i32
        %dma_start3A_214 = arith.constant 10 : i32
        %dma_start3A_215 = arith.constant 0 : i32
        %dma_start3A_216 = tpu.memref_slice %arg7[%dma_start3A_214, %dma_start3A_215] : memref<16x128xf32, #tpu.memory_space<vmem>> -> memref<1x128xf32, #tpu.memory_space<vmem>>
        %dma_start3A_217 = tpu.memref_squeeze %dma_start3A_216 : memref<1x128xf32, #tpu.memory_space<vmem>> -> memref<128xf32, #tpu.memory_space<vmem>>
        %dma_start3A_218 = tpu.memref_slice %arg3[%add3A_39, %mul3A_213] : memref<1024x100352xf32, #tpu.memory_space<hbm>> -> memref<1x128xf32, #tpu.memory_space<hbm>>
        %dma_start3A_219 = tpu.memref_squeeze %dma_start3A_218 : memref<1x128xf32, #tpu.memory_space<hbm>> -> memref<128xf32, #tpu.memory_space<hbm>>
        %dma_start3A_220 = arith.constant 0 : i32
        %dma_start3A_221 = tpu.memref_slice %arg7[%dma_start3A_214, %dma_start3A_220] : memref<16x128xf32, #tpu.memory_space<vmem>> -> memref<1x128xf32, #tpu.memory_space<vmem>>
        %dma_start3A_222 = tpu.memref_squeeze %dma_start3A_221 : memref<1x128xf32, #tpu.memory_space<vmem>> -> memref<128xf32, #tpu.memory_space<vmem>>
        %dma_start3A_223 = tpu.memref_slice %arg3[%add3A_39, %mul3A_213] : memref<1024x100352xf32, #tpu.memory_space<hbm>> -> memref<1x128xf32, #tpu.memory_space<hbm>>
        %dma_start3A_224 = tpu.memref_squeeze %dma_start3A_223 : memref<1x128xf32, #tpu.memory_space<hbm>> -> memref<128xf32, #tpu.memory_space<hbm>>
        tpu.enqueue_dma source(%dma_start3A_224 : memref<128xf32, #tpu.memory_space<hbm>>) target(%dma_start3A_222 : memref<128xf32, #tpu.memory_space<vmem>>) target_semaphore(%arg10 : memref<!tpu.dma_semaphore, #tpu.memory_space<semaphore_mem>>)
        %slice3A_225 = vector.extract_strided_slice %scan3A_60#1 {offsets = [11], sizes = [1], strides = [1]} : vector<16xi32> to vector<1xi32>
        %squeeze3A_226 = vector.extract %slice3A_225[0] : i32 from vector<1xi32>
        %mul3A_227 = arith.constant 128 : i32
        %mul3A_228 = arith.muli %squeeze3A_226, %mul3A_227 : i32
        %dma_start3A_229 = arith.constant 11 : i32
        %dma_start3A_230 = arith.constant 0 : i32
        %dma_start3A_231 = tpu.memref_slice %arg7[%dma_start3A_229, %dma_start3A_230] : memref<16x128xf32, #tpu.memory_space<vmem>> -> memref<1x128xf32, #tpu.memory_space<vmem>>
        %dma_start3A_232 = tpu.memref_squeeze %dma_start3A_231 : memref<1x128xf32, #tpu.memory_space<vmem>> -> memref<128xf32, #tpu.memory_space<vmem>>
        %dma_start3A_233 = tpu.memref_slice %arg3[%add3A_39, %mul3A_228] : memref<1024x100352xf32, #tpu.memory_space<hbm>> -> memref<1x128xf32, #tpu.memory_space<hbm>>
        %dma_start3A_234 = tpu.memref_squeeze %dma_start3A_233 : memref<1x128xf32, #tpu.memory_space<hbm>> -> memref<128xf32, #tpu.memory_space<hbm>>
        %dma_start3A_235 = arith.constant 0 : i32
        %dma_start3A_236 = tpu.memref_slice %arg7[%dma_start3A_229, %dma_start3A_235] : memref<16x128xf32, #tpu.memory_space<vmem>> -> memref<1x128xf32, #tpu.memory_space<vmem>>
        %dma_start3A_237 = tpu.memref_squeeze %dma_start3A_236 : memref<1x128xf32, #tpu.memory_space<vmem>> -> memref<128xf32, #tpu.memory_space<vmem>>
        %dma_start3A_238 = tpu.memref_slice %arg3[%add3A_39, %mul3A_228] : memref<1024x100352xf32, #tpu.memory_space<hbm>> -> memref<1x128xf32, #tpu.memory_space<hbm>>
        %dma_start3A_239 = tpu.memref_squeeze %dma_start3A_238 : memref<1x128xf32, #tpu.memory_space<hbm>> -> memref<128xf32, #tpu.memory_space<hbm>>
        tpu.enqueue_dma source(%dma_start3A_239 : memref<128xf32, #tpu.memory_space<hbm>>) target(%dma_start3A_237 : memref<128xf32, #tpu.memory_space<vmem>>) target_semaphore(%arg10 : memref<!tpu.dma_semaphore, #tpu.memory_space<semaphore_mem>>)
        %slice3A_240 = vector.extract_strided_slice %scan3A_60#1 {offsets = [12], sizes = [1], strides = [1]} : vector<16xi32> to vector<1xi32>
        %squeeze3A_241 = vector.extract %slice3A_240[0] : i32 from vector<1xi32>
        %mul3A_242 = arith.constant 128 : i32
        %mul3A_243 = arith.muli %squeeze3A_241, %mul3A_242 : i32
        %dma_start3A_244 = arith.constant 12 : i32
        %dma_start3A_245 = arith.constant 0 : i32
        %dma_start3A_246 = tpu.memref_slice %arg7[%dma_start3A_244, %dma_start3A_245] : memref<16x128xf32, #tpu.memory_space<vmem>> -> memref<1x128xf32, #tpu.memory_space<vmem>>
        %dma_start3A_247 = tpu.memref_squeeze %dma_start3A_246 : memref<1x128xf32, #tpu.memory_space<vmem>> -> memref<128xf32, #tpu.memory_space<vmem>>
        %dma_start3A_248 = tpu.memref_slice %arg3[%add3A_39, %mul3A_243] : memref<1024x100352xf32, #tpu.memory_space<hbm>> -> memref<1x128xf32, #tpu.memory_space<hbm>>
        %dma_start3A_249 = tpu.memref_squeeze %dma_start3A_248 : memref<1x128xf32, #tpu.memory_space<hbm>> -> memref<128xf32, #tpu.memory_space<hbm>>
        %dma_start3A_250 = arith.constant 0 : i32
        %dma_start3A_251 = tpu.memref_slice %arg7[%dma_start3A_244, %dma_start3A_250] : memref<16x128xf32, #tpu.memory_space<vmem>> -> memref<1x128xf32, #tpu.memory_space<vmem>>
        %dma_start3A_252 = tpu.memref_squeeze %dma_start3A_251 : memref<1x128xf32, #tpu.memory_space<vmem>> -> memref<128xf32, #tpu.memory_space<vmem>>
        %dma_start3A_253 = tpu.memref_slice %arg3[%add3A_39, %mul3A_243] : memref<1024x100352xf32, #tpu.memory_space<hbm>> -> memref<1x128xf32, #tpu.memory_space<hbm>>
        %dma_start3A_254 = tpu.memref_squeeze %dma_start3A_253 : memref<1x128xf32, #tpu.memory_space<hbm>> -> memref<128xf32, #tpu.memory_space<hbm>>
        tpu.enqueue_dma source(%dma_start3A_254 : memref<128xf32, #tpu.memory_space<hbm>>) target(%dma_start3A_252 : memref<128xf32, #tpu.memory_space<vmem>>) target_semaphore(%arg10 : memref<!tpu.dma_semaphore, #tpu.memory_space<semaphore_mem>>)
        %slice3A_255 = vector.extract_strided_slice %scan3A_60#1 {offsets = [13], sizes = [1], strides = [1]} : vector<16xi32> to vector<1xi32>
        %squeeze3A_256 = vector.extract %slice3A_255[0] : i32 from vector<1xi32>
        %mul3A_257 = arith.constant 128 : i32
        %mul3A_258 = arith.muli %squeeze3A_256, %mul3A_257 : i32
        %dma_start3A_259 = arith.constant 13 : i32
        %dma_start3A_260 = arith.constant 0 : i32
        %dma_start3A_261 = tpu.memref_slice %arg7[%dma_start3A_259, %dma_start3A_260] : memref<16x128xf32, #tpu.memory_space<vmem>> -> memref<1x128xf32, #tpu.memory_space<vmem>>
        %dma_start3A_262 = tpu.memref_squeeze %dma_start3A_261 : memref<1x128xf32, #tpu.memory_space<vmem>> -> memref<128xf32, #tpu.memory_space<vmem>>
        %dma_start3A_263 = tpu.memref_slice %arg3[%add3A_39, %mul3A_258] : memref<1024x100352xf32, #tpu.memory_space<hbm>> -> memref<1x128xf32, #tpu.memory_space<hbm>>
        %dma_start3A_264 = tpu.memref_squeeze %dma_start3A_263 : memref<1x128xf32, #tpu.memory_space<hbm>> -> memref<128xf32, #tpu.memory_space<hbm>>
        %dma_start3A_265 = arith.constant 0 : i32
        %dma_start3A_266 = tpu.memref_slice %arg7[%dma_start3A_259, %dma_start3A_265] : memref<16x128xf32, #tpu.memory_space<vmem>> -> memref<1x128xf32, #tpu.memory_space<vmem>>
        %dma_start3A_267 = tpu.memref_squeeze %dma_start3A_266 : memref<1x128xf32, #tpu.memory_space<vmem>> -> memref<128xf32, #tpu.memory_space<vmem>>
        %dma_start3A_268 = tpu.memref_slice %arg3[%add3A_39, %mul3A_258] : memref<1024x100352xf32, #tpu.memory_space<hbm>> -> memref<1x128xf32, #tpu.memory_space<hbm>>
        %dma_start3A_269 = tpu.memref_squeeze %dma_start3A_268 : memref<1x128xf32, #tpu.memory_space<hbm>> -> memref<128xf32, #tpu.memory_space<hbm>>
        tpu.enqueue_dma source(%dma_start3A_269 : memref<128xf32, #tpu.memory_space<hbm>>) target(%dma_start3A_267 : memref<128xf32, #tpu.memory_space<vmem>>) target_semaphore(%arg10 : memref<!tpu.dma_semaphore, #tpu.memory_space<semaphore_mem>>)
        %slice3A_270 = vector.extract_strided_slice %scan3A_60#1 {offsets = [14], sizes = [1], strides = [1]} : vector<16xi32> to vector<1xi32>
        %squeeze3A_271 = vector.extract %slice3A_270[0] : i32 from vector<1xi32>
        %mul3A_272 = arith.constant 128 : i32
        %mul3A_273 = arith.muli %squeeze3A_271, %mul3A_272 : i32
        %dma_start3A_274 = arith.constant 14 : i32
        %dma_start3A_275 = arith.constant 0 : i32
        %dma_start3A_276 = tpu.memref_slice %arg7[%dma_start3A_274, %dma_start3A_275] : memref<16x128xf32, #tpu.memory_space<vmem>> -> memref<1x128xf32, #tpu.memory_space<vmem>>
        %dma_start3A_277 = tpu.memref_squeeze %dma_start3A_276 : memref<1x128xf32, #tpu.memory_space<vmem>> -> memref<128xf32, #tpu.memory_space<vmem>>
        %dma_start3A_278 = tpu.memref_slice %arg3[%add3A_39, %mul3A_273] : memref<1024x100352xf32, #tpu.memory_space<hbm>> -> memref<1x128xf32, #tpu.memory_space<hbm>>
        %dma_start3A_279 = tpu.memref_squeeze %dma_start3A_278 : memref<1x128xf32, #tpu.memory_space<hbm>> -> memref<128xf32, #tpu.memory_space<hbm>>
        %dma_start3A_280 = arith.constant 0 : i32
        %dma_start3A_281 = tpu.memref_slice %arg7[%dma_start3A_274, %dma_start3A_280] : memref<16x128xf32, #tpu.memory_space<vmem>> -> memref<1x128xf32, #tpu.memory_space<vmem>>
        %dma_start3A_282 = tpu.memref_squeeze %dma_start3A_281 : memref<1x128xf32, #tpu.memory_space<vmem>> -> memref<128xf32, #tpu.memory_space<vmem>>
        %dma_start3A_283 = tpu.memref_slice %arg3[%add3A_39, %mul3A_273] : memref<1024x100352xf32, #tpu.memory_space<hbm>> -> memref<1x128xf32, #tpu.memory_space<hbm>>
        %dma_start3A_284 = tpu.memref_squeeze %dma_start3A_283 : memref<1x128xf32, #tpu.memory_space<hbm>> -> memref<128xf32, #tpu.memory_space<hbm>>
        tpu.enqueue_dma source(%dma_start3A_284 : memref<128xf32, #tpu.memory_space<hbm>>) target(%dma_start3A_282 : memref<128xf32, #tpu.memory_space<vmem>>) target_semaphore(%arg10 : memref<!tpu.dma_semaphore, #tpu.memory_space<semaphore_mem>>)
        %slice3A_285 = vector.extract_strided_slice %scan3A_60#1 {offsets = [15], sizes = [1], strides = [1]} : vector<16xi32> to vector<1xi32>
        %squeeze3A_286 = vector.extract %slice3A_285[0] : i32 from vector<1xi32>
        %mul3A_287 = arith.constant 128 : i32
        %mul3A_288 = arith.muli %squeeze3A_286, %mul3A_287 : i32
        %dma_start3A_289 = arith.constant 15 : i32
        %dma_start3A_290 = arith.constant 0 : i32
        %dma_start3A_291 = tpu.memref_slice %arg7[%dma_start3A_289, %dma_start3A_290] : memref<16x128xf32, #tpu.memory_space<vmem>> -> memref<1x128xf32, #tpu.memory_space<vmem>>
        %dma_start3A_292 = tpu.memref_squeeze %dma_start3A_291 : memref<1x128xf32, #tpu.memory_space<vmem>> -> memref<128xf32, #tpu.memory_space<vmem>>
        %dma_start3A_293 = tpu.memref_slice %arg3[%add3A_39, %mul3A_288] : memref<1024x100352xf32, #tpu.memory_space<hbm>> -> memref<1x128xf32, #tpu.memory_space<hbm>>
        %dma_start3A_294 = tpu.memref_squeeze %dma_start3A_293 : memref<1x128xf32, #tpu.memory_space<hbm>> -> memref<128xf32, #tpu.memory_space<hbm>>
        %dma_start3A_295 = arith.constant 0 : i32
        %dma_start3A_296 = tpu.memref_slice %arg7[%dma_start3A_289, %dma_start3A_295] : memref<16x128xf32, #tpu.memory_space<vmem>> -> memref<1x128xf32, #tpu.memory_space<vmem>>
        %dma_start3A_297 = tpu.memref_squeeze %dma_start3A_296 : memref<1x128xf32, #tpu.memory_space<vmem>> -> memref<128xf32, #tpu.memory_space<vmem>>
        %dma_start3A_298 = tpu.memref_slice %arg3[%add3A_39, %mul3A_288] : memref<1024x100352xf32, #tpu.memory_space<hbm>> -> memref<1x128xf32, #tpu.memory_space<hbm>>
        %dma_start3A_299 = tpu.memref_squeeze %dma_start3A_298 : memref<1x128xf32, #tpu.memory_space<hbm>> -> memref<128xf32, #tpu.memory_space<hbm>>
        tpu.enqueue_dma source(%dma_start3A_299 : memref<128xf32, #tpu.memory_space<hbm>>) target(%dma_start3A_297 : memref<128xf32, #tpu.memory_space<vmem>>) target_semaphore(%arg10 : memref<!tpu.dma_semaphore, #tpu.memory_space<semaphore_mem>>)
        %add3A_300 = arith.constant 1 : i32
        %add3A_301 = arith.addi %add3A_38, %add3A_300 : i32
        %lt3A = arith.constant 32 : i32
        %lt3A_302 = arith.cmpi slt, %add3A_301, %lt3A : i32
        %convert_element_type3A = arith.extui %lt3A_302 : i1 to i32
        %cond3A = arith.constant 0 : i32
        %cond3A_303 = arith.cmpi ne, %convert_element_type3A, %cond3A : i32
        scf.if %cond3A_303 {
          %add3A_507 = arith.constant 1 : i32
          %add3A_508 = arith.addi %add3A_39, %add3A_507 : i32
          %sub3A = arith.constant 1 : i32
          %sub3A_509 = arith.subi %sub3A, %and3A_40 : i32
          %dma_start3A_510 = arith.constant 0 : i32
          %dma_start3A_511 = tpu.memref_slice %arg6[%sub3A_509, %dma_start3A_510] : memref<2x784xf32, #tpu.memory_space<vmem>> -> memref<1x784xf32, #tpu.memory_space<vmem>>
          %dma_start3A_512 = tpu.memref_squeeze %dma_start3A_511 : memref<1x784xf32, #tpu.memory_space<vmem>> -> memref<784xf32, #tpu.memory_space<vmem>>
          %dma_start3A_513 = arith.constant 0 : i32
          %dma_start3A_514 = tpu.memref_slice %arg2[%add3A_508, %dma_start3A_513] : memref<1024x784xf32, #tpu.memory_space<hbm>> -> memref<1x784xf32, #tpu.memory_space<hbm>>
          %dma_start3A_515 = tpu.memref_squeeze %dma_start3A_514 : memref<1x784xf32, #tpu.memory_space<hbm>> -> memref<784xf32, #tpu.memory_space<hbm>>
          %dma_start3A_516 = arith.constant 0 : i32
          %dma_start3A_517 = tpu.memref_slice %arg6[%sub3A_509, %dma_start3A_516] : memref<2x784xf32, #tpu.memory_space<vmem>> -> memref<1x784xf32, #tpu.memory_space<vmem>>
          %dma_start3A_518 = tpu.memref_squeeze %dma_start3A_517 : memref<1x784xf32, #tpu.memory_space<vmem>> -> memref<784xf32, #tpu.memory_space<vmem>>
          %dma_start3A_519 = arith.constant 0 : i32
          %dma_start3A_520 = tpu.memref_slice %arg2[%add3A_508, %dma_start3A_519] : memref<1024x784xf32, #tpu.memory_space<hbm>> -> memref<1x784xf32, #tpu.memory_space<hbm>>
          %dma_start3A_521 = tpu.memref_squeeze %dma_start3A_520 : memref<1x784xf32, #tpu.memory_space<hbm>> -> memref<784xf32, #tpu.memory_space<hbm>>
          tpu.enqueue_dma source(%dma_start3A_521 : memref<784xf32, #tpu.memory_space<hbm>>) target(%dma_start3A_518 : memref<784xf32, #tpu.memory_space<vmem>>) target_semaphore(%arg11 : memref<!tpu.dma_semaphore, #tpu.memory_space<semaphore_mem>>)
        } else {
        }
        %dma_wait3A_304 = arith.constant 0 : i32
        %dma_wait3A_305 = arith.constant 0 : i32
        %dma_wait3A_306 = tpu.memref_slice %arg7[%dma_wait3A_304, %dma_wait3A_305] : memref<16x128xf32, #tpu.memory_space<vmem>> -> memref<1x128xf32, #tpu.memory_space<vmem>>
        %dma_wait3A_307 = tpu.memref_squeeze %dma_wait3A_306 : memref<1x128xf32, #tpu.memory_space<vmem>> -> memref<128xf32, #tpu.memory_space<vmem>>
        %dma_wait3A_308 = tpu.memref_slice %arg3[%add3A_39, %mul3A_63] : memref<1024x100352xf32, #tpu.memory_space<hbm>> -> memref<1x128xf32, #tpu.memory_space<hbm>>
        %dma_wait3A_309 = tpu.memref_squeeze %dma_wait3A_308 : memref<1x128xf32, #tpu.memory_space<hbm>> -> memref<128xf32, #tpu.memory_space<hbm>>
        %dma_wait3A_310 = arith.constant 0 : i32
        %dma_wait3A_311 = tpu.memref_slice %arg7[%dma_wait3A_304, %dma_wait3A_310] : memref<16x128xf32, #tpu.memory_space<vmem>> -> memref<1x128xf32, #tpu.memory_space<vmem>>
        %dma_wait3A_312 = tpu.memref_squeeze %dma_wait3A_311 : memref<1x128xf32, #tpu.memory_space<vmem>> -> memref<128xf32, #tpu.memory_space<vmem>>
        %dma_wait3A_313 = tpu.memref_slice %arg3[%add3A_39, %mul3A_63] : memref<1024x100352xf32, #tpu.memory_space<hbm>> -> memref<1x128xf32, #tpu.memory_space<hbm>>
        %dma_wait3A_314 = tpu.memref_squeeze %dma_wait3A_313 : memref<1x128xf32, #tpu.memory_space<hbm>> -> memref<128xf32, #tpu.memory_space<hbm>>
        tpu.wait_dma2 semaphore(%arg10 : memref<!tpu.dma_semaphore, #tpu.memory_space<semaphore_mem>>) src(%dma_wait3A_314 : memref<128xf32, #tpu.memory_space<hbm>>) dst(%dma_wait3A_312 : memref<128xf32, #tpu.memory_space<vmem>>)
        %dma_wait3A_315 = arith.constant 1 : i32
        %dma_wait3A_316 = arith.constant 0 : i32
        %dma_wait3A_317 = tpu.memref_slice %arg7[%dma_wait3A_315, %dma_wait3A_316] : memref<16x128xf32, #tpu.memory_space<vmem>> -> memref<1x128xf32, #tpu.memory_space<vmem>>
        %dma_wait3A_318 = tpu.memref_squeeze %dma_wait3A_317 : memref<1x128xf32, #tpu.memory_space<vmem>> -> memref<128xf32, #tpu.memory_space<vmem>>
        %dma_wait3A_319 = tpu.memref_slice %arg3[%add3A_39, %mul3A_78] : memref<1024x100352xf32, #tpu.memory_space<hbm>> -> memref<1x128xf32, #tpu.memory_space<hbm>>
        %dma_wait3A_320 = tpu.memref_squeeze %dma_wait3A_319 : memref<1x128xf32, #tpu.memory_space<hbm>> -> memref<128xf32, #tpu.memory_space<hbm>>
        %dma_wait3A_321 = arith.constant 0 : i32
        %dma_wait3A_322 = tpu.memref_slice %arg7[%dma_wait3A_315, %dma_wait3A_321] : memref<16x128xf32, #tpu.memory_space<vmem>> -> memref<1x128xf32, #tpu.memory_space<vmem>>
        %dma_wait3A_323 = tpu.memref_squeeze %dma_wait3A_322 : memref<1x128xf32, #tpu.memory_space<vmem>> -> memref<128xf32, #tpu.memory_space<vmem>>
        %dma_wait3A_324 = tpu.memref_slice %arg3[%add3A_39, %mul3A_78] : memref<1024x100352xf32, #tpu.memory_space<hbm>> -> memref<1x128xf32, #tpu.memory_space<hbm>>
        %dma_wait3A_325 = tpu.memref_squeeze %dma_wait3A_324 : memref<1x128xf32, #tpu.memory_space<hbm>> -> memref<128xf32, #tpu.memory_space<hbm>>
        tpu.wait_dma2 semaphore(%arg10 : memref<!tpu.dma_semaphore, #tpu.memory_space<semaphore_mem>>) src(%dma_wait3A_325 : memref<128xf32, #tpu.memory_space<hbm>>) dst(%dma_wait3A_323 : memref<128xf32, #tpu.memory_space<vmem>>)
        %dma_wait3A_326 = arith.constant 2 : i32
        %dma_wait3A_327 = arith.constant 0 : i32
        %dma_wait3A_328 = tpu.memref_slice %arg7[%dma_wait3A_326, %dma_wait3A_327] : memref<16x128xf32, #tpu.memory_space<vmem>> -> memref<1x128xf32, #tpu.memory_space<vmem>>
        %dma_wait3A_329 = tpu.memref_squeeze %dma_wait3A_328 : memref<1x128xf32, #tpu.memory_space<vmem>> -> memref<128xf32, #tpu.memory_space<vmem>>
        %dma_wait3A_330 = tpu.memref_slice %arg3[%add3A_39, %mul3A_93] : memref<1024x100352xf32, #tpu.memory_space<hbm>> -> memref<1x128xf32, #tpu.memory_space<hbm>>
        %dma_wait3A_331 = tpu.memref_squeeze %dma_wait3A_330 : memref<1x128xf32, #tpu.memory_space<hbm>> -> memref<128xf32, #tpu.memory_space<hbm>>
        %dma_wait3A_332 = arith.constant 0 : i32
        %dma_wait3A_333 = tpu.memref_slice %arg7[%dma_wait3A_326, %dma_wait3A_332] : memref<16x128xf32, #tpu.memory_space<vmem>> -> memref<1x128xf32, #tpu.memory_space<vmem>>
        %dma_wait3A_334 = tpu.memref_squeeze %dma_wait3A_333 : memref<1x128xf32, #tpu.memory_space<vmem>> -> memref<128xf32, #tpu.memory_space<vmem>>
        %dma_wait3A_335 = tpu.memref_slice %arg3[%add3A_39, %mul3A_93] : memref<1024x100352xf32, #tpu.memory_space<hbm>> -> memref<1x128xf32, #tpu.memory_space<hbm>>
        %dma_wait3A_336 = tpu.memref_squeeze %dma_wait3A_335 : memref<1x128xf32, #tpu.memory_space<hbm>> -> memref<128xf32, #tpu.memory_space<hbm>>
        tpu.wait_dma2 semaphore(%arg10 : memref<!tpu.dma_semaphore, #tpu.memory_space<semaphore_mem>>) src(%dma_wait3A_336 : memref<128xf32, #tpu.memory_space<hbm>>) dst(%dma_wait3A_334 : memref<128xf32, #tpu.memory_space<vmem>>)
        %dma_wait3A_337 = arith.constant 3 : i32
        %dma_wait3A_338 = arith.constant 0 : i32
        %dma_wait3A_339 = tpu.memref_slice %arg7[%dma_wait3A_337, %dma_wait3A_338] : memref<16x128xf32, #tpu.memory_space<vmem>> -> memref<1x128xf32, #tpu.memory_space<vmem>>
        %dma_wait3A_340 = tpu.memref_squeeze %dma_wait3A_339 : memref<1x128xf32, #tpu.memory_space<vmem>> -> memref<128xf32, #tpu.memory_space<vmem>>
        %dma_wait3A_341 = tpu.memref_slice %arg3[%add3A_39, %mul3A_108] : memref<1024x100352xf32, #tpu.memory_space<hbm>> -> memref<1x128xf32, #tpu.memory_space<hbm>>
        %dma_wait3A_342 = tpu.memref_squeeze %dma_wait3A_341 : memref<1x128xf32, #tpu.memory_space<hbm>> -> memref<128xf32, #tpu.memory_space<hbm>>
        %dma_wait3A_343 = arith.constant 0 : i32
        %dma_wait3A_344 = tpu.memref_slice %arg7[%dma_wait3A_337, %dma_wait3A_343] : memref<16x128xf32, #tpu.memory_space<vmem>> -> memref<1x128xf32, #tpu.memory_space<vmem>>
        %dma_wait3A_345 = tpu.memref_squeeze %dma_wait3A_344 : memref<1x128xf32, #tpu.memory_space<vmem>> -> memref<128xf32, #tpu.memory_space<vmem>>
        %dma_wait3A_346 = tpu.memref_slice %arg3[%add3A_39, %mul3A_108] : memref<1024x100352xf32, #tpu.memory_space<hbm>> -> memref<1x128xf32, #tpu.memory_space<hbm>>
        %dma_wait3A_347 = tpu.memref_squeeze %dma_wait3A_346 : memref<1x128xf32, #tpu.memory_space<hbm>> -> memref<128xf32, #tpu.memory_space<hbm>>
        tpu.wait_dma2 semaphore(%arg10 : memref<!tpu.dma_semaphore, #tpu.memory_space<semaphore_mem>>) src(%dma_wait3A_347 : memref<128xf32, #tpu.memory_space<hbm>>) dst(%dma_wait3A_345 : memref<128xf32, #tpu.memory_space<vmem>>)
        %dma_wait3A_348 = arith.constant 4 : i32
        %dma_wait3A_349 = arith.constant 0 : i32
        %dma_wait3A_350 = tpu.memref_slice %arg7[%dma_wait3A_348, %dma_wait3A_349] : memref<16x128xf32, #tpu.memory_space<vmem>> -> memref<1x128xf32, #tpu.memory_space<vmem>>
        %dma_wait3A_351 = tpu.memref_squeeze %dma_wait3A_350 : memref<1x128xf32, #tpu.memory_space<vmem>> -> memref<128xf32, #tpu.memory_space<vmem>>
        %dma_wait3A_352 = tpu.memref_slice %arg3[%add3A_39, %mul3A_123] : memref<1024x100352xf32, #tpu.memory_space<hbm>> -> memref<1x128xf32, #tpu.memory_space<hbm>>
        %dma_wait3A_353 = tpu.memref_squeeze %dma_wait3A_352 : memref<1x128xf32, #tpu.memory_space<hbm>> -> memref<128xf32, #tpu.memory_space<hbm>>
        %dma_wait3A_354 = arith.constant 0 : i32
        %dma_wait3A_355 = tpu.memref_slice %arg7[%dma_wait3A_348, %dma_wait3A_354] : memref<16x128xf32, #tpu.memory_space<vmem>> -> memref<1x128xf32, #tpu.memory_space<vmem>>
        %dma_wait3A_356 = tpu.memref_squeeze %dma_wait3A_355 : memref<1x128xf32, #tpu.memory_space<vmem>> -> memref<128xf32, #tpu.memory_space<vmem>>
        %dma_wait3A_357 = tpu.memref_slice %arg3[%add3A_39, %mul3A_123] : memref<1024x100352xf32, #tpu.memory_space<hbm>> -> memref<1x128xf32, #tpu.memory_space<hbm>>
        %dma_wait3A_358 = tpu.memref_squeeze %dma_wait3A_357 : memref<1x128xf32, #tpu.memory_space<hbm>> -> memref<128xf32, #tpu.memory_space<hbm>>
        tpu.wait_dma2 semaphore(%arg10 : memref<!tpu.dma_semaphore, #tpu.memory_space<semaphore_mem>>) src(%dma_wait3A_358 : memref<128xf32, #tpu.memory_space<hbm>>) dst(%dma_wait3A_356 : memref<128xf32, #tpu.memory_space<vmem>>)
        %dma_wait3A_359 = arith.constant 5 : i32
        %dma_wait3A_360 = arith.constant 0 : i32
        %dma_wait3A_361 = tpu.memref_slice %arg7[%dma_wait3A_359, %dma_wait3A_360] : memref<16x128xf32, #tpu.memory_space<vmem>> -> memref<1x128xf32, #tpu.memory_space<vmem>>
        %dma_wait3A_362 = tpu.memref_squeeze %dma_wait3A_361 : memref<1x128xf32, #tpu.memory_space<vmem>> -> memref<128xf32, #tpu.memory_space<vmem>>
        %dma_wait3A_363 = tpu.memref_slice %arg3[%add3A_39, %mul3A_138] : memref<1024x100352xf32, #tpu.memory_space<hbm>> -> memref<1x128xf32, #tpu.memory_space<hbm>>
        %dma_wait3A_364 = tpu.memref_squeeze %dma_wait3A_363 : memref<1x128xf32, #tpu.memory_space<hbm>> -> memref<128xf32, #tpu.memory_space<hbm>>
        %dma_wait3A_365 = arith.constant 0 : i32
        %dma_wait3A_366 = tpu.memref_slice %arg7[%dma_wait3A_359, %dma_wait3A_365] : memref<16x128xf32, #tpu.memory_space<vmem>> -> memref<1x128xf32, #tpu.memory_space<vmem>>
        %dma_wait3A_367 = tpu.memref_squeeze %dma_wait3A_366 : memref<1x128xf32, #tpu.memory_space<vmem>> -> memref<128xf32, #tpu.memory_space<vmem>>
        %dma_wait3A_368 = tpu.memref_slice %arg3[%add3A_39, %mul3A_138] : memref<1024x100352xf32, #tpu.memory_space<hbm>> -> memref<1x128xf32, #tpu.memory_space<hbm>>
        %dma_wait3A_369 = tpu.memref_squeeze %dma_wait3A_368 : memref<1x128xf32, #tpu.memory_space<hbm>> -> memref<128xf32, #tpu.memory_space<hbm>>
        tpu.wait_dma2 semaphore(%arg10 : memref<!tpu.dma_semaphore, #tpu.memory_space<semaphore_mem>>) src(%dma_wait3A_369 : memref<128xf32, #tpu.memory_space<hbm>>) dst(%dma_wait3A_367 : memref<128xf32, #tpu.memory_space<vmem>>)
        %dma_wait3A_370 = arith.constant 6 : i32
        %dma_wait3A_371 = arith.constant 0 : i32
        %dma_wait3A_372 = tpu.memref_slice %arg7[%dma_wait3A_370, %dma_wait3A_371] : memref<16x128xf32, #tpu.memory_space<vmem>> -> memref<1x128xf32, #tpu.memory_space<vmem>>
        %dma_wait3A_373 = tpu.memref_squeeze %dma_wait3A_372 : memref<1x128xf32, #tpu.memory_space<vmem>> -> memref<128xf32, #tpu.memory_space<vmem>>
        %dma_wait3A_374 = tpu.memref_slice %arg3[%add3A_39, %mul3A_153] : memref<1024x100352xf32, #tpu.memory_space<hbm>> -> memref<1x128xf32, #tpu.memory_space<hbm>>
        %dma_wait3A_375 = tpu.memref_squeeze %dma_wait3A_374 : memref<1x128xf32, #tpu.memory_space<hbm>> -> memref<128xf32, #tpu.memory_space<hbm>>
        %dma_wait3A_376 = arith.constant 0 : i32
        %dma_wait3A_377 = tpu.memref_slice %arg7[%dma_wait3A_370, %dma_wait3A_376] : memref<16x128xf32, #tpu.memory_space<vmem>> -> memref<1x128xf32, #tpu.memory_space<vmem>>
        %dma_wait3A_378 = tpu.memref_squeeze %dma_wait3A_377 : memref<1x128xf32, #tpu.memory_space<vmem>> -> memref<128xf32, #tpu.memory_space<vmem>>
        %dma_wait3A_379 = tpu.memref_slice %arg3[%add3A_39, %mul3A_153] : memref<1024x100352xf32, #tpu.memory_space<hbm>> -> memref<1x128xf32, #tpu.memory_space<hbm>>
        %dma_wait3A_380 = tpu.memref_squeeze %dma_wait3A_379 : memref<1x128xf32, #tpu.memory_space<hbm>> -> memref<128xf32, #tpu.memory_space<hbm>>
        tpu.wait_dma2 semaphore(%arg10 : memref<!tpu.dma_semaphore, #tpu.memory_space<semaphore_mem>>) src(%dma_wait3A_380 : memref<128xf32, #tpu.memory_space<hbm>>) dst(%dma_wait3A_378 : memref<128xf32, #tpu.memory_space<vmem>>)
        %dma_wait3A_381 = arith.constant 7 : i32
        %dma_wait3A_382 = arith.constant 0 : i32
        %dma_wait3A_383 = tpu.memref_slice %arg7[%dma_wait3A_381, %dma_wait3A_382] : memref<16x128xf32, #tpu.memory_space<vmem>> -> memref<1x128xf32, #tpu.memory_space<vmem>>
        %dma_wait3A_384 = tpu.memref_squeeze %dma_wait3A_383 : memref<1x128xf32, #tpu.memory_space<vmem>> -> memref<128xf32, #tpu.memory_space<vmem>>
        %dma_wait3A_385 = tpu.memref_slice %arg3[%add3A_39, %mul3A_168] : memref<1024x100352xf32, #tpu.memory_space<hbm>> -> memref<1x128xf32, #tpu.memory_space<hbm>>
        %dma_wait3A_386 = tpu.memref_squeeze %dma_wait3A_385 : memref<1x128xf32, #tpu.memory_space<hbm>> -> memref<128xf32, #tpu.memory_space<hbm>>
        %dma_wait3A_387 = arith.constant 0 : i32
        %dma_wait3A_388 = tpu.memref_slice %arg7[%dma_wait3A_381, %dma_wait3A_387] : memref<16x128xf32, #tpu.memory_space<vmem>> -> memref<1x128xf32, #tpu.memory_space<vmem>>
        %dma_wait3A_389 = tpu.memref_squeeze %dma_wait3A_388 : memref<1x128xf32, #tpu.memory_space<vmem>> -> memref<128xf32, #tpu.memory_space<vmem>>
        %dma_wait3A_390 = tpu.memref_slice %arg3[%add3A_39, %mul3A_168] : memref<1024x100352xf32, #tpu.memory_space<hbm>> -> memref<1x128xf32, #tpu.memory_space<hbm>>
        %dma_wait3A_391 = tpu.memref_squeeze %dma_wait3A_390 : memref<1x128xf32, #tpu.memory_space<hbm>> -> memref<128xf32, #tpu.memory_space<hbm>>
        tpu.wait_dma2 semaphore(%arg10 : memref<!tpu.dma_semaphore, #tpu.memory_space<semaphore_mem>>) src(%dma_wait3A_391 : memref<128xf32, #tpu.memory_space<hbm>>) dst(%dma_wait3A_389 : memref<128xf32, #tpu.memory_space<vmem>>)
        %dma_wait3A_392 = arith.constant 8 : i32
        %dma_wait3A_393 = arith.constant 0 : i32
        %dma_wait3A_394 = tpu.memref_slice %arg7[%dma_wait3A_392, %dma_wait3A_393] : memref<16x128xf32, #tpu.memory_space<vmem>> -> memref<1x128xf32, #tpu.memory_space<vmem>>
        %dma_wait3A_395 = tpu.memref_squeeze %dma_wait3A_394 : memref<1x128xf32, #tpu.memory_space<vmem>> -> memref<128xf32, #tpu.memory_space<vmem>>
        %dma_wait3A_396 = tpu.memref_slice %arg3[%add3A_39, %mul3A_183] : memref<1024x100352xf32, #tpu.memory_space<hbm>> -> memref<1x128xf32, #tpu.memory_space<hbm>>
        %dma_wait3A_397 = tpu.memref_squeeze %dma_wait3A_396 : memref<1x128xf32, #tpu.memory_space<hbm>> -> memref<128xf32, #tpu.memory_space<hbm>>
        %dma_wait3A_398 = arith.constant 0 : i32
        %dma_wait3A_399 = tpu.memref_slice %arg7[%dma_wait3A_392, %dma_wait3A_398] : memref<16x128xf32, #tpu.memory_space<vmem>> -> memref<1x128xf32, #tpu.memory_space<vmem>>
        %dma_wait3A_400 = tpu.memref_squeeze %dma_wait3A_399 : memref<1x128xf32, #tpu.memory_space<vmem>> -> memref<128xf32, #tpu.memory_space<vmem>>
        %dma_wait3A_401 = tpu.memref_slice %arg3[%add3A_39, %mul3A_183] : memref<1024x100352xf32, #tpu.memory_space<hbm>> -> memref<1x128xf32, #tpu.memory_space<hbm>>
        %dma_wait3A_402 = tpu.memref_squeeze %dma_wait3A_401 : memref<1x128xf32, #tpu.memory_space<hbm>> -> memref<128xf32, #tpu.memory_space<hbm>>
        tpu.wait_dma2 semaphore(%arg10 : memref<!tpu.dma_semaphore, #tpu.memory_space<semaphore_mem>>) src(%dma_wait3A_402 : memref<128xf32, #tpu.memory_space<hbm>>) dst(%dma_wait3A_400 : memref<128xf32, #tpu.memory_space<vmem>>)
        %dma_wait3A_403 = arith.constant 9 : i32
        %dma_wait3A_404 = arith.constant 0 : i32
        %dma_wait3A_405 = tpu.memref_slice %arg7[%dma_wait3A_403, %dma_wait3A_404] : memref<16x128xf32, #tpu.memory_space<vmem>> -> memref<1x128xf32, #tpu.memory_space<vmem>>
        %dma_wait3A_406 = tpu.memref_squeeze %dma_wait3A_405 : memref<1x128xf32, #tpu.memory_space<vmem>> -> memref<128xf32, #tpu.memory_space<vmem>>
        %dma_wait3A_407 = tpu.memref_slice %arg3[%add3A_39, %mul3A_198] : memref<1024x100352xf32, #tpu.memory_space<hbm>> -> memref<1x128xf32, #tpu.memory_space<hbm>>
        %dma_wait3A_408 = tpu.memref_squeeze %dma_wait3A_407 : memref<1x128xf32, #tpu.memory_space<hbm>> -> memref<128xf32, #tpu.memory_space<hbm>>
        %dma_wait3A_409 = arith.constant 0 : i32
        %dma_wait3A_410 = tpu.memref_slice %arg7[%dma_wait3A_403, %dma_wait3A_409] : memref<16x128xf32, #tpu.memory_space<vmem>> -> memref<1x128xf32, #tpu.memory_space<vmem>>
        %dma_wait3A_411 = tpu.memref_squeeze %dma_wait3A_410 : memref<1x128xf32, #tpu.memory_space<vmem>> -> memref<128xf32, #tpu.memory_space<vmem>>
        %dma_wait3A_412 = tpu.memref_slice %arg3[%add3A_39, %mul3A_198] : memref<1024x100352xf32, #tpu.memory_space<hbm>> -> memref<1x128xf32, #tpu.memory_space<hbm>>
        %dma_wait3A_413 = tpu.memref_squeeze %dma_wait3A_412 : memref<1x128xf32, #tpu.memory_space<hbm>> -> memref<128xf32, #tpu.memory_space<hbm>>
        tpu.wait_dma2 semaphore(%arg10 : memref<!tpu.dma_semaphore, #tpu.memory_space<semaphore_mem>>) src(%dma_wait3A_413 : memref<128xf32, #tpu.memory_space<hbm>>) dst(%dma_wait3A_411 : memref<128xf32, #tpu.memory_space<vmem>>)
        %dma_wait3A_414 = arith.constant 10 : i32
        %dma_wait3A_415 = arith.constant 0 : i32
        %dma_wait3A_416 = tpu.memref_slice %arg7[%dma_wait3A_414, %dma_wait3A_415] : memref<16x128xf32, #tpu.memory_space<vmem>> -> memref<1x128xf32, #tpu.memory_space<vmem>>
        %dma_wait3A_417 = tpu.memref_squeeze %dma_wait3A_416 : memref<1x128xf32, #tpu.memory_space<vmem>> -> memref<128xf32, #tpu.memory_space<vmem>>
        %dma_wait3A_418 = tpu.memref_slice %arg3[%add3A_39, %mul3A_213] : memref<1024x100352xf32, #tpu.memory_space<hbm>> -> memref<1x128xf32, #tpu.memory_space<hbm>>
        %dma_wait3A_419 = tpu.memref_squeeze %dma_wait3A_418 : memref<1x128xf32, #tpu.memory_space<hbm>> -> memref<128xf32, #tpu.memory_space<hbm>>
        %dma_wait3A_420 = arith.constant 0 : i32
        %dma_wait3A_421 = tpu.memref_slice %arg7[%dma_wait3A_414, %dma_wait3A_420] : memref<16x128xf32, #tpu.memory_space<vmem>> -> memref<1x128xf32, #tpu.memory_space<vmem>>
        %dma_wait3A_422 = tpu.memref_squeeze %dma_wait3A_421 : memref<1x128xf32, #tpu.memory_space<vmem>> -> memref<128xf32, #tpu.memory_space<vmem>>
        %dma_wait3A_423 = tpu.memref_slice %arg3[%add3A_39, %mul3A_213] : memref<1024x100352xf32, #tpu.memory_space<hbm>> -> memref<1x128xf32, #tpu.memory_space<hbm>>
        %dma_wait3A_424 = tpu.memref_squeeze %dma_wait3A_423 : memref<1x128xf32, #tpu.memory_space<hbm>> -> memref<128xf32, #tpu.memory_space<hbm>>
        tpu.wait_dma2 semaphore(%arg10 : memref<!tpu.dma_semaphore, #tpu.memory_space<semaphore_mem>>) src(%dma_wait3A_424 : memref<128xf32, #tpu.memory_space<hbm>>) dst(%dma_wait3A_422 : memref<128xf32, #tpu.memory_space<vmem>>)
        %dma_wait3A_425 = arith.constant 11 : i32
        %dma_wait3A_426 = arith.constant 0 : i32
        %dma_wait3A_427 = tpu.memref_slice %arg7[%dma_wait3A_425, %dma_wait3A_426] : memref<16x128xf32, #tpu.memory_space<vmem>> -> memref<1x128xf32, #tpu.memory_space<vmem>>
        %dma_wait3A_428 = tpu.memref_squeeze %dma_wait3A_427 : memref<1x128xf32, #tpu.memory_space<vmem>> -> memref<128xf32, #tpu.memory_space<vmem>>
        %dma_wait3A_429 = tpu.memref_slice %arg3[%add3A_39, %mul3A_228] : memref<1024x100352xf32, #tpu.memory_space<hbm>> -> memref<1x128xf32, #tpu.memory_space<hbm>>
        %dma_wait3A_430 = tpu.memref_squeeze %dma_wait3A_429 : memref<1x128xf32, #tpu.memory_space<hbm>> -> memref<128xf32, #tpu.memory_space<hbm>>
        %dma_wait3A_431 = arith.constant 0 : i32
        %dma_wait3A_432 = tpu.memref_slice %arg7[%dma_wait3A_425, %dma_wait3A_431] : memref<16x128xf32, #tpu.memory_space<vmem>> -> memref<1x128xf32, #tpu.memory_space<vmem>>
        %dma_wait3A_433 = tpu.memref_squeeze %dma_wait3A_432 : memref<1x128xf32, #tpu.memory_space<vmem>> -> memref<128xf32, #tpu.memory_space<vmem>>
        %dma_wait3A_434 = tpu.memref_slice %arg3[%add3A_39, %mul3A_228] : memref<1024x100352xf32, #tpu.memory_space<hbm>> -> memref<1x128xf32, #tpu.memory_space<hbm>>
        %dma_wait3A_435 = tpu.memref_squeeze %dma_wait3A_434 : memref<1x128xf32, #tpu.memory_space<hbm>> -> memref<128xf32, #tpu.memory_space<hbm>>
        tpu.wait_dma2 semaphore(%arg10 : memref<!tpu.dma_semaphore, #tpu.memory_space<semaphore_mem>>) src(%dma_wait3A_435 : memref<128xf32, #tpu.memory_space<hbm>>) dst(%dma_wait3A_433 : memref<128xf32, #tpu.memory_space<vmem>>)
        %dma_wait3A_436 = arith.constant 12 : i32
        %dma_wait3A_437 = arith.constant 0 : i32
        %dma_wait3A_438 = tpu.memref_slice %arg7[%dma_wait3A_436, %dma_wait3A_437] : memref<16x128xf32, #tpu.memory_space<vmem>> -> memref<1x128xf32, #tpu.memory_space<vmem>>
        %dma_wait3A_439 = tpu.memref_squeeze %dma_wait3A_438 : memref<1x128xf32, #tpu.memory_space<vmem>> -> memref<128xf32, #tpu.memory_space<vmem>>
        %dma_wait3A_440 = tpu.memref_slice %arg3[%add3A_39, %mul3A_243] : memref<1024x100352xf32, #tpu.memory_space<hbm>> -> memref<1x128xf32, #tpu.memory_space<hbm>>
        %dma_wait3A_441 = tpu.memref_squeeze %dma_wait3A_440 : memref<1x128xf32, #tpu.memory_space<hbm>> -> memref<128xf32, #tpu.memory_space<hbm>>
        %dma_wait3A_442 = arith.constant 0 : i32
        %dma_wait3A_443 = tpu.memref_slice %arg7[%dma_wait3A_436, %dma_wait3A_442] : memref<16x128xf32, #tpu.memory_space<vmem>> -> memref<1x128xf32, #tpu.memory_space<vmem>>
        %dma_wait3A_444 = tpu.memref_squeeze %dma_wait3A_443 : memref<1x128xf32, #tpu.memory_space<vmem>> -> memref<128xf32, #tpu.memory_space<vmem>>
        %dma_wait3A_445 = tpu.memref_slice %arg3[%add3A_39, %mul3A_243] : memref<1024x100352xf32, #tpu.memory_space<hbm>> -> memref<1x128xf32, #tpu.memory_space<hbm>>
        %dma_wait3A_446 = tpu.memref_squeeze %dma_wait3A_445 : memref<1x128xf32, #tpu.memory_space<hbm>> -> memref<128xf32, #tpu.memory_space<hbm>>
        tpu.wait_dma2 semaphore(%arg10 : memref<!tpu.dma_semaphore, #tpu.memory_space<semaphore_mem>>) src(%dma_wait3A_446 : memref<128xf32, #tpu.memory_space<hbm>>) dst(%dma_wait3A_444 : memref<128xf32, #tpu.memory_space<vmem>>)
        %dma_wait3A_447 = arith.constant 13 : i32
        %dma_wait3A_448 = arith.constant 0 : i32
        %dma_wait3A_449 = tpu.memref_slice %arg7[%dma_wait3A_447, %dma_wait3A_448] : memref<16x128xf32, #tpu.memory_space<vmem>> -> memref<1x128xf32, #tpu.memory_space<vmem>>
        %dma_wait3A_450 = tpu.memref_squeeze %dma_wait3A_449 : memref<1x128xf32, #tpu.memory_space<vmem>> -> memref<128xf32, #tpu.memory_space<vmem>>
        %dma_wait3A_451 = tpu.memref_slice %arg3[%add3A_39, %mul3A_258] : memref<1024x100352xf32, #tpu.memory_space<hbm>> -> memref<1x128xf32, #tpu.memory_space<hbm>>
        %dma_wait3A_452 = tpu.memref_squeeze %dma_wait3A_451 : memref<1x128xf32, #tpu.memory_space<hbm>> -> memref<128xf32, #tpu.memory_space<hbm>>
        %dma_wait3A_453 = arith.constant 0 : i32
        %dma_wait3A_454 = tpu.memref_slice %arg7[%dma_wait3A_447, %dma_wait3A_453] : memref<16x128xf32, #tpu.memory_space<vmem>> -> memref<1x128xf32, #tpu.memory_space<vmem>>
        %dma_wait3A_455 = tpu.memref_squeeze %dma_wait3A_454 : memref<1x128xf32, #tpu.memory_space<vmem>> -> memref<128xf32, #tpu.memory_space<vmem>>
        %dma_wait3A_456 = tpu.memref_slice %arg3[%add3A_39, %mul3A_258] : memref<1024x100352xf32, #tpu.memory_space<hbm>> -> memref<1x128xf32, #tpu.memory_space<hbm>>
        %dma_wait3A_457 = tpu.memref_squeeze %dma_wait3A_456 : memref<1x128xf32, #tpu.memory_space<hbm>> -> memref<128xf32, #tpu.memory_space<hbm>>
        tpu.wait_dma2 semaphore(%arg10 : memref<!tpu.dma_semaphore, #tpu.memory_space<semaphore_mem>>) src(%dma_wait3A_457 : memref<128xf32, #tpu.memory_space<hbm>>) dst(%dma_wait3A_455 : memref<128xf32, #tpu.memory_space<vmem>>)
        %dma_wait3A_458 = arith.constant 14 : i32
        %dma_wait3A_459 = arith.constant 0 : i32
        %dma_wait3A_460 = tpu.memref_slice %arg7[%dma_wait3A_458, %dma_wait3A_459] : memref<16x128xf32, #tpu.memory_space<vmem>> -> memref<1x128xf32, #tpu.memory_space<vmem>>
        %dma_wait3A_461 = tpu.memref_squeeze %dma_wait3A_460 : memref<1x128xf32, #tpu.memory_space<vmem>> -> memref<128xf32, #tpu.memory_space<vmem>>
        %dma_wait3A_462 = tpu.memref_slice %arg3[%add3A_39, %mul3A_273] : memref<1024x100352xf32, #tpu.memory_space<hbm>> -> memref<1x128xf32, #tpu.memory_space<hbm>>
        %dma_wait3A_463 = tpu.memref_squeeze %dma_wait3A_462 : memref<1x128xf32, #tpu.memory_space<hbm>> -> memref<128xf32, #tpu.memory_space<hbm>>
        %dma_wait3A_464 = arith.constant 0 : i32
        %dma_wait3A_465 = tpu.memref_slice %arg7[%dma_wait3A_458, %dma_wait3A_464] : memref<16x128xf32, #tpu.memory_space<vmem>> -> memref<1x128xf32, #tpu.memory_space<vmem>>
        %dma_wait3A_466 = tpu.memref_squeeze %dma_wait3A_465 : memref<1x128xf32, #tpu.memory_space<vmem>> -> memref<128xf32, #tpu.memory_space<vmem>>
        %dma_wait3A_467 = tpu.memref_slice %arg3[%add3A_39, %mul3A_273] : memref<1024x100352xf32, #tpu.memory_space<hbm>> -> memref<1x128xf32, #tpu.memory_space<hbm>>
        %dma_wait3A_468 = tpu.memref_squeeze %dma_wait3A_467 : memref<1x128xf32, #tpu.memory_space<hbm>> -> memref<128xf32, #tpu.memory_space<hbm>>
        tpu.wait_dma2 semaphore(%arg10 : memref<!tpu.dma_semaphore, #tpu.memory_space<semaphore_mem>>) src(%dma_wait3A_468 : memref<128xf32, #tpu.memory_space<hbm>>) dst(%dma_wait3A_466 : memref<128xf32, #tpu.memory_space<vmem>>)
        %dma_wait3A_469 = arith.constant 15 : i32
        %dma_wait3A_470 = arith.constant 0 : i32
        %dma_wait3A_471 = tpu.memref_slice %arg7[%dma_wait3A_469, %dma_wait3A_470] : memref<16x128xf32, #tpu.memory_space<vmem>> -> memref<1x128xf32, #tpu.memory_space<vmem>>
        %dma_wait3A_472 = tpu.memref_squeeze %dma_wait3A_471 : memref<1x128xf32, #tpu.memory_space<vmem>> -> memref<128xf32, #tpu.memory_space<vmem>>
        %dma_wait3A_473 = tpu.memref_slice %arg3[%add3A_39, %mul3A_288] : memref<1024x100352xf32, #tpu.memory_space<hbm>> -> memref<1x128xf32, #tpu.memory_space<hbm>>
        %dma_wait3A_474 = tpu.memref_squeeze %dma_wait3A_473 : memref<1x128xf32, #tpu.memory_space<hbm>> -> memref<128xf32, #tpu.memory_space<hbm>>
        %dma_wait3A_475 = arith.constant 0 : i32
        %dma_wait3A_476 = tpu.memref_slice %arg7[%dma_wait3A_469, %dma_wait3A_475] : memref<16x128xf32, #tpu.memory_space<vmem>> -> memref<1x128xf32, #tpu.memory_space<vmem>>
        %dma_wait3A_477 = tpu.memref_squeeze %dma_wait3A_476 : memref<1x128xf32, #tpu.memory_space<vmem>> -> memref<128xf32, #tpu.memory_space<vmem>>
        %dma_wait3A_478 = tpu.memref_slice %arg3[%add3A_39, %mul3A_288] : memref<1024x100352xf32, #tpu.memory_space<hbm>> -> memref<1x128xf32, #tpu.memory_space<hbm>>
        %dma_wait3A_479 = tpu.memref_squeeze %dma_wait3A_478 : memref<1x128xf32, #tpu.memory_space<hbm>> -> memref<128xf32, #tpu.memory_space<hbm>>
        tpu.wait_dma2 semaphore(%arg10 : memref<!tpu.dma_semaphore, #tpu.memory_space<semaphore_mem>>) src(%dma_wait3A_479 : memref<128xf32, #tpu.memory_space<hbm>>) dst(%dma_wait3A_477 : memref<128xf32, #tpu.memory_space<vmem>>)
        %scan3A_480 = arith.constant 0 : i32
        %scan3A_481 = arith.constant 16 : i32
        %scan3A_482 = arith.addi %scan3A_480, %scan3A_481 : i32
        %scan3A_483 = arith.constant 1 : i32
        %scan3A_484:2 = scf.for %scan3A_507 = %scan3A_480 to %scan3A_482 step %scan3A_483 iter_args(%scan3A_508 = %broadcast_in_dim3A_53, %scan3A_509 = %broadcast_in_dim3A_55) -> (vector<16xf32>, vector<16xi32>)  : i32 {
          %scan3A_510 = arith.constant 0 : i32
          %scan3A_511 = arith.constant 8 : i32
          %scan3A_512 = arith.addi %scan3A_510, %scan3A_511 : i32
          %scan3A_513 = arith.constant 1 : i32
          %scan3A_514:2 = scf.for %scan3A_516 = %scan3A_510 to %scan3A_512 step %scan3A_513 iter_args(%scan3A_517 = %scan3A_508, %scan3A_518 = %scan3A_509) -> (vector<16xf32>, vector<16xi32>)  : i32 {
            %mul3A_519 = arith.constant 16 : i32
            %mul3A_520 = arith.muli %scan3A_516, %mul3A_519 : i32
            %get3A = arith.index_cast %scan3A_507 : i32 to index
            %get3A_521 = arith.index_cast %mul3A_520 : i32 to index
            %get3A_522 = tpu.vector_load %arg7[%get3A, %get3A_521] {strides = array<i32>} : memref<16x128xf32, #tpu.memory_space<vmem>>, vector<16xf32>,
            %mul3A_523 = arith.constant 128 : i32
            %mul3A_524 = arith.muli %scan3A_507, %mul3A_523 : i32
            %mul3A_525 = arith.constant 16 : i32
            %mul3A_526 = arith.muli %scan3A_516, %mul3A_525 : i32
            %add3A_527 = arith.addi %mul3A_524, %mul3A_526 : i32
            %iota3A_528 = tpu.iota {dimensions = array<i32: 0>} : vector<16xi32>
            %add3A_529 = vector.broadcast %add3A_527 : i32 to vector<16xi32>
            %add3A_530 = arith.addi %add3A_529, %iota3A_528 : vector<16xi32>
            %masked_sort3A = arith.constant dense<true> : vector<16xi1>
            %masked_sort3A_531, %masked_sort3A_532, %masked_sort3A_533 = tpu.sort %get3A_522, %add3A_530 masked %masked_sort3A {descending = true} : (vector<16xf32>, vector<16xi32>, vector<16xi1>) -> (vector<16xi1>, vector<16xf32>, vector<16xi32>)
            %lt3A_534 = arith.cmpf olt, %masked_sort3A_532, %scan3A_517 : vector<16xf32>
            %select_n3A_535 = arith.select %lt3A_534, %masked_sort3A_532, %scan3A_517 : vector<16xi1>, vector<16xf32>
            %select_n3A_536 = arith.select %lt3A_534, %masked_sort3A_533, %scan3A_518 : vector<16xi1>, vector<16xi32>
            %masked_sort3A_537 = arith.constant dense<true> : vector<16xi1>
            %masked_sort3A_538, %masked_sort3A_539, %masked_sort3A_540 = tpu.sort %select_n3A_535, %select_n3A_536 masked %masked_sort3A_537 : (vector<16xf32>, vector<16xi32>, vector<16xi1>) -> (vector<16xi1>, vector<16xf32>, vector<16xi32>)
            scf.yield %masked_sort3A_539, %masked_sort3A_540 : vector<16xf32>, vector<16xi32>
          }
          %scan3A_515 = arith.constant 8 : i32
          scf.yield %scan3A_514#0, %scan3A_514#1 : vector<16xf32>, vector<16xi32>
        }
        %scan3A_485 = arith.constant 16 : i32
        %shift_right_logical3A = arith.constant 7 : i32
        %shift_right_logical3A_486 = vector.broadcast %shift_right_logical3A : i32 to vector<16xi32>
        %shift_right_logical3A_487 = arith.shrui %scan3A_484#1, %shift_right_logical3A_486 : vector<16xi32>
        %broadcast_in_dim3A_488 = vector.shape_cast %shift_right_logical3A_487 : vector<16xi32> to vector<16x1xi32>
        %gather3A = vector.shape_cast %broadcast_in_dim3A_488 : vector<16x1xi32> to vector<16xi32>
        %gather3A_489 = tpu.dynamic_gather %scan3A_60#1[%gather3A] in [0] : vector<16xi32>, vector<16xi32> -> vector<16xi32>
        %mul3A_490 = arith.constant 128 : i32
        %mul3A_491 = vector.broadcast %mul3A_490 : i32 to vector<16xi32>
        %mul3A_492 = arith.muli %gather3A_489, %mul3A_491 : vector<16xi32>
        %and3A_493 = arith.constant 127 : i32
        %and3A_494 = vector.broadcast %and3A_493 : i32 to vector<16xi32>
        %and3A_495 = arith.andi %scan3A_484#1, %and3A_494 : vector<16xi32>
        %add3A_496 = arith.addi %mul3A_492, %and3A_495 : vector<16xi32>
        %gather3A_497 = tpu.vector_load_idx %arg8[%add3A_496] : memref<100352xf32, #tpu.memory_space<vmem>>[vector<16xi32>], vector<16xf32>,
        %reduce_sum3A = arith.constant true
        %reduce_sum3A_498 = vector.broadcast %reduce_sum3A : i1 to vector<16xi1>
        %reduce_sum3A_499 = tpu.scan <sum>, %gather3A_497 masked %reduce_sum3A_498 : vector<16xf32>, vector<16xi1> -> vector<16xf32>
        %reduce_sum3A_500 = vector.extract %reduce_sum3A_499[15] : f32 from vector<16xf32>
        %mul3A_501 = arith.constant 6.250000e-02 : f32
        %mul3A_502 = arith.mulf %reduce_sum3A_500, %mul3A_501 : f32
        %iota3A = tpu.iota {dimensions = array<i32: 0>} : vector<16xi32>
        %and3A_503 = arith.constant 15 : i32
        %and3A_504 = arith.andi %add3A_38, %and3A_503 : i32
        %eq3A = vector.broadcast %and3A_504 : i32 to vector<16xi32>
        %eq3A_505 = arith.cmpi eq, %iota3A, %eq3A : vector<16xi32>
        %broadcast_in_dim3A_506 = vector.broadcast %mul3A_502 : f32 to vector<16xf32>
        %select_n3A = arith.select %eq3A_505, %broadcast_in_dim3A_506, %scan3A_35 : vector<16xi1>, vector<16xf32>
        scf.yield %select_n3A : vector<16xf32>
      }
      %scan3A_29 = arith.constant 16 : i32
      %mul3A_30 = arith.constant 16 : i32
      %mul3A_31 = arith.muli %scan3A_21, %mul3A_30 : i32
      %swap3A = arith.index_cast %mul3A_31 : i32 to index
      %swap3A_32 = tpu.vector_load %arg9[%swap3A] {strides = array<i32>} : memref<32xf32, #tpu.memory_space<vmem>>, vector<16xf32>,
      tpu.vector_store %arg9[%swap3A], %scan3A_28 {strides = array<i32>} : memref<32xf32, #tpu.memory_space<vmem>>, vector<16xf32>,
      %scan3A_33 = arith.constant 0 : i32
      scf.yield %scan3A_33 : i32
    }
    %scan3A_20 = arith.constant 2 : i32
    "tpu.region"() ({
      %run_scoped3A = tpu.sem_alloc : memref<!tpu.dma_semaphore, #tpu.memory_space<semaphore_mem>>
      %dma_start3A_21 = tpu.memref_slice %arg5[%mul3A_2] : memref<1024xf32, #tpu.memory_space<hbm>> -> memref<32xf32, #tpu.memory_space<hbm>>
      %dma_start3A_22 = tpu.memref_slice %arg5[%mul3A_2] : memref<1024xf32, #tpu.memory_space<hbm>> -> memref<32xf32, #tpu.memory_space<hbm>>
      tpu.enqueue_dma source(%arg9 : memref<32xf32, #tpu.memory_space<vmem>>) target(%dma_start3A_22 : memref<32xf32, #tpu.memory_space<hbm>>) target_semaphore(%run_scoped3A : memref<!tpu.dma_semaphore, #tpu.memory_space<semaphore_mem>>)
      %dma_wait3A = tpu.memref_slice %arg5[%mul3A_2] : memref<1024xf32, #tpu.memory_space<hbm>> -> memref<32xf32, #tpu.memory_space<hbm>>
      %dma_wait3A_23 = tpu.memref_slice %arg5[%mul3A_2] : memref<1024xf32, #tpu.memory_space<hbm>> -> memref<32xf32, #tpu.memory_space<hbm>>
      tpu.wait_dma2 semaphore(%run_scoped3A : memref<!tpu.dma_semaphore, #tpu.memory_space<semaphore_mem>>) src(%arg9 : memref<32xf32, #tpu.memory_space<vmem>>) dst(%dma_wait3A_23 : memref<32xf32, #tpu.memory_space<hbm>>)
      tpu.yield
    }) : () -> ()
    return
  }
}

#map = affine_map<(d0, d1) -> (0, 0)>
#map1 = affine_map<(d0, d1) -> (0)>
module attributes {stable_mosaic.version = 14 : i64} {
  func.func @body(%arg0: i32, %arg1: i32, %arg2: memref<1024x784xf32, #tpu.memory_space<hbm>>, %arg3: memref<1024x100352xf32, #tpu.memory_space<hbm>>, %arg4: memref<100352xf32, #tpu.memory_space<hbm>>, %arg5: memref<1024xf32, #tpu.memory_space<hbm>>, %arg6: memref<2x784xf32, #tpu.memory_space<vmem>>, %arg7: memref<16x128xf32, #tpu.memory_space<vmem>>, %arg8: memref<100352xf32, #tpu.memory_space<vmem>>, %arg9: memref<32xf32, #tpu.memory_space<vmem>>, %arg10: memref<!tpu.dma_semaphore, #tpu.memory_space<semaphore_mem>>, %arg11: memref<!tpu.dma_semaphore, #tpu.memory_space<semaphore_mem>>) attributes {dimension_semantics = [#tpu.dimension_semantics<core_parallel>, #tpu.dimension_semantics<subcore_parallel>], iteration_bounds = array<i64: 2, 16>, scalar_prefetch = 0 : i64, scratch_operands = 6 : i64, tpu.core_type = #tpu.core_type<sc_vector_subcore>, window_params = [{transform_indices = #map}, {transform_indices = #map}, {transform_indices = #map1}, {transform_indices = #map1}]} {
    %mul3A = arith.constant 2 : i32
    %mul3A_0 = arith.muli %arg1, %mul3A : i32
    %add3A = arith.addi %mul3A_0, %arg0 : i32
    %mul3A_1 = arith.constant 32 : i32
    %mul3A_2 = arith.muli %add3A, %mul3A_1 : i32
    %dma_start3A = arith.constant 0 : i32
    %dma_start3A_3 = arith.constant 0 : i32
    %dma_start3A_4 = tpu.memref_slice %arg6[%dma_start3A, %dma_start3A_3] : memref<2x784xf32, #tpu.memory_space<vmem>> -> memref<1x784xf32, #tpu.memory_space<vmem>>
    %dma_start3A_5 = tpu.memref_squeeze %dma_start3A_4 : memref<1x784xf32, #tpu.memory_space<vmem>> -> memref<784xf32, #tpu.memory_space<vmem>>
    %dma_start3A_6 = arith.constant 0 : i32
    %dma_start3A_7 = tpu.memref_slice %arg2[%mul3A_2, %dma_start3A_6] : memref<1024x784xf32, #tpu.memory_space<hbm>> -> memref<1x784xf32, #tpu.memory_space<hbm>>
    %dma_start3A_8 = tpu.memref_squeeze %dma_start3A_7 : memref<1x784xf32, #tpu.memory_space<hbm>> -> memref<784xf32, #tpu.memory_space<hbm>>
    %dma_start3A_9 = arith.constant 0 : i32
    %dma_start3A_10 = tpu.memref_slice %arg6[%dma_start3A, %dma_start3A_9] : memref<2x784xf32, #tpu.memory_space<vmem>> -> memref<1x784xf32, #tpu.memory_space<vmem>>
    %dma_start3A_11 = tpu.memref_squeeze %dma_start3A_10 : memref<1x784xf32, #tpu.memory_space<vmem>> -> memref<784xf32, #tpu.memory_space<vmem>>
    %dma_start3A_12 = arith.constant 0 : i32
    %dma_start3A_13 = tpu.memref_slice %arg2[%mul3A_2, %dma_start3A_12] : memref<1024x784xf32, #tpu.memory_space<hbm>> -> memref<1x784xf32, #tpu.memory_space<hbm>>
    %dma_start3A_14 = tpu.memref_squeeze %dma_start3A_13 : memref<1x784xf32, #tpu.memory_space<hbm>> -> memref<784xf32, #tpu.memory_space<hbm>>
    tpu.enqueue_dma source(%dma_start3A_14 : memref<784xf32, #tpu.memory_space<hbm>>) target(%dma_start3A_11 : memref<784xf32, #tpu.memory_space<vmem>>) target_semaphore(%arg11 : memref<!tpu.dma_semaphore, #tpu.memory_space<semaphore_mem>>)
    "tpu.region"() ({
      %run_scoped3A = tpu.sem_alloc : memref<!tpu.dma_semaphore, #tpu.memory_space<semaphore_mem>>
      tpu.enqueue_dma source(%arg4 : memref<100352xf32, #tpu.memory_space<hbm>>) target(%arg8 : memref<100352xf32, #tpu.memory_space<vmem>>) target_semaphore(%run_scoped3A : memref<!tpu.dma_semaphore, #tpu.memory_space<semaphore_mem>>)
      tpu.wait_dma2 semaphore(%run_scoped3A : memref<!tpu.dma_semaphore, #tpu.memory_space<semaphore_mem>>) src(%arg4 : memref<100352xf32, #tpu.memory_space<hbm>>) dst(%arg8 : memref<100352xf32, #tpu.memory_space<vmem>>)
      tpu.yield
    }) : () -> ()
    %scan3A = arith.constant 0 : i32
    %scan3A_15 = arith.constant 0 : i32
    %scan3A_16 = arith.constant 2 : i32
    %scan3A_17 = arith.addi %scan3A_15, %scan3A_16 : i32
    %scan3A_18 = arith.constant 1 : i32
    %scan3A_19 = scf.for %scan3A_21 = %scan3A_15 to %scan3A_17 step %scan3A_18 iter_args(%scan3A_22 = %scan3A) -> (i32)  : i32 {
      %broadcast_in_dim3A = arith.constant 0.000000e+00 : f32
      %broadcast_in_dim3A_23 = vector.broadcast %broadcast_in_dim3A : f32 to vector<16xf32>
      %scan3A_24 = arith.constant 0 : i32
      %scan3A_25 = arith.constant 16 : i32
      %scan3A_26 = arith.addi %scan3A_24, %scan3A_25 : i32
      %scan3A_27 = arith.constant 1 : i32
      %scan3A_28 = scf.for %scan3A_34 = %scan3A_24 to %scan3A_26 step %scan3A_27 iter_args(%scan3A_35 = %broadcast_in_dim3A_23) -> (vector<16xf32>)  : i32 {
        %mul3A_36 = arith.constant 16 : i32
        %mul3A_37 = arith.muli %scan3A_21, %mul3A_36 : i32
        %add3A_38 = arith.addi %mul3A_37, %scan3A_34 : i32
        %add3A_39 = arith.addi %mul3A_2, %add3A_38 : i32
        %and3A = arith.constant 1 : i32
        %and3A_40 = arith.andi %add3A_38, %and3A : i32
        %dma_wait3A = arith.constant 0 : i32
        %dma_wait3A_41 = tpu.memref_slice %arg6[%and3A_40, %dma_wait3A] : memref<2x784xf32, #tpu.memory_space<vmem>> -> memref<1x784xf32, #tpu.memory_space<vmem>>
        %dma_wait3A_42 = tpu.memref_squeeze %dma_wait3A_41 : memref<1x784xf32, #tpu.memory_space<vmem>> -> memref<784xf32, #tpu.memory_space<vmem>>
        %dma_wait3A_43 = arith.constant 0 : i32
        %dma_wait3A_44 = tpu.memref_slice %arg2[%add3A_39, %dma_wait3A_43] : memref<1024x784xf32, #tpu.memory_space<hbm>> -> memref<1x784xf32, #tpu.memory_space<hbm>>
        %dma_wait3A_45 = tpu.memref_squeeze %dma_wait3A_44 : memref<1x784xf32, #tpu.memory_space<hbm>> -> memref<784xf32, #tpu.memory_space<hbm>>
        %dma_wait3A_46 = arith.constant 0 : i32
        %dma_wait3A_47 = tpu.memref_slice %arg6[%and3A_40, %dma_wait3A_46] : memref<2x784xf32, #tpu.memory_space<vmem>> -> memref<1x784xf32, #tpu.memory_space<vmem>>
        %dma_wait3A_48 = tpu.memref_squeeze %dma_wait3A_47 : memref<1x784xf32, #tpu.memory_space<vmem>> -> memref<784xf32, #tpu.memory_space<vmem>>
        %dma_wait3A_49 = arith.constant 0 : i32
        %dma_wait3A_50 = tpu.memref_slice %arg2[%add3A_39, %dma_wait3A_49] : memref<1024x784xf32, #tpu.memory_space<hbm>> -> memref<1x784xf32, #tpu.memory_space<hbm>>
        %dma_wait3A_51 = tpu.memref_squeeze %dma_wait3A_50 : memref<1x784xf32, #tpu.memory_space<hbm>> -> memref<784xf32, #tpu.memory_space<hbm>>
        tpu.wait_dma2 semaphore(%arg11 : memref<!tpu.dma_semaphore, #tpu.memory_space<semaphore_mem>>) src(%dma_wait3A_51 : memref<784xf32, #tpu.memory_space<hbm>>) dst(%dma_wait3A_48 : memref<784xf32, #tpu.memory_space<vmem>>)
        %broadcast_in_dim3A_52 = arith.constant 3.000000e+38 : f32
        %broadcast_in_dim3A_53 = vector.broadcast %broadcast_in_dim3A_52 : f32 to vector<16xf32>
        %broadcast_in_dim3A_54 = arith.constant 0 : i32
        %broadcast_in_dim3A_55 = vector.broadcast %broadcast_in_dim3A_54 : i32 to vector<16xi32>
        %scan3A_56 = arith.constant 0 : i32
        %scan3A_57 = arith.constant 49 : i32
        %scan3A_58 = arith.addi %scan3A_56, %scan3A_57 : i32
        %scan3A_59 = arith.constant 1 : i32
        %scan3A_60:2 = scf.for %scan3A_507 = %scan3A_56 to %scan3A_58 step %scan3A_59 iter_args(%scan3A_508 = %broadcast_in_dim3A_53, %scan3A_509 = %broadcast_in_dim3A_55) -> (vector<16xf32>, vector<16xi32>)  : i32 {
          %mul3A_510 = arith.constant 16 : i32
          %mul3A_511 = arith.muli %scan3A_507, %mul3A_510 : i32
          %get3A = arith.index_cast %and3A_40 : i32 to index
          %get3A_512 = arith.index_cast %mul3A_511 : i32 to index
          %get3A_513 = tpu.vector_load %arg6[%get3A, %get3A_512] {strides = array<i32>} : memref<2x784xf32, #tpu.memory_space<vmem>>, vector<16xf32>,
          %mul3A_514 = arith.constant 16 : i32
          %mul3A_515 = arith.muli %scan3A_507, %mul3A_514 : i32
          %iota3A_516 = tpu.iota {dimensions = array<i32: 0>} : vector<16xi32>
          %add3A_517 = vector.broadcast %mul3A_515 : i32 to vector<16xi32>
          %add3A_518 = arith.addi %add3A_517, %iota3A_516 : vector<16xi32>
          %masked_sort3A = arith.constant dense<true> : vector<16xi1>
          %masked_sort3A_519, %masked_sort3A_520, %masked_sort3A_521 = tpu.sort %get3A_513, %add3A_518 masked %masked_sort3A {descending = true} : (vector<16xf32>, vector<16xi32>, vector<16xi1>) -> (vector<16xi1>, vector<16xf32>, vector<16xi32>)
          %lt3A_522 = arith.cmpf olt, %masked_sort3A_520, %scan3A_508 : vector<16xf32>
          %select_n3A_523 = arith.select %lt3A_522, %masked_sort3A_520, %scan3A_508 : vector<16xi1>, vector<16xf32>
          %select_n3A_524 = arith.select %lt3A_522, %masked_sort3A_521, %scan3A_509 : vector<16xi1>, vector<16xi32>
          %masked_sort3A_525 = arith.constant dense<true> : vector<16xi1>
          %masked_sort3A_526, %masked_sort3A_527, %masked_sort3A_528 = tpu.sort %select_n3A_523, %select_n3A_524 masked %masked_sort3A_525 : (vector<16xf32>, vector<16xi32>, vector<16xi1>) -> (vector<16xi1>, vector<16xf32>, vector<16xi32>)
          scf.yield %masked_sort3A_527, %masked_sort3A_528 : vector<16xf32>, vector<16xi32>
        }
        %scan3A_61 = arith.constant 49 : i32
        %slice3A = vector.extract_strided_slice %scan3A_60#1 {offsets = [0], sizes = [1], strides = [1]} : vector<16xi32> to vector<1xi32>
        %squeeze3A = vector.extract %slice3A[0] : i32 from vector<1xi32>
        %mul3A_62 = arith.constant 128 : i32
        %mul3A_63 = arith.muli %squeeze3A, %mul3A_62 : i32
        %dma_start3A_64 = arith.constant 0 : i32
        %dma_start3A_65 = arith.constant 0 : i32
        %dma_start3A_66 = tpu.memref_slice %arg7[%dma_start3A_64, %dma_start3A_65] : memref<16x128xf32, #tpu.memory_space<vmem>> -> memref<1x128xf32, #tpu.memory_space<vmem>>
        %dma_start3A_67 = tpu.memref_squeeze %dma_start3A_66 : memref<1x128xf32, #tpu.memory_space<vmem>> -> memref<128xf32, #tpu.memory_space<vmem>>
        %dma_start3A_68 = tpu.memref_slice %arg3[%add3A_39, %mul3A_63] : memref<1024x100352xf32, #tpu.memory_space<hbm>> -> memref<1x128xf32, #tpu.memory_space<hbm>>
        %dma_start3A_69 = tpu.memref_squeeze %dma_start3A_68 : memref<1x128xf32, #tpu.memory_space<hbm>> -> memref<128xf32, #tpu.memory_space<hbm>>
        %dma_start3A_70 = arith.constant 0 : i32
        %dma_start3A_71 = tpu.memref_slice %arg7[%dma_start3A_64, %dma_start3A_70] : memref<16x128xf32, #tpu.memory_space<vmem>> -> memref<1x128xf32, #tpu.memory_space<vmem>>
        %dma_start3A_72 = tpu.memref_squeeze %dma_start3A_71 : memref<1x128xf32, #tpu.memory_space<vmem>> -> memref<128xf32, #tpu.memory_space<vmem>>
        %dma_start3A_73 = tpu.memref_slice %arg3[%add3A_39, %mul3A_63] : memref<1024x100352xf32, #tpu.memory_space<hbm>> -> memref<1x128xf32, #tpu.memory_space<hbm>>
        %dma_start3A_74 = tpu.memref_squeeze %dma_start3A_73 : memref<1x128xf32, #tpu.memory_space<hbm>> -> memref<128xf32, #tpu.memory_space<hbm>>
        tpu.enqueue_dma source(%dma_start3A_74 : memref<128xf32, #tpu.memory_space<hbm>>) target(%dma_start3A_72 : memref<128xf32, #tpu.memory_space<vmem>>) target_semaphore(%arg10 : memref<!tpu.dma_semaphore, #tpu.memory_space<semaphore_mem>>)
        %slice3A_75 = vector.extract_strided_slice %scan3A_60#1 {offsets = [1], sizes = [1], strides = [1]} : vector<16xi32> to vector<1xi32>
        %squeeze3A_76 = vector.extract %slice3A_75[0] : i32 from vector<1xi32>
        %mul3A_77 = arith.constant 128 : i32
        %mul3A_78 = arith.muli %squeeze3A_76, %mul3A_77 : i32
        %dma_start3A_79 = arith.constant 1 : i32
        %dma_start3A_80 = arith.constant 0 : i32
        %dma_start3A_81 = tpu.memref_slice %arg7[%dma_start3A_79, %dma_start3A_80] : memref<16x128xf32, #tpu.memory_space<vmem>> -> memref<1x128xf32, #tpu.memory_space<vmem>>
        %dma_start3A_82 = tpu.memref_squeeze %dma_start3A_81 : memref<1x128xf32, #tpu.memory_space<vmem>> -> memref<128xf32, #tpu.memory_space<vmem>>
        %dma_start3A_83 = tpu.memref_slice %arg3[%add3A_39, %mul3A_78] : memref<1024x100352xf32, #tpu.memory_space<hbm>> -> memref<1x128xf32, #tpu.memory_space<hbm>>
        %dma_start3A_84 = tpu.memref_squeeze %dma_start3A_83 : memref<1x128xf32, #tpu.memory_space<hbm>> -> memref<128xf32, #tpu.memory_space<hbm>>
        %dma_start3A_85 = arith.constant 0 : i32
        %dma_start3A_86 = tpu.memref_slice %arg7[%dma_start3A_79, %dma_start3A_85] : memref<16x128xf32, #tpu.memory_space<vmem>> -> memref<1x128xf32, #tpu.memory_space<vmem>>
        %dma_start3A_87 = tpu.memref_squeeze %dma_start3A_86 : memref<1x128xf32, #tpu.memory_space<vmem>> -> memref<128xf32, #tpu.memory_space<vmem>>
        %dma_start3A_88 = tpu.memref_slice %arg3[%add3A_39, %mul3A_78] : memref<1024x100352xf32, #tpu.memory_space<hbm>> -> memref<1x128xf32, #tpu.memory_space<hbm>>
        %dma_start3A_89 = tpu.memref_squeeze %dma_start3A_88 : memref<1x128xf32, #tpu.memory_space<hbm>> -> memref<128xf32, #tpu.memory_space<hbm>>
        tpu.enqueue_dma source(%dma_start3A_89 : memref<128xf32, #tpu.memory_space<hbm>>) target(%dma_start3A_87 : memref<128xf32, #tpu.memory_space<vmem>>) target_semaphore(%arg10 : memref<!tpu.dma_semaphore, #tpu.memory_space<semaphore_mem>>)
        %slice3A_90 = vector.extract_strided_slice %scan3A_60#1 {offsets = [2], sizes = [1], strides = [1]} : vector<16xi32> to vector<1xi32>
        %squeeze3A_91 = vector.extract %slice3A_90[0] : i32 from vector<1xi32>
        %mul3A_92 = arith.constant 128 : i32
        %mul3A_93 = arith.muli %squeeze3A_91, %mul3A_92 : i32
        %dma_start3A_94 = arith.constant 2 : i32
        %dma_start3A_95 = arith.constant 0 : i32
        %dma_start3A_96 = tpu.memref_slice %arg7[%dma_start3A_94, %dma_start3A_95] : memref<16x128xf32, #tpu.memory_space<vmem>> -> memref<1x128xf32, #tpu.memory_space<vmem>>
        %dma_start3A_97 = tpu.memref_squeeze %dma_start3A_96 : memref<1x128xf32, #tpu.memory_space<vmem>> -> memref<128xf32, #tpu.memory_space<vmem>>
        %dma_start3A_98 = tpu.memref_slice %arg3[%add3A_39, %mul3A_93] : memref<1024x100352xf32, #tpu.memory_space<hbm>> -> memref<1x128xf32, #tpu.memory_space<hbm>>
        %dma_start3A_99 = tpu.memref_squeeze %dma_start3A_98 : memref<1x128xf32, #tpu.memory_space<hbm>> -> memref<128xf32, #tpu.memory_space<hbm>>
        %dma_start3A_100 = arith.constant 0 : i32
        %dma_start3A_101 = tpu.memref_slice %arg7[%dma_start3A_94, %dma_start3A_100] : memref<16x128xf32, #tpu.memory_space<vmem>> -> memref<1x128xf32, #tpu.memory_space<vmem>>
        %dma_start3A_102 = tpu.memref_squeeze %dma_start3A_101 : memref<1x128xf32, #tpu.memory_space<vmem>> -> memref<128xf32, #tpu.memory_space<vmem>>
        %dma_start3A_103 = tpu.memref_slice %arg3[%add3A_39, %mul3A_93] : memref<1024x100352xf32, #tpu.memory_space<hbm>> -> memref<1x128xf32, #tpu.memory_space<hbm>>
        %dma_start3A_104 = tpu.memref_squeeze %dma_start3A_103 : memref<1x128xf32, #tpu.memory_space<hbm>> -> memref<128xf32, #tpu.memory_space<hbm>>
        tpu.enqueue_dma source(%dma_start3A_104 : memref<128xf32, #tpu.memory_space<hbm>>) target(%dma_start3A_102 : memref<128xf32, #tpu.memory_space<vmem>>) target_semaphore(%arg10 : memref<!tpu.dma_semaphore, #tpu.memory_space<semaphore_mem>>)
        %slice3A_105 = vector.extract_strided_slice %scan3A_60#1 {offsets = [3], sizes = [1], strides = [1]} : vector<16xi32> to vector<1xi32>
        %squeeze3A_106 = vector.extract %slice3A_105[0] : i32 from vector<1xi32>
        %mul3A_107 = arith.constant 128 : i32
        %mul3A_108 = arith.muli %squeeze3A_106, %mul3A_107 : i32
        %dma_start3A_109 = arith.constant 3 : i32
        %dma_start3A_110 = arith.constant 0 : i32
        %dma_start3A_111 = tpu.memref_slice %arg7[%dma_start3A_109, %dma_start3A_110] : memref<16x128xf32, #tpu.memory_space<vmem>> -> memref<1x128xf32, #tpu.memory_space<vmem>>
        %dma_start3A_112 = tpu.memref_squeeze %dma_start3A_111 : memref<1x128xf32, #tpu.memory_space<vmem>> -> memref<128xf32, #tpu.memory_space<vmem>>
        %dma_start3A_113 = tpu.memref_slice %arg3[%add3A_39, %mul3A_108] : memref<1024x100352xf32, #tpu.memory_space<hbm>> -> memref<1x128xf32, #tpu.memory_space<hbm>>
        %dma_start3A_114 = tpu.memref_squeeze %dma_start3A_113 : memref<1x128xf32, #tpu.memory_space<hbm>> -> memref<128xf32, #tpu.memory_space<hbm>>
        %dma_start3A_115 = arith.constant 0 : i32
        %dma_start3A_116 = tpu.memref_slice %arg7[%dma_start3A_109, %dma_start3A_115] : memref<16x128xf32, #tpu.memory_space<vmem>> -> memref<1x128xf32, #tpu.memory_space<vmem>>
        %dma_start3A_117 = tpu.memref_squeeze %dma_start3A_116 : memref<1x128xf32, #tpu.memory_space<vmem>> -> memref<128xf32, #tpu.memory_space<vmem>>
        %dma_start3A_118 = tpu.memref_slice %arg3[%add3A_39, %mul3A_108] : memref<1024x100352xf32, #tpu.memory_space<hbm>> -> memref<1x128xf32, #tpu.memory_space<hbm>>
        %dma_start3A_119 = tpu.memref_squeeze %dma_start3A_118 : memref<1x128xf32, #tpu.memory_space<hbm>> -> memref<128xf32, #tpu.memory_space<hbm>>
        tpu.enqueue_dma source(%dma_start3A_119 : memref<128xf32, #tpu.memory_space<hbm>>) target(%dma_start3A_117 : memref<128xf32, #tpu.memory_space<vmem>>) target_semaphore(%arg10 : memref<!tpu.dma_semaphore, #tpu.memory_space<semaphore_mem>>)
        %slice3A_120 = vector.extract_strided_slice %scan3A_60#1 {offsets = [4], sizes = [1], strides = [1]} : vector<16xi32> to vector<1xi32>
        %squeeze3A_121 = vector.extract %slice3A_120[0] : i32 from vector<1xi32>
        %mul3A_122 = arith.constant 128 : i32
        %mul3A_123 = arith.muli %squeeze3A_121, %mul3A_122 : i32
        %dma_start3A_124 = arith.constant 4 : i32
        %dma_start3A_125 = arith.constant 0 : i32
        %dma_start3A_126 = tpu.memref_slice %arg7[%dma_start3A_124, %dma_start3A_125] : memref<16x128xf32, #tpu.memory_space<vmem>> -> memref<1x128xf32, #tpu.memory_space<vmem>>
        %dma_start3A_127 = tpu.memref_squeeze %dma_start3A_126 : memref<1x128xf32, #tpu.memory_space<vmem>> -> memref<128xf32, #tpu.memory_space<vmem>>
        %dma_start3A_128 = tpu.memref_slice %arg3[%add3A_39, %mul3A_123] : memref<1024x100352xf32, #tpu.memory_space<hbm>> -> memref<1x128xf32, #tpu.memory_space<hbm>>
        %dma_start3A_129 = tpu.memref_squeeze %dma_start3A_128 : memref<1x128xf32, #tpu.memory_space<hbm>> -> memref<128xf32, #tpu.memory_space<hbm>>
        %dma_start3A_130 = arith.constant 0 : i32
        %dma_start3A_131 = tpu.memref_slice %arg7[%dma_start3A_124, %dma_start3A_130] : memref<16x128xf32, #tpu.memory_space<vmem>> -> memref<1x128xf32, #tpu.memory_space<vmem>>
        %dma_start3A_132 = tpu.memref_squeeze %dma_start3A_131 : memref<1x128xf32, #tpu.memory_space<vmem>> -> memref<128xf32, #tpu.memory_space<vmem>>
        %dma_start3A_133 = tpu.memref_slice %arg3[%add3A_39, %mul3A_123] : memref<1024x100352xf32, #tpu.memory_space<hbm>> -> memref<1x128xf32, #tpu.memory_space<hbm>>
        %dma_start3A_134 = tpu.memref_squeeze %dma_start3A_133 : memref<1x128xf32, #tpu.memory_space<hbm>> -> memref<128xf32, #tpu.memory_space<hbm>>
        tpu.enqueue_dma source(%dma_start3A_134 : memref<128xf32, #tpu.memory_space<hbm>>) target(%dma_start3A_132 : memref<128xf32, #tpu.memory_space<vmem>>) target_semaphore(%arg10 : memref<!tpu.dma_semaphore, #tpu.memory_space<semaphore_mem>>)
        %slice3A_135 = vector.extract_strided_slice %scan3A_60#1 {offsets = [5], sizes = [1], strides = [1]} : vector<16xi32> to vector<1xi32>
        %squeeze3A_136 = vector.extract %slice3A_135[0] : i32 from vector<1xi32>
        %mul3A_137 = arith.constant 128 : i32
        %mul3A_138 = arith.muli %squeeze3A_136, %mul3A_137 : i32
        %dma_start3A_139 = arith.constant 5 : i32
        %dma_start3A_140 = arith.constant 0 : i32
        %dma_start3A_141 = tpu.memref_slice %arg7[%dma_start3A_139, %dma_start3A_140] : memref<16x128xf32, #tpu.memory_space<vmem>> -> memref<1x128xf32, #tpu.memory_space<vmem>>
        %dma_start3A_142 = tpu.memref_squeeze %dma_start3A_141 : memref<1x128xf32, #tpu.memory_space<vmem>> -> memref<128xf32, #tpu.memory_space<vmem>>
        %dma_start3A_143 = tpu.memref_slice %arg3[%add3A_39, %mul3A_138] : memref<1024x100352xf32, #tpu.memory_space<hbm>> -> memref<1x128xf32, #tpu.memory_space<hbm>>
        %dma_start3A_144 = tpu.memref_squeeze %dma_start3A_143 : memref<1x128xf32, #tpu.memory_space<hbm>> -> memref<128xf32, #tpu.memory_space<hbm>>
        %dma_start3A_145 = arith.constant 0 : i32
        %dma_start3A_146 = tpu.memref_slice %arg7[%dma_start3A_139, %dma_start3A_145] : memref<16x128xf32, #tpu.memory_space<vmem>> -> memref<1x128xf32, #tpu.memory_space<vmem>>
        %dma_start3A_147 = tpu.memref_squeeze %dma_start3A_146 : memref<1x128xf32, #tpu.memory_space<vmem>> -> memref<128xf32, #tpu.memory_space<vmem>>
        %dma_start3A_148 = tpu.memref_slice %arg3[%add3A_39, %mul3A_138] : memref<1024x100352xf32, #tpu.memory_space<hbm>> -> memref<1x128xf32, #tpu.memory_space<hbm>>
        %dma_start3A_149 = tpu.memref_squeeze %dma_start3A_148 : memref<1x128xf32, #tpu.memory_space<hbm>> -> memref<128xf32, #tpu.memory_space<hbm>>
        tpu.enqueue_dma source(%dma_start3A_149 : memref<128xf32, #tpu.memory_space<hbm>>) target(%dma_start3A_147 : memref<128xf32, #tpu.memory_space<vmem>>) target_semaphore(%arg10 : memref<!tpu.dma_semaphore, #tpu.memory_space<semaphore_mem>>)
        %slice3A_150 = vector.extract_strided_slice %scan3A_60#1 {offsets = [6], sizes = [1], strides = [1]} : vector<16xi32> to vector<1xi32>
        %squeeze3A_151 = vector.extract %slice3A_150[0] : i32 from vector<1xi32>
        %mul3A_152 = arith.constant 128 : i32
        %mul3A_153 = arith.muli %squeeze3A_151, %mul3A_152 : i32
        %dma_start3A_154 = arith.constant 6 : i32
        %dma_start3A_155 = arith.constant 0 : i32
        %dma_start3A_156 = tpu.memref_slice %arg7[%dma_start3A_154, %dma_start3A_155] : memref<16x128xf32, #tpu.memory_space<vmem>> -> memref<1x128xf32, #tpu.memory_space<vmem>>
        %dma_start3A_157 = tpu.memref_squeeze %dma_start3A_156 : memref<1x128xf32, #tpu.memory_space<vmem>> -> memref<128xf32, #tpu.memory_space<vmem>>
        %dma_start3A_158 = tpu.memref_slice %arg3[%add3A_39, %mul3A_153] : memref<1024x100352xf32, #tpu.memory_space<hbm>> -> memref<1x128xf32, #tpu.memory_space<hbm>>
        %dma_start3A_159 = tpu.memref_squeeze %dma_start3A_158 : memref<1x128xf32, #tpu.memory_space<hbm>> -> memref<128xf32, #tpu.memory_space<hbm>>
        %dma_start3A_160 = arith.constant 0 : i32
        %dma_start3A_161 = tpu.memref_slice %arg7[%dma_start3A_154, %dma_start3A_160] : memref<16x128xf32, #tpu.memory_space<vmem>> -> memref<1x128xf32, #tpu.memory_space<vmem>>
        %dma_start3A_162 = tpu.memref_squeeze %dma_start3A_161 : memref<1x128xf32, #tpu.memory_space<vmem>> -> memref<128xf32, #tpu.memory_space<vmem>>
        %dma_start3A_163 = tpu.memref_slice %arg3[%add3A_39, %mul3A_153] : memref<1024x100352xf32, #tpu.memory_space<hbm>> -> memref<1x128xf32, #tpu.memory_space<hbm>>
        %dma_start3A_164 = tpu.memref_squeeze %dma_start3A_163 : memref<1x128xf32, #tpu.memory_space<hbm>> -> memref<128xf32, #tpu.memory_space<hbm>>
        tpu.enqueue_dma source(%dma_start3A_164 : memref<128xf32, #tpu.memory_space<hbm>>) target(%dma_start3A_162 : memref<128xf32, #tpu.memory_space<vmem>>) target_semaphore(%arg10 : memref<!tpu.dma_semaphore, #tpu.memory_space<semaphore_mem>>)
        %slice3A_165 = vector.extract_strided_slice %scan3A_60#1 {offsets = [7], sizes = [1], strides = [1]} : vector<16xi32> to vector<1xi32>
        %squeeze3A_166 = vector.extract %slice3A_165[0] : i32 from vector<1xi32>
        %mul3A_167 = arith.constant 128 : i32
        %mul3A_168 = arith.muli %squeeze3A_166, %mul3A_167 : i32
        %dma_start3A_169 = arith.constant 7 : i32
        %dma_start3A_170 = arith.constant 0 : i32
        %dma_start3A_171 = tpu.memref_slice %arg7[%dma_start3A_169, %dma_start3A_170] : memref<16x128xf32, #tpu.memory_space<vmem>> -> memref<1x128xf32, #tpu.memory_space<vmem>>
        %dma_start3A_172 = tpu.memref_squeeze %dma_start3A_171 : memref<1x128xf32, #tpu.memory_space<vmem>> -> memref<128xf32, #tpu.memory_space<vmem>>
        %dma_start3A_173 = tpu.memref_slice %arg3[%add3A_39, %mul3A_168] : memref<1024x100352xf32, #tpu.memory_space<hbm>> -> memref<1x128xf32, #tpu.memory_space<hbm>>
        %dma_start3A_174 = tpu.memref_squeeze %dma_start3A_173 : memref<1x128xf32, #tpu.memory_space<hbm>> -> memref<128xf32, #tpu.memory_space<hbm>>
        %dma_start3A_175 = arith.constant 0 : i32
        %dma_start3A_176 = tpu.memref_slice %arg7[%dma_start3A_169, %dma_start3A_175] : memref<16x128xf32, #tpu.memory_space<vmem>> -> memref<1x128xf32, #tpu.memory_space<vmem>>
        %dma_start3A_177 = tpu.memref_squeeze %dma_start3A_176 : memref<1x128xf32, #tpu.memory_space<vmem>> -> memref<128xf32, #tpu.memory_space<vmem>>
        %dma_start3A_178 = tpu.memref_slice %arg3[%add3A_39, %mul3A_168] : memref<1024x100352xf32, #tpu.memory_space<hbm>> -> memref<1x128xf32, #tpu.memory_space<hbm>>
        %dma_start3A_179 = tpu.memref_squeeze %dma_start3A_178 : memref<1x128xf32, #tpu.memory_space<hbm>> -> memref<128xf32, #tpu.memory_space<hbm>>
        tpu.enqueue_dma source(%dma_start3A_179 : memref<128xf32, #tpu.memory_space<hbm>>) target(%dma_start3A_177 : memref<128xf32, #tpu.memory_space<vmem>>) target_semaphore(%arg10 : memref<!tpu.dma_semaphore, #tpu.memory_space<semaphore_mem>>)
        %slice3A_180 = vector.extract_strided_slice %scan3A_60#1 {offsets = [8], sizes = [1], strides = [1]} : vector<16xi32> to vector<1xi32>
        %squeeze3A_181 = vector.extract %slice3A_180[0] : i32 from vector<1xi32>
        %mul3A_182 = arith.constant 128 : i32
        %mul3A_183 = arith.muli %squeeze3A_181, %mul3A_182 : i32
        %dma_start3A_184 = arith.constant 8 : i32
        %dma_start3A_185 = arith.constant 0 : i32
        %dma_start3A_186 = tpu.memref_slice %arg7[%dma_start3A_184, %dma_start3A_185] : memref<16x128xf32, #tpu.memory_space<vmem>> -> memref<1x128xf32, #tpu.memory_space<vmem>>
        %dma_start3A_187 = tpu.memref_squeeze %dma_start3A_186 : memref<1x128xf32, #tpu.memory_space<vmem>> -> memref<128xf32, #tpu.memory_space<vmem>>
        %dma_start3A_188 = tpu.memref_slice %arg3[%add3A_39, %mul3A_183] : memref<1024x100352xf32, #tpu.memory_space<hbm>> -> memref<1x128xf32, #tpu.memory_space<hbm>>
        %dma_start3A_189 = tpu.memref_squeeze %dma_start3A_188 : memref<1x128xf32, #tpu.memory_space<hbm>> -> memref<128xf32, #tpu.memory_space<hbm>>
        %dma_start3A_190 = arith.constant 0 : i32
        %dma_start3A_191 = tpu.memref_slice %arg7[%dma_start3A_184, %dma_start3A_190] : memref<16x128xf32, #tpu.memory_space<vmem>> -> memref<1x128xf32, #tpu.memory_space<vmem>>
        %dma_start3A_192 = tpu.memref_squeeze %dma_start3A_191 : memref<1x128xf32, #tpu.memory_space<vmem>> -> memref<128xf32, #tpu.memory_space<vmem>>
        %dma_start3A_193 = tpu.memref_slice %arg3[%add3A_39, %mul3A_183] : memref<1024x100352xf32, #tpu.memory_space<hbm>> -> memref<1x128xf32, #tpu.memory_space<hbm>>
        %dma_start3A_194 = tpu.memref_squeeze %dma_start3A_193 : memref<1x128xf32, #tpu.memory_space<hbm>> -> memref<128xf32, #tpu.memory_space<hbm>>
        tpu.enqueue_dma source(%dma_start3A_194 : memref<128xf32, #tpu.memory_space<hbm>>) target(%dma_start3A_192 : memref<128xf32, #tpu.memory_space<vmem>>) target_semaphore(%arg10 : memref<!tpu.dma_semaphore, #tpu.memory_space<semaphore_mem>>)
        %slice3A_195 = vector.extract_strided_slice %scan3A_60#1 {offsets = [9], sizes = [1], strides = [1]} : vector<16xi32> to vector<1xi32>
        %squeeze3A_196 = vector.extract %slice3A_195[0] : i32 from vector<1xi32>
        %mul3A_197 = arith.constant 128 : i32
        %mul3A_198 = arith.muli %squeeze3A_196, %mul3A_197 : i32
        %dma_start3A_199 = arith.constant 9 : i32
        %dma_start3A_200 = arith.constant 0 : i32
        %dma_start3A_201 = tpu.memref_slice %arg7[%dma_start3A_199, %dma_start3A_200] : memref<16x128xf32, #tpu.memory_space<vmem>> -> memref<1x128xf32, #tpu.memory_space<vmem>>
        %dma_start3A_202 = tpu.memref_squeeze %dma_start3A_201 : memref<1x128xf32, #tpu.memory_space<vmem>> -> memref<128xf32, #tpu.memory_space<vmem>>
        %dma_start3A_203 = tpu.memref_slice %arg3[%add3A_39, %mul3A_198] : memref<1024x100352xf32, #tpu.memory_space<hbm>> -> memref<1x128xf32, #tpu.memory_space<hbm>>
        %dma_start3A_204 = tpu.memref_squeeze %dma_start3A_203 : memref<1x128xf32, #tpu.memory_space<hbm>> -> memref<128xf32, #tpu.memory_space<hbm>>
        %dma_start3A_205 = arith.constant 0 : i32
        %dma_start3A_206 = tpu.memref_slice %arg7[%dma_start3A_199, %dma_start3A_205] : memref<16x128xf32, #tpu.memory_space<vmem>> -> memref<1x128xf32, #tpu.memory_space<vmem>>
        %dma_start3A_207 = tpu.memref_squeeze %dma_start3A_206 : memref<1x128xf32, #tpu.memory_space<vmem>> -> memref<128xf32, #tpu.memory_space<vmem>>
        %dma_start3A_208 = tpu.memref_slice %arg3[%add3A_39, %mul3A_198] : memref<1024x100352xf32, #tpu.memory_space<hbm>> -> memref<1x128xf32, #tpu.memory_space<hbm>>
        %dma_start3A_209 = tpu.memref_squeeze %dma_start3A_208 : memref<1x128xf32, #tpu.memory_space<hbm>> -> memref<128xf32, #tpu.memory_space<hbm>>
        tpu.enqueue_dma source(%dma_start3A_209 : memref<128xf32, #tpu.memory_space<hbm>>) target(%dma_start3A_207 : memref<128xf32, #tpu.memory_space<vmem>>) target_semaphore(%arg10 : memref<!tpu.dma_semaphore, #tpu.memory_space<semaphore_mem>>)
        %slice3A_210 = vector.extract_strided_slice %scan3A_60#1 {offsets = [10], sizes = [1], strides = [1]} : vector<16xi32> to vector<1xi32>
        %squeeze3A_211 = vector.extract %slice3A_210[0] : i32 from vector<1xi32>
        %mul3A_212 = arith.constant 128 : i32
        %mul3A_213 = arith.muli %squeeze3A_211, %mul3A_212 : i32
        %dma_start3A_214 = arith.constant 10 : i32
        %dma_start3A_215 = arith.constant 0 : i32
        %dma_start3A_216 = tpu.memref_slice %arg7[%dma_start3A_214, %dma_start3A_215] : memref<16x128xf32, #tpu.memory_space<vmem>> -> memref<1x128xf32, #tpu.memory_space<vmem>>
        %dma_start3A_217 = tpu.memref_squeeze %dma_start3A_216 : memref<1x128xf32, #tpu.memory_space<vmem>> -> memref<128xf32, #tpu.memory_space<vmem>>
        %dma_start3A_218 = tpu.memref_slice %arg3[%add3A_39, %mul3A_213] : memref<1024x100352xf32, #tpu.memory_space<hbm>> -> memref<1x128xf32, #tpu.memory_space<hbm>>
        %dma_start3A_219 = tpu.memref_squeeze %dma_start3A_218 : memref<1x128xf32, #tpu.memory_space<hbm>> -> memref<128xf32, #tpu.memory_space<hbm>>
        %dma_start3A_220 = arith.constant 0 : i32
        %dma_start3A_221 = tpu.memref_slice %arg7[%dma_start3A_214, %dma_start3A_220] : memref<16x128xf32, #tpu.memory_space<vmem>> -> memref<1x128xf32, #tpu.memory_space<vmem>>
        %dma_start3A_222 = tpu.memref_squeeze %dma_start3A_221 : memref<1x128xf32, #tpu.memory_space<vmem>> -> memref<128xf32, #tpu.memory_space<vmem>>
        %dma_start3A_223 = tpu.memref_slice %arg3[%add3A_39, %mul3A_213] : memref<1024x100352xf32, #tpu.memory_space<hbm>> -> memref<1x128xf32, #tpu.memory_space<hbm>>
        %dma_start3A_224 = tpu.memref_squeeze %dma_start3A_223 : memref<1x128xf32, #tpu.memory_space<hbm>> -> memref<128xf32, #tpu.memory_space<hbm>>
        tpu.enqueue_dma source(%dma_start3A_224 : memref<128xf32, #tpu.memory_space<hbm>>) target(%dma_start3A_222 : memref<128xf32, #tpu.memory_space<vmem>>) target_semaphore(%arg10 : memref<!tpu.dma_semaphore, #tpu.memory_space<semaphore_mem>>)
        %slice3A_225 = vector.extract_strided_slice %scan3A_60#1 {offsets = [11], sizes = [1], strides = [1]} : vector<16xi32> to vector<1xi32>
        %squeeze3A_226 = vector.extract %slice3A_225[0] : i32 from vector<1xi32>
        %mul3A_227 = arith.constant 128 : i32
        %mul3A_228 = arith.muli %squeeze3A_226, %mul3A_227 : i32
        %dma_start3A_229 = arith.constant 11 : i32
        %dma_start3A_230 = arith.constant 0 : i32
        %dma_start3A_231 = tpu.memref_slice %arg7[%dma_start3A_229, %dma_start3A_230] : memref<16x128xf32, #tpu.memory_space<vmem>> -> memref<1x128xf32, #tpu.memory_space<vmem>>
        %dma_start3A_232 = tpu.memref_squeeze %dma_start3A_231 : memref<1x128xf32, #tpu.memory_space<vmem>> -> memref<128xf32, #tpu.memory_space<vmem>>
        %dma_start3A_233 = tpu.memref_slice %arg3[%add3A_39, %mul3A_228] : memref<1024x100352xf32, #tpu.memory_space<hbm>> -> memref<1x128xf32, #tpu.memory_space<hbm>>
        %dma_start3A_234 = tpu.memref_squeeze %dma_start3A_233 : memref<1x128xf32, #tpu.memory_space<hbm>> -> memref<128xf32, #tpu.memory_space<hbm>>
        %dma_start3A_235 = arith.constant 0 : i32
        %dma_start3A_236 = tpu.memref_slice %arg7[%dma_start3A_229, %dma_start3A_235] : memref<16x128xf32, #tpu.memory_space<vmem>> -> memref<1x128xf32, #tpu.memory_space<vmem>>
        %dma_start3A_237 = tpu.memref_squeeze %dma_start3A_236 : memref<1x128xf32, #tpu.memory_space<vmem>> -> memref<128xf32, #tpu.memory_space<vmem>>
        %dma_start3A_238 = tpu.memref_slice %arg3[%add3A_39, %mul3A_228] : memref<1024x100352xf32, #tpu.memory_space<hbm>> -> memref<1x128xf32, #tpu.memory_space<hbm>>
        %dma_start3A_239 = tpu.memref_squeeze %dma_start3A_238 : memref<1x128xf32, #tpu.memory_space<hbm>> -> memref<128xf32, #tpu.memory_space<hbm>>
        tpu.enqueue_dma source(%dma_start3A_239 : memref<128xf32, #tpu.memory_space<hbm>>) target(%dma_start3A_237 : memref<128xf32, #tpu.memory_space<vmem>>) target_semaphore(%arg10 : memref<!tpu.dma_semaphore, #tpu.memory_space<semaphore_mem>>)
        %slice3A_240 = vector.extract_strided_slice %scan3A_60#1 {offsets = [12], sizes = [1], strides = [1]} : vector<16xi32> to vector<1xi32>
        %squeeze3A_241 = vector.extract %slice3A_240[0] : i32 from vector<1xi32>
        %mul3A_242 = arith.constant 128 : i32
        %mul3A_243 = arith.muli %squeeze3A_241, %mul3A_242 : i32
        %dma_start3A_244 = arith.constant 12 : i32
        %dma_start3A_245 = arith.constant 0 : i32
        %dma_start3A_246 = tpu.memref_slice %arg7[%dma_start3A_244, %dma_start3A_245] : memref<16x128xf32, #tpu.memory_space<vmem>> -> memref<1x128xf32, #tpu.memory_space<vmem>>
        %dma_start3A_247 = tpu.memref_squeeze %dma_start3A_246 : memref<1x128xf32, #tpu.memory_space<vmem>> -> memref<128xf32, #tpu.memory_space<vmem>>
        %dma_start3A_248 = tpu.memref_slice %arg3[%add3A_39, %mul3A_243] : memref<1024x100352xf32, #tpu.memory_space<hbm>> -> memref<1x128xf32, #tpu.memory_space<hbm>>
        %dma_start3A_249 = tpu.memref_squeeze %dma_start3A_248 : memref<1x128xf32, #tpu.memory_space<hbm>> -> memref<128xf32, #tpu.memory_space<hbm>>
        %dma_start3A_250 = arith.constant 0 : i32
        %dma_start3A_251 = tpu.memref_slice %arg7[%dma_start3A_244, %dma_start3A_250] : memref<16x128xf32, #tpu.memory_space<vmem>> -> memref<1x128xf32, #tpu.memory_space<vmem>>
        %dma_start3A_252 = tpu.memref_squeeze %dma_start3A_251 : memref<1x128xf32, #tpu.memory_space<vmem>> -> memref<128xf32, #tpu.memory_space<vmem>>
        %dma_start3A_253 = tpu.memref_slice %arg3[%add3A_39, %mul3A_243] : memref<1024x100352xf32, #tpu.memory_space<hbm>> -> memref<1x128xf32, #tpu.memory_space<hbm>>
        %dma_start3A_254 = tpu.memref_squeeze %dma_start3A_253 : memref<1x128xf32, #tpu.memory_space<hbm>> -> memref<128xf32, #tpu.memory_space<hbm>>
        tpu.enqueue_dma source(%dma_start3A_254 : memref<128xf32, #tpu.memory_space<hbm>>) target(%dma_start3A_252 : memref<128xf32, #tpu.memory_space<vmem>>) target_semaphore(%arg10 : memref<!tpu.dma_semaphore, #tpu.memory_space<semaphore_mem>>)
        %slice3A_255 = vector.extract_strided_slice %scan3A_60#1 {offsets = [13], sizes = [1], strides = [1]} : vector<16xi32> to vector<1xi32>
        %squeeze3A_256 = vector.extract %slice3A_255[0] : i32 from vector<1xi32>
        %mul3A_257 = arith.constant 128 : i32
        %mul3A_258 = arith.muli %squeeze3A_256, %mul3A_257 : i32
        %dma_start3A_259 = arith.constant 13 : i32
        %dma_start3A_260 = arith.constant 0 : i32
        %dma_start3A_261 = tpu.memref_slice %arg7[%dma_start3A_259, %dma_start3A_260] : memref<16x128xf32, #tpu.memory_space<vmem>> -> memref<1x128xf32, #tpu.memory_space<vmem>>
        %dma_start3A_262 = tpu.memref_squeeze %dma_start3A_261 : memref<1x128xf32, #tpu.memory_space<vmem>> -> memref<128xf32, #tpu.memory_space<vmem>>
        %dma_start3A_263 = tpu.memref_slice %arg3[%add3A_39, %mul3A_258] : memref<1024x100352xf32, #tpu.memory_space<hbm>> -> memref<1x128xf32, #tpu.memory_space<hbm>>
        %dma_start3A_264 = tpu.memref_squeeze %dma_start3A_263 : memref<1x128xf32, #tpu.memory_space<hbm>> -> memref<128xf32, #tpu.memory_space<hbm>>
        %dma_start3A_265 = arith.constant 0 : i32
        %dma_start3A_266 = tpu.memref_slice %arg7[%dma_start3A_259, %dma_start3A_265] : memref<16x128xf32, #tpu.memory_space<vmem>> -> memref<1x128xf32, #tpu.memory_space<vmem>>
        %dma_start3A_267 = tpu.memref_squeeze %dma_start3A_266 : memref<1x128xf32, #tpu.memory_space<vmem>> -> memref<128xf32, #tpu.memory_space<vmem>>
        %dma_start3A_268 = tpu.memref_slice %arg3[%add3A_39, %mul3A_258] : memref<1024x100352xf32, #tpu.memory_space<hbm>> -> memref<1x128xf32, #tpu.memory_space<hbm>>
        %dma_start3A_269 = tpu.memref_squeeze %dma_start3A_268 : memref<1x128xf32, #tpu.memory_space<hbm>> -> memref<128xf32, #tpu.memory_space<hbm>>
        tpu.enqueue_dma source(%dma_start3A_269 : memref<128xf32, #tpu.memory_space<hbm>>) target(%dma_start3A_267 : memref<128xf32, #tpu.memory_space<vmem>>) target_semaphore(%arg10 : memref<!tpu.dma_semaphore, #tpu.memory_space<semaphore_mem>>)
        %slice3A_270 = vector.extract_strided_slice %scan3A_60#1 {offsets = [14], sizes = [1], strides = [1]} : vector<16xi32> to vector<1xi32>
        %squeeze3A_271 = vector.extract %slice3A_270[0] : i32 from vector<1xi32>
        %mul3A_272 = arith.constant 128 : i32
        %mul3A_273 = arith.muli %squeeze3A_271, %mul3A_272 : i32
        %dma_start3A_274 = arith.constant 14 : i32
        %dma_start3A_275 = arith.constant 0 : i32
        %dma_start3A_276 = tpu.memref_slice %arg7[%dma_start3A_274, %dma_start3A_275] : memref<16x128xf32, #tpu.memory_space<vmem>> -> memref<1x128xf32, #tpu.memory_space<vmem>>
        %dma_start3A_277 = tpu.memref_squeeze %dma_start3A_276 : memref<1x128xf32, #tpu.memory_space<vmem>> -> memref<128xf32, #tpu.memory_space<vmem>>
        %dma_start3A_278 = tpu.memref_slice %arg3[%add3A_39, %mul3A_273] : memref<1024x100352xf32, #tpu.memory_space<hbm>> -> memref<1x128xf32, #tpu.memory_space<hbm>>
        %dma_start3A_279 = tpu.memref_squeeze %dma_start3A_278 : memref<1x128xf32, #tpu.memory_space<hbm>> -> memref<128xf32, #tpu.memory_space<hbm>>
        %dma_start3A_280 = arith.constant 0 : i32
        %dma_start3A_281 = tpu.memref_slice %arg7[%dma_start3A_274, %dma_start3A_280] : memref<16x128xf32, #tpu.memory_space<vmem>> -> memref<1x128xf32, #tpu.memory_space<vmem>>
        %dma_start3A_282 = tpu.memref_squeeze %dma_start3A_281 : memref<1x128xf32, #tpu.memory_space<vmem>> -> memref<128xf32, #tpu.memory_space<vmem>>
        %dma_start3A_283 = tpu.memref_slice %arg3[%add3A_39, %mul3A_273] : memref<1024x100352xf32, #tpu.memory_space<hbm>> -> memref<1x128xf32, #tpu.memory_space<hbm>>
        %dma_start3A_284 = tpu.memref_squeeze %dma_start3A_283 : memref<1x128xf32, #tpu.memory_space<hbm>> -> memref<128xf32, #tpu.memory_space<hbm>>
        tpu.enqueue_dma source(%dma_start3A_284 : memref<128xf32, #tpu.memory_space<hbm>>) target(%dma_start3A_282 : memref<128xf32, #tpu.memory_space<vmem>>) target_semaphore(%arg10 : memref<!tpu.dma_semaphore, #tpu.memory_space<semaphore_mem>>)
        %slice3A_285 = vector.extract_strided_slice %scan3A_60#1 {offsets = [15], sizes = [1], strides = [1]} : vector<16xi32> to vector<1xi32>
        %squeeze3A_286 = vector.extract %slice3A_285[0] : i32 from vector<1xi32>
        %mul3A_287 = arith.constant 128 : i32
        %mul3A_288 = arith.muli %squeeze3A_286, %mul3A_287 : i32
        %dma_start3A_289 = arith.constant 15 : i32
        %dma_start3A_290 = arith.constant 0 : i32
        %dma_start3A_291 = tpu.memref_slice %arg7[%dma_start3A_289, %dma_start3A_290] : memref<16x128xf32, #tpu.memory_space<vmem>> -> memref<1x128xf32, #tpu.memory_space<vmem>>
        %dma_start3A_292 = tpu.memref_squeeze %dma_start3A_291 : memref<1x128xf32, #tpu.memory_space<vmem>> -> memref<128xf32, #tpu.memory_space<vmem>>
        %dma_start3A_293 = tpu.memref_slice %arg3[%add3A_39, %mul3A_288] : memref<1024x100352xf32, #tpu.memory_space<hbm>> -> memref<1x128xf32, #tpu.memory_space<hbm>>
        %dma_start3A_294 = tpu.memref_squeeze %dma_start3A_293 : memref<1x128xf32, #tpu.memory_space<hbm>> -> memref<128xf32, #tpu.memory_space<hbm>>
        %dma_start3A_295 = arith.constant 0 : i32
        %dma_start3A_296 = tpu.memref_slice %arg7[%dma_start3A_289, %dma_start3A_295] : memref<16x128xf32, #tpu.memory_space<vmem>> -> memref<1x128xf32, #tpu.memory_space<vmem>>
        %dma_start3A_297 = tpu.memref_squeeze %dma_start3A_296 : memref<1x128xf32, #tpu.memory_space<vmem>> -> memref<128xf32, #tpu.memory_space<vmem>>
        %dma_start3A_298 = tpu.memref_slice %arg3[%add3A_39, %mul3A_288] : memref<1024x100352xf32, #tpu.memory_space<hbm>> -> memref<1x128xf32, #tpu.memory_space<hbm>>
        %dma_start3A_299 = tpu.memref_squeeze %dma_start3A_298 : memref<1x128xf32, #tpu.memory_space<hbm>> -> memref<128xf32, #tpu.memory_space<hbm>>
        tpu.enqueue_dma source(%dma_start3A_299 : memref<128xf32, #tpu.memory_space<hbm>>) target(%dma_start3A_297 : memref<128xf32, #tpu.memory_space<vmem>>) target_semaphore(%arg10 : memref<!tpu.dma_semaphore, #tpu.memory_space<semaphore_mem>>)
        %add3A_300 = arith.constant 1 : i32
        %add3A_301 = arith.addi %add3A_38, %add3A_300 : i32
        %lt3A = arith.constant 32 : i32
        %lt3A_302 = arith.cmpi slt, %add3A_301, %lt3A : i32
        %convert_element_type3A = arith.extui %lt3A_302 : i1 to i32
        %cond3A = arith.constant 0 : i32
        %cond3A_303 = arith.cmpi ne, %convert_element_type3A, %cond3A : i32
        scf.if %cond3A_303 {
          %add3A_507 = arith.constant 1 : i32
          %add3A_508 = arith.addi %add3A_39, %add3A_507 : i32
          %sub3A = arith.constant 1 : i32
          %sub3A_509 = arith.subi %sub3A, %and3A_40 : i32
          %dma_start3A_510 = arith.constant 0 : i32
          %dma_start3A_511 = tpu.memref_slice %arg6[%sub3A_509, %dma_start3A_510] : memref<2x784xf32, #tpu.memory_space<vmem>> -> memref<1x784xf32, #tpu.memory_space<vmem>>
          %dma_start3A_512 = tpu.memref_squeeze %dma_start3A_511 : memref<1x784xf32, #tpu.memory_space<vmem>> -> memref<784xf32, #tpu.memory_space<vmem>>
          %dma_start3A_513 = arith.constant 0 : i32
          %dma_start3A_514 = tpu.memref_slice %arg2[%add3A_508, %dma_start3A_513] : memref<1024x784xf32, #tpu.memory_space<hbm>> -> memref<1x784xf32, #tpu.memory_space<hbm>>
          %dma_start3A_515 = tpu.memref_squeeze %dma_start3A_514 : memref<1x784xf32, #tpu.memory_space<hbm>> -> memref<784xf32, #tpu.memory_space<hbm>>
          %dma_start3A_516 = arith.constant 0 : i32
          %dma_start3A_517 = tpu.memref_slice %arg6[%sub3A_509, %dma_start3A_516] : memref<2x784xf32, #tpu.memory_space<vmem>> -> memref<1x784xf32, #tpu.memory_space<vmem>>
          %dma_start3A_518 = tpu.memref_squeeze %dma_start3A_517 : memref<1x784xf32, #tpu.memory_space<vmem>> -> memref<784xf32, #tpu.memory_space<vmem>>
          %dma_start3A_519 = arith.constant 0 : i32
          %dma_start3A_520 = tpu.memref_slice %arg2[%add3A_508, %dma_start3A_519] : memref<1024x784xf32, #tpu.memory_space<hbm>> -> memref<1x784xf32, #tpu.memory_space<hbm>>
          %dma_start3A_521 = tpu.memref_squeeze %dma_start3A_520 : memref<1x784xf32, #tpu.memory_space<hbm>> -> memref<784xf32, #tpu.memory_space<hbm>>
          tpu.enqueue_dma source(%dma_start3A_521 : memref<784xf32, #tpu.memory_space<hbm>>) target(%dma_start3A_518 : memref<784xf32, #tpu.memory_space<vmem>>) target_semaphore(%arg11 : memref<!tpu.dma_semaphore, #tpu.memory_space<semaphore_mem>>)
        } else {
        }
        %dma_wait3A_304 = arith.constant 0 : i32
        %dma_wait3A_305 = arith.constant 0 : i32
        %dma_wait3A_306 = tpu.memref_slice %arg7[%dma_wait3A_304, %dma_wait3A_305] : memref<16x128xf32, #tpu.memory_space<vmem>> -> memref<1x128xf32, #tpu.memory_space<vmem>>
        %dma_wait3A_307 = tpu.memref_squeeze %dma_wait3A_306 : memref<1x128xf32, #tpu.memory_space<vmem>> -> memref<128xf32, #tpu.memory_space<vmem>>
        %dma_wait3A_308 = tpu.memref_slice %arg3[%add3A_39, %mul3A_63] : memref<1024x100352xf32, #tpu.memory_space<hbm>> -> memref<1x128xf32, #tpu.memory_space<hbm>>
        %dma_wait3A_309 = tpu.memref_squeeze %dma_wait3A_308 : memref<1x128xf32, #tpu.memory_space<hbm>> -> memref<128xf32, #tpu.memory_space<hbm>>
        %dma_wait3A_310 = arith.constant 0 : i32
        %dma_wait3A_311 = tpu.memref_slice %arg7[%dma_wait3A_304, %dma_wait3A_310] : memref<16x128xf32, #tpu.memory_space<vmem>> -> memref<1x128xf32, #tpu.memory_space<vmem>>
        %dma_wait3A_312 = tpu.memref_squeeze %dma_wait3A_311 : memref<1x128xf32, #tpu.memory_space<vmem>> -> memref<128xf32, #tpu.memory_space<vmem>>
        %dma_wait3A_313 = tpu.memref_slice %arg3[%add3A_39, %mul3A_63] : memref<1024x100352xf32, #tpu.memory_space<hbm>> -> memref<1x128xf32, #tpu.memory_space<hbm>>
        %dma_wait3A_314 = tpu.memref_squeeze %dma_wait3A_313 : memref<1x128xf32, #tpu.memory_space<hbm>> -> memref<128xf32, #tpu.memory_space<hbm>>
        tpu.wait_dma2 semaphore(%arg10 : memref<!tpu.dma_semaphore, #tpu.memory_space<semaphore_mem>>) src(%dma_wait3A_314 : memref<128xf32, #tpu.memory_space<hbm>>) dst(%dma_wait3A_312 : memref<128xf32, #tpu.memory_space<vmem>>)
        %dma_wait3A_315 = arith.constant 1 : i32
        %dma_wait3A_316 = arith.constant 0 : i32
        %dma_wait3A_317 = tpu.memref_slice %arg7[%dma_wait3A_315, %dma_wait3A_316] : memref<16x128xf32, #tpu.memory_space<vmem>> -> memref<1x128xf32, #tpu.memory_space<vmem>>
        %dma_wait3A_318 = tpu.memref_squeeze %dma_wait3A_317 : memref<1x128xf32, #tpu.memory_space<vmem>> -> memref<128xf32, #tpu.memory_space<vmem>>
        %dma_wait3A_319 = tpu.memref_slice %arg3[%add3A_39, %mul3A_78] : memref<1024x100352xf32, #tpu.memory_space<hbm>> -> memref<1x128xf32, #tpu.memory_space<hbm>>
        %dma_wait3A_320 = tpu.memref_squeeze %dma_wait3A_319 : memref<1x128xf32, #tpu.memory_space<hbm>> -> memref<128xf32, #tpu.memory_space<hbm>>
        %dma_wait3A_321 = arith.constant 0 : i32
        %dma_wait3A_322 = tpu.memref_slice %arg7[%dma_wait3A_315, %dma_wait3A_321] : memref<16x128xf32, #tpu.memory_space<vmem>> -> memref<1x128xf32, #tpu.memory_space<vmem>>
        %dma_wait3A_323 = tpu.memref_squeeze %dma_wait3A_322 : memref<1x128xf32, #tpu.memory_space<vmem>> -> memref<128xf32, #tpu.memory_space<vmem>>
        %dma_wait3A_324 = tpu.memref_slice %arg3[%add3A_39, %mul3A_78] : memref<1024x100352xf32, #tpu.memory_space<hbm>> -> memref<1x128xf32, #tpu.memory_space<hbm>>
        %dma_wait3A_325 = tpu.memref_squeeze %dma_wait3A_324 : memref<1x128xf32, #tpu.memory_space<hbm>> -> memref<128xf32, #tpu.memory_space<hbm>>
        tpu.wait_dma2 semaphore(%arg10 : memref<!tpu.dma_semaphore, #tpu.memory_space<semaphore_mem>>) src(%dma_wait3A_325 : memref<128xf32, #tpu.memory_space<hbm>>) dst(%dma_wait3A_323 : memref<128xf32, #tpu.memory_space<vmem>>)
        %dma_wait3A_326 = arith.constant 2 : i32
        %dma_wait3A_327 = arith.constant 0 : i32
        %dma_wait3A_328 = tpu.memref_slice %arg7[%dma_wait3A_326, %dma_wait3A_327] : memref<16x128xf32, #tpu.memory_space<vmem>> -> memref<1x128xf32, #tpu.memory_space<vmem>>
        %dma_wait3A_329 = tpu.memref_squeeze %dma_wait3A_328 : memref<1x128xf32, #tpu.memory_space<vmem>> -> memref<128xf32, #tpu.memory_space<vmem>>
        %dma_wait3A_330 = tpu.memref_slice %arg3[%add3A_39, %mul3A_93] : memref<1024x100352xf32, #tpu.memory_space<hbm>> -> memref<1x128xf32, #tpu.memory_space<hbm>>
        %dma_wait3A_331 = tpu.memref_squeeze %dma_wait3A_330 : memref<1x128xf32, #tpu.memory_space<hbm>> -> memref<128xf32, #tpu.memory_space<hbm>>
        %dma_wait3A_332 = arith.constant 0 : i32
        %dma_wait3A_333 = tpu.memref_slice %arg7[%dma_wait3A_326, %dma_wait3A_332] : memref<16x128xf32, #tpu.memory_space<vmem>> -> memref<1x128xf32, #tpu.memory_space<vmem>>
        %dma_wait3A_334 = tpu.memref_squeeze %dma_wait3A_333 : memref<1x128xf32, #tpu.memory_space<vmem>> -> memref<128xf32, #tpu.memory_space<vmem>>
        %dma_wait3A_335 = tpu.memref_slice %arg3[%add3A_39, %mul3A_93] : memref<1024x100352xf32, #tpu.memory_space<hbm>> -> memref<1x128xf32, #tpu.memory_space<hbm>>
        %dma_wait3A_336 = tpu.memref_squeeze %dma_wait3A_335 : memref<1x128xf32, #tpu.memory_space<hbm>> -> memref<128xf32, #tpu.memory_space<hbm>>
        tpu.wait_dma2 semaphore(%arg10 : memref<!tpu.dma_semaphore, #tpu.memory_space<semaphore_mem>>) src(%dma_wait3A_336 : memref<128xf32, #tpu.memory_space<hbm>>) dst(%dma_wait3A_334 : memref<128xf32, #tpu.memory_space<vmem>>)
        %dma_wait3A_337 = arith.constant 3 : i32
        %dma_wait3A_338 = arith.constant 0 : i32
        %dma_wait3A_339 = tpu.memref_slice %arg7[%dma_wait3A_337, %dma_wait3A_338] : memref<16x128xf32, #tpu.memory_space<vmem>> -> memref<1x128xf32, #tpu.memory_space<vmem>>
        %dma_wait3A_340 = tpu.memref_squeeze %dma_wait3A_339 : memref<1x128xf32, #tpu.memory_space<vmem>> -> memref<128xf32, #tpu.memory_space<vmem>>
        %dma_wait3A_341 = tpu.memref_slice %arg3[%add3A_39, %mul3A_108] : memref<1024x100352xf32, #tpu.memory_space<hbm>> -> memref<1x128xf32, #tpu.memory_space<hbm>>
        %dma_wait3A_342 = tpu.memref_squeeze %dma_wait3A_341 : memref<1x128xf32, #tpu.memory_space<hbm>> -> memref<128xf32, #tpu.memory_space<hbm>>
        %dma_wait3A_343 = arith.constant 0 : i32
        %dma_wait3A_344 = tpu.memref_slice %arg7[%dma_wait3A_337, %dma_wait3A_343] : memref<16x128xf32, #tpu.memory_space<vmem>> -> memref<1x128xf32, #tpu.memory_space<vmem>>
        %dma_wait3A_345 = tpu.memref_squeeze %dma_wait3A_344 : memref<1x128xf32, #tpu.memory_space<vmem>> -> memref<128xf32, #tpu.memory_space<vmem>>
        %dma_wait3A_346 = tpu.memref_slice %arg3[%add3A_39, %mul3A_108] : memref<1024x100352xf32, #tpu.memory_space<hbm>> -> memref<1x128xf32, #tpu.memory_space<hbm>>
        %dma_wait3A_347 = tpu.memref_squeeze %dma_wait3A_346 : memref<1x128xf32, #tpu.memory_space<hbm>> -> memref<128xf32, #tpu.memory_space<hbm>>
        tpu.wait_dma2 semaphore(%arg10 : memref<!tpu.dma_semaphore, #tpu.memory_space<semaphore_mem>>) src(%dma_wait3A_347 : memref<128xf32, #tpu.memory_space<hbm>>) dst(%dma_wait3A_345 : memref<128xf32, #tpu.memory_space<vmem>>)
        %dma_wait3A_348 = arith.constant 4 : i32
        %dma_wait3A_349 = arith.constant 0 : i32
        %dma_wait3A_350 = tpu.memref_slice %arg7[%dma_wait3A_348, %dma_wait3A_349] : memref<16x128xf32, #tpu.memory_space<vmem>> -> memref<1x128xf32, #tpu.memory_space<vmem>>
        %dma_wait3A_351 = tpu.memref_squeeze %dma_wait3A_350 : memref<1x128xf32, #tpu.memory_space<vmem>> -> memref<128xf32, #tpu.memory_space<vmem>>
        %dma_wait3A_352 = tpu.memref_slice %arg3[%add3A_39, %mul3A_123] : memref<1024x100352xf32, #tpu.memory_space<hbm>> -> memref<1x128xf32, #tpu.memory_space<hbm>>
        %dma_wait3A_353 = tpu.memref_squeeze %dma_wait3A_352 : memref<1x128xf32, #tpu.memory_space<hbm>> -> memref<128xf32, #tpu.memory_space<hbm>>
        %dma_wait3A_354 = arith.constant 0 : i32
        %dma_wait3A_355 = tpu.memref_slice %arg7[%dma_wait3A_348, %dma_wait3A_354] : memref<16x128xf32, #tpu.memory_space<vmem>> -> memref<1x128xf32, #tpu.memory_space<vmem>>
        %dma_wait3A_356 = tpu.memref_squeeze %dma_wait3A_355 : memref<1x128xf32, #tpu.memory_space<vmem>> -> memref<128xf32, #tpu.memory_space<vmem>>
        %dma_wait3A_357 = tpu.memref_slice %arg3[%add3A_39, %mul3A_123] : memref<1024x100352xf32, #tpu.memory_space<hbm>> -> memref<1x128xf32, #tpu.memory_space<hbm>>
        %dma_wait3A_358 = tpu.memref_squeeze %dma_wait3A_357 : memref<1x128xf32, #tpu.memory_space<hbm>> -> memref<128xf32, #tpu.memory_space<hbm>>
        tpu.wait_dma2 semaphore(%arg10 : memref<!tpu.dma_semaphore, #tpu.memory_space<semaphore_mem>>) src(%dma_wait3A_358 : memref<128xf32, #tpu.memory_space<hbm>>) dst(%dma_wait3A_356 : memref<128xf32, #tpu.memory_space<vmem>>)
        %dma_wait3A_359 = arith.constant 5 : i32
        %dma_wait3A_360 = arith.constant 0 : i32
        %dma_wait3A_361 = tpu.memref_slice %arg7[%dma_wait3A_359, %dma_wait3A_360] : memref<16x128xf32, #tpu.memory_space<vmem>> -> memref<1x128xf32, #tpu.memory_space<vmem>>
        %dma_wait3A_362 = tpu.memref_squeeze %dma_wait3A_361 : memref<1x128xf32, #tpu.memory_space<vmem>> -> memref<128xf32, #tpu.memory_space<vmem>>
        %dma_wait3A_363 = tpu.memref_slice %arg3[%add3A_39, %mul3A_138] : memref<1024x100352xf32, #tpu.memory_space<hbm>> -> memref<1x128xf32, #tpu.memory_space<hbm>>
        %dma_wait3A_364 = tpu.memref_squeeze %dma_wait3A_363 : memref<1x128xf32, #tpu.memory_space<hbm>> -> memref<128xf32, #tpu.memory_space<hbm>>
        %dma_wait3A_365 = arith.constant 0 : i32
        %dma_wait3A_366 = tpu.memref_slice %arg7[%dma_wait3A_359, %dma_wait3A_365] : memref<16x128xf32, #tpu.memory_space<vmem>> -> memref<1x128xf32, #tpu.memory_space<vmem>>
        %dma_wait3A_367 = tpu.memref_squeeze %dma_wait3A_366 : memref<1x128xf32, #tpu.memory_space<vmem>> -> memref<128xf32, #tpu.memory_space<vmem>>
        %dma_wait3A_368 = tpu.memref_slice %arg3[%add3A_39, %mul3A_138] : memref<1024x100352xf32, #tpu.memory_space<hbm>> -> memref<1x128xf32, #tpu.memory_space<hbm>>
        %dma_wait3A_369 = tpu.memref_squeeze %dma_wait3A_368 : memref<1x128xf32, #tpu.memory_space<hbm>> -> memref<128xf32, #tpu.memory_space<hbm>>
        tpu.wait_dma2 semaphore(%arg10 : memref<!tpu.dma_semaphore, #tpu.memory_space<semaphore_mem>>) src(%dma_wait3A_369 : memref<128xf32, #tpu.memory_space<hbm>>) dst(%dma_wait3A_367 : memref<128xf32, #tpu.memory_space<vmem>>)
        %dma_wait3A_370 = arith.constant 6 : i32
        %dma_wait3A_371 = arith.constant 0 : i32
        %dma_wait3A_372 = tpu.memref_slice %arg7[%dma_wait3A_370, %dma_wait3A_371] : memref<16x128xf32, #tpu.memory_space<vmem>> -> memref<1x128xf32, #tpu.memory_space<vmem>>
        %dma_wait3A_373 = tpu.memref_squeeze %dma_wait3A_372 : memref<1x128xf32, #tpu.memory_space<vmem>> -> memref<128xf32, #tpu.memory_space<vmem>>
        %dma_wait3A_374 = tpu.memref_slice %arg3[%add3A_39, %mul3A_153] : memref<1024x100352xf32, #tpu.memory_space<hbm>> -> memref<1x128xf32, #tpu.memory_space<hbm>>
        %dma_wait3A_375 = tpu.memref_squeeze %dma_wait3A_374 : memref<1x128xf32, #tpu.memory_space<hbm>> -> memref<128xf32, #tpu.memory_space<hbm>>
        %dma_wait3A_376 = arith.constant 0 : i32
        %dma_wait3A_377 = tpu.memref_slice %arg7[%dma_wait3A_370, %dma_wait3A_376] : memref<16x128xf32, #tpu.memory_space<vmem>> -> memref<1x128xf32, #tpu.memory_space<vmem>>
        %dma_wait3A_378 = tpu.memref_squeeze %dma_wait3A_377 : memref<1x128xf32, #tpu.memory_space<vmem>> -> memref<128xf32, #tpu.memory_space<vmem>>
        %dma_wait3A_379 = tpu.memref_slice %arg3[%add3A_39, %mul3A_153] : memref<1024x100352xf32, #tpu.memory_space<hbm>> -> memref<1x128xf32, #tpu.memory_space<hbm>>
        %dma_wait3A_380 = tpu.memref_squeeze %dma_wait3A_379 : memref<1x128xf32, #tpu.memory_space<hbm>> -> memref<128xf32, #tpu.memory_space<hbm>>
        tpu.wait_dma2 semaphore(%arg10 : memref<!tpu.dma_semaphore, #tpu.memory_space<semaphore_mem>>) src(%dma_wait3A_380 : memref<128xf32, #tpu.memory_space<hbm>>) dst(%dma_wait3A_378 : memref<128xf32, #tpu.memory_space<vmem>>)
        %dma_wait3A_381 = arith.constant 7 : i32
        %dma_wait3A_382 = arith.constant 0 : i32
        %dma_wait3A_383 = tpu.memref_slice %arg7[%dma_wait3A_381, %dma_wait3A_382] : memref<16x128xf32, #tpu.memory_space<vmem>> -> memref<1x128xf32, #tpu.memory_space<vmem>>
        %dma_wait3A_384 = tpu.memref_squeeze %dma_wait3A_383 : memref<1x128xf32, #tpu.memory_space<vmem>> -> memref<128xf32, #tpu.memory_space<vmem>>
        %dma_wait3A_385 = tpu.memref_slice %arg3[%add3A_39, %mul3A_168] : memref<1024x100352xf32, #tpu.memory_space<hbm>> -> memref<1x128xf32, #tpu.memory_space<hbm>>
        %dma_wait3A_386 = tpu.memref_squeeze %dma_wait3A_385 : memref<1x128xf32, #tpu.memory_space<hbm>> -> memref<128xf32, #tpu.memory_space<hbm>>
        %dma_wait3A_387 = arith.constant 0 : i32
        %dma_wait3A_388 = tpu.memref_slice %arg7[%dma_wait3A_381, %dma_wait3A_387] : memref<16x128xf32, #tpu.memory_space<vmem>> -> memref<1x128xf32, #tpu.memory_space<vmem>>
        %dma_wait3A_389 = tpu.memref_squeeze %dma_wait3A_388 : memref<1x128xf32, #tpu.memory_space<vmem>> -> memref<128xf32, #tpu.memory_space<vmem>>
        %dma_wait3A_390 = tpu.memref_slice %arg3[%add3A_39, %mul3A_168] : memref<1024x100352xf32, #tpu.memory_space<hbm>> -> memref<1x128xf32, #tpu.memory_space<hbm>>
        %dma_wait3A_391 = tpu.memref_squeeze %dma_wait3A_390 : memref<1x128xf32, #tpu.memory_space<hbm>> -> memref<128xf32, #tpu.memory_space<hbm>>
        tpu.wait_dma2 semaphore(%arg10 : memref<!tpu.dma_semaphore, #tpu.memory_space<semaphore_mem>>) src(%dma_wait3A_391 : memref<128xf32, #tpu.memory_space<hbm>>) dst(%dma_wait3A_389 : memref<128xf32, #tpu.memory_space<vmem>>)
        %dma_wait3A_392 = arith.constant 8 : i32
        %dma_wait3A_393 = arith.constant 0 : i32
        %dma_wait3A_394 = tpu.memref_slice %arg7[%dma_wait3A_392, %dma_wait3A_393] : memref<16x128xf32, #tpu.memory_space<vmem>> -> memref<1x128xf32, #tpu.memory_space<vmem>>
        %dma_wait3A_395 = tpu.memref_squeeze %dma_wait3A_394 : memref<1x128xf32, #tpu.memory_space<vmem>> -> memref<128xf32, #tpu.memory_space<vmem>>
        %dma_wait3A_396 = tpu.memref_slice %arg3[%add3A_39, %mul3A_183] : memref<1024x100352xf32, #tpu.memory_space<hbm>> -> memref<1x128xf32, #tpu.memory_space<hbm>>
        %dma_wait3A_397 = tpu.memref_squeeze %dma_wait3A_396 : memref<1x128xf32, #tpu.memory_space<hbm>> -> memref<128xf32, #tpu.memory_space<hbm>>
        %dma_wait3A_398 = arith.constant 0 : i32
        %dma_wait3A_399 = tpu.memref_slice %arg7[%dma_wait3A_392, %dma_wait3A_398] : memref<16x128xf32, #tpu.memory_space<vmem>> -> memref<1x128xf32, #tpu.memory_space<vmem>>
        %dma_wait3A_400 = tpu.memref_squeeze %dma_wait3A_399 : memref<1x128xf32, #tpu.memory_space<vmem>> -> memref<128xf32, #tpu.memory_space<vmem>>
        %dma_wait3A_401 = tpu.memref_slice %arg3[%add3A_39, %mul3A_183] : memref<1024x100352xf32, #tpu.memory_space<hbm>> -> memref<1x128xf32, #tpu.memory_space<hbm>>
        %dma_wait3A_402 = tpu.memref_squeeze %dma_wait3A_401 : memref<1x128xf32, #tpu.memory_space<hbm>> -> memref<128xf32, #tpu.memory_space<hbm>>
        tpu.wait_dma2 semaphore(%arg10 : memref<!tpu.dma_semaphore, #tpu.memory_space<semaphore_mem>>) src(%dma_wait3A_402 : memref<128xf32, #tpu.memory_space<hbm>>) dst(%dma_wait3A_400 : memref<128xf32, #tpu.memory_space<vmem>>)
        %dma_wait3A_403 = arith.constant 9 : i32
        %dma_wait3A_404 = arith.constant 0 : i32
        %dma_wait3A_405 = tpu.memref_slice %arg7[%dma_wait3A_403, %dma_wait3A_404] : memref<16x128xf32, #tpu.memory_space<vmem>> -> memref<1x128xf32, #tpu.memory_space<vmem>>
        %dma_wait3A_406 = tpu.memref_squeeze %dma_wait3A_405 : memref<1x128xf32, #tpu.memory_space<vmem>> -> memref<128xf32, #tpu.memory_space<vmem>>
        %dma_wait3A_407 = tpu.memref_slice %arg3[%add3A_39, %mul3A_198] : memref<1024x100352xf32, #tpu.memory_space<hbm>> -> memref<1x128xf32, #tpu.memory_space<hbm>>
        %dma_wait3A_408 = tpu.memref_squeeze %dma_wait3A_407 : memref<1x128xf32, #tpu.memory_space<hbm>> -> memref<128xf32, #tpu.memory_space<hbm>>
        %dma_wait3A_409 = arith.constant 0 : i32
        %dma_wait3A_410 = tpu.memref_slice %arg7[%dma_wait3A_403, %dma_wait3A_409] : memref<16x128xf32, #tpu.memory_space<vmem>> -> memref<1x128xf32, #tpu.memory_space<vmem>>
        %dma_wait3A_411 = tpu.memref_squeeze %dma_wait3A_410 : memref<1x128xf32, #tpu.memory_space<vmem>> -> memref<128xf32, #tpu.memory_space<vmem>>
        %dma_wait3A_412 = tpu.memref_slice %arg3[%add3A_39, %mul3A_198] : memref<1024x100352xf32, #tpu.memory_space<hbm>> -> memref<1x128xf32, #tpu.memory_space<hbm>>
        %dma_wait3A_413 = tpu.memref_squeeze %dma_wait3A_412 : memref<1x128xf32, #tpu.memory_space<hbm>> -> memref<128xf32, #tpu.memory_space<hbm>>
        tpu.wait_dma2 semaphore(%arg10 : memref<!tpu.dma_semaphore, #tpu.memory_space<semaphore_mem>>) src(%dma_wait3A_413 : memref<128xf32, #tpu.memory_space<hbm>>) dst(%dma_wait3A_411 : memref<128xf32, #tpu.memory_space<vmem>>)
        %dma_wait3A_414 = arith.constant 10 : i32
        %dma_wait3A_415 = arith.constant 0 : i32
        %dma_wait3A_416 = tpu.memref_slice %arg7[%dma_wait3A_414, %dma_wait3A_415] : memref<16x128xf32, #tpu.memory_space<vmem>> -> memref<1x128xf32, #tpu.memory_space<vmem>>
        %dma_wait3A_417 = tpu.memref_squeeze %dma_wait3A_416 : memref<1x128xf32, #tpu.memory_space<vmem>> -> memref<128xf32, #tpu.memory_space<vmem>>
        %dma_wait3A_418 = tpu.memref_slice %arg3[%add3A_39, %mul3A_213] : memref<1024x100352xf32, #tpu.memory_space<hbm>> -> memref<1x128xf32, #tpu.memory_space<hbm>>
        %dma_wait3A_419 = tpu.memref_squeeze %dma_wait3A_418 : memref<1x128xf32, #tpu.memory_space<hbm>> -> memref<128xf32, #tpu.memory_space<hbm>>
        %dma_wait3A_420 = arith.constant 0 : i32
        %dma_wait3A_421 = tpu.memref_slice %arg7[%dma_wait3A_414, %dma_wait3A_420] : memref<16x128xf32, #tpu.memory_space<vmem>> -> memref<1x128xf32, #tpu.memory_space<vmem>>
        %dma_wait3A_422 = tpu.memref_squeeze %dma_wait3A_421 : memref<1x128xf32, #tpu.memory_space<vmem>> -> memref<128xf32, #tpu.memory_space<vmem>>
        %dma_wait3A_423 = tpu.memref_slice %arg3[%add3A_39, %mul3A_213] : memref<1024x100352xf32, #tpu.memory_space<hbm>> -> memref<1x128xf32, #tpu.memory_space<hbm>>
        %dma_wait3A_424 = tpu.memref_squeeze %dma_wait3A_423 : memref<1x128xf32, #tpu.memory_space<hbm>> -> memref<128xf32, #tpu.memory_space<hbm>>
        tpu.wait_dma2 semaphore(%arg10 : memref<!tpu.dma_semaphore, #tpu.memory_space<semaphore_mem>>) src(%dma_wait3A_424 : memref<128xf32, #tpu.memory_space<hbm>>) dst(%dma_wait3A_422 : memref<128xf32, #tpu.memory_space<vmem>>)
        %dma_wait3A_425 = arith.constant 11 : i32
        %dma_wait3A_426 = arith.constant 0 : i32
        %dma_wait3A_427 = tpu.memref_slice %arg7[%dma_wait3A_425, %dma_wait3A_426] : memref<16x128xf32, #tpu.memory_space<vmem>> -> memref<1x128xf32, #tpu.memory_space<vmem>>
        %dma_wait3A_428 = tpu.memref_squeeze %dma_wait3A_427 : memref<1x128xf32, #tpu.memory_space<vmem>> -> memref<128xf32, #tpu.memory_space<vmem>>
        %dma_wait3A_429 = tpu.memref_slice %arg3[%add3A_39, %mul3A_228] : memref<1024x100352xf32, #tpu.memory_space<hbm>> -> memref<1x128xf32, #tpu.memory_space<hbm>>
        %dma_wait3A_430 = tpu.memref_squeeze %dma_wait3A_429 : memref<1x128xf32, #tpu.memory_space<hbm>> -> memref<128xf32, #tpu.memory_space<hbm>>
        %dma_wait3A_431 = arith.constant 0 : i32
        %dma_wait3A_432 = tpu.memref_slice %arg7[%dma_wait3A_425, %dma_wait3A_431] : memref<16x128xf32, #tpu.memory_space<vmem>> -> memref<1x128xf32, #tpu.memory_space<vmem>>
        %dma_wait3A_433 = tpu.memref_squeeze %dma_wait3A_432 : memref<1x128xf32, #tpu.memory_space<vmem>> -> memref<128xf32, #tpu.memory_space<vmem>>
        %dma_wait3A_434 = tpu.memref_slice %arg3[%add3A_39, %mul3A_228] : memref<1024x100352xf32, #tpu.memory_space<hbm>> -> memref<1x128xf32, #tpu.memory_space<hbm>>
        %dma_wait3A_435 = tpu.memref_squeeze %dma_wait3A_434 : memref<1x128xf32, #tpu.memory_space<hbm>> -> memref<128xf32, #tpu.memory_space<hbm>>
        tpu.wait_dma2 semaphore(%arg10 : memref<!tpu.dma_semaphore, #tpu.memory_space<semaphore_mem>>) src(%dma_wait3A_435 : memref<128xf32, #tpu.memory_space<hbm>>) dst(%dma_wait3A_433 : memref<128xf32, #tpu.memory_space<vmem>>)
        %dma_wait3A_436 = arith.constant 12 : i32
        %dma_wait3A_437 = arith.constant 0 : i32
        %dma_wait3A_438 = tpu.memref_slice %arg7[%dma_wait3A_436, %dma_wait3A_437] : memref<16x128xf32, #tpu.memory_space<vmem>> -> memref<1x128xf32, #tpu.memory_space<vmem>>
        %dma_wait3A_439 = tpu.memref_squeeze %dma_wait3A_438 : memref<1x128xf32, #tpu.memory_space<vmem>> -> memref<128xf32, #tpu.memory_space<vmem>>
        %dma_wait3A_440 = tpu.memref_slice %arg3[%add3A_39, %mul3A_243] : memref<1024x100352xf32, #tpu.memory_space<hbm>> -> memref<1x128xf32, #tpu.memory_space<hbm>>
        %dma_wait3A_441 = tpu.memref_squeeze %dma_wait3A_440 : memref<1x128xf32, #tpu.memory_space<hbm>> -> memref<128xf32, #tpu.memory_space<hbm>>
        %dma_wait3A_442 = arith.constant 0 : i32
        %dma_wait3A_443 = tpu.memref_slice %arg7[%dma_wait3A_436, %dma_wait3A_442] : memref<16x128xf32, #tpu.memory_space<vmem>> -> memref<1x128xf32, #tpu.memory_space<vmem>>
        %dma_wait3A_444 = tpu.memref_squeeze %dma_wait3A_443 : memref<1x128xf32, #tpu.memory_space<vmem>> -> memref<128xf32, #tpu.memory_space<vmem>>
        %dma_wait3A_445 = tpu.memref_slice %arg3[%add3A_39, %mul3A_243] : memref<1024x100352xf32, #tpu.memory_space<hbm>> -> memref<1x128xf32, #tpu.memory_space<hbm>>
        %dma_wait3A_446 = tpu.memref_squeeze %dma_wait3A_445 : memref<1x128xf32, #tpu.memory_space<hbm>> -> memref<128xf32, #tpu.memory_space<hbm>>
        tpu.wait_dma2 semaphore(%arg10 : memref<!tpu.dma_semaphore, #tpu.memory_space<semaphore_mem>>) src(%dma_wait3A_446 : memref<128xf32, #tpu.memory_space<hbm>>) dst(%dma_wait3A_444 : memref<128xf32, #tpu.memory_space<vmem>>)
        %dma_wait3A_447 = arith.constant 13 : i32
        %dma_wait3A_448 = arith.constant 0 : i32
        %dma_wait3A_449 = tpu.memref_slice %arg7[%dma_wait3A_447, %dma_wait3A_448] : memref<16x128xf32, #tpu.memory_space<vmem>> -> memref<1x128xf32, #tpu.memory_space<vmem>>
        %dma_wait3A_450 = tpu.memref_squeeze %dma_wait3A_449 : memref<1x128xf32, #tpu.memory_space<vmem>> -> memref<128xf32, #tpu.memory_space<vmem>>
        %dma_wait3A_451 = tpu.memref_slice %arg3[%add3A_39, %mul3A_258] : memref<1024x100352xf32, #tpu.memory_space<hbm>> -> memref<1x128xf32, #tpu.memory_space<hbm>>
        %dma_wait3A_452 = tpu.memref_squeeze %dma_wait3A_451 : memref<1x128xf32, #tpu.memory_space<hbm>> -> memref<128xf32, #tpu.memory_space<hbm>>
        %dma_wait3A_453 = arith.constant 0 : i32
        %dma_wait3A_454 = tpu.memref_slice %arg7[%dma_wait3A_447, %dma_wait3A_453] : memref<16x128xf32, #tpu.memory_space<vmem>> -> memref<1x128xf32, #tpu.memory_space<vmem>>
        %dma_wait3A_455 = tpu.memref_squeeze %dma_wait3A_454 : memref<1x128xf32, #tpu.memory_space<vmem>> -> memref<128xf32, #tpu.memory_space<vmem>>
        %dma_wait3A_456 = tpu.memref_slice %arg3[%add3A_39, %mul3A_258] : memref<1024x100352xf32, #tpu.memory_space<hbm>> -> memref<1x128xf32, #tpu.memory_space<hbm>>
        %dma_wait3A_457 = tpu.memref_squeeze %dma_wait3A_456 : memref<1x128xf32, #tpu.memory_space<hbm>> -> memref<128xf32, #tpu.memory_space<hbm>>
        tpu.wait_dma2 semaphore(%arg10 : memref<!tpu.dma_semaphore, #tpu.memory_space<semaphore_mem>>) src(%dma_wait3A_457 : memref<128xf32, #tpu.memory_space<hbm>>) dst(%dma_wait3A_455 : memref<128xf32, #tpu.memory_space<vmem>>)
        %dma_wait3A_458 = arith.constant 14 : i32
        %dma_wait3A_459 = arith.constant 0 : i32
        %dma_wait3A_460 = tpu.memref_slice %arg7[%dma_wait3A_458, %dma_wait3A_459] : memref<16x128xf32, #tpu.memory_space<vmem>> -> memref<1x128xf32, #tpu.memory_space<vmem>>
        %dma_wait3A_461 = tpu.memref_squeeze %dma_wait3A_460 : memref<1x128xf32, #tpu.memory_space<vmem>> -> memref<128xf32, #tpu.memory_space<vmem>>
        %dma_wait3A_462 = tpu.memref_slice %arg3[%add3A_39, %mul3A_273] : memref<1024x100352xf32, #tpu.memory_space<hbm>> -> memref<1x128xf32, #tpu.memory_space<hbm>>
        %dma_wait3A_463 = tpu.memref_squeeze %dma_wait3A_462 : memref<1x128xf32, #tpu.memory_space<hbm>> -> memref<128xf32, #tpu.memory_space<hbm>>
        %dma_wait3A_464 = arith.constant 0 : i32
        %dma_wait3A_465 = tpu.memref_slice %arg7[%dma_wait3A_458, %dma_wait3A_464] : memref<16x128xf32, #tpu.memory_space<vmem>> -> memref<1x128xf32, #tpu.memory_space<vmem>>
        %dma_wait3A_466 = tpu.memref_squeeze %dma_wait3A_465 : memref<1x128xf32, #tpu.memory_space<vmem>> -> memref<128xf32, #tpu.memory_space<vmem>>
        %dma_wait3A_467 = tpu.memref_slice %arg3[%add3A_39, %mul3A_273] : memref<1024x100352xf32, #tpu.memory_space<hbm>> -> memref<1x128xf32, #tpu.memory_space<hbm>>
        %dma_wait3A_468 = tpu.memref_squeeze %dma_wait3A_467 : memref<1x128xf32, #tpu.memory_space<hbm>> -> memref<128xf32, #tpu.memory_space<hbm>>
        tpu.wait_dma2 semaphore(%arg10 : memref<!tpu.dma_semaphore, #tpu.memory_space<semaphore_mem>>) src(%dma_wait3A_468 : memref<128xf32, #tpu.memory_space<hbm>>) dst(%dma_wait3A_466 : memref<128xf32, #tpu.memory_space<vmem>>)
        %dma_wait3A_469 = arith.constant 15 : i32
        %dma_wait3A_470 = arith.constant 0 : i32
        %dma_wait3A_471 = tpu.memref_slice %arg7[%dma_wait3A_469, %dma_wait3A_470] : memref<16x128xf32, #tpu.memory_space<vmem>> -> memref<1x128xf32, #tpu.memory_space<vmem>>
        %dma_wait3A_472 = tpu.memref_squeeze %dma_wait3A_471 : memref<1x128xf32, #tpu.memory_space<vmem>> -> memref<128xf32, #tpu.memory_space<vmem>>
        %dma_wait3A_473 = tpu.memref_slice %arg3[%add3A_39, %mul3A_288] : memref<1024x100352xf32, #tpu.memory_space<hbm>> -> memref<1x128xf32, #tpu.memory_space<hbm>>
        %dma_wait3A_474 = tpu.memref_squeeze %dma_wait3A_473 : memref<1x128xf32, #tpu.memory_space<hbm>> -> memref<128xf32, #tpu.memory_space<hbm>>
        %dma_wait3A_475 = arith.constant 0 : i32
        %dma_wait3A_476 = tpu.memref_slice %arg7[%dma_wait3A_469, %dma_wait3A_475] : memref<16x128xf32, #tpu.memory_space<vmem>> -> memref<1x128xf32, #tpu.memory_space<vmem>>
        %dma_wait3A_477 = tpu.memref_squeeze %dma_wait3A_476 : memref<1x128xf32, #tpu.memory_space<vmem>> -> memref<128xf32, #tpu.memory_space<vmem>>
        %dma_wait3A_478 = tpu.memref_slice %arg3[%add3A_39, %mul3A_288] : memref<1024x100352xf32, #tpu.memory_space<hbm>> -> memref<1x128xf32, #tpu.memory_space<hbm>>
        %dma_wait3A_479 = tpu.memref_squeeze %dma_wait3A_478 : memref<1x128xf32, #tpu.memory_space<hbm>> -> memref<128xf32, #tpu.memory_space<hbm>>
        tpu.wait_dma2 semaphore(%arg10 : memref<!tpu.dma_semaphore, #tpu.memory_space<semaphore_mem>>) src(%dma_wait3A_479 : memref<128xf32, #tpu.memory_space<hbm>>) dst(%dma_wait3A_477 : memref<128xf32, #tpu.memory_space<vmem>>)
        %scan3A_480 = arith.constant 0 : i32
        %scan3A_481 = arith.constant 16 : i32
        %scan3A_482 = arith.addi %scan3A_480, %scan3A_481 : i32
        %scan3A_483 = arith.constant 1 : i32
        %scan3A_484:2 = scf.for %scan3A_507 = %scan3A_480 to %scan3A_482 step %scan3A_483 iter_args(%scan3A_508 = %broadcast_in_dim3A_53, %scan3A_509 = %broadcast_in_dim3A_55) -> (vector<16xf32>, vector<16xi32>)  : i32 {
          %scan3A_510 = arith.constant 0 : i32
          %scan3A_511 = arith.constant 8 : i32
          %scan3A_512 = arith.addi %scan3A_510, %scan3A_511 : i32
          %scan3A_513 = arith.constant 1 : i32
          %scan3A_514:2 = scf.for %scan3A_516 = %scan3A_510 to %scan3A_512 step %scan3A_513 iter_args(%scan3A_517 = %scan3A_508, %scan3A_518 = %scan3A_509) -> (vector<16xf32>, vector<16xi32>)  : i32 {
            %mul3A_519 = arith.constant 16 : i32
            %mul3A_520 = arith.muli %scan3A_516, %mul3A_519 : i32
            %get3A = arith.index_cast %scan3A_507 : i32 to index
            %get3A_521 = arith.index_cast %mul3A_520 : i32 to index
            %get3A_522 = tpu.vector_load %arg7[%get3A, %get3A_521] {strides = array<i32>} : memref<16x128xf32, #tpu.memory_space<vmem>>, vector<16xf32>,
            %mul3A_523 = arith.constant 128 : i32
            %mul3A_524 = arith.muli %scan3A_507, %mul3A_523 : i32
            %mul3A_525 = arith.constant 16 : i32
            %mul3A_526 = arith.muli %scan3A_516, %mul3A_525 : i32
            %add3A_527 = arith.addi %mul3A_524, %mul3A_526 : i32
            %iota3A_528 = tpu.iota {dimensions = array<i32: 0>} : vector<16xi32>
            %add3A_529 = vector.broadcast %add3A_527 : i32 to vector<16xi32>
            %add3A_530 = arith.addi %add3A_529, %iota3A_528 : vector<16xi32>
            %masked_sort3A = arith.constant dense<true> : vector<16xi1>
            %masked_sort3A_531, %masked_sort3A_532, %masked_sort3A_533 = tpu.sort %get3A_522, %add3A_530 masked %masked_sort3A {descending = true} : (vector<16xf32>, vector<16xi32>, vector<16xi1>) -> (vector<16xi1>, vector<16xf32>, vector<16xi32>)
            %lt3A_534 = arith.cmpf olt, %masked_sort3A_532, %scan3A_517 : vector<16xf32>
            %select_n3A_535 = arith.select %lt3A_534, %masked_sort3A_532, %scan3A_517 : vector<16xi1>, vector<16xf32>
            %select_n3A_536 = arith.select %lt3A_534, %masked_sort3A_533, %scan3A_518 : vector<16xi1>, vector<16xi32>
            %masked_sort3A_537 = arith.constant dense<true> : vector<16xi1>
            %masked_sort3A_538, %masked_sort3A_539, %masked_sort3A_540 = tpu.sort %select_n3A_535, %select_n3A_536 masked %masked_sort3A_537 : (vector<16xf32>, vector<16xi32>, vector<16xi1>) -> (vector<16xi1>, vector<16xf32>, vector<16xi32>)
            scf.yield %masked_sort3A_539, %masked_sort3A_540 : vector<16xf32>, vector<16xi32>
          }
          %scan3A_515 = arith.constant 8 : i32
          scf.yield %scan3A_514#0, %scan3A_514#1 : vector<16xf32>, vector<16xi32>
        }
        %scan3A_485 = arith.constant 16 : i32
        %shift_right_logical3A = arith.constant 7 : i32
        %shift_right_logical3A_486 = vector.broadcast %shift_right_logical3A : i32 to vector<16xi32>
        %shift_right_logical3A_487 = arith.shrui %scan3A_484#1, %shift_right_logical3A_486 : vector<16xi32>
        %broadcast_in_dim3A_488 = vector.shape_cast %shift_right_logical3A_487 : vector<16xi32> to vector<16x1xi32>
        %gather3A = vector.shape_cast %broadcast_in_dim3A_488 : vector<16x1xi32> to vector<16xi32>
        %gather3A_489 = tpu.dynamic_gather %scan3A_60#1[%gather3A] in [0] : vector<16xi32>, vector<16xi32> -> vector<16xi32>
        %mul3A_490 = arith.constant 128 : i32
        %mul3A_491 = vector.broadcast %mul3A_490 : i32 to vector<16xi32>
        %mul3A_492 = arith.muli %gather3A_489, %mul3A_491 : vector<16xi32>
        %and3A_493 = arith.constant 127 : i32
        %and3A_494 = vector.broadcast %and3A_493 : i32 to vector<16xi32>
        %and3A_495 = arith.andi %scan3A_484#1, %and3A_494 : vector<16xi32>
        %add3A_496 = arith.addi %mul3A_492, %and3A_495 : vector<16xi32>
        %gather3A_497 = tpu.vector_load_idx %arg8[%add3A_496] : memref<100352xf32, #tpu.memory_space<vmem>>[vector<16xi32>], vector<16xf32>,
        %reduce_sum3A = arith.constant true
        %reduce_sum3A_498 = vector.broadcast %reduce_sum3A : i1 to vector<16xi1>
        %reduce_sum3A_499 = tpu.scan <sum>, %gather3A_497 masked %reduce_sum3A_498 : vector<16xf32>, vector<16xi1> -> vector<16xf32>
        %reduce_sum3A_500 = vector.extract %reduce_sum3A_499[15] : f32 from vector<16xf32>
        %mul3A_501 = arith.constant 6.250000e-02 : f32
        %mul3A_502 = arith.mulf %reduce_sum3A_500, %mul3A_501 : f32
        %iota3A = tpu.iota {dimensions = array<i32: 0>} : vector<16xi32>
        %and3A_503 = arith.constant 15 : i32
        %and3A_504 = arith.andi %add3A_38, %and3A_503 : i32
        %eq3A = vector.broadcast %and3A_504 : i32 to vector<16xi32>
        %eq3A_505 = arith.cmpi eq, %iota3A, %eq3A : vector<16xi32>
        %broadcast_in_dim3A_506 = vector.broadcast %mul3A_502 : f32 to vector<16xf32>
        %select_n3A = arith.select %eq3A_505, %broadcast_in_dim3A_506, %scan3A_35 : vector<16xi1>, vector<16xf32>
        scf.yield %select_n3A : vector<16xf32>
      }
      %scan3A_29 = arith.constant 16 : i32
      %mul3A_30 = arith.constant 16 : i32
      %mul3A_31 = arith.muli %scan3A_21, %mul3A_30 : i32
      %swap3A = arith.index_cast %mul3A_31 : i32 to index
      %swap3A_32 = tpu.vector_load %arg9[%swap3A] {strides = array<i32>} : memref<32xf32, #tpu.memory_space<vmem>>, vector<16xf32>,
      tpu.vector_store %arg9[%swap3A], %scan3A_28 {strides = array<i32>} : memref<32xf32, #tpu.memory_space<vmem>>, vector<16xf32>,
      %scan3A_33 = arith.constant 0 : i32
      scf.yield %scan3A_33 : i32
    }
    %scan3A_20 = arith.constant 2 : i32
    "tpu.region"() ({
      %run_scoped3A = tpu.sem_alloc : memref<!tpu.dma_semaphore, #tpu.memory_space<semaphore_mem>>
      %dma_start3A_21 = tpu.memref_slice %arg5[%mul3A_2] : memref<1024xf32, #tpu.memory_space<hbm>> -> memref<32xf32, #tpu.memory_space<hbm>>
      %dma_start3A_22 = tpu.memref_slice %arg5[%mul3A_2] : memref<1024xf32, #tpu.memory_space<hbm>> -> memref<32xf32, #tpu.memory_space<hbm>>
      tpu.enqueue_dma source(%arg9 : memref<32xf32, #tpu.memory_space<vmem>>) target(%dma_start3A_22 : memref<32xf32, #tpu.memory_space<hbm>>) target_semaphore(%run_scoped3A : memref<!tpu.dma_semaphore, #tpu.memory_space<semaphore_mem>>)
      %dma_wait3A = tpu.memref_slice %arg5[%mul3A_2] : memref<1024xf32, #tpu.memory_space<hbm>> -> memref<32xf32, #tpu.memory_space<hbm>>
      %dma_wait3A_23 = tpu.memref_slice %arg5[%mul3A_2] : memref<1024xf32, #tpu.memory_space<hbm>> -> memref<32xf32, #tpu.memory_space<hbm>>
      tpu.wait_dma2 semaphore(%run_scoped3A : memref<!tpu.dma_semaphore, #tpu.memory_space<semaphore_mem>>) src(%arg9 : memref<32xf32, #tpu.memory_space<vmem>>) dst(%dma_wait3A_23 : memref<32xf32, #tpu.memory_space<hbm>>)
      tpu.yield
    }) : () -> ()
    return
  }
}

module attributes {stable_mosaic.version = 14 : i64} {
  func.func @_tr_body(%arg0: i32, %arg1: memref<784x1024xf32, #tpu.memory_space<vmem>>, %arg2: memref<1024x784xf32, #tpu.memory_space<vmem>>) attributes {dimension_semantics = [#tpu.dimension_semantics<arbitrary>], iteration_bounds = array<i64: 1>, scalar_prefetch = 0 : i64, scratch_operands = 0 : i64, tpu.core_type = #tpu.core_type<tc>, window_params = [{transform_indices = @transform_0, window_bounds = array<i64: 784, 1024>}, {transform_indices = @transform_1, window_bounds = array<i64: 1024, 784>}]} {
    %get3A = arith.constant 0 : index
    %get3A_0 = arith.constant 0 : index
    %get3A_1 = vector.load %arg1[%get3A, %get3A_0] : memref<784x1024xf32, #tpu.memory_space<vmem>>, vector<784x1024xf32>
    %transpose3A = tpu.transpose %get3A_1, [1, 0] : vector<784x1024xf32> -> vector<1024x784xf32>
    %swap3A = arith.constant 0 : index
    %swap3A_2 = arith.constant 0 : index
    %swap3A_3 = vector.load %arg2[%swap3A, %swap3A_2] : memref<1024x784xf32, #tpu.memory_space<vmem>>, vector<1024x784xf32>
    tpu.vector_store %arg2[%swap3A, %swap3A_2], %transpose3A {strides = array<i32>} : memref<1024x784xf32, #tpu.memory_space<vmem>>, vector<1024x784xf32>,
    return
  }
  func.func @transform_0(%arg0: i32) -> (i32, i32) {
    %c0_i32 = arith.constant 0 : i32
    %c0_i32_0 = arith.constant 0 : i32
    return %c0_i32, %arg0 : i32, i32
  }
  func.func @transform_1(%arg0: i32) -> (i32, i32) {
    %c0_i32 = arith.constant 0 : i32
    %c0_i32_0 = arith.constant 0 : i32
    return %arg0, %c0_i32 : i32, i32
  }
}

module attributes {stable_mosaic.version = 14 : i64} {
  func.func @_tc_body(%arg0: i32, %arg1: i32, %arg2: memref<1024x128xf32, #tpu.memory_space<vmem>>, %arg3: memref<2048x128xf32, #tpu.memory_space<vmem>>, %arg4: memref<1024x2048xf32, #tpu.memory_space<vmem>>, %arg5: memref<16x1024xf32, #tpu.memory_space<vmem>>) attributes {dimension_semantics = [#tpu.dimension_semantics<arbitrary>, #tpu.dimension_semantics<arbitrary>], iteration_bounds = array<i64: 1, 49>, scalar_prefetch = 0 : i64, scratch_operands = 0 : i64, tpu.core_type = #tpu.core_type<tc>, window_params = [{transform_indices = @transform_0, window_bounds = array<i64: 1024, 128>}, {transform_indices = @transform_1, window_bounds = array<i64: 2048, 128>}, {transform_indices = @transform_2, window_bounds = array<i64: 1024, 2048>}, {transform_indices = @transform_3, window_bounds = array<i64: 16, 1024>}]} {
    %get3A = arith.constant 0 : index
    %get3A_0 = arith.constant 0 : index
    %get3A_1 = vector.load %arg2[%get3A, %get3A_0] : memref<1024x128xf32, #tpu.memory_space<vmem>>, vector<1024x128xf32>
    %get3A_2 = arith.constant 0 : index
    %get3A_3 = arith.constant 0 : index
    %get3A_4 = vector.load %arg3[%get3A_2, %get3A_3] : memref<2048x128xf32, #tpu.memory_space<vmem>>, vector<2048x128xf32>
    %dot_general3A = arith.constant dense<0.000000e+00> : vector<1024x2048xf32>
    %dot_general3A_5 = tpu.matmul %get3A_1, %get3A_4, %dot_general3A {dimension_numbers = #tpu.dot_dimension_numbers<[1], [1], [0], [0], [0, 0, 1, 0], [], []>, transpose_lhs_hint = false} : vector<1024x128xf32>, vector<2048x128xf32>, vector<1024x2048xf32> -> vector<1024x2048xf32>
    %mul3A = arith.mulf %get3A_1, %get3A_1 : vector<1024x128xf32>
    %reduce_sum3A = arith.constant dense<0.000000e+00> : vector<1024xf32>
    %reduce_sum3A_6 = vector.multi_reduction <add>, %mul3A, %reduce_sum3A [1] : vector<1024x128xf32> to vector<1024xf32>
    %broadcast_in_dim3A = vector.shape_cast %reduce_sum3A_6 : vector<1024xf32> to vector<1024x1xf32>
    %mul3A_7 = arith.mulf %get3A_4, %get3A_4 : vector<2048x128xf32>
    %reduce_sum3A_8 = arith.constant dense<0.000000e+00> : vector<2048xf32>
    %reduce_sum3A_9 = vector.multi_reduction <add>, %mul3A_7, %reduce_sum3A_8 [1] : vector<2048x128xf32> to vector<2048xf32>
    %broadcast_in_dim3A_10 = vector.shape_cast %reduce_sum3A_9 : vector<2048xf32> to vector<1x2048xf32>
    %add3A = vector.broadcast %broadcast_in_dim3A : vector<1024x1xf32> to vector<1024x2048xf32>
    %add3A_11 = vector.broadcast %broadcast_in_dim3A_10 : vector<1x2048xf32> to vector<1024x2048xf32>
    %add3A_12 = arith.addf %add3A, %add3A_11 : vector<1024x2048xf32>
    %mul3A_13 = arith.constant 2.000000e+00 : f32
    %mul3A_14 = vector.broadcast %mul3A_13 : f32 to vector<1024x2048xf32>
    %mul3A_15 = arith.mulf %mul3A_14, %dot_general3A_5 : vector<1024x2048xf32>
    %sub3A = arith.subf %add3A_12, %mul3A_15 : vector<1024x2048xf32>
    %max3A = arith.constant 9.99999996E-13 : f32
    %max3A_16 = vector.broadcast %max3A : f32 to vector<1024x2048xf32>
    %max3A_17 = arith.maximumf %sub3A, %max3A_16 : vector<1024x2048xf32>
    %mul3A_18 = arith.constant 2048 : i32
    %mul3A_19 = arith.muli %arg1, %mul3A_18 : i32
    %iota3A = tpu.iota {dimensions = array<i32: 1>} : vector<1024x2048xi32>
    %add3A_20 = vector.broadcast %mul3A_19 : i32 to vector<1024x2048xi32>
    %add3A_21 = arith.addi %add3A_20, %iota3A : vector<1024x2048xi32>
    %lt3A = arith.constant 100000 : i32
    %lt3A_22 = vector.broadcast %lt3A : i32 to vector<1024x2048xi32>
    %lt3A_23 = arith.cmpi slt, %add3A_21, %lt3A_22 : vector<1024x2048xi32>
    %jit3A = arith.constant 3.000000e+38 : f32
    %broadcast_in_dim3A_24 = vector.broadcast %jit3A : f32 to vector<1024x2048xf32>
    %select_n3A = arith.select %lt3A_23, %max3A_17, %broadcast_in_dim3A_24 : vector<1024x2048xi1>, vector<1024x2048xf32>
    %swap3A = arith.constant 0 : index
    %swap3A_25 = arith.constant 0 : index
    %swap3A_26 = vector.load %arg4[%swap3A, %swap3A_25] : memref<1024x2048xf32, #tpu.memory_space<vmem>>, vector<1024x2048xf32>
    tpu.vector_store %arg4[%swap3A, %swap3A_25], %select_n3A {strides = array<i32>} : memref<1024x2048xf32, #tpu.memory_space<vmem>>, vector<1024x2048xf32>,
    %slice3A = vector.extract_strided_slice %select_n3A {offsets = [0, 0], sizes = [1024, 128], strides = [1, 1]} : vector<1024x2048xf32> to vector<1024x128xf32>
    %reduce_min3A = arith.constant dense<0x7F800000> : vector<1024xf32>
    %reduce_min3A_27 = vector.multi_reduction <minimumf>, %slice3A, %reduce_min3A [1] : vector<1024x128xf32> to vector<1024xf32>
    %broadcast_in_dim3A_28 = vector.shape_cast %reduce_min3A_27 : vector<1024xf32> to vector<1x1024xf32>
    %slice3A_29 = vector.extract_strided_slice %select_n3A {offsets = [0, 128], sizes = [1024, 128], strides = [1, 1]} : vector<1024x2048xf32> to vector<1024x128xf32>
    %reduce_min3A_30 = arith.constant dense<0x7F800000> : vector<1024xf32>
    %reduce_min3A_31 = vector.multi_reduction <minimumf>, %slice3A_29, %reduce_min3A_30 [1] : vector<1024x128xf32> to vector<1024xf32>
    %broadcast_in_dim3A_32 = vector.shape_cast %reduce_min3A_31 : vector<1024xf32> to vector<1x1024xf32>
    %slice3A_33 = vector.extract_strided_slice %select_n3A {offsets = [0, 256], sizes = [1024, 128], strides = [1, 1]} : vector<1024x2048xf32> to vector<1024x128xf32>
    %reduce_min3A_34 = arith.constant dense<0x7F800000> : vector<1024xf32>
    %reduce_min3A_35 = vector.multi_reduction <minimumf>, %slice3A_33, %reduce_min3A_34 [1] : vector<1024x128xf32> to vector<1024xf32>
    %broadcast_in_dim3A_36 = vector.shape_cast %reduce_min3A_35 : vector<1024xf32> to vector<1x1024xf32>
    %slice3A_37 = vector.extract_strided_slice %select_n3A {offsets = [0, 384], sizes = [1024, 128], strides = [1, 1]} : vector<1024x2048xf32> to vector<1024x128xf32>
    %reduce_min3A_38 = arith.constant dense<0x7F800000> : vector<1024xf32>
    %reduce_min3A_39 = vector.multi_reduction <minimumf>, %slice3A_37, %reduce_min3A_38 [1] : vector<1024x128xf32> to vector<1024xf32>
    %broadcast_in_dim3A_40 = vector.shape_cast %reduce_min3A_39 : vector<1024xf32> to vector<1x1024xf32>
    %slice3A_41 = vector.extract_strided_slice %select_n3A {offsets = [0, 512], sizes = [1024, 128], strides = [1, 1]} : vector<1024x2048xf32> to vector<1024x128xf32>
    %reduce_min3A_42 = arith.constant dense<0x7F800000> : vector<1024xf32>
    %reduce_min3A_43 = vector.multi_reduction <minimumf>, %slice3A_41, %reduce_min3A_42 [1] : vector<1024x128xf32> to vector<1024xf32>
    %broadcast_in_dim3A_44 = vector.shape_cast %reduce_min3A_43 : vector<1024xf32> to vector<1x1024xf32>
    %slice3A_45 = vector.extract_strided_slice %select_n3A {offsets = [0, 640], sizes = [1024, 128], strides = [1, 1]} : vector<1024x2048xf32> to vector<1024x128xf32>
    %reduce_min3A_46 = arith.constant dense<0x7F800000> : vector<1024xf32>
    %reduce_min3A_47 = vector.multi_reduction <minimumf>, %slice3A_45, %reduce_min3A_46 [1] : vector<1024x128xf32> to vector<1024xf32>
    %broadcast_in_dim3A_48 = vector.shape_cast %reduce_min3A_47 : vector<1024xf32> to vector<1x1024xf32>
    %slice3A_49 = vector.extract_strided_slice %select_n3A {offsets = [0, 768], sizes = [1024, 128], strides = [1, 1]} : vector<1024x2048xf32> to vector<1024x128xf32>
    %reduce_min3A_50 = arith.constant dense<0x7F800000> : vector<1024xf32>
    %reduce_min3A_51 = vector.multi_reduction <minimumf>, %slice3A_49, %reduce_min3A_50 [1] : vector<1024x128xf32> to vector<1024xf32>
    %broadcast_in_dim3A_52 = vector.shape_cast %reduce_min3A_51 : vector<1024xf32> to vector<1x1024xf32>
    %slice3A_53 = vector.extract_strided_slice %select_n3A {offsets = [0, 896], sizes = [1024, 128], strides = [1, 1]} : vector<1024x2048xf32> to vector<1024x128xf32>
    %reduce_min3A_54 = arith.constant dense<0x7F800000> : vector<1024xf32>
    %reduce_min3A_55 = vector.multi_reduction <minimumf>, %slice3A_53, %reduce_min3A_54 [1] : vector<1024x128xf32> to vector<1024xf32>
    %broadcast_in_dim3A_56 = vector.shape_cast %reduce_min3A_55 : vector<1024xf32> to vector<1x1024xf32>
    %slice3A_57 = vector.extract_strided_slice %select_n3A {offsets = [0, 1024], sizes = [1024, 128], strides = [1, 1]} : vector<1024x2048xf32> to vector<1024x128xf32>
    %reduce_min3A_58 = arith.constant dense<0x7F800000> : vector<1024xf32>
    %reduce_min3A_59 = vector.multi_reduction <minimumf>, %slice3A_57, %reduce_min3A_58 [1] : vector<1024x128xf32> to vector<1024xf32>
    %broadcast_in_dim3A_60 = vector.shape_cast %reduce_min3A_59 : vector<1024xf32> to vector<1x1024xf32>
    %slice3A_61 = vector.extract_strided_slice %select_n3A {offsets = [0, 1152], sizes = [1024, 128], strides = [1, 1]} : vector<1024x2048xf32> to vector<1024x128xf32>
    %reduce_min3A_62 = arith.constant dense<0x7F800000> : vector<1024xf32>
    %reduce_min3A_63 = vector.multi_reduction <minimumf>, %slice3A_61, %reduce_min3A_62 [1] : vector<1024x128xf32> to vector<1024xf32>
    %broadcast_in_dim3A_64 = vector.shape_cast %reduce_min3A_63 : vector<1024xf32> to vector<1x1024xf32>
    %slice3A_65 = vector.extract_strided_slice %select_n3A {offsets = [0, 1280], sizes = [1024, 128], strides = [1, 1]} : vector<1024x2048xf32> to vector<1024x128xf32>
    %reduce_min3A_66 = arith.constant dense<0x7F800000> : vector<1024xf32>
    %reduce_min3A_67 = vector.multi_reduction <minimumf>, %slice3A_65, %reduce_min3A_66 [1] : vector<1024x128xf32> to vector<1024xf32>
    %broadcast_in_dim3A_68 = vector.shape_cast %reduce_min3A_67 : vector<1024xf32> to vector<1x1024xf32>
    %slice3A_69 = vector.extract_strided_slice %select_n3A {offsets = [0, 1408], sizes = [1024, 128], strides = [1, 1]} : vector<1024x2048xf32> to vector<1024x128xf32>
    %reduce_min3A_70 = arith.constant dense<0x7F800000> : vector<1024xf32>
    %reduce_min3A_71 = vector.multi_reduction <minimumf>, %slice3A_69, %reduce_min3A_70 [1] : vector<1024x128xf32> to vector<1024xf32>
    %broadcast_in_dim3A_72 = vector.shape_cast %reduce_min3A_71 : vector<1024xf32> to vector<1x1024xf32>
    %slice3A_73 = vector.extract_strided_slice %select_n3A {offsets = [0, 1536], sizes = [1024, 128], strides = [1, 1]} : vector<1024x2048xf32> to vector<1024x128xf32>
    %reduce_min3A_74 = arith.constant dense<0x7F800000> : vector<1024xf32>
    %reduce_min3A_75 = vector.multi_reduction <minimumf>, %slice3A_73, %reduce_min3A_74 [1] : vector<1024x128xf32> to vector<1024xf32>
    %broadcast_in_dim3A_76 = vector.shape_cast %reduce_min3A_75 : vector<1024xf32> to vector<1x1024xf32>
    %slice3A_77 = vector.extract_strided_slice %select_n3A {offsets = [0, 1664], sizes = [1024, 128], strides = [1, 1]} : vector<1024x2048xf32> to vector<1024x128xf32>
    %reduce_min3A_78 = arith.constant dense<0x7F800000> : vector<1024xf32>
    %reduce_min3A_79 = vector.multi_reduction <minimumf>, %slice3A_77, %reduce_min3A_78 [1] : vector<1024x128xf32> to vector<1024xf32>
    %broadcast_in_dim3A_80 = vector.shape_cast %reduce_min3A_79 : vector<1024xf32> to vector<1x1024xf32>
    %slice3A_81 = vector.extract_strided_slice %select_n3A {offsets = [0, 1792], sizes = [1024, 128], strides = [1, 1]} : vector<1024x2048xf32> to vector<1024x128xf32>
    %reduce_min3A_82 = arith.constant dense<0x7F800000> : vector<1024xf32>
    %reduce_min3A_83 = vector.multi_reduction <minimumf>, %slice3A_81, %reduce_min3A_82 [1] : vector<1024x128xf32> to vector<1024xf32>
    %broadcast_in_dim3A_84 = vector.shape_cast %reduce_min3A_83 : vector<1024xf32> to vector<1x1024xf32>
    %slice3A_85 = vector.extract_strided_slice %select_n3A {offsets = [0, 1920], sizes = [1024, 128], strides = [1, 1]} : vector<1024x2048xf32> to vector<1024x128xf32>
    %reduce_min3A_86 = arith.constant dense<0x7F800000> : vector<1024xf32>
    %reduce_min3A_87 = vector.multi_reduction <minimumf>, %slice3A_85, %reduce_min3A_86 [1] : vector<1024x128xf32> to vector<1024xf32>
    %broadcast_in_dim3A_88 = vector.shape_cast %reduce_min3A_87 : vector<1024xf32> to vector<1x1024xf32>
    %concatenate3A = tpu.concatenate %broadcast_in_dim3A_28, %broadcast_in_dim3A_32, %broadcast_in_dim3A_36, %broadcast_in_dim3A_40, %broadcast_in_dim3A_44, %broadcast_in_dim3A_48, %broadcast_in_dim3A_52, %broadcast_in_dim3A_56, %broadcast_in_dim3A_60, %broadcast_in_dim3A_64, %broadcast_in_dim3A_68, %broadcast_in_dim3A_72, %broadcast_in_dim3A_76, %broadcast_in_dim3A_80, %broadcast_in_dim3A_84, %broadcast_in_dim3A_88 in 0 : vector<1x1024xf32>, vector<1x1024xf32>, vector<1x1024xf32>, vector<1x1024xf32>, vector<1x1024xf32>, vector<1x1024xf32>, vector<1x1024xf32>, vector<1x1024xf32>, vector<1x1024xf32>, vector<1x1024xf32>, vector<1x1024xf32>, vector<1x1024xf32>, vector<1x1024xf32>, vector<1x1024xf32>, vector<1x1024xf32>, vector<1x1024xf32> -> vector<16x1024xf32>
    %swap3A_89 = arith.constant 0 : index
    %swap3A_90 = arith.constant 0 : index
    %swap3A_91 = vector.load %arg5[%swap3A_89, %swap3A_90] : memref<16x1024xf32, #tpu.memory_space<vmem>>, vector<16x1024xf32>
    tpu.vector_store %arg5[%swap3A_89, %swap3A_90], %concatenate3A {strides = array<i32>} : memref<16x1024xf32, #tpu.memory_space<vmem>>, vector<16x1024xf32>,
    return
  }
  func.func @transform_0(%arg0: i32, %arg1: i32) -> (i32, i32) {
    %c0_i32 = arith.constant 0 : i32
    %c0_i32_0 = arith.constant 0 : i32
    return %arg0, %c0_i32 : i32, i32
  }
  func.func @transform_1(%arg0: i32, %arg1: i32) -> (i32, i32) {
    %c0_i32 = arith.constant 0 : i32
    %c0_i32_0 = arith.constant 0 : i32
    return %arg1, %c0_i32 : i32, i32
  }
  func.func @transform_2(%arg0: i32, %arg1: i32) -> (i32, i32) {
    %c0_i32 = arith.constant 0 : i32
    return %arg0, %arg1 : i32, i32
  }
  func.func @transform_3(%arg0: i32, %arg1: i32) -> (i32, i32) {
    %c0_i32 = arith.constant 0 : i32
    return %arg1, %arg0 : i32, i32
  }
}

</mosaic_0001>

<sc_bundles>
// kernel: kernel.14.cloned.1.call-start
scs
__scs_entry_jumppad:
0x0: {  	(pc) =	sbr.rel $0x88, $3  }
0x1: {  	(tag) =	ssettag $0x0;
	lr =	simm.s32 $0x1  }
0x2: {  	[smem:$0x3F9E] =	sst lr;
	_ =	strace $0xD0000000  }
0x3: {  	_ = 	snop  }
0x4: {  	_ = 	snop  }
0x5: {  	_ = 	snop  }
0x6: {  	_ = 	snop  }
0x7: {  	_ = 	snop  }
__scs_overlays_trampoline_lowered:
0x8: {  	[smem:$0x3FAD] =	sst s0  }
0x9: {  	[smem:$0x3FAE] =	sst s1  }
0xa: {  	[smem:$0x3FAF] =	sst s2  }
0xb: {  	[smem:$0x3FB0] =	sst s3  }
0xc: {  	[smem:$0x3FB1] =	sst s4  }
0xd: {  	[smem:$0x3FB2] =	sst s5  }
0xe: {  	[smem:$0x3FB3] =	sst s6  }
0xf: {  	[smem:$0x3FB4] =	sst s7  }
0x10: {  	[smem:$0x3FB5] =	sst s8  }
0x11: {  	[smem:$0x3FB6] =	sst s9;
	s0 =	simm.s32 @!p0 $0x0  }
0x12: {  	s1 =	sld [smem:$0x3F9C];
	s0 =	simm.s32 @p0 $0x1  }
0x13: {  	[smem:$0x3FB7] =	sst s0;
	s0 =	simm.s32 @!p1 $0x0  }
0x14: {  	s2 =	sld [smem:$0x3F9B];
	s0 =	simm.s32 @p1 $0x1  }
0x15: {  	[smem:$0x3FB8] =	sst s0;
	s0 =	simm.s32 @!p2 $0x0  }
0x16: {  	s3 =	sld [smem:$0x3FDB];
	s0 =	simm.s32 @p2 $0x1  }
0x17: {  	s4 =	simm.s32 $0x1BF5;
	[smem:$0x3FBA] =	sst s0  }
0x18: {  	s0 =	sld [smem:$0x3F9D];
	_ =	swait.ge [sflag:s4], $0x0  }
0x19: {  	s7 =	sld [smem:$0x3F9E]  }
0x1a: {  	s8 =	sadd.s32 $0xFFFFE003, lr  }
0x1b: {  	s9 =	sadd.s32 $0xFFFFFEF7, lr;
	s5 =	simm.s32 $0xFFFFFFFF;
	p2 =	slt.u32 s8, $0xFFFFF086  }
0x1c: {  	p1 =	slt.u32 s9, $0xF7A;
	s5 =	simm.s32 @!p2 $0x0  }
0x1d: {  	s5 =	simm.s32 @p1 $0x1;
	p0 =	seq.s32 s7, s2  }
0x1e: {  	s7 =	smul.u32 @!p0 $0xF7A, s2;
	p2 =	seq.s32 @!p0 s5, $0x0  }
0x1f: {  	s9 =	smul.u32 $0xF7A, s1;
	s8 =	simm.s32 @!p0 $0x1BF5;
	p2 =	por !p2, p0  }
0x20: {  	[sflag:s8] =	ssyncset.s32 @!p0 $0xFFFFF086;
	s6 =	sadd.s32 @!p0 s3, s7;
	s7 =	simm.s32 @!p0 $0x108  }
0x21: {  	s3 =	sadd.s32 s3, s9;
	s6 =	sadd.s32 @!p0 $0x88, s6;
	s7 =	simm.s32 @p2 $0x1082  }
0x22: {  	[simem:s7], [sflag:s8] =	dma.local @!p0 [hbm:s6], $0xF7A  }
0x23: {  	s9 =	sor.u32 $0xD0000000, s2;
	s6 =	simm.s32 $0x108;
	_ =	swait.ge @!p0 [sflag:s8], $0x0  }
0x24: {  	s3 =	sadd.s32 $0x88, s3;
	s6 =	simm.s32 @!p1 $0x1082;
	[sflag:s4] =	ssyncset.s32 $0xFFFFF086  }
0x25: {  	[simem:s6], [sflag:s4] =	dma.local [hbm:s3], $0xF7A  }
0x26: {  	[smem:$0x3F9E] =	sst s1;
	(tag) =	ssettag s2;
	_ =	strace s9  }
0x27: {  	s1 =	sld [smem:$0x3FAE]  }
0x28: {  	s2 =	sld [smem:$0x3FAF]  }
0x29: {  	s4 =	sld [smem:$0x3FB1]  }
0x2a: {  	p0 =	seq.s32 s5, $0x0;
	s5 =	sld [smem:$0x3FB2]  }
0x2b: {  	s6 =	sld [smem:$0x3FB3]  }
0x2c: {  	s7 =	sld [smem:$0x3FB4]  }
0x2d: {  	s3 =	simm.s32 $0x108;
	s8 =	sld [smem:$0x3FB5]  }
0x2e: {  	s3 =	simm.s32 @!p0 $0x1082;
	s9 =	sld [smem:$0x3FB6]  }
0x2f: {  	lr =	sadd.s32 s0, s3;
	s0 =	sld [smem:$0x3FAD]  }
0x30: {  	s3 =	sld [smem:$0x3FB0]  }
0x31: {  	[smem:$0x3FB9] =	sst s10  }
0x32: {  	s10 =	sld [smem:$0x3FB7];
	_ =	sdelay $0x3  }
0x33: {  	p0 =	seq.s32 s10, $0x1;
	s10 =	sld [smem:$0x3FB9];
	_ =	sdelay $0x3  }
0x34: {  	[smem:$0x3FB9] =	sst s10  }
0x35: {  	s10 =	sld [smem:$0x3FB8];
	_ =	sdelay $0x3  }
0x36: {  	p1 =	seq.s32 s10, $0x1;
	s10 =	sld [smem:$0x3FB9];
	_ =	sdelay $0x3  }
0x37: {  	[smem:$0x3FB9] =	sst s10  }
0x38: {  	s10 =	sld [smem:$0x3FBA]  }
0x39: {  	_ = 	snop;
	(pc) =	sbr.ind lr, $3  }
0x3a: {  	_ = 	snop  }
0x3b: {  	_ = 	snop  }
0x3c: {  	p2 =	seq.s32 s10, $0x1;
	s10 =	sld [smem:$0x3FB9]  }
0x3d: {  	_ =	shalt  }
0x3e: {  	_ =	shalt  }
0x3f: {  	_ =	shalt  }
0x40: {  	_ =	shalt  }
0x41: {  	_ =	shalt  }
0x42: {  	_ =	shalt  }
0x43: {  	_ =	shalt  }
0x44: {  	_ =	shalt  }
0x45: {  	_ =	shalt  }
0x46: {  	_ =	shalt  }
0x47: {  	_ =	shalt  }
0x48: {  	_ =	shalt  }
0x49: {  	_ =	shalt  }
0x4a: {  	_ =	shalt  }
0x4b: {  	_ =	shalt  }
0x4c: {  	_ =	shalt  }
0x4d: {  	_ =	shalt  }
0x4e: {  	_ =	shalt  }
0x4f: {  	_ =	shalt  }
0x50: {  	_ =	shalt  }
0x51: {  	_ =	shalt  }
0x52: {  	_ =	shalt  }
0x53: {  	_ =	shalt  }
0x54: {  	_ =	shalt  }
0x55: {  	_ =	shalt  }
0x56: {  	_ =	shalt  }
0x57: {  	_ =	shalt  }
0x58: {  	_ =	shalt  }
0x59: {  	_ =	shalt  }
0x5a: {  	_ =	shalt  }
0x5b: {  	_ =	shalt  }
0x5c: {  	_ =	shalt  }
0x5d: {  	_ =	shalt  }
0x5e: {  	_ =	shalt  }
0x5f: {  	_ =	shalt  }
0x60: {  	_ =	shalt  }
0x61: {  	_ =	shalt  }
0x62: {  	_ =	shalt  }
0x63: {  	_ =	shalt  }
0x64: {  	_ =	shalt  }
0x65: {  	_ =	shalt  }
0x66: {  	_ =	shalt  }
0x67: {  	_ =	shalt  }
0x68: {  	_ =	shalt  }
0x69: {  	_ =	shalt  }
0x6a: {  	_ =	shalt  }
0x6b: {  	_ =	shalt  }
0x6c: {  	_ =	shalt  }
0x6d: {  	_ =	shalt  }
0x6e: {  	_ =	shalt  }
0x6f: {  	_ =	shalt  }
0x70: {  	_ =	shalt  }
0x71: {  	_ =	shalt  }
0x72: {  	_ =	shalt  }
0x73: {  	_ =	shalt  }
0x74: {  	_ =	shalt  }
0x75: {  	_ =	shalt  }
0x76: {  	_ =	shalt  }
0x77: {  	_ =	shalt  }
0x78: {  	_ =	shalt  }
0x79: {  	_ =	shalt  }
0x7a: {  	_ =	shalt  }
0x7b: {  	_ =	shalt  }
0x7c: {  	_ =	shalt  }
0x7d: {  	_ =	shalt  }
0x7e: {  	_ =	shalt  }
0x7f: {  	_ =	shalt  }
0x80: {  	_ =	shalt  }
0x81: {  	_ =	shalt  }
0x82: {  	_ =	shalt  }
0x83: {  	_ =	shalt  }
0x84: {  	_ =	shalt  }
0x85: {  	_ =	shalt  }
0x86: {  	_ =	shalt  }
0x87: {  	_ =	shalt  }
.Lfunc_end0:
.L_simem_size_0:
called_computation_lowered:
.L_overlay_start_0:
0x88: {  	s2 =	sld [smem:$0x3FD9]  }
0x89: {  	s3 =	sld [smem:$0x3FFE];
	_ =	sdelay $0x1  }
0x8a: {  	s1 =	srdreg.scid  }
0x8b: {  	s0 =	sand.u32 $0x1, s1  }
0x8c: {  	s16 =	sshll.u32 s0, $0xA;
	s2 =	sadd.s32 s3, s2  }
0x8d: {  	s2 =	sadd.s32 s2, s16  }
0x8e: {  	[smem:$0x3FC5] =	sst s2  }
0x8f: {  	_ = 	snop  }
0x90: {  	(tm) =	ssettm $0x1  }
0x91: {  	s17 =	sld [smem:$0x3FFB];
	_ =	sdelay $0x3  }
0x92: {  	_ =	strace s17  }
0x93: {  	s2 =	sld [smem:$0x3FFC];
	_ =	sdelay $0x3  }
0x94: {  	_ =	strace s2  }
0x95: {  	s2 =	sld [smem:$0x3FFD];
	_ =	sdelay $0x3  }
0x96: {  	_ =	strace s2  }
0x97: {  	_ =	strace $0x8FFFFFFF  }
0x98: {  	s18 =	sld [smem:$0x3FDB];
	_ =	sdelay $0x1  }
0x99: {  	s19 =	simm.s32 $_scs_section_size  }
0x9a: {  	s4 =	simm.s32 $_size__tile_overlayer_lowered;
	s5 =	simm.s32 $_tile_overlayer_lowered  }
0x9b: {  	s22 =	simm.s32 $0x1BFF;
	s21 =	sshll.u32 s5, $0x1;
	s2 =	sadd.s32 s19, s18  }
0x9c: {  	s6 =	simm.s32 $0x0;
	s20 =	sshll.u32 s4, $0x1;
	s4 =	sadd.s32 s21, s2  }
0x9d: {  	[timem:s6], [sflag:s22] =	dma.local [hbm:s4], s20  }
0x9e: {  	_ =	swait.ge [sflag:s22], s20  }
0x9f: {  	s3 =	ssub.s32 $0x0, s20;
	[sflag:s22] =	ssyncset.done $0x0  }
0xa0: {  	[sflag:s22] =	ssyncadd.s32 s3;
	_ =	sdelay $0x1  }
0xa1: {  	s23 =	simm.s32 $0x1B8B  }
0xa2: {  	_ =	swait.ge [sflag:s23], $0x1  }
0xa3: {  	[sflag:s23] =	ssyncset.done $0x0  }
0xa4: {  	s25 =	simm.s32 $0x1B8E;
	s24 =	sld [smem:$0x3FFE];
	[sflag:s23] =	ssyncadd.s32 $0xFFFFFFFF  }
0xa5: {  	s26 =	simm.s32 $execute0_lowered;
	[smem:$0x3FD2] =	sst s25  }
0xa6: {  	s4 =	sshll.u32 s26, $0x1;
	_ =	strace $0x80000046;
	[dreg:$0x1] =	wrdreg $0xFFFFFFFF  }
0xa7: {  	s28 =	simm.s32 $_size_execute0_lowered;
	s2 =	sadd.s32 s2, s4;
	[dreg:$0x0] =	wrdreg $0x0  }
0xa8: {  	s4 =	sshll.u32 s28, $0x1;
	[dreg:$0x2] =	wrdreg s2  }
0xa9: {  	[dreg:$0x3] =	wrdreg s4  }
0xaa: {  	[dreg:$0x4] =	wrdreg $0xC0  }
0xab: {  	_ =	task [dreg:s6], $0x5FFFF  }
0xac: {  	[dreg:$0x1] =	wrdreg $0xFFFFFFFF  }
0xad: {  	[dreg:$0x0] =	wrdreg $0x60  }
0xae: {  	[dreg:$0x2] =	wrdreg s24  }
0xaf: {  	[dreg:$0x3] =	wrdreg $0x9  }
0xb0: {  	_ =	task.clear_ibuf [dreg:s6], $0x4FFFF;
	_ =	strace $0x90000046  }
0xb1: {  	s29 =	simm.s32 $0x9;
	_ =	strace $0x80000048  }
0xb2: {  	_ =	swait.ge [sflag:s29], $0x1  }
0xb3: {  	[sflag:s29] =	ssyncadd.s32 $0xFFFFFFFF  }
0xb4: {  	_ =	strace $0x90000048  }
0xb5: {  	_ =	sfence  }
0xb6: {  	s30 =	sld [smem:$0x0];
	_ =	sdelay $0x2  }
0xb7: {  	s31 =	sshll.u32 s1, $0xD;
	s1 =	sshrl.u32 s1, $0x2  }
0xb8: {  	s3 =	sand.u32 $0x4000, s31;
	s1 =	sadd.s32 s1, s30  }
0xb9: {  	s0 =	sor.u32 s3, s0;
	s1 =	sshll.u32 s1, $0x11  }
0xba: {  	s0 =	sor.u32 s1, s0  }
0xbb: {  	s0 =	sadd.s32 $0x8F2B, s0  }
0xbc: {  	[sflag:s0] =	ssyncadd.remote.s32 $0x1  }
0xbd: {  	_ =	sfence.sel $0xFFFF  }
0xbe: {  	[dreg:$0x0] =	wrdreg $0xFFFFFFFF;
	(pc) =	sbr.abs _section_cstart, $3  }
0xbf: {  	[dreg:$0x1] =	wrdreg $0xFFFFFFFF  }
0xc0: {  	_ =	task.clear_ibuf [dreg:s6], $0x2FFFF;
	_ =	strace $0x9FFFFFFF  }
0xc1: {  	(tm) =	ssettm $0x7FFFFFFF  }
tec
execute0_lowered:
.L_overlay_start_1:
0x0: {  	(tag) =	ssettag $0x1  }
0x1: {  	s0 =	rddreg [dreg:$0x0]  }
0x2: {  	s1 =	srdreg.scid;
	s3 =	stileid.u32;
	s2 =	simm.s32 $0x0  }
0x3: {  	s11 =	simm.s32 $0x3;
	s28 =	simm.s32 $0x800;
	s29 =	simm.s32 $0x880  }
0x4: {  	s30 =	simm.s32 $0x900;
	s31 =	simm.s32 $0x980;
	s16 =	simm.s32 $0xB00  }
0x5: {  	s17 =	simm.s32 $0xB80;
	s1 =	sand.u32 $0x1, s1;
	s3 =	sshll.u32 s3, $0x6  }
0x6: {  	[smem:$0x7FF] =	sst s2;
	s5 =	sadd.s32 $0xE600, s0;
	s8 =	sadd.s32 $0xC6A600, s0  }
0x7: {  	s4 =	sshll.u32 s1, $0x5;
	_ =	strace $0x80000047;
	s1 =	ssub.s32 $0x2, s1  }
0x8: {  	[dreg:$0x2] =	wrdreg s8;
	s3 =	sor.u32 s4, s3;
	s18 =	sshrl.u32 s1, $0x1  }
0x9: {  	s4 =	sadd.s32 $0xC4E600, s0;
	s6 =	sshrl.u32 s3, $0x3;
	s1 =	ssub.s32 s1, s18  }
0xa: {  	s7 =	smul.u32 $0x380, s6;
	s0 =	sadd.s32 s6, s0;
	s20 =	smax.u32 s1, $0x1  }
0xb: {  	s9 =	simm.s32 $0x1;
	s0 =	sadd.s32 $0xC6D800, s0;
	[dreg:$0x5] =	wrdreg s20  }
0xc: {  	s10 =	simm.s32 $0x0;
	s19 =	sadd.s32 s4, s7;
	[dreg:$0x4] =	wrdreg s0  }
0xd: {  	s12 =	simm.s32 $0x0;
	s21 =	sadd.s32 $0x80, s19;
	[dreg:$0x3] =	wrdreg s19  }
0xe: {  	s8 =	simm.s32 $0xE80;
	s22 =	sadd.s32 $0x100, s19;
	[dreg:$0x6] =	wrdreg s21  }
0xf: {  	s18 =	simm.s32 $0xC00;
	s23 =	sadd.s32 $0x180, s19;
	[dreg:$0x7] =	wrdreg s22  }
0x10: {  	s1 =	simm.s32 $0xA80;
	s24 =	sadd.s32 $0x200, s19;
	[dreg:$0x8] =	wrdreg s23  }
0x11: {  	s6 =	simm.s32 $0xE00;
	s25 =	sadd.s32 $0x280, s19;
	[dreg:$0x9] =	wrdreg s24  }
0x12: {  	s20 =	simm.s32 $0xD00;
	s26 =	sadd.s32 $0x300, s19;
	[dreg:$0xa] =	wrdreg s25  }
0x13: {  	s0 =	simm.s32 $0xA00;
	s19 =	simm.s32 $0xC80;
	[dreg:$0xb] =	wrdreg s26  }
0x14: {  	v0 =	vlaneseq.u32;
	s24 =	simm.s32 $0x2;
	s26 =	simm.s32 $0x780;
	s21 =	simm.s32 $0xD80  }
.LBB2_1:
0x15: {  	[dreg:$0xc] =	wrdreg s10  }
0x16: {  	s7 =	rddreg [dreg:$0x3]  }
0x17: {  	[tilespmem:s2], [sflag:$0x2] =	stream.linear.gather [hbm4b:s7+s2], $0x80, $0x38;
	[tilespmem:$0x19780] =	vst v63  }
0x18: {  	s23 =	rddreg [dreg:$0x6];
	s25 =	simm.s32 $0x100  }
0x19: {  	[tilespmem:s25], [sflag:$0x2] =	stream.linear.gather [hbm4b:s23+s2], $0x80, $0x38;
	[tilespmem:$0x19780] =	vst v63  }
0x1a: {  	s13 =	rddreg [dreg:$0x7];
	s14 =	simm.s32 $0x200  }
0x1b: {  	[tilespmem:s14], [sflag:$0x2] =	stream.linear.gather [hbm4b:s13+s2], $0x80, $0x38;
	[tilespmem:$0x19780] =	vst v63  }
0x1c: {  	s15 =	rddreg [dreg:$0x8];
	s22 =	simm.s32 $0x300  }
0x1d: {  	[tilespmem:s22], [sflag:$0x2] =	stream.linear.gather [hbm4b:s15+s2], $0x80, $0x38;
	[tilespmem:$0x19780] =	vst v63  }
0x1e: {  	s23 =	rddreg [dreg:$0x9];
	s25 =	simm.s32 $0x400  }
0x1f: {  	[tilespmem:s25], [sflag:$0x2] =	stream.linear.gather [hbm4b:s23+s2], $0x80, $0x38;
	[tilespmem:$0x19780] =	vst v63  }
0x20: {  	s13 =	rddreg [dreg:$0xa];
	s14 =	simm.s32 $0x500  }
0x21: {  	[tilespmem:s14], [sflag:$0x2] =	stream.linear.gather [hbm4b:s13+s2], $0x80, $0x38;
	[tilespmem:$0x19780] =	vst v63  }
0x22: {  	s15 =	rddreg [dreg:$0xb];
	s22 =	simm.s32 $0x600  }
0x23: {  	[tilespmem:s22], [sflag:$0x2] =	stream.linear.gather [hbm4b:s15+s2], $0x80, $0x38;
	[tilespmem:$0x19780] =	vst v63  }
0x24: {  	s23 =	rddreg [dreg:$0x2];
	s25 =	simm.s32 $0xF00  }
0x25: {  	[tilespmem:s25], [sflag:$0x3] =	stream.linear.gather [hbm4b:s23+s2], $0x18800, $0x38;
	[tilespmem:$0x19780] =	vst v63  }
0x26: {  	_ =	swait.ge [sflag:s11], $0x18800  }
0x27: {  	[sflag:s11] =	ssyncset.done $0x0  }
0x28: {  	p1 =	por $0x1, $0x1;
	s7 =	simm.s32 $0x0;
	[sflag:s11] =	ssyncadd.s32 $0xFFFE7800  }
.LBB2_2:
0x29: {  	p0 =	por p1, p1;
	s11 =	sshll.u32 s7, $0x4;
	v1 =	vimm.f32 $0.0e+00;
	s13 =	simm.s32 $0x0  }
.LBB2_3:
0x2a: {  	s14 =	sand.u32 $0x1, s13  }
0x2b: {  	_ =	swait.ge [sflag:s24], $0x380;
	s10 =	sand.u32 $0x700, s12;
	s7 =	sshll.u32 s14, $0x7  }
0x2c: {  	s15 =	sand.u32 $0x70, s12;
	[sflag:s24] =	ssyncset.done $0x0;
	s10 =	sor.u32 s10, s7  }
0x2d: {  	[sflag:s24] =	ssyncadd.s32 $0xFFFFFC80;
	s10 =	sadd.s32 s15, s10  }
0x2e: {  	v2 =	vld [tilespmem:s10+$0x0];
	_ =	sdelay $0x3  }
0x2f: {  	v3 =	vor.u32 s12, v0  }
0x30: {  	(xrf1) =	vsort.dscd.msk.f32 $0xffff, v2, v3;
	_ =	sdelay $0x6  }
0x31: {  	s22 =	simm.s32 $0x20  }
0x32: {  	s23 =	simm.s32 $0x10;
	s10 =	sand.u32 $0x700, s22  }
0x33: {  	s22 =	sand.u32 $0x70, s23;
	s10 =	sor.u32 s10, s7  }
0x34: {  	s10 =	sadd.s32 s22, s10  }
0x35: {  	v2 =	vld [tilespmem:s10+$0x0];
	_ =	sdelay $0x2  }
0x36: {  	v3 =	vimm.f32 $3.000000010e+38;
	v4, v5, _ =	vpop (xrf1)  }
0x37: {  	v6 =	vimm.s32 $0x0;
	v7 =	vor.u32 s23, v0;
	vm0 =	vlt.f32 v4, v3  }
0x38: {  	(xrf1) =	vsort.dscd.msk.f32 $0xffff, v2, v7;
	v2 =	vsel vm0, v4, v3;
	v3 =	vsel vm0, v5, v6  }
0x39: {  	(xrf1) =	vsort.ascd.msk.f32 $0xffff, v2, v3;
	_ =	sdelay $0x6  }
0x3a: {  	s23 =	simm.s32 $0x40  }
0x3b: {  	s15 =	simm.s32 $0x20;
	s25 =	sand.u32 $0x700, s23  }
0x3c: {  	s22 =	sand.u32 $0x70, s15;
	s25 =	sor.u32 s25, s7;
	s10 =	simm.s32 $0x30  }
.LBB2_4:
0x3d: {  	p1 =	sne.s32 s10, $0x300;
	s22 =	sadd.s32 s22, s25  }
0x3e: {  	v2 =	vld [tilespmem:s22+$0x0];
	_ =	sdelay $0x1  }
0x3f: {  	v3, v4, _ =	vpop (xrf1)  }
0x40: {  	v5, v6, _ =	vpop (xrf1)  }
0x41: {  	v7 =	vor.u32 s15, v0;
	s15 =	smov.u32 s10;
	vm0 =	vlt.f32 v3, v5  }
0x42: {  	(xrf1) =	vsort.dscd.msk.f32 $0xffff, v2, v7;
	v2 =	vsel vm0, v3, v5;
	v3 =	vsel vm0, v4, v6  }
0x43: {  	(xrf1) =	vsort.ascd.msk.f32 $0xffff, v2, v3;
	_ =	sdelay $0x4  }
.Ltmp0:
0x44: {  	(pc) =	sbr.rel @p1 .LBB2_4-.Ltmp0, $4  }
0x45: {  	_ = 	snop  }
0x46: {  	s23 =	sadd.s32 $0x20, s23  }
0x47: {  	s25 =	sand.u32 $0x700, s23  }
0x48: {  	s10 =	sadd.s32 $0x10, s10;
	s22 =	sand.u32 $0x70, s15;
	s25 =	sor.u32 s25, s7  }
0x49: {  	s7 =	sadd.s32 s22, s25  }
0x4a: {  	v2 =	vld [tilespmem:s7+$0x0];
	_ =	sdelay $0x1  }
0x4b: {  	v3, v4, _ =	vpop (xrf1)  }
0x4c: {  	v5, v6, _ =	vpop (xrf1)  }
0x4d: {  	v7 =	vor.u32 s15, v0;
	vm0 =	vlt.f32 v3, v5  }
0x4e: {  	(xrf1) =	vsort.dscd.msk.f32 $0xffff, v2, v7;
	v2 =	vsel vm0, v3, v5;
	v3 =	vsel vm0, v4, v6  }
0x4f: {  	(xrf1) =	vsort.ascd.msk.f32 $0xffff, v2, v3;
	_ =	sdelay $0xc  }
0x50: {  	v2, v3, _ =	vpop (xrf1)  }
0x51: {  	v4, v5, _ =	vpop (xrf1)  }
0x52: {  	vm15 =	vlt.f32 v2, v4  }
0x53: {  	v2 =	vsel vm15, v2, v4;
	v3 =	vsel vm15, v3, v5  }
0x54: {  	(xrf1) =	vsort.ascd.msk.f32 $0xffff, v2, v3;
	_ =	sdelay $0xa  }
0x55: {  	s7 =	sadd.s32 s11, s13  }
0x56: {  	s15 =	sor.u32 s3, s7  }
0x57: {  	s10 =	sshrl.u32 s15, $0x3  }
0x58: {  	s10 =	smul.u32 $0xC4000, s10;
	v3, v2, _ =	vpop (xrf1)  }
0x59: {  	v3 =	vshll.u32 v2, $0xA  }
0x5a: {  	v3 =	vadd.s32 s10, v3  }
0x5b: {  	(v2sf) =	vpush v3, $0x0;
	_ =	sdelay $0x5  }
0x5c: {  	(v2sf) =	vpush v3, $0x1;
	_ =	sdelay $0x2  }
0x5d: {  	(v2sf) =	vpush v3, $0x2;
	_ =	sdelay $0x5  }
0x5e: {  	s25 =	sshll.u32 s13, $0x7;
	s22 =	spop (v2sf);
	(v2sf) =	vpush v3, $0x3  }
0x5f: {  	s23 =	sand.u32 $0x380, s25  }
0x60: {  	s10 =	sor.u32 s23, s22  }
0x61: {  	s10 =	sshrl.u32 s10, $0x3  }
0x62: {  	s25 =	simm.s32 $0x700;
	s10 =	sadd.s32 s5, s10  }
0x63: {  	[tilespmem:s25], [sflag:$0x1] =	stream.linear.gather [hbm4b:s10+s2], $0x80, $0x38;
	[tilespmem:$0x19780] =	vst v63  }
0x64: {  	s25 =	spop (v2sf);
	(v2sf) =	vpush v3, $0x4;
	_ =	sdelay $0x2  }
0x65: {  	s22 =	spop (v2sf);
	(v2sf) =	vpush v3, $0x5;
	_ =	sdelay $0x5  }
0x66: {  	s10 =	sor.u32 s23, s25;
	s25 =	spop (v2sf);
	(v2sf) =	vpush v3, $0x6;
	_ =	sdelay $0x1  }
0x67: {  	s10 =	sshrl.u32 s10, $0x3  }
0x68: {  	s10 =	sadd.s32 s5, s10  }
0x69: {  	[tilespmem:s26], [sflag:$0x1] =	stream.linear.gather [hbm4b:s10+s2], $0x80, $0x38;
	[tilespmem:$0x19780] =	vst v63  }
0x6a: {  	s10 =	sor.u32 s23, s22  }
0x6b: {  	s10 =	sshrl.u32 s10, $0x3;
	s22 =	spop (v2sf);
	(v2sf) =	vpush v3, $0x7  }
0x6c: {  	s10 =	sadd.s32 s5, s10  }
0x6d: {  	[tilespmem:s28], [sflag:$0x1] =	stream.linear.gather [hbm4b:s10+s2], $0x80, $0x38;
	[tilespmem:$0x19780] =	vst v63  }
0x6e: {  	s10 =	sor.u32 s23, s25;
	s25 =	spop (v2sf);
	(v2sf) =	vpush v3, $0x8  }
0x6f: {  	s10 =	sshrl.u32 s10, $0x3  }
0x70: {  	s10 =	sadd.s32 s5, s10  }
0x71: {  	[tilespmem:s29], [sflag:$0x1] =	stream.linear.gather [hbm4b:s10+s2], $0x80, $0x38;
	[tilespmem:$0x19780] =	vst v63  }
0x72: {  	s10 =	sor.u32 s23, s22  }
0x73: {  	s10 =	sshrl.u32 s10, $0x3  }
0x74: {  	s10 =	sadd.s32 s5, s10;
	s22 =	spop (v2sf);
	(v2sf) =	vpush v3, $0x9  }
0x75: {  	[tilespmem:s30], [sflag:$0x1] =	stream.linear.gather [hbm4b:s10+s2], $0x80, $0x38;
	[tilespmem:$0x19780] =	vst v63  }
0x76: {  	s10 =	sor.u32 s23, s25  }
0x77: {  	s10 =	sshrl.u32 s10, $0x3  }
0x78: {  	s10 =	sadd.s32 s5, s10  }
0x79: {  	[tilespmem:s31], [sflag:$0x1] =	stream.linear.gather [hbm4b:s10+s2], $0x80, $0x38;
	[tilespmem:$0x19780] =	vst v63  }
0x7a: {  	s25 =	spop (v2sf);
	(v2sf) =	vpush v3, $0xA  }
0x7b: {  	s10 =	sor.u32 s23, s22  }
0x7c: {  	s10 =	sshrl.u32 s10, $0x3  }
0x7d: {  	s10 =	sadd.s32 s5, s10;
	s22 =	spop (v2sf);
	(v2sf) =	vpush v3, $0xB  }
0x7e: {  	[tilespmem:s0], [sflag:$0x1] =	stream.linear.gather [hbm4b:s10+s2], $0x80, $0x38;
	[tilespmem:$0x19780] =	vst v63  }
0x7f: {  	s10 =	sor.u32 s23, s25  }
0x80: {  	s10 =	sshrl.u32 s10, $0x3  }
0x81: {  	s10 =	sadd.s32 s5, s10  }
0x82: {  	[tilespmem:s1], [sflag:$0x1] =	stream.linear.gather [hbm4b:s10+s2], $0x80, $0x38;
	[tilespmem:$0x19780] =	vst v63  }
0x83: {  	s25 =	spop (v2sf);
	(v2sf) =	vpush v3, $0xC  }
0x84: {  	s10 =	sor.u32 s23, s22  }
0x85: {  	s10 =	sshrl.u32 s10, $0x3  }
0x86: {  	s10 =	sadd.s32 s5, s10  }
0x87: {  	[tilespmem:s16], [sflag:$0x1] =	stream.linear.gather [hbm4b:s10+s2], $0x80, $0x38;
	[tilespmem:$0x19780] =	vst v63  }
0x88: {  	s10 =	sor.u32 s23, s25  }
0x89: {  	s10 =	sshrl.u32 s10, $0x3;
	s22 =	spop (v2sf);
	(v2sf) =	vpush v3, $0xD  }
0x8a: {  	s10 =	sadd.s32 s5, s10  }
0x8b: {  	[tilespmem:s17], [sflag:$0x1] =	stream.linear.gather [hbm4b:s10+s2], $0x80, $0x38;
	[tilespmem:$0x19780] =	vst v63  }
0x8c: {  	s10 =	sor.u32 s23, s22;
	s25 =	spop (v2sf);
	(v2sf) =	vpush v3, $0xE  }
0x8d: {  	s10 =	sshrl.u32 s10, $0x3  }
0x8e: {  	s10 =	sadd.s32 s5, s10  }
0x8f: {  	[tilespmem:s18], [sflag:$0x1] =	stream.linear.gather [hbm4b:s10+s2], $0x80, $0x38;
	[tilespmem:$0x19780] =	vst v63  }
0x90: {  	s10 =	sor.u32 s23, s25  }
0x91: {  	s10 =	sshrl.u32 s10, $0x3  }
0x92: {  	s10 =	sadd.s32 s5, s10;
	s22 =	spop (v2sf);
	(v2sf) =	vpush v3, $0xF  }
0x93: {  	[tilespmem:s19], [sflag:$0x1] =	stream.linear.gather [hbm4b:s10+s2], $0x80, $0x38;
	[tilespmem:$0x19780] =	vst v63  }
0x94: {  	s10 =	sor.u32 s23, s22  }
0x95: {  	s10 =	sshrl.u32 s10, $0x3  }
0x96: {  	s10 =	sadd.s32 s5, s10  }
0x97: {  	[tilespmem:s20], [sflag:$0x1] =	stream.linear.gather [hbm4b:s10+s2], $0x80, $0x38;
	[tilespmem:$0x19780] =	vst v63  }
0x98: {  	s25 =	spop (v2sf)  }
0x99: {  	s10 =	sor.u32 s23, s25  }
0x9a: {  	s10 =	sshrl.u32 s10, $0x3  }
0x9b: {  	s22 =	spop (v2sf);
	s10 =	sadd.s32 s5, s10  }
0x9c: {  	[tilespmem:s21], [sflag:$0x1] =	stream.linear.gather [hbm4b:s10+s2], $0x80, $0x38;
	[tilespmem:$0x19780] =	vst v63  }
0x9d: {  	s10 =	sor.u32 s23, s22  }
0x9e: {  	s10 =	sshrl.u32 s10, $0x3  }
0x9f: {  	s10 =	sadd.s32 s5, s10  }
0xa0: {  	[tilespmem:s6], [sflag:$0x1] =	stream.linear.gather [hbm4b:s10+s2], $0x80, $0x38;
	[tilespmem:$0x19780] =	vst v63  }
0xa1: {  	s25 =	spop (v2sf)  }
0xa2: {  	s10 =	sor.u32 s23, s25  }
0xa3: {  	p1 =	sgt.u32 s7, $0x1E;
	s10 =	sshrl.u32 s10, $0x3  }
0xa4: {  	s7 =	sadd.s32 @!p1 $0x1, s15;
	s10 =	sadd.s32 s5, s10  }
0xa5: {  	[tilespmem:s8], [sflag:$0x1] =	stream.linear.gather [hbm4b:s10+s2], $0x80, $0x38;
	[tilespmem:$0x19780] =	vst v63  }
0xa6: {  	s10 =	sshrl.u32 @!p1 s7, $0x3  }
0xa7: {  	s7 =	sshll.u32 @!p1 s7, $0x7;
	s10 =	smul.u32 @!p1 $0x1C00, s10  }
0xa8: {  	s7 =	sand.u32 @!p1 $0x380, s7  }
0xa9: {  	s7 =	sor.u32 @!p1 s7, s10  }
0xaa: {  	s10 =	sshll.u32 @!p1 s14, $0x7;
	s7 =	sshrl.u32 @!p1 s7, $0x3  }
0xab: {  	s14 =	simm.s32 @!p1 $0x0;
	s10 =	sxor.u32 @!p1 $0x80, s10;
	s7 =	sadd.s32 @!p1 s4, s7  }
0xac: {  	[tilespmem:s10], [sflag:$0x2] =	stream.linear.gather @!p1 [hbm4b:s7+s14], $0x80, $0x38;
	[tilespmem:$0x19780] =	vst v63  }
0xad: {  	s22 =	sor.u32 @!p1 $0x100, s10;
	s15 =	sadd.s32 @!p1 $0x80, s7  }
0xae: {  	[tilespmem:s22], [sflag:$0x2] =	stream.linear.gather @!p1 [hbm4b:s15+s14], $0x80, $0x38;
	[tilespmem:$0x19780] =	vst v63  }
0xaf: {  	s15 =	sadd.s32 @!p1 $0x100, s7;
	s22 =	sor.u32 @!p1 $0x200, s10  }
0xb0: {  	[tilespmem:s22], [sflag:$0x2] =	stream.linear.gather @!p1 [hbm4b:s15+s14], $0x80, $0x38;
	[tilespmem:$0x19780] =	vst v63  }
0xb1: {  	s15 =	sadd.s32 @!p1 $0x180, s7;
	s22 =	sor.u32 @!p1 $0x300, s10  }
0xb2: {  	[tilespmem:s22], [sflag:$0x2] =	stream.linear.gather @!p1 [hbm4b:s15+s14], $0x80, $0x38;
	[tilespmem:$0x19780] =	vst v63  }
0xb3: {  	s15 =	sadd.s32 @!p1 $0x200, s7;
	s22 =	sor.u32 @!p1 $0x400, s10  }
0xb4: {  	[tilespmem:s22], [sflag:$0x2] =	stream.linear.gather @!p1 [hbm4b:s15+s14], $0x80, $0x38;
	[tilespmem:$0x19780] =	vst v63  }
0xb5: {  	s15 =	sadd.s32 @!p1 $0x280, s7;
	s22 =	sor.u32 @!p1 $0x500, s10  }
0xb6: {  	[tilespmem:s22], [sflag:$0x2] =	stream.linear.gather @!p1 [hbm4b:s15+s14], $0x80, $0x38;
	[tilespmem:$0x19780] =	vst v63  }
0xb7: {  	s7 =	sadd.s32 @!p1 $0x300, s7;
	s10 =	sor.u32 @!p1 $0x600, s10  }
0xb8: {  	[tilespmem:s10], [sflag:$0x2] =	stream.linear.gather @!p1 [hbm4b:s7+s14], $0x80, $0x38;
	[tilespmem:$0x19780] =	vst v63  }
0xb9: {  	_ =	swait.ge [sflag:s9], $0x80  }
0xba: {  	[sflag:s9] =	ssyncset.done $0x0  }
0xbb: {  	[sflag:s9] =	ssyncadd.s32 $0xFFFFFF80  }
0xbc: {  	_ =	swait.ge [sflag:s9], $0x80  }
0xbd: {  	[sflag:s9] =	ssyncset.done $0x0  }
0xbe: {  	[sflag:s9] =	ssyncadd.s32 $0xFFFFFF80  }
0xbf: {  	_ =	swait.ge [sflag:s9], $0x80  }
0xc0: {  	[sflag:s9] =	ssyncset.done $0x0  }
0xc1: {  	[sflag:s9] =	ssyncadd.s32 $0xFFFFFF80  }
0xc2: {  	_ =	swait.ge [sflag:s9], $0x80  }
0xc3: {  	[sflag:s9] =	ssyncset.done $0x0  }
0xc4: {  	[sflag:s9] =	ssyncadd.s32 $0xFFFFFF80  }
0xc5: {  	_ =	swait.ge [sflag:s9], $0x80  }
0xc6: {  	[sflag:s9] =	ssyncset.done $0x0  }
0xc7: {  	[sflag:s9] =	ssyncadd.s32 $0xFFFFFF80  }
0xc8: {  	_ =	swait.ge [sflag:s9], $0x80  }
0xc9: {  	[sflag:s9] =	ssyncset.done $0x0  }
0xca: {  	[sflag:s9] =	ssyncadd.s32 $0xFFFFFF80  }
0xcb: {  	_ =	swait.ge [sflag:s9], $0x80  }
0xcc: {  	[sflag:s9] =	ssyncset.done $0x0  }
0xcd: {  	[sflag:s9] =	ssyncadd.s32 $0xFFFFFF80  }
0xce: {  	_ =	swait.ge [sflag:s9], $0x80  }
0xcf: {  	[sflag:s9] =	ssyncset.done $0x0  }
0xd0: {  	[sflag:s9] =	ssyncadd.s32 $0xFFFFFF80  }
0xd1: {  	_ =	swait.ge [sflag:s9], $0x80  }
0xd2: {  	[sflag:s9] =	ssyncset.done $0x0  }
0xd3: {  	[sflag:s9] =	ssyncadd.s32 $0xFFFFFF80  }
0xd4: {  	_ =	swait.ge [sflag:s9], $0x80  }
0xd5: {  	[sflag:s9] =	ssyncset.done $0x0  }
0xd6: {  	[sflag:s9] =	ssyncadd.s32 $0xFFFFFF80  }
0xd7: {  	_ =	swait.ge [sflag:s9], $0x80  }
0xd8: {  	[sflag:s9] =	ssyncset.done $0x0  }
0xd9: {  	[sflag:s9] =	ssyncadd.s32 $0xFFFFFF80  }
0xda: {  	_ =	swait.ge [sflag:s9], $0x80  }
0xdb: {  	[sflag:s9] =	ssyncset.done $0x0  }
0xdc: {  	[sflag:s9] =	ssyncadd.s32 $0xFFFFFF80  }
0xdd: {  	_ =	swait.ge [sflag:s9], $0x80  }
0xde: {  	[sflag:s9] =	ssyncset.done $0x0  }
0xdf: {  	[sflag:s9] =	ssyncadd.s32 $0xFFFFFF80  }
0xe0: {  	_ =	swait.ge [sflag:s9], $0x80  }
0xe1: {  	[sflag:s9] =	ssyncset.done $0x0  }
0xe2: {  	[sflag:s9] =	ssyncadd.s32 $0xFFFFFF80  }
0xe3: {  	_ =	swait.ge [sflag:s9], $0x80  }
0xe4: {  	[sflag:s9] =	ssyncset.done $0x0  }
0xe5: {  	[sflag:s9] =	ssyncadd.s32 $0xFFFFFF80  }
0xe6: {  	_ =	swait.ge [sflag:s9], $0x80  }
0xe7: {  	s15 =	simm.s32 $0x0;
	[sflag:s9] =	ssyncset.done $0x0  }
0xe8: {  	v5 =	vimm.f32 $3.000000010e+38;
	v4 =	vimm.s32 $0x0;
	s7 =	simm.s32 $0x0;
	s14 =	simm.s32 $0x700;
	[sflag:s9] =	ssyncadd.s32 $0xFFFFFF80  }
.LBB2_6:
0xe9: {  	v3 =	vmov s14;
	_ =	sdelay $0x3  }
0xea: {  	s10 =	simm.s32 $0x0  }
0xeb: {  	v6 =	vld.idx.msk [tilespmem:v3+s10+$0x0 ss:$0x1], $0xffff;
	_ =	sdelay $0x3  }
0xec: {  	v7 =	vor.u32 s7, v0  }
0xed: {  	(xrf1) =	vsort.dscd.msk.f32 $0xffff, v6, v7;
	_ =	sdelay $0x9  }
0xee: {  	s23 =	simm.s32 $0x10  }
0xef: {  	v6 =	vld.idx.msk [tilespmem:v3+s23+$0x0 ss:$0x1], $0xffff;
	_ =	sdelay $0x2  }
0xf0: {  	s23 =	sadd.s32 $0x10, s7;
	v7, v8, _ =	vpop (xrf1)  }
0xf1: {  	v9 =	vor.u32 s23, v0;
	vm0 =	vlt.f32 v7, v5  }
0xf2: {  	(xrf1) =	vsort.dscd.msk.f32 $0xffff, v6, v9;
	v5 =	vsel vm0, v7, v5;
	v4 =	vsel vm0, v8, v4  }
0xf3: {  	(xrf1) =	vsort.ascd.msk.f32 $0xffff, v5, v4;
	_ =	sdelay $0x8  }
0xf4: {  	s25 =	simm.s32 $0x20  }
0xf5: {  	s10 =	simm.s32 $0xC0;
	v4 =	vld.idx.msk [tilespmem:v3+s25+$0x0 ss:$0x1], $0xffff  }
.LBB2_7:
0xf6: {  	p1 =	sne.s32 s10, $0x1C0;
	_ =	sdelay $0x1  }
0xf7: {  	v5, v6, _ =	vpop (xrf1)  }
0xf8: {  	s23 =	sadd.s32 $0x10, s23;
	v7, v8, _ =	vpop (xrf1)  }
0xf9: {  	v9 =	vor.u32 s23, v0;
	vm0 =	vlt.f32 v5, v7  }
0xfa: {  	(xrf1) =	vsort.dscd.msk.f32 $0xffff, v4, v9;
	v4 =	vsel vm0, v5, v7;
	v5 =	vsel vm0, v6, v8  }
0xfb: {  	(xrf1) =	vsort.ascd.msk.f32 $0xffff, v4, v5;
	_ =	sdelay $0x5  }
.Ltmp1:
0xfc: {  	(pc) =	sbr.rel @p1 .LBB2_7-.Ltmp1, $3  }
0xfd: {  	_ =	sdelay $0x1  }
0xfe: {  	s22 =	sshra.s32 s10, $0x2  }
0xff: {  	s10 =	sadd.s32 $0x40, s10;
	v4 =	vld.idx.msk [tilespmem:v3+s22+$0x0 ss:$0x1], $0xffff  }
0x100: {  	_ =	sdelay $0x1  }
0x101: {  	v3, v5, _ =	vpop (xrf1)  }
0x102: {  	s10 =	sadd.s32 $0x10, s23;
	v6, v7, _ =	vpop (xrf1)  }
0x103: {  	v8 =	vor.u32 s10, v0;
	vm0 =	vlt.f32 v3, v6  }
0x104: {  	(xrf1) =	vsort.dscd.msk.f32 $0xffff, v4, v8;
	v3 =	vsel vm0, v3, v6;
	v4 =	vsel vm0, v5, v7  }
0x105: {  	(xrf1) =	vsort.ascd.msk.f32 $0xffff, v3, v4;
	_ =	sdelay $0xc  }
0x106: {  	v3, v4, _ =	vpop (xrf1)  }
0x107: {  	v5, v6, _ =	vpop (xrf1)  }
0x108: {  	vm15 =	vlt.f32 v3, v5  }
0x109: {  	v3 =	vsel vm15, v3, v5;
	v4 =	vsel vm15, v4, v6  }
0x10a: {  	(xrf1) =	vsort.ascd.msk.f32 $0xffff, v3, v4;
	_ =	sdelay $0x7  }
0x10b: {  	s15 =	sadd.s32 $0x1, s15  }
0x10c: {  	p1 =	sne.s32 s15, $0x10  }
.Ltmp2:
0x10d: {  	_ = 	snop;
	(pc) =	sbr.rel @p1 .LBB2_6-.Ltmp2, $2  }
0x10e: {  	_ =	sdelay $0x2  }
0x10f: {  	s7 =	sadd.s32 $0x80, s7;
	s14 =	sadd.s32 $0x80, s14;
	v5, v4, _ =	vpop (xrf1)  }
0x110: {  	v3 =	vshrl.u32 v4, $0x7  }
0x111: {  	v2 =	vperm.xlane v2, v3;
	_ =	sdelay $0x1  }
0x112: {  	v3 =	vand.u32 $0x7F, v4;
	v2 =	vshll.u32 v2, $0x7  }
0x113: {  	v2 =	vor.u32 v3, v2;
	_ =	sdelay $0x3  }
0x114: {  	s7 =	simm.s32 $0xF00  }
0x115: {  	v2 =	vld.idx.msk [tilespmem:v2+s7+$0x0], $0xffff;
	_ =	sdelay $0x4  }
0x116: {  	(xrf2) =	vadd.scan.msk.f32 $0xffff, v2;
	_ =	sdelay $0x9  }
0x117: {  	v2, _, _ =	vpop (xrf2)  }
0x118: {  	(v2sf) =	vpush v2, $0xF;
	_ =	sdelay $0xb  }
0x119: {  	v2 =	vmov s13;
	s13 =	sadd.s32 $0x1, s13  }
0x11a: {  	p1 =	sne.s32 s13, $0x10  }
.Ltmp3:
0x11b: {  	_ = 	snop;
	(pc) =	sbr.rel @p1 .LBB2_3-.Ltmp3, $4  }
0x11c: {  	s25 =	spop (v2sf)  }
0x11d: {  	s7 =	smul.f32 $6.250000000e-02, s25  }
0x11e: {  	vm0 =	veq.s32 v2, v0  }
0x11f: {  	v1 =	vsel vm0, s7, v1  }
.Ltmp4:
0x120: {  	(pc) =	sbr.rel @p0 .LBB2_2-.Ltmp4, $3  }
0x121: {  	_ =	sdelay $0x1  }
0x122: {  	s7 =	sand.u32 $0x3FFFFFF0, s11  }
0x123: {  	p1 =	por $0x0, $0x0;
	[tilespmem:s7+$0x19700] =	vst v1;
	s7 =	simm.s32 $0x1  }
0x124: {  	s7 =	rddreg [dreg:$0x4];
	s10 =	simm.s32 $0x19700;
	s11 =	simm.s32 $0x3  }
0x125: {  	[hbm4b:s7+s2] =	stream.linear.scatter [tilespmem:s10], [sflag:$0x3], $0x20, $0x38;
	[tilespmem:$0x19780] =	vst v63  }
0x126: {  	_ =	swait.ge [sflag:s11], $0x20  }
0x127: {  	s23 =	rddreg [dreg:$0xc]  }
0x128: {  	s25 =	rddreg [dreg:$0x5];
	s10 =	sadd.s32 $0x1, s23  }
0x129: {  	p0 =	sne.s32 s10, s25  }
.Ltmp5:
0x12a: {  	_ = 	snop;
	(pc) =	sbr.rel @p0 .LBB2_1-.Ltmp5, $3  }
0x12b: {  	_ =	sdelay $0x1  }
0x12c: {  	[sflag:s11] =	ssyncset.done $0x0  }
0x12d: {  	[sflag:s11] =	ssyncadd.s32 $0xFFFFFFE0  }
0x12e: {  	_ =	sfence.sel $0x180000  }
0x12f: {  	[bflag:$0x0] =	sbarrier.arrive $0xFFFF  }
0x130: {  	_ =	strace $0x90000047  }
0x131: {  	s0 =	stileid.u32;
	[bflag:$0x2] =	sbarrier.arrive $0xFFFF  }
0x132: {  	p0 =	sne.s32 s0, $0x0;
	s0 =	rddreg [dreg:$0x1]  }
0x133: {  	s0 =	sadd.s32 @!p0 $0x100000, s0  }
0x134: {  	[sflag:s0] =	ssyncadd.tile.s32 @!p0 $0x1;
	_ =	shalt  }
.Lfunc_end2:
_tile_overlayer_lowered:
.L_overlay_start_2:
0x135: {  	(tag) =	ssettag $0x2  }
0x136: {  	s0 =	rddreg [dreg:$0x0];
	s2 =	stileid.u32  }
0x137: {  	s1 =	rddreg [dreg:$0x1];
	p0 =	sne.s32 s2, $0x0  }
0x138: {  	s3 =	rddreg [dreg:$0x2];
	[bflag:$0x3] =	sbarrier.arrive $0xFFFF;
	s2 =	simm.s32 @!p0 $0x1C03  }
0x139: {  	[timem:s3], [sflag:s2] =	dma.local @!p0 [hbm:s0], s1  }
0x13a: {  	s0 =	simm.s32 @!p0 $0x3  }
0x13b: {  	_ =	swait.ge @!p0 [sflag:s0], s1  }
0x13c: {  	s1 =	ssub.s32 @!p0 $0x0, s1;
	[sflag:s0] =	ssyncset.done @!p0 $0x0  }
0x13d: {  	[sflag:s0] =	ssyncadd.s32 @!p0 s1  }
0x13e: {  	[bflag:$0x3] =	sbarrier.arrive $0xFFFF  }
0x13f: {  	_ =	shalt  }

// kernel: kernel.17.cloned.1.call-start
scs
__scs_entry_jumppad:
0x0: {  	(pc) =	sbr.rel $0x88, $3  }
0x1: {  	(tag) =	ssettag $0x0;
	lr =	simm.s32 $0x1  }
0x2: {  	[smem:$0x3F9E] =	sst lr;
	_ =	strace $0xD0000000  }
0x3: {  	_ = 	snop  }
0x4: {  	_ = 	snop  }
0x5: {  	_ = 	snop  }
0x6: {  	_ = 	snop  }
0x7: {  	_ = 	snop  }
__scs_overlays_trampoline_lowered:
0x8: {  	[smem:$0x3FAD] =	sst s0  }
0x9: {  	[smem:$0x3FAE] =	sst s1  }
0xa: {  	[smem:$0x3FAF] =	sst s2  }
0xb: {  	[smem:$0x3FB0] =	sst s3  }
0xc: {  	[smem:$0x3FB1] =	sst s4  }
0xd: {  	[smem:$0x3FB2] =	sst s5  }
0xe: {  	[smem:$0x3FB3] =	sst s6  }
0xf: {  	[smem:$0x3FB4] =	sst s7  }
0x10: {  	[smem:$0x3FB5] =	sst s8  }
0x11: {  	[smem:$0x3FB6] =	sst s9;
	s0 =	simm.s32 @!p0 $0x0  }
0x12: {  	s1 =	sld [smem:$0x3F9C];
	s0 =	simm.s32 @p0 $0x1  }
0x13: {  	[smem:$0x3FB7] =	sst s0;
	s0 =	simm.s32 @!p1 $0x0  }
0x14: {  	s2 =	sld [smem:$0x3F9B];
	s0 =	simm.s32 @p1 $0x1  }
0x15: {  	[smem:$0x3FB8] =	sst s0;
	s0 =	simm.s32 @!p2 $0x0  }
0x16: {  	s3 =	sld [smem:$0x3FDB];
	s0 =	simm.s32 @p2 $0x1  }
0x17: {  	s4 =	simm.s32 $0x1BF5;
	[smem:$0x3FBA] =	sst s0  }
0x18: {  	s0 =	sld [smem:$0x3F9D];
	_ =	swait.ge [sflag:s4], $0x0  }
0x19: {  	s7 =	sld [smem:$0x3F9E]  }
0x1a: {  	s8 =	sadd.s32 $0xFFFFE003, lr  }
0x1b: {  	s9 =	sadd.s32 $0xFFFFFEF7, lr;
	s5 =	simm.s32 $0xFFFFFFFF;
	p2 =	slt.u32 s8, $0xFFFFF086  }
0x1c: {  	p1 =	slt.u32 s9, $0xF7A;
	s5 =	simm.s32 @!p2 $0x0  }
0x1d: {  	s5 =	simm.s32 @p1 $0x1;
	p0 =	seq.s32 s7, s2  }
0x1e: {  	s7 =	smul.u32 @!p0 $0xF7A, s2;
	p2 =	seq.s32 @!p0 s5, $0x0  }
0x1f: {  	s9 =	smul.u32 $0xF7A, s1;
	s8 =	simm.s32 @!p0 $0x1BF5;
	p2 =	por !p2, p0  }
0x20: {  	[sflag:s8] =	ssyncset.s32 @!p0 $0xFFFFF086;
	s6 =	sadd.s32 @!p0 s3, s7;
	s7 =	simm.s32 @!p0 $0x108  }
0x21: {  	s3 =	sadd.s32 s3, s9;
	s6 =	sadd.s32 @!p0 $0x88, s6;
	s7 =	simm.s32 @p2 $0x1082  }
0x22: {  	[simem:s7], [sflag:s8] =	dma.local @!p0 [hbm:s6], $0xF7A  }
0x23: {  	s9 =	sor.u32 $0xD0000000, s2;
	s6 =	simm.s32 $0x108;
	_ =	swait.ge @!p0 [sflag:s8], $0x0  }
0x24: {  	s3 =	sadd.s32 $0x88, s3;
	s6 =	simm.s32 @!p1 $0x1082;
	[sflag:s4] =	ssyncset.s32 $0xFFFFF086  }
0x25: {  	[simem:s6], [sflag:s4] =	dma.local [hbm:s3], $0xF7A  }
0x26: {  	[smem:$0x3F9E] =	sst s1;
	(tag) =	ssettag s2;
	_ =	strace s9  }
0x27: {  	s1 =	sld [smem:$0x3FAE]  }
0x28: {  	s2 =	sld [smem:$0x3FAF]  }
0x29: {  	s4 =	sld [smem:$0x3FB1]  }
0x2a: {  	p0 =	seq.s32 s5, $0x0;
	s5 =	sld [smem:$0x3FB2]  }
0x2b: {  	s6 =	sld [smem:$0x3FB3]  }
0x2c: {  	s7 =	sld [smem:$0x3FB4]  }
0x2d: {  	s3 =	simm.s32 $0x108;
	s8 =	sld [smem:$0x3FB5]  }
0x2e: {  	s3 =	simm.s32 @!p0 $0x1082;
	s9 =	sld [smem:$0x3FB6]  }
0x2f: {  	lr =	sadd.s32 s0, s3;
	s0 =	sld [smem:$0x3FAD]  }
0x30: {  	s3 =	sld [smem:$0x3FB0]  }
0x31: {  	[smem:$0x3FB9] =	sst s10  }
0x32: {  	s10 =	sld [smem:$0x3FB7];
	_ =	sdelay $0x3  }
0x33: {  	p0 =	seq.s32 s10, $0x1;
	s10 =	sld [smem:$0x3FB9];
	_ =	sdelay $0x3  }
0x34: {  	[smem:$0x3FB9] =	sst s10  }
0x35: {  	s10 =	sld [smem:$0x3FB8];
	_ =	sdelay $0x3  }
0x36: {  	p1 =	seq.s32 s10, $0x1;
	s10 =	sld [smem:$0x3FB9];
	_ =	sdelay $0x3  }
0x37: {  	[smem:$0x3FB9] =	sst s10  }
0x38: {  	s10 =	sld [smem:$0x3FBA]  }
0x39: {  	_ = 	snop;
	(pc) =	sbr.ind lr, $3  }
0x3a: {  	_ = 	snop  }
0x3b: {  	_ = 	snop  }
0x3c: {  	p2 =	seq.s32 s10, $0x1;
	s10 =	sld [smem:$0x3FB9]  }
0x3d: {  	_ =	shalt  }
0x3e: {  	_ =	shalt  }
0x3f: {  	_ =	shalt  }
0x40: {  	_ =	shalt  }
0x41: {  	_ =	shalt  }
0x42: {  	_ =	shalt  }
0x43: {  	_ =	shalt  }
0x44: {  	_ =	shalt  }
0x45: {  	_ =	shalt  }
0x46: {  	_ =	shalt  }
0x47: {  	_ =	shalt  }
0x48: {  	_ =	shalt  }
0x49: {  	_ =	shalt  }
0x4a: {  	_ =	shalt  }
0x4b: {  	_ =	shalt  }
0x4c: {  	_ =	shalt  }
0x4d: {  	_ =	shalt  }
0x4e: {  	_ =	shalt  }
0x4f: {  	_ =	shalt  }
0x50: {  	_ =	shalt  }
0x51: {  	_ =	shalt  }
0x52: {  	_ =	shalt  }
0x53: {  	_ =	shalt  }
0x54: {  	_ =	shalt  }
0x55: {  	_ =	shalt  }
0x56: {  	_ =	shalt  }
0x57: {  	_ =	shalt  }
0x58: {  	_ =	shalt  }
0x59: {  	_ =	shalt  }
0x5a: {  	_ =	shalt  }
0x5b: {  	_ =	shalt  }
0x5c: {  	_ =	shalt  }
0x5d: {  	_ =	shalt  }
0x5e: {  	_ =	shalt  }
0x5f: {  	_ =	shalt  }
0x60: {  	_ =	shalt  }
0x61: {  	_ =	shalt  }
0x62: {  	_ =	shalt  }
0x63: {  	_ =	shalt  }
0x64: {  	_ =	shalt  }
0x65: {  	_ =	shalt  }
0x66: {  	_ =	shalt  }
0x67: {  	_ =	shalt  }
0x68: {  	_ =	shalt  }
0x69: {  	_ =	shalt  }
0x6a: {  	_ =	shalt  }
0x6b: {  	_ =	shalt  }
0x6c: {  	_ =	shalt  }
0x6d: {  	_ =	shalt  }
0x6e: {  	_ =	shalt  }
0x6f: {  	_ =	shalt  }
0x70: {  	_ =	shalt  }
0x71: {  	_ =	shalt  }
0x72: {  	_ =	shalt  }
0x73: {  	_ =	shalt  }
0x74: {  	_ =	shalt  }
0x75: {  	_ =	shalt  }
0x76: {  	_ =	shalt  }
0x77: {  	_ =	shalt  }
0x78: {  	_ =	shalt  }
0x79: {  	_ =	shalt  }
0x7a: {  	_ =	shalt  }
0x7b: {  	_ =	shalt  }
0x7c: {  	_ =	shalt  }
0x7d: {  	_ =	shalt  }
0x7e: {  	_ =	shalt  }
0x7f: {  	_ =	shalt  }
0x80: {  	_ =	shalt  }
0x81: {  	_ =	shalt  }
0x82: {  	_ =	shalt  }
0x83: {  	_ =	shalt  }
0x84: {  	_ =	shalt  }
0x85: {  	_ =	shalt  }
0x86: {  	_ =	shalt  }
0x87: {  	_ =	shalt  }
.Lfunc_end0:
.L_simem_size_0:
called_computation.1_lowered:
.L_overlay_start_0:
0x88: {  	s2 =	sld [smem:$0x3FD9]  }
0x89: {  	s3 =	sld [smem:$0x3FFE];
	_ =	sdelay $0x1  }
0x8a: {  	s1 =	srdreg.scid  }
0x8b: {  	s0 =	sand.u32 $0x1, s1  }
0x8c: {  	s17 =	sshll.u32 s0, $0xA;
	s2 =	sadd.s32 s3, s2  }
0x8d: {  	s2 =	sadd.s32 s2, s17  }
0x8e: {  	[smem:$0x3FC5] =	sst s2  }
0x8f: {  	_ = 	snop  }
0x90: {  	(tm) =	ssettm $0x1  }
0x91: {  	s18 =	sld [smem:$0x3FFB];
	_ =	sdelay $0x3  }
0x92: {  	_ =	strace s18  }
0x93: {  	s2 =	sld [smem:$0x3FFC];
	_ =	sdelay $0x3  }
0x94: {  	_ =	strace s2  }
0x95: {  	s2 =	sld [smem:$0x3FFD];
	_ =	sdelay $0x3  }
0x96: {  	_ =	strace s2  }
0x97: {  	_ =	strace $0x8FFFFFFF  }
0x98: {  	s19 =	sld [smem:$0x3FDB];
	_ =	sdelay $0x1  }
0x99: {  	s20 =	simm.s32 $_scs_section_size  }
0x9a: {  	s4 =	simm.s32 $_size__tile_overlayer_lowered;
	s5 =	simm.s32 $_tile_overlayer_lowered  }
0x9b: {  	s6 =	simm.s32 $0x1BFF;
	s21 =	sshll.u32 s5, $0x1;
	s3 =	sadd.s32 s20, s19  }
0x9c: {  	s22 =	simm.s32 $0x0;
	s4 =	sshll.u32 s4, $0x1;
	s5 =	sadd.s32 s21, s3  }
0x9d: {  	[timem:s22], [sflag:s6] =	dma.local [hbm:s5], s4  }
0x9e: {  	_ =	swait.ge [sflag:s6], s4  }
0x9f: {  	s4 =	ssub.s32 $0x0, s4;
	[sflag:s6] =	ssyncset.done $0x0  }
0xa0: {  	[sflag:s6] =	ssyncadd.s32 s4;
	_ =	sdelay $0x1  }
0xa1: {  	s23 =	simm.s32 $0x1B8B  }
0xa2: {  	_ =	swait.ge [sflag:s23], $0x1  }
0xa3: {  	[sflag:s23] =	ssyncset.done $0x0  }
0xa4: {  	[sflag:s23] =	ssyncadd.s32 $0xFFFFFFFF  }
0xa5: {  	s4 =	sld [smem:$0x0]  }
0xa6: {  	s5 =	sand.u32 $0xFFFFFFFE, s1  }
0xa7: {  	p0 =	sne.s32 s1, s5  }
0xa8: {  	s5 =	sshll.u32 @p0 s5, $0xE  }
0xa9: {  	s5 =	sadd.s32 @p0 $0x11B8D, s5;
	s6 =	sshll.u32 @p0 s4, $0x11  }
0xaa: {  	s5 =	sor.u32 @p0 s6, s5  }
0xab: {  	[sflag:s5] =	ssyncadd.remote.s32 @p0 $0x1;
	_ =	sdelay $0x1  }
0xac: {  	s5 =	simm.s32 @p0 $0x1B8D  }
0xad: {  	_ =	swait.eq @p0 [sflag:s5], $0x1  }
0xae: {  	[sflag:s5] =	ssyncadd.s32 @p0 $0xFFFFFFFF  }
0xaf: {  	s6 =	sshll.u32 @!p0 s1, $0xE  }
0xb0: {  	s6 =	sor.u32 @!p0 $0x4000, s6;
	s5 =	simm.s32 @!p0 $0x1B8D  }
0xb1: {  	s4 =	sshll.u32 @!p0 s4, $0x11;
	s6 =	sadd.s32 @!p0 $0x11B8D, s6;
	_ =	swait.eq @!p0 [sflag:s5], $0x1  }
0xb2: {  	s4 =	sor.u32 @!p0 s4, s6;
	[sflag:s5] =	ssyncadd.s32 @!p0 $0xFFFFFFFF  }
0xb3: {  	s25 =	simm.s32 $0x1B8E;
	s24 =	sld [smem:$0x3FFE];
	[sflag:s4] =	ssyncadd.remote.s32 @!p0 $0x1  }
0xb4: {  	s26 =	simm.s32 $execute0_lowered;
	[smem:$0x3FD2] =	sst s25  }
0xb5: {  	s5 =	sshll.u32 s26, $0x1;
	_ =	strace $0x80000049;
	[dreg:$0x1] =	wrdreg $0xFFFFFFFF  }
0xb6: {  	s28 =	simm.s32 $_size_execute0_lowered;
	s3 =	sadd.s32 s3, s5;
	[dreg:$0x0] =	wrdreg $0x0  }
0xb7: {  	s5 =	sshll.u32 s28, $0x1;
	[dreg:$0x2] =	wrdreg s3  }
0xb8: {  	[dreg:$0x3] =	wrdreg s5  }
0xb9: {  	[dreg:$0x4] =	wrdreg $0xC0  }
0xba: {  	_ =	task [dreg:s22], $0x5FFFF  }
0xbb: {  	[dreg:$0x1] =	wrdreg $0xFFFFFFFF  }
0xbc: {  	[dreg:$0x0] =	wrdreg $0x60  }
0xbd: {  	[dreg:$0x2] =	wrdreg s24  }
0xbe: {  	[dreg:$0x3] =	wrdreg $0xA  }
0xbf: {  	_ =	task.clear_ibuf [dreg:s22], $0x4FFFF;
	_ =	strace $0x90000049  }
0xc0: {  	s29 =	simm.s32 $0xA;
	_ =	strace $0x8000004B  }
0xc1: {  	_ =	swait.ge [sflag:s29], $0x1  }
0xc2: {  	[sflag:s29] =	ssyncadd.s32 $0xFFFFFFFF  }
0xc3: {  	_ =	strace $0x9000004B  }
0xc4: {  	_ =	sfence  }
0xc5: {  	s30 =	sld [smem:$0x0];
	_ =	sdelay $0x2  }
0xc6: {  	s31 =	sshll.u32 s1, $0xD;
	s1 =	sshrl.u32 s1, $0x2  }
0xc7: {  	s4 =	sand.u32 $0x4000, s31;
	s1 =	sadd.s32 s1, s30  }
0xc8: {  	s0 =	sor.u32 s4, s0;
	s1 =	sshll.u32 s1, $0x11  }
0xc9: {  	s0 =	sor.u32 s1, s0  }
0xca: {  	s0 =	sadd.s32 $0x8F2B, s0  }
0xcb: {  	[sflag:s0] =	ssyncadd.remote.s32 $0x1  }
0xcc: {  	_ =	sfence.sel $0xFFFF  }
0xcd: {  	[dreg:$0x0] =	wrdreg $0xFFFFFFFF;
	(pc) =	sbr.abs _section_cstart, $3  }
0xce: {  	[dreg:$0x1] =	wrdreg $0xFFFFFFFF  }
0xcf: {  	_ =	task.clear_ibuf [dreg:s22], $0x2FFFF;
	_ =	strace $0x9FFFFFFF  }
0xd0: {  	(tm) =	ssettm $0x7FFFFFFF  }
0xd1: {  	_ =	shalt  }
tec
execute0_lowered:
.L_overlay_start_1:
0x0: {  	(tag) =	ssettag $0x1  }
0x1: {  	s0 =	rddreg [dreg:$0x0]  }
0x2: {  	s1 =	srdreg.scid;
	s3 =	stileid.u32;
	s2 =	simm.s32 $0x0  }
0x3: {  	s11 =	simm.s32 $0x3;
	s28 =	simm.s32 $0x800;
	s29 =	simm.s32 $0x880  }
0x4: {  	s30 =	simm.s32 $0x900;
	s31 =	simm.s32 $0x980;
	s16 =	simm.s32 $0xB00  }
0x5: {  	s17 =	simm.s32 $0xB80;
	s1 =	sand.u32 $0x1, s1;
	[smem:$0x7FF] =	sst s2  }
0x6: {  	s3 =	sshll.u32 s3, $0x6;
	s5 =	sadd.s32 $0xC6DA00, s0;
	s8 =	sadd.s32 $0xC6A600, s0  }
0x7: {  	s4 =	sshll.u32 s1, $0x5;
	_ =	strace $0x8000004A;
	s1 =	ssub.s32 $0x2, s1  }
0x8: {  	[dreg:$0x2] =	wrdreg s8;
	s3 =	sor.u32 s4, s3;
	s18 =	sshrl.u32 s1, $0x1  }
0x9: {  	s4 =	sadd.s32 $0x18ADA00, s0;
	s6 =	sshrl.u32 s3, $0x3;
	s1 =	ssub.s32 s1, s18  }
0xa: {  	s7 =	smul.u32 $0x380, s6;
	s0 =	sadd.s32 s6, s0;
	s20 =	smax.u32 s1, $0x1  }
0xb: {  	s9 =	simm.s32 $0x1;
	s0 =	sadd.s32 $0x2600, s0;
	[dreg:$0x5] =	wrdreg s20  }
0xc: {  	s10 =	simm.s32 $0x0;
	s19 =	sadd.s32 s4, s7;
	[dreg:$0x4] =	wrdreg s0  }
0xd: {  	s12 =	simm.s32 $0x0;
	s21 =	sadd.s32 $0x80, s19;
	[dreg:$0x3] =	wrdreg s19  }
0xe: {  	s8 =	simm.s32 $0xE80;
	s22 =	sadd.s32 $0x100, s19;
	[dreg:$0x6] =	wrdreg s21  }
0xf: {  	s18 =	simm.s32 $0xC00;
	s23 =	sadd.s32 $0x180, s19;
	[dreg:$0x7] =	wrdreg s22  }
0x10: {  	s1 =	simm.s32 $0xA80;
	s24 =	sadd.s32 $0x200, s19;
	[dreg:$0x8] =	wrdreg s23  }
0x11: {  	s6 =	simm.s32 $0xE00;
	s25 =	sadd.s32 $0x280, s19;
	[dreg:$0x9] =	wrdreg s24  }
0x12: {  	s20 =	simm.s32 $0xD00;
	s26 =	sadd.s32 $0x300, s19;
	[dreg:$0xa] =	wrdreg s25  }
0x13: {  	s0 =	simm.s32 $0xA00;
	s19 =	simm.s32 $0xC80;
	[dreg:$0xb] =	wrdreg s26  }
0x14: {  	v0 =	vlaneseq.u32;
	s24 =	simm.s32 $0x2;
	s26 =	simm.s32 $0x780;
	s21 =	simm.s32 $0xD80  }
.LBB2_1:
0x15: {  	[dreg:$0xc] =	wrdreg s10  }
0x16: {  	s7 =	rddreg [dreg:$0x3]  }
0x17: {  	[tilespmem:s2], [sflag:$0x2] =	stream.linear.gather [hbm4b:s7+s2], $0x80, $0x38;
	[tilespmem:$0x19780] =	vst v63  }
0x18: {  	s23 =	rddreg [dreg:$0x6];
	s25 =	simm.s32 $0x100  }
0x19: {  	[tilespmem:s25], [sflag:$0x2] =	stream.linear.gather [hbm4b:s23+s2], $0x80, $0x38;
	[tilespmem:$0x19780] =	vst v63  }
0x1a: {  	s13 =	rddreg [dreg:$0x7];
	s14 =	simm.s32 $0x200  }
0x1b: {  	[tilespmem:s14], [sflag:$0x2] =	stream.linear.gather [hbm4b:s13+s2], $0x80, $0x38;
	[tilespmem:$0x19780] =	vst v63  }
0x1c: {  	s15 =	rddreg [dreg:$0x8];
	s22 =	simm.s32 $0x300  }
0x1d: {  	[tilespmem:s22], [sflag:$0x2] =	stream.linear.gather [hbm4b:s15+s2], $0x80, $0x38;
	[tilespmem:$0x19780] =	vst v63  }
0x1e: {  	s23 =	rddreg [dreg:$0x9];
	s25 =	simm.s32 $0x400  }
0x1f: {  	[tilespmem:s25], [sflag:$0x2] =	stream.linear.gather [hbm4b:s23+s2], $0x80, $0x38;
	[tilespmem:$0x19780] =	vst v63  }
0x20: {  	s13 =	rddreg [dreg:$0xa];
	s14 =	simm.s32 $0x500  }
0x21: {  	[tilespmem:s14], [sflag:$0x2] =	stream.linear.gather [hbm4b:s13+s2], $0x80, $0x38;
	[tilespmem:$0x19780] =	vst v63  }
0x22: {  	s15 =	rddreg [dreg:$0xb];
	s22 =	simm.s32 $0x600  }
0x23: {  	[tilespmem:s22], [sflag:$0x2] =	stream.linear.gather [hbm4b:s15+s2], $0x80, $0x38;
	[tilespmem:$0x19780] =	vst v63  }
0x24: {  	s23 =	rddreg [dreg:$0x2];
	s25 =	simm.s32 $0xF00  }
0x25: {  	[tilespmem:s25], [sflag:$0x3] =	stream.linear.gather [hbm4b:s23+s2], $0x18800, $0x38;
	[tilespmem:$0x19780] =	vst v63  }
0x26: {  	_ =	swait.ge [sflag:s11], $0x18800  }
0x27: {  	[sflag:s11] =	ssyncset.done $0x0  }
0x28: {  	p1 =	por $0x1, $0x1;
	s7 =	simm.s32 $0x0;
	[sflag:s11] =	ssyncadd.s32 $0xFFFE7800  }
.LBB2_2:
0x29: {  	p0 =	por p1, p1;
	s11 =	sshll.u32 s7, $0x4;
	v1 =	vimm.f32 $0.0e+00;
	s13 =	simm.s32 $0x0  }
.LBB2_3:
0x2a: {  	s14 =	sand.u32 $0x1, s13  }
0x2b: {  	_ =	swait.ge [sflag:s24], $0x380;
	s10 =	sand.u32 $0x700, s12;
	s7 =	sshll.u32 s14, $0x7  }
0x2c: {  	s15 =	sand.u32 $0x70, s12;
	[sflag:s24] =	ssyncset.done $0x0;
	s10 =	sor.u32 s10, s7  }
0x2d: {  	[sflag:s24] =	ssyncadd.s32 $0xFFFFFC80;
	s10 =	sadd.s32 s15, s10  }
0x2e: {  	v2 =	vld [tilespmem:s10+$0x0];
	_ =	sdelay $0x3  }
0x2f: {  	v3 =	vor.u32 s12, v0  }
0x30: {  	(xrf1) =	vsort.dscd.msk.f32 $0xffff, v2, v3;
	_ =	sdelay $0x6  }
0x31: {  	s22 =	simm.s32 $0x20  }
0x32: {  	s23 =	simm.s32 $0x10;
	s10 =	sand.u32 $0x700, s22  }
0x33: {  	s22 =	sand.u32 $0x70, s23;
	s10 =	sor.u32 s10, s7  }
0x34: {  	s10 =	sadd.s32 s22, s10  }
0x35: {  	v2 =	vld [tilespmem:s10+$0x0];
	_ =	sdelay $0x2  }
0x36: {  	v3 =	vimm.f32 $3.000000010e+38;
	v4, v5, _ =	vpop (xrf1)  }
0x37: {  	v6 =	vimm.s32 $0x0;
	v7 =	vor.u32 s23, v0;
	vm0 =	vlt.f32 v4, v3  }
0x38: {  	(xrf1) =	vsort.dscd.msk.f32 $0xffff, v2, v7;
	v2 =	vsel vm0, v4, v3;
	v3 =	vsel vm0, v5, v6  }
0x39: {  	(xrf1) =	vsort.ascd.msk.f32 $0xffff, v2, v3;
	_ =	sdelay $0x6  }
0x3a: {  	s23 =	simm.s32 $0x40  }
0x3b: {  	s15 =	simm.s32 $0x20;
	s25 =	sand.u32 $0x700, s23  }
0x3c: {  	s22 =	sand.u32 $0x70, s15;
	s25 =	sor.u32 s25, s7;
	s10 =	simm.s32 $0x30  }
.LBB2_4:
0x3d: {  	p1 =	sne.s32 s10, $0x300;
	s22 =	sadd.s32 s22, s25  }
0x3e: {  	v2 =	vld [tilespmem:s22+$0x0];
	_ =	sdelay $0x1  }
0x3f: {  	v3, v4, _ =	vpop (xrf1)  }
0x40: {  	v5, v6, _ =	vpop (xrf1)  }
0x41: {  	v7 =	vor.u32 s15, v0;
	s15 =	smov.u32 s10;
	vm0 =	vlt.f32 v3, v5  }
0x42: {  	(xrf1) =	vsort.dscd.msk.f32 $0xffff, v2, v7;
	v2 =	vsel vm0, v3, v5;
	v3 =	vsel vm0, v4, v6  }
0x43: {  	(xrf1) =	vsort.ascd.msk.f32 $0xffff, v2, v3;
	_ =	sdelay $0x4  }
.Ltmp0:
0x44: {  	(pc) =	sbr.rel @p1 .LBB2_4-.Ltmp0, $4  }
0x45: {  	_ = 	snop  }
0x46: {  	s23 =	sadd.s32 $0x20, s23  }
0x47: {  	s25 =	sand.u32 $0x700, s23  }
0x48: {  	s10 =	sadd.s32 $0x10, s10;
	s22 =	sand.u32 $0x70, s15;
	s25 =	sor.u32 s25, s7  }
0x49: {  	s7 =	sadd.s32 s22, s25  }
0x4a: {  	v2 =	vld [tilespmem:s7+$0x0];
	_ =	sdelay $0x1  }
0x4b: {  	v3, v4, _ =	vpop (xrf1)  }
0x4c: {  	v5, v6, _ =	vpop (xrf1)  }
0x4d: {  	v7 =	vor.u32 s15, v0;
	vm0 =	vlt.f32 v3, v5  }
0x4e: {  	(xrf1) =	vsort.dscd.msk.f32 $0xffff, v2, v7;
	v2 =	vsel vm0, v3, v5;
	v3 =	vsel vm0, v4, v6  }
0x4f: {  	(xrf1) =	vsort.ascd.msk.f32 $0xffff, v2, v3;
	_ =	sdelay $0xc  }
0x50: {  	v2, v3, _ =	vpop (xrf1)  }
0x51: {  	v4, v5, _ =	vpop (xrf1)  }
0x52: {  	vm15 =	vlt.f32 v2, v4  }
0x53: {  	v2 =	vsel vm15, v2, v4;
	v3 =	vsel vm15, v3, v5  }
0x54: {  	(xrf1) =	vsort.ascd.msk.f32 $0xffff, v2, v3;
	_ =	sdelay $0xa  }
0x55: {  	s7 =	sadd.s32 s11, s13  }
0x56: {  	s15 =	sor.u32 s3, s7  }
0x57: {  	s10 =	sshrl.u32 s15, $0x3  }
0x58: {  	s10 =	smul.u32 $0xC4000, s10;
	v3, v2, _ =	vpop (xrf1)  }
0x59: {  	v3 =	vshll.u32 v2, $0xA  }
0x5a: {  	v3 =	vadd.s32 s10, v3  }
0x5b: {  	(v2sf) =	vpush v3, $0x0;
	_ =	sdelay $0x5  }
0x5c: {  	(v2sf) =	vpush v3, $0x1;
	_ =	sdelay $0x2  }
0x5d: {  	(v2sf) =	vpush v3, $0x2;
	_ =	sdelay $0x5  }
0x5e: {  	s25 =	sshll.u32 s13, $0x7;
	s22 =	spop (v2sf);
	(v2sf) =	vpush v3, $0x3  }
0x5f: {  	s23 =	sand.u32 $0x380, s25  }
0x60: {  	s10 =	sor.u32 s23, s22  }
0x61: {  	s10 =	sshrl.u32 s10, $0x3  }
0x62: {  	s25 =	simm.s32 $0x700;
	s10 =	sadd.s32 s5, s10  }
0x63: {  	[tilespmem:s25], [sflag:$0x1] =	stream.linear.gather [hbm4b:s10+s2], $0x80, $0x38;
	[tilespmem:$0x19780] =	vst v63  }
0x64: {  	s25 =	spop (v2sf);
	(v2sf) =	vpush v3, $0x4;
	_ =	sdelay $0x2  }
0x65: {  	s22 =	spop (v2sf);
	(v2sf) =	vpush v3, $0x5;
	_ =	sdelay $0x5  }
0x66: {  	s10 =	sor.u32 s23, s25;
	s25 =	spop (v2sf);
	(v2sf) =	vpush v3, $0x6;
	_ =	sdelay $0x1  }
0x67: {  	s10 =	sshrl.u32 s10, $0x3  }
0x68: {  	s10 =	sadd.s32 s5, s10  }
0x69: {  	[tilespmem:s26], [sflag:$0x1] =	stream.linear.gather [hbm4b:s10+s2], $0x80, $0x38;
	[tilespmem:$0x19780] =	vst v63  }
0x6a: {  	s10 =	sor.u32 s23, s22  }
0x6b: {  	s10 =	sshrl.u32 s10, $0x3;
	s22 =	spop (v2sf);
	(v2sf) =	vpush v3, $0x7  }
0x6c: {  	s10 =	sadd.s32 s5, s10  }
0x6d: {  	[tilespmem:s28], [sflag:$0x1] =	stream.linear.gather [hbm4b:s10+s2], $0x80, $0x38;
	[tilespmem:$0x19780] =	vst v63  }
0x6e: {  	s10 =	sor.u32 s23, s25;
	s25 =	spop (v2sf);
	(v2sf) =	vpush v3, $0x8  }
0x6f: {  	s10 =	sshrl.u32 s10, $0x3  }
0x70: {  	s10 =	sadd.s32 s5, s10  }
0x71: {  	[tilespmem:s29], [sflag:$0x1] =	stream.linear.gather [hbm4b:s10+s2], $0x80, $0x38;
	[tilespmem:$0x19780] =	vst v63  }
0x72: {  	s10 =	sor.u32 s23, s22  }
0x73: {  	s10 =	sshrl.u32 s10, $0x3  }
0x74: {  	s10 =	sadd.s32 s5, s10;
	s22 =	spop (v2sf);
	(v2sf) =	vpush v3, $0x9  }
0x75: {  	[tilespmem:s30], [sflag:$0x1] =	stream.linear.gather [hbm4b:s10+s2], $0x80, $0x38;
	[tilespmem:$0x19780] =	vst v63  }
0x76: {  	s10 =	sor.u32 s23, s25  }
0x77: {  	s10 =	sshrl.u32 s10, $0x3  }
0x78: {  	s10 =	sadd.s32 s5, s10  }
0x79: {  	[tilespmem:s31], [sflag:$0x1] =	stream.linear.gather [hbm4b:s10+s2], $0x80, $0x38;
	[tilespmem:$0x19780] =	vst v63  }
0x7a: {  	s25 =	spop (v2sf);
	(v2sf) =	vpush v3, $0xA  }
0x7b: {  	s10 =	sor.u32 s23, s22  }
0x7c: {  	s10 =	sshrl.u32 s10, $0x3  }
0x7d: {  	s10 =	sadd.s32 s5, s10;
	s22 =	spop (v2sf);
	(v2sf) =	vpush v3, $0xB  }
0x7e: {  	[tilespmem:s0], [sflag:$0x1] =	stream.linear.gather [hbm4b:s10+s2], $0x80, $0x38;
	[tilespmem:$0x19780] =	vst v63  }
0x7f: {  	s10 =	sor.u32 s23, s25  }
0x80: {  	s10 =	sshrl.u32 s10, $0x3  }
0x81: {  	s10 =	sadd.s32 s5, s10  }
0x82: {  	[tilespmem:s1], [sflag:$0x1] =	stream.linear.gather [hbm4b:s10+s2], $0x80, $0x38;
	[tilespmem:$0x19780] =	vst v63  }
0x83: {  	s25 =	spop (v2sf);
	(v2sf) =	vpush v3, $0xC  }
0x84: {  	s10 =	sor.u32 s23, s22  }
0x85: {  	s10 =	sshrl.u32 s10, $0x3  }
0x86: {  	s10 =	sadd.s32 s5, s10  }
0x87: {  	[tilespmem:s16], [sflag:$0x1] =	stream.linear.gather [hbm4b:s10+s2], $0x80, $0x38;
	[tilespmem:$0x19780] =	vst v63  }
0x88: {  	s10 =	sor.u32 s23, s25  }
0x89: {  	s10 =	sshrl.u32 s10, $0x3;
	s22 =	spop (v2sf);
	(v2sf) =	vpush v3, $0xD  }
0x8a: {  	s10 =	sadd.s32 s5, s10  }
0x8b: {  	[tilespmem:s17], [sflag:$0x1] =	stream.linear.gather [hbm4b:s10+s2], $0x80, $0x38;
	[tilespmem:$0x19780] =	vst v63  }
0x8c: {  	s10 =	sor.u32 s23, s22;
	s25 =	spop (v2sf);
	(v2sf) =	vpush v3, $0xE  }
0x8d: {  	s10 =	sshrl.u32 s10, $0x3  }
0x8e: {  	s10 =	sadd.s32 s5, s10  }
0x8f: {  	[tilespmem:s18], [sflag:$0x1] =	stream.linear.gather [hbm4b:s10+s2], $0x80, $0x38;
	[tilespmem:$0x19780] =	vst v63  }
0x90: {  	s10 =	sor.u32 s23, s25  }
0x91: {  	s10 =	sshrl.u32 s10, $0x3  }
0x92: {  	s10 =	sadd.s32 s5, s10;
	s22 =	spop (v2sf);
	(v2sf) =	vpush v3, $0xF  }
0x93: {  	[tilespmem:s19], [sflag:$0x1] =	stream.linear.gather [hbm4b:s10+s2], $0x80, $0x38;
	[tilespmem:$0x19780] =	vst v63  }
0x94: {  	s10 =	sor.u32 s23, s22  }
0x95: {  	s10 =	sshrl.u32 s10, $0x3  }
0x96: {  	s10 =	sadd.s32 s5, s10  }
0x97: {  	[tilespmem:s20], [sflag:$0x1] =	stream.linear.gather [hbm4b:s10+s2], $0x80, $0x38;
	[tilespmem:$0x19780] =	vst v63  }
0x98: {  	s25 =	spop (v2sf)  }
0x99: {  	s10 =	sor.u32 s23, s25  }
0x9a: {  	s10 =	sshrl.u32 s10, $0x3  }
0x9b: {  	s22 =	spop (v2sf);
	s10 =	sadd.s32 s5, s10  }
0x9c: {  	[tilespmem:s21], [sflag:$0x1] =	stream.linear.gather [hbm4b:s10+s2], $0x80, $0x38;
	[tilespmem:$0x19780] =	vst v63  }
0x9d: {  	s10 =	sor.u32 s23, s22  }
0x9e: {  	s10 =	sshrl.u32 s10, $0x3  }
0x9f: {  	s10 =	sadd.s32 s5, s10  }
0xa0: {  	[tilespmem:s6], [sflag:$0x1] =	stream.linear.gather [hbm4b:s10+s2], $0x80, $0x38;
	[tilespmem:$0x19780] =	vst v63  }
0xa1: {  	s25 =	spop (v2sf)  }
0xa2: {  	s10 =	sor.u32 s23, s25  }
0xa3: {  	p1 =	sgt.u32 s7, $0x1E;
	s10 =	sshrl.u32 s10, $0x3  }
0xa4: {  	s7 =	sadd.s32 @!p1 $0x1, s15;
	s10 =	sadd.s32 s5, s10  }
0xa5: {  	[tilespmem:s8], [sflag:$0x1] =	stream.linear.gather [hbm4b:s10+s2], $0x80, $0x38;
	[tilespmem:$0x19780] =	vst v63  }
0xa6: {  	s10 =	sshrl.u32 @!p1 s7, $0x3  }
0xa7: {  	s7 =	sshll.u32 @!p1 s7, $0x7;
	s10 =	smul.u32 @!p1 $0x1C00, s10  }
0xa8: {  	s7 =	sand.u32 @!p1 $0x380, s7  }
0xa9: {  	s7 =	sor.u32 @!p1 s7, s10  }
0xaa: {  	s10 =	sshll.u32 @!p1 s14, $0x7;
	s7 =	sshrl.u32 @!p1 s7, $0x3  }
0xab: {  	s14 =	simm.s32 @!p1 $0x0;
	s10 =	sxor.u32 @!p1 $0x80, s10;
	s7 =	sadd.s32 @!p1 s4, s7  }
0xac: {  	[tilespmem:s10], [sflag:$0x2] =	stream.linear.gather @!p1 [hbm4b:s7+s14], $0x80, $0x38;
	[tilespmem:$0x19780] =	vst v63  }
0xad: {  	s22 =	sor.u32 @!p1 $0x100, s10;
	s15 =	sadd.s32 @!p1 $0x80, s7  }
0xae: {  	[tilespmem:s22], [sflag:$0x2] =	stream.linear.gather @!p1 [hbm4b:s15+s14], $0x80, $0x38;
	[tilespmem:$0x19780] =	vst v63  }
0xaf: {  	s15 =	sadd.s32 @!p1 $0x100, s7;
	s22 =	sor.u32 @!p1 $0x200, s10  }
0xb0: {  	[tilespmem:s22], [sflag:$0x2] =	stream.linear.gather @!p1 [hbm4b:s15+s14], $0x80, $0x38;
	[tilespmem:$0x19780] =	vst v63  }
0xb1: {  	s15 =	sadd.s32 @!p1 $0x180, s7;
	s22 =	sor.u32 @!p1 $0x300, s10  }
0xb2: {  	[tilespmem:s22], [sflag:$0x2] =	stream.linear.gather @!p1 [hbm4b:s15+s14], $0x80, $0x38;
	[tilespmem:$0x19780] =	vst v63  }
0xb3: {  	s15 =	sadd.s32 @!p1 $0x200, s7;
	s22 =	sor.u32 @!p1 $0x400, s10  }
0xb4: {  	[tilespmem:s22], [sflag:$0x2] =	stream.linear.gather @!p1 [hbm4b:s15+s14], $0x80, $0x38;
	[tilespmem:$0x19780] =	vst v63  }
0xb5: {  	s15 =	sadd.s32 @!p1 $0x280, s7;
	s22 =	sor.u32 @!p1 $0x500, s10  }
0xb6: {  	[tilespmem:s22], [sflag:$0x2] =	stream.linear.gather @!p1 [hbm4b:s15+s14], $0x80, $0x38;
	[tilespmem:$0x19780] =	vst v63  }
0xb7: {  	s7 =	sadd.s32 @!p1 $0x300, s7;
	s10 =	sor.u32 @!p1 $0x600, s10  }
0xb8: {  	[tilespmem:s10], [sflag:$0x2] =	stream.linear.gather @!p1 [hbm4b:s7+s14], $0x80, $0x38;
	[tilespmem:$0x19780] =	vst v63  }
0xb9: {  	_ =	swait.ge [sflag:s9], $0x80  }
0xba: {  	[sflag:s9] =	ssyncset.done $0x0  }
0xbb: {  	[sflag:s9] =	ssyncadd.s32 $0xFFFFFF80  }
0xbc: {  	_ =	swait.ge [sflag:s9], $0x80  }
0xbd: {  	[sflag:s9] =	ssyncset.done $0x0  }
0xbe: {  	[sflag:s9] =	ssyncadd.s32 $0xFFFFFF80  }
0xbf: {  	_ =	swait.ge [sflag:s9], $0x80  }
0xc0: {  	[sflag:s9] =	ssyncset.done $0x0  }
0xc1: {  	[sflag:s9] =	ssyncadd.s32 $0xFFFFFF80  }
0xc2: {  	_ =	swait.ge [sflag:s9], $0x80  }
0xc3: {  	[sflag:s9] =	ssyncset.done $0x0  }
0xc4: {  	[sflag:s9] =	ssyncadd.s32 $0xFFFFFF80  }
0xc5: {  	_ =	swait.ge [sflag:s9], $0x80  }
0xc6: {  	[sflag:s9] =	ssyncset.done $0x0  }
0xc7: {  	[sflag:s9] =	ssyncadd.s32 $0xFFFFFF80  }
0xc8: {  	_ =	swait.ge [sflag:s9], $0x80  }
0xc9: {  	[sflag:s9] =	ssyncset.done $0x0  }
0xca: {  	[sflag:s9] =	ssyncadd.s32 $0xFFFFFF80  }
0xcb: {  	_ =	swait.ge [sflag:s9], $0x80  }
0xcc: {  	[sflag:s9] =	ssyncset.done $0x0  }
0xcd: {  	[sflag:s9] =	ssyncadd.s32 $0xFFFFFF80  }
0xce: {  	_ =	swait.ge [sflag:s9], $0x80  }
0xcf: {  	[sflag:s9] =	ssyncset.done $0x0  }
0xd0: {  	[sflag:s9] =	ssyncadd.s32 $0xFFFFFF80  }
0xd1: {  	_ =	swait.ge [sflag:s9], $0x80  }
0xd2: {  	[sflag:s9] =	ssyncset.done $0x0  }
0xd3: {  	[sflag:s9] =	ssyncadd.s32 $0xFFFFFF80  }
0xd4: {  	_ =	swait.ge [sflag:s9], $0x80  }
0xd5: {  	[sflag:s9] =	ssyncset.done $0x0  }
0xd6: {  	[sflag:s9] =	ssyncadd.s32 $0xFFFFFF80  }
0xd7: {  	_ =	swait.ge [sflag:s9], $0x80  }
0xd8: {  	[sflag:s9] =	ssyncset.done $0x0  }
0xd9: {  	[sflag:s9] =	ssyncadd.s32 $0xFFFFFF80  }
0xda: {  	_ =	swait.ge [sflag:s9], $0x80  }
0xdb: {  	[sflag:s9] =	ssyncset.done $0x0  }
0xdc: {  	[sflag:s9] =	ssyncadd.s32 $0xFFFFFF80  }
0xdd: {  	_ =	swait.ge [sflag:s9], $0x80  }
0xde: {  	[sflag:s9] =	ssyncset.done $0x0  }
0xdf: {  	[sflag:s9] =	ssyncadd.s32 $0xFFFFFF80  }
0xe0: {  	_ =	swait.ge [sflag:s9], $0x80  }
0xe1: {  	[sflag:s9] =	ssyncset.done $0x0  }
0xe2: {  	[sflag:s9] =	ssyncadd.s32 $0xFFFFFF80  }
0xe3: {  	_ =	swait.ge [sflag:s9], $0x80  }
0xe4: {  	[sflag:s9] =	ssyncset.done $0x0  }
0xe5: {  	[sflag:s9] =	ssyncadd.s32 $0xFFFFFF80  }
0xe6: {  	_ =	swait.ge [sflag:s9], $0x80  }
0xe7: {  	s15 =	simm.s32 $0x0;
	[sflag:s9] =	ssyncset.done $0x0  }
0xe8: {  	v5 =	vimm.f32 $3.000000010e+38;
	v4 =	vimm.s32 $0x0;
	s7 =	simm.s32 $0x0;
	s14 =	simm.s32 $0x700;
	[sflag:s9] =	ssyncadd.s32 $0xFFFFFF80  }
.LBB2_6:
0xe9: {  	v3 =	vmov s14;
	_ =	sdelay $0x3  }
0xea: {  	s10 =	simm.s32 $0x0  }
0xeb: {  	v6 =	vld.idx.msk [tilespmem:v3+s10+$0x0 ss:$0x1], $0xffff;
	_ =	sdelay $0x3  }
0xec: {  	v7 =	vor.u32 s7, v0  }
0xed: {  	(xrf1) =	vsort.dscd.msk.f32 $0xffff, v6, v7;
	_ =	sdelay $0x9  }
0xee: {  	s23 =	simm.s32 $0x10  }
0xef: {  	v6 =	vld.idx.msk [tilespmem:v3+s23+$0x0 ss:$0x1], $0xffff;
	_ =	sdelay $0x2  }
0xf0: {  	s23 =	sadd.s32 $0x10, s7;
	v7, v8, _ =	vpop (xrf1)  }
0xf1: {  	v9 =	vor.u32 s23, v0;
	vm0 =	vlt.f32 v7, v5  }
0xf2: {  	(xrf1) =	vsort.dscd.msk.f32 $0xffff, v6, v9;
	v5 =	vsel vm0, v7, v5;
	v4 =	vsel vm0, v8, v4  }
0xf3: {  	(xrf1) =	vsort.ascd.msk.f32 $0xffff, v5, v4;
	_ =	sdelay $0x8  }
0xf4: {  	s25 =	simm.s32 $0x20  }
0xf5: {  	s10 =	simm.s32 $0xC0;
	v4 =	vld.idx.msk [tilespmem:v3+s25+$0x0 ss:$0x1], $0xffff  }
.LBB2_7:
0xf6: {  	p1 =	sne.s32 s10, $0x1C0;
	_ =	sdelay $0x1  }
0xf7: {  	v5, v6, _ =	vpop (xrf1)  }
0xf8: {  	s23 =	sadd.s32 $0x10, s23;
	v7, v8, _ =	vpop (xrf1)  }
0xf9: {  	v9 =	vor.u32 s23, v0;
	vm0 =	vlt.f32 v5, v7  }
0xfa: {  	(xrf1) =	vsort.dscd.msk.f32 $0xffff, v4, v9;
	v4 =	vsel vm0, v5, v7;
	v5 =	vsel vm0, v6, v8  }
0xfb: {  	(xrf1) =	vsort.ascd.msk.f32 $0xffff, v4, v5;
	_ =	sdelay $0x5  }
.Ltmp1:
0xfc: {  	(pc) =	sbr.rel @p1 .LBB2_7-.Ltmp1, $3  }
0xfd: {  	_ =	sdelay $0x1  }
0xfe: {  	s22 =	sshra.s32 s10, $0x2  }
0xff: {  	s10 =	sadd.s32 $0x40, s10;
	v4 =	vld.idx.msk [tilespmem:v3+s22+$0x0 ss:$0x1], $0xffff  }
0x100: {  	_ =	sdelay $0x1  }
0x101: {  	v3, v5, _ =	vpop (xrf1)  }
0x102: {  	s10 =	sadd.s32 $0x10, s23;
	v6, v7, _ =	vpop (xrf1)  }
0x103: {  	v8 =	vor.u32 s10, v0;
	vm0 =	vlt.f32 v3, v6  }
0x104: {  	(xrf1) =	vsort.dscd.msk.f32 $0xffff, v4, v8;
	v3 =	vsel vm0, v3, v6;
	v4 =	vsel vm0, v5, v7  }
0x105: {  	(xrf1) =	vsort.ascd.msk.f32 $0xffff, v3, v4;
	_ =	sdelay $0xc  }
0x106: {  	v3, v4, _ =	vpop (xrf1)  }
0x107: {  	v5, v6, _ =	vpop (xrf1)  }
0x108: {  	vm15 =	vlt.f32 v3, v5  }
0x109: {  	v3 =	vsel vm15, v3, v5;
	v4 =	vsel vm15, v4, v6  }
0x10a: {  	(xrf1) =	vsort.ascd.msk.f32 $0xffff, v3, v4;
	_ =	sdelay $0x7  }
0x10b: {  	s15 =	sadd.s32 $0x1, s15  }
0x10c: {  	p1 =	sne.s32 s15, $0x10  }
.Ltmp2:
0x10d: {  	_ = 	snop;
	(pc) =	sbr.rel @p1 .LBB2_6-.Ltmp2, $2  }
0x10e: {  	_ =	sdelay $0x2  }
0x10f: {  	s7 =	sadd.s32 $0x80, s7;
	s14 =	sadd.s32 $0x80, s14;
	v5, v4, _ =	vpop (xrf1)  }
0x110: {  	v3 =	vshrl.u32 v4, $0x7  }
0x111: {  	v2 =	vperm.xlane v2, v3;
	_ =	sdelay $0x1  }
0x112: {  	v3 =	vand.u32 $0x7F, v4;
	v2 =	vshll.u32 v2, $0x7  }
0x113: {  	v2 =	vor.u32 v3, v2;
	_ =	sdelay $0x3  }
0x114: {  	s7 =	simm.s32 $0xF00  }
0x115: {  	v2 =	vld.idx.msk [tilespmem:v2+s7+$0x0], $0xffff;
	_ =	sdelay $0x4  }
0x116: {  	(xrf2) =	vadd.scan.msk.f32 $0xffff, v2;
	_ =	sdelay $0x9  }
0x117: {  	v2, _, _ =	vpop (xrf2)  }
0x118: {  	(v2sf) =	vpush v2, $0xF;
	_ =	sdelay $0xb  }
0x119: {  	v2 =	vmov s13;
	s13 =	sadd.s32 $0x1, s13  }
0x11a: {  	p1 =	sne.s32 s13, $0x10  }
.Ltmp3:
0x11b: {  	_ = 	snop;
	(pc) =	sbr.rel @p1 .LBB2_3-.Ltmp3, $4  }
0x11c: {  	s25 =	spop (v2sf)  }
0x11d: {  	s7 =	smul.f32 $6.250000000e-02, s25  }
0x11e: {  	vm0 =	veq.s32 v2, v0  }
0x11f: {  	v1 =	vsel vm0, s7, v1  }
.Ltmp4:
0x120: {  	(pc) =	sbr.rel @p0 .LBB2_2-.Ltmp4, $3  }
0x121: {  	_ =	sdelay $0x1  }
0x122: {  	s7 =	sand.u32 $0x3FFFFFF0, s11  }
0x123: {  	p1 =	por $0x0, $0x0;
	[tilespmem:s7+$0x19700] =	vst v1;
	s7 =	simm.s32 $0x1  }
0x124: {  	s7 =	rddreg [dreg:$0x4];
	s10 =	simm.s32 $0x19700;
	s11 =	simm.s32 $0x3  }
0x125: {  	[hbm4b:s7+s2] =	stream.linear.scatter [tilespmem:s10], [sflag:$0x3], $0x20, $0x38;
	[tilespmem:$0x19780] =	vst v63  }
0x126: {  	_ =	swait.ge [sflag:s11], $0x20  }
0x127: {  	s23 =	rddreg [dreg:$0xc]  }
0x128: {  	s25 =	rddreg [dreg:$0x5];
	s10 =	sadd.s32 $0x1, s23  }
0x129: {  	p0 =	sne.s32 s10, s25  }
.Ltmp5:
0x12a: {  	_ = 	snop;
	(pc) =	sbr.rel @p0 .LBB2_1-.Ltmp5, $3  }
0x12b: {  	_ =	sdelay $0x1  }
0x12c: {  	[sflag:s11] =	ssyncset.done $0x0  }
0x12d: {  	[sflag:s11] =	ssyncadd.s32 $0xFFFFFFE0  }
0x12e: {  	_ =	sfence.sel $0x180000  }
0x12f: {  	[bflag:$0x0] =	sbarrier.arrive $0xFFFF  }
0x130: {  	_ =	strace $0x9000004A  }
0x131: {  	s0 =	stileid.u32;
	[bflag:$0x2] =	sbarrier.arrive $0xFFFF  }
0x132: {  	p0 =	sne.s32 s0, $0x0;
	s0 =	rddreg [dreg:$0x1]  }
0x133: {  	s0 =	sadd.s32 @!p0 $0x100000, s0  }
0x134: {  	[sflag:s0] =	ssyncadd.tile.s32 @!p0 $0x1;
	_ =	shalt  }
.Lfunc_end2:
_tile_overlayer_lowered:
.L_overlay_start_2:
0x135: {  	(tag) =	ssettag $0x2  }
0x136: {  	s0 =	rddreg [dreg:$0x0];
	s2 =	stileid.u32  }
0x137: {  	s1 =	rddreg [dreg:$0x1];
	p0 =	sne.s32 s2, $0x0  }
0x138: {  	s3 =	rddreg [dreg:$0x2];
	[bflag:$0x3] =	sbarrier.arrive $0xFFFF;
	s2 =	simm.s32 @!p0 $0x1C03  }
0x139: {  	[timem:s3], [sflag:s2] =	dma.local @!p0 [hbm:s0], s1  }
0x13a: {  	s0 =	simm.s32 @!p0 $0x3  }
0x13b: {  	_ =	swait.ge @!p0 [sflag:s0], s1  }
0x13c: {  	s1 =	ssub.s32 @!p0 $0x0, s1;
	[sflag:s0] =	ssyncset.done @!p0 $0x0  }
0x13d: {  	[sflag:s0] =	ssyncadd.s32 @!p0 s1  }
0x13e: {  	[bflag:$0x3] =	sbarrier.arrive $0xFFFF  }
0x13f: {  	_ =	shalt  }

// kernel: kernel.20.cloned.1.call-start
scs
__scs_entry_jumppad:
0x0: {  	(pc) =	sbr.rel $0x88, $3  }
0x1: {  	(tag) =	ssettag $0x0;
	lr =	simm.s32 $0x1  }
0x2: {  	[smem:$0x3F9E] =	sst lr;
	_ =	strace $0xD0000000  }
0x3: {  	_ = 	snop  }
0x4: {  	_ = 	snop  }
0x5: {  	_ = 	snop  }
0x6: {  	_ = 	snop  }
0x7: {  	_ = 	snop  }
__scs_overlays_trampoline_lowered:
0x8: {  	[smem:$0x3FAD] =	sst s0  }
0x9: {  	[smem:$0x3FAE] =	sst s1  }
0xa: {  	[smem:$0x3FAF] =	sst s2  }
0xb: {  	[smem:$0x3FB0] =	sst s3  }
0xc: {  	[smem:$0x3FB1] =	sst s4  }
0xd: {  	[smem:$0x3FB2] =	sst s5  }
0xe: {  	[smem:$0x3FB3] =	sst s6  }
0xf: {  	[smem:$0x3FB4] =	sst s7  }
0x10: {  	[smem:$0x3FB5] =	sst s8  }
0x11: {  	[smem:$0x3FB6] =	sst s9;
	s0 =	simm.s32 @!p0 $0x0  }
0x12: {  	s1 =	sld [smem:$0x3F9C];
	s0 =	simm.s32 @p0 $0x1  }
0x13: {  	[smem:$0x3FB7] =	sst s0;
	s0 =	simm.s32 @!p1 $0x0  }
0x14: {  	s2 =	sld [smem:$0x3F9B];
	s0 =	simm.s32 @p1 $0x1  }
0x15: {  	[smem:$0x3FB8] =	sst s0;
	s0 =	simm.s32 @!p2 $0x0  }
0x16: {  	s3 =	sld [smem:$0x3FDB];
	s0 =	simm.s32 @p2 $0x1  }
0x17: {  	s4 =	simm.s32 $0x1BF5;
	[smem:$0x3FBA] =	sst s0  }
0x18: {  	s0 =	sld [smem:$0x3F9D];
	_ =	swait.ge [sflag:s4], $0x0  }
0x19: {  	s7 =	sld [smem:$0x3F9E]  }
0x1a: {  	s8 =	sadd.s32 $0xFFFFE003, lr  }
0x1b: {  	s9 =	sadd.s32 $0xFFFFFEF7, lr;
	s5 =	simm.s32 $0xFFFFFFFF;
	p2 =	slt.u32 s8, $0xFFFFF086  }
0x1c: {  	p1 =	slt.u32 s9, $0xF7A;
	s5 =	simm.s32 @!p2 $0x0  }
0x1d: {  	s5 =	simm.s32 @p1 $0x1;
	p0 =	seq.s32 s7, s2  }
0x1e: {  	s7 =	smul.u32 @!p0 $0xF7A, s2;
	p2 =	seq.s32 @!p0 s5, $0x0  }
0x1f: {  	s9 =	smul.u32 $0xF7A, s1;
	s8 =	simm.s32 @!p0 $0x1BF5;
	p2 =	por !p2, p0  }
0x20: {  	[sflag:s8] =	ssyncset.s32 @!p0 $0xFFFFF086;
	s6 =	sadd.s32 @!p0 s3, s7;
	s7 =	simm.s32 @!p0 $0x108  }
0x21: {  	s3 =	sadd.s32 s3, s9;
	s6 =	sadd.s32 @!p0 $0x88, s6;
	s7 =	simm.s32 @p2 $0x1082  }
0x22: {  	[simem:s7], [sflag:s8] =	dma.local @!p0 [hbm:s6], $0xF7A  }
0x23: {  	s9 =	sor.u32 $0xD0000000, s2;
	s6 =	simm.s32 $0x108;
	_ =	swait.ge @!p0 [sflag:s8], $0x0  }
0x24: {  	s3 =	sadd.s32 $0x88, s3;
	s6 =	simm.s32 @!p1 $0x1082;
	[sflag:s4] =	ssyncset.s32 $0xFFFFF086  }
0x25: {  	[simem:s6], [sflag:s4] =	dma.local [hbm:s3], $0xF7A  }
0x26: {  	[smem:$0x3F9E] =	sst s1;
	(tag) =	ssettag s2;
	_ =	strace s9  }
0x27: {  	s1 =	sld [smem:$0x3FAE]  }
0x28: {  	s2 =	sld [smem:$0x3FAF]  }
0x29: {  	s4 =	sld [smem:$0x3FB1]  }
0x2a: {  	p0 =	seq.s32 s5, $0x0;
	s5 =	sld [smem:$0x3FB2]  }
0x2b: {  	s6 =	sld [smem:$0x3FB3]  }
0x2c: {  	s7 =	sld [smem:$0x3FB4]  }
0x2d: {  	s3 =	simm.s32 $0x108;
	s8 =	sld [smem:$0x3FB5]  }
0x2e: {  	s3 =	simm.s32 @!p0 $0x1082;
	s9 =	sld [smem:$0x3FB6]  }
0x2f: {  	lr =	sadd.s32 s0, s3;
	s0 =	sld [smem:$0x3FAD]  }
0x30: {  	s3 =	sld [smem:$0x3FB0]  }
0x31: {  	[smem:$0x3FB9] =	sst s10  }
0x32: {  	s10 =	sld [smem:$0x3FB7];
	_ =	sdelay $0x3  }
0x33: {  	p0 =	seq.s32 s10, $0x1;
	s10 =	sld [smem:$0x3FB9];
	_ =	sdelay $0x3  }
0x34: {  	[smem:$0x3FB9] =	sst s10  }
0x35: {  	s10 =	sld [smem:$0x3FB8];
	_ =	sdelay $0x3  }
0x36: {  	p1 =	seq.s32 s10, $0x1;
	s10 =	sld [smem:$0x3FB9];
	_ =	sdelay $0x3  }
0x37: {  	[smem:$0x3FB9] =	sst s10  }
0x38: {  	s10 =	sld [smem:$0x3FBA]  }
0x39: {  	_ = 	snop;
	(pc) =	sbr.ind lr, $3  }
0x3a: {  	_ = 	snop  }
0x3b: {  	_ = 	snop  }
0x3c: {  	p2 =	seq.s32 s10, $0x1;
	s10 =	sld [smem:$0x3FB9]  }
0x3d: {  	_ =	shalt  }
0x3e: {  	_ =	shalt  }
0x3f: {  	_ =	shalt  }
0x40: {  	_ =	shalt  }
0x41: {  	_ =	shalt  }
0x42: {  	_ =	shalt  }
0x43: {  	_ =	shalt  }
0x44: {  	_ =	shalt  }
0x45: {  	_ =	shalt  }
0x46: {  	_ =	shalt  }
0x47: {  	_ =	shalt  }
0x48: {  	_ =	shalt  }
0x49: {  	_ =	shalt  }
0x4a: {  	_ =	shalt  }
0x4b: {  	_ =	shalt  }
0x4c: {  	_ =	shalt  }
0x4d: {  	_ =	shalt  }
0x4e: {  	_ =	shalt  }
0x4f: {  	_ =	shalt  }
0x50: {  	_ =	shalt  }
0x51: {  	_ =	shalt  }
0x52: {  	_ =	shalt  }
0x53: {  	_ =	shalt  }
0x54: {  	_ =	shalt  }
0x55: {  	_ =	shalt  }
0x56: {  	_ =	shalt  }
0x57: {  	_ =	shalt  }
0x58: {  	_ =	shalt  }
0x59: {  	_ =	shalt  }
0x5a: {  	_ =	shalt  }
0x5b: {  	_ =	shalt  }
0x5c: {  	_ =	shalt  }
0x5d: {  	_ =	shalt  }
0x5e: {  	_ =	shalt  }
0x5f: {  	_ =	shalt  }
0x60: {  	_ =	shalt  }
0x61: {  	_ =	shalt  }
0x62: {  	_ =	shalt  }
0x63: {  	_ =	shalt  }
0x64: {  	_ =	shalt  }
0x65: {  	_ =	shalt  }
0x66: {  	_ =	shalt  }
0x67: {  	_ =	shalt  }
0x68: {  	_ =	shalt  }
0x69: {  	_ =	shalt  }
0x6a: {  	_ =	shalt  }
0x6b: {  	_ =	shalt  }
0x6c: {  	_ =	shalt  }
0x6d: {  	_ =	shalt  }
0x6e: {  	_ =	shalt  }
0x6f: {  	_ =	shalt  }
0x70: {  	_ =	shalt  }
0x71: {  	_ =	shalt  }
0x72: {  	_ =	shalt  }
0x73: {  	_ =	shalt  }
0x74: {  	_ =	shalt  }
0x75: {  	_ =	shalt  }
0x76: {  	_ =	shalt  }
0x77: {  	_ =	shalt  }
0x78: {  	_ =	shalt  }
0x79: {  	_ =	shalt  }
0x7a: {  	_ =	shalt  }
0x7b: {  	_ =	shalt  }
0x7c: {  	_ =	shalt  }
0x7d: {  	_ =	shalt  }
0x7e: {  	_ =	shalt  }
0x7f: {  	_ =	shalt  }
0x80: {  	_ =	shalt  }
0x81: {  	_ =	shalt  }
0x82: {  	_ =	shalt  }
0x83: {  	_ =	shalt  }
0x84: {  	_ =	shalt  }
0x85: {  	_ =	shalt  }
0x86: {  	_ =	shalt  }
0x87: {  	_ =	shalt  }
.Lfunc_end0:
.L_simem_size_0:
called_computation.2_lowered:
.L_overlay_start_0:
0x88: {  	s2 =	sld [smem:$0x3FD9]  }
0x89: {  	s3 =	sld [smem:$0x3FFE];
	_ =	sdelay $0x1  }
0x8a: {  	s1 =	srdreg.scid  }
0x8b: {  	s0 =	sand.u32 $0x1, s1  }
0x8c: {  	s17 =	sshll.u32 s0, $0xA;
	s2 =	sadd.s32 s3, s2  }
0x8d: {  	s2 =	sadd.s32 s2, s17  }
0x8e: {  	[smem:$0x3FC5] =	sst s2  }
0x8f: {  	_ = 	snop  }
0x90: {  	(tm) =	ssettm $0x1  }
0x91: {  	s18 =	sld [smem:$0x3FFB];
	_ =	sdelay $0x3  }
0x92: {  	_ =	strace s18  }
0x93: {  	s2 =	sld [smem:$0x3FFC];
	_ =	sdelay $0x3  }
0x94: {  	_ =	strace s2  }
0x95: {  	s2 =	sld [smem:$0x3FFD];
	_ =	sdelay $0x3  }
0x96: {  	_ =	strace s2  }
0x97: {  	_ =	strace $0x8FFFFFFF  }
0x98: {  	s19 =	sld [smem:$0x3FDB];
	_ =	sdelay $0x1  }
0x99: {  	s20 =	simm.s32 $_scs_section_size  }
0x9a: {  	s4 =	simm.s32 $_size__tile_overlayer_lowered;
	s5 =	simm.s32 $_tile_overlayer_lowered  }
0x9b: {  	s6 =	simm.s32 $0x1BFF;
	s21 =	sshll.u32 s5, $0x1;
	s3 =	sadd.s32 s20, s19  }
0x9c: {  	s22 =	simm.s32 $0x0;
	s4 =	sshll.u32 s4, $0x1;
	s5 =	sadd.s32 s21, s3  }
0x9d: {  	[timem:s22], [sflag:s6] =	dma.local [hbm:s5], s4  }
0x9e: {  	_ =	swait.ge [sflag:s6], s4  }
0x9f: {  	s4 =	ssub.s32 $0x0, s4;
	[sflag:s6] =	ssyncset.done $0x0  }
0xa0: {  	[sflag:s6] =	ssyncadd.s32 s4;
	_ =	sdelay $0x1  }
0xa1: {  	s23 =	simm.s32 $0x1B8B  }
0xa2: {  	_ =	swait.ge [sflag:s23], $0x1  }
0xa3: {  	[sflag:s23] =	ssyncset.done $0x0  }
0xa4: {  	[sflag:s23] =	ssyncadd.s32 $0xFFFFFFFF  }
0xa5: {  	s4 =	sld [smem:$0x0]  }
0xa6: {  	s5 =	sand.u32 $0xFFFFFFFE, s1  }
0xa7: {  	p0 =	sne.s32 s1, s5  }
0xa8: {  	s5 =	sshll.u32 @p0 s5, $0xE  }
0xa9: {  	s5 =	sadd.s32 @p0 $0x11B8D, s5;
	s6 =	sshll.u32 @p0 s4, $0x11  }
0xaa: {  	s5 =	sor.u32 @p0 s6, s5  }
0xab: {  	[sflag:s5] =	ssyncadd.remote.s32 @p0 $0x1;
	_ =	sdelay $0x1  }
0xac: {  	s5 =	simm.s32 @p0 $0x1B8D  }
0xad: {  	_ =	swait.eq @p0 [sflag:s5], $0x1  }
0xae: {  	[sflag:s5] =	ssyncadd.s32 @p0 $0xFFFFFFFF  }
0xaf: {  	s6 =	sshll.u32 @!p0 s1, $0xE  }
0xb0: {  	s6 =	sor.u32 @!p0 $0x4000, s6;
	s5 =	simm.s32 @!p0 $0x1B8D  }
0xb1: {  	s4 =	sshll.u32 @!p0 s4, $0x11;
	s6 =	sadd.s32 @!p0 $0x11B8D, s6;
	_ =	swait.eq @!p0 [sflag:s5], $0x1  }
0xb2: {  	s4 =	sor.u32 @!p0 s4, s6;
	[sflag:s5] =	ssyncadd.s32 @!p0 $0xFFFFFFFF  }
0xb3: {  	s25 =	simm.s32 $0x1B8E;
	s24 =	sld [smem:$0x3FFE];
	[sflag:s4] =	ssyncadd.remote.s32 @!p0 $0x1  }
0xb4: {  	s26 =	simm.s32 $execute0_lowered;
	[smem:$0x3FD2] =	sst s25  }
0xb5: {  	s5 =	sshll.u32 s26, $0x1;
	_ =	strace $0x8000004C;
	[dreg:$0x1] =	wrdreg $0xFFFFFFFF  }
0xb6: {  	s28 =	simm.s32 $_size_execute0_lowered;
	s3 =	sadd.s32 s3, s5;
	[dreg:$0x0] =	wrdreg $0x0  }
0xb7: {  	s5 =	sshll.u32 s28, $0x1;
	[dreg:$0x2] =	wrdreg s3  }
0xb8: {  	[dreg:$0x3] =	wrdreg s5  }
0xb9: {  	[dreg:$0x4] =	wrdreg $0xC0  }
0xba: {  	_ =	task [dreg:s22], $0x5FFFF  }
0xbb: {  	[dreg:$0x1] =	wrdreg $0xFFFFFFFF  }
0xbc: {  	[dreg:$0x0] =	wrdreg $0x60  }
0xbd: {  	[dreg:$0x2] =	wrdreg s24  }
0xbe: {  	[dreg:$0x3] =	wrdreg $0xB  }
0xbf: {  	_ =	task.clear_ibuf [dreg:s22], $0x4FFFF;
	_ =	strace $0x9000004C  }
0xc0: {  	s29 =	simm.s32 $0xB;
	_ =	strace $0x8000004E  }
0xc1: {  	_ =	swait.ge [sflag:s29], $0x1  }
0xc2: {  	[sflag:s29] =	ssyncadd.s32 $0xFFFFFFFF  }
0xc3: {  	_ =	strace $0x9000004E  }
0xc4: {  	_ =	sfence  }
0xc5: {  	s30 =	sld [smem:$0x0];
	_ =	sdelay $0x2  }
0xc6: {  	s31 =	sshll.u32 s1, $0xD;
	s1 =	sshrl.u32 s1, $0x2  }
0xc7: {  	s4 =	sand.u32 $0x4000, s31;
	s1 =	sadd.s32 s1, s30  }
0xc8: {  	s0 =	sor.u32 s4, s0;
	s1 =	sshll.u32 s1, $0x11  }
0xc9: {  	s0 =	sor.u32 s1, s0  }
0xca: {  	s0 =	sadd.s32 $0x8F2B, s0  }
0xcb: {  	[sflag:s0] =	ssyncadd.remote.s32 $0x1  }
0xcc: {  	_ =	sfence.sel $0xFFFF  }
0xcd: {  	[dreg:$0x0] =	wrdreg $0xFFFFFFFF;
	(pc) =	sbr.abs _section_cstart, $3  }
0xce: {  	[dreg:$0x1] =	wrdreg $0xFFFFFFFF  }
0xcf: {  	_ =	task.clear_ibuf [dreg:s22], $0x2FFFF;
	_ =	strace $0x9FFFFFFF  }
0xd0: {  	(tm) =	ssettm $0x7FFFFFFF  }
0xd1: {  	_ =	shalt  }
tec
execute0_lowered:
.L_overlay_start_1:
0x0: {  	(tag) =	ssettag $0x1  }
0x1: {  	s0 =	rddreg [dreg:$0x0]  }
0x2: {  	s1 =	srdreg.scid;
	s3 =	stileid.u32;
	s2 =	simm.s32 $0x0  }
0x3: {  	s11 =	simm.s32 $0x3;
	s28 =	simm.s32 $0x800;
	s29 =	simm.s32 $0x880  }
0x4: {  	s30 =	simm.s32 $0x900;
	s31 =	simm.s32 $0x980;
	s16 =	simm.s32 $0xB00  }
0x5: {  	s17 =	simm.s32 $0xB80;
	s1 =	sand.u32 $0x1, s1;
	[smem:$0x7FF] =	sst s2  }
0x6: {  	s3 =	sshll.u32 s3, $0x6;
	s5 =	sadd.s32 $0x18C9A00, s0;
	s8 =	sadd.s32 $0xC6A600, s0  }
0x7: {  	s4 =	sshll.u32 s1, $0x5;
	_ =	strace $0x8000004D;
	s1 =	ssub.s32 $0x2, s1  }
0x8: {  	[dreg:$0x2] =	wrdreg s8;
	s3 =	sor.u32 s4, s3;
	s18 =	sshrl.u32 s1, $0x1  }
0x9: {  	s4 =	sadd.s32 $0x2509A00, s0;
	s6 =	sshrl.u32 s3, $0x3;
	s1 =	ssub.s32 s1, s18  }
0xa: {  	s7 =	smul.u32 $0x380, s6;
	s0 =	sadd.s32 s6, s0;
	s20 =	smax.u32 s1, $0x1  }
0xb: {  	s9 =	simm.s32 $0x1;
	s0 =	sadd.s32 $0x2800, s0;
	[dreg:$0x5] =	wrdreg s20  }
0xc: {  	s10 =	simm.s32 $0x0;
	s19 =	sadd.s32 s4, s7;
	[dreg:$0x4] =	wrdreg s0  }
0xd: {  	s12 =	simm.s32 $0x0;
	s21 =	sadd.s32 $0x80, s19;
	[dreg:$0x3] =	wrdreg s19  }
0xe: {  	s8 =	simm.s32 $0xE80;
	s22 =	sadd.s32 $0x100, s19;
	[dreg:$0x6] =	wrdreg s21  }
0xf: {  	s18 =	simm.s32 $0xC00;
	s23 =	sadd.s32 $0x180, s19;
	[dreg:$0x7] =	wrdreg s22  }
0x10: {  	s1 =	simm.s32 $0xA80;
	s24 =	sadd.s32 $0x200, s19;
	[dreg:$0x8] =	wrdreg s23  }
0x11: {  	s6 =	simm.s32 $0xE00;
	s25 =	sadd.s32 $0x280, s19;
	[dreg:$0x9] =	wrdreg s24  }
0x12: {  	s20 =	simm.s32 $0xD00;
	s26 =	sadd.s32 $0x300, s19;
	[dreg:$0xa] =	wrdreg s25  }
0x13: {  	s0 =	simm.s32 $0xA00;
	s19 =	simm.s32 $0xC80;
	[dreg:$0xb] =	wrdreg s26  }
0x14: {  	v0 =	vlaneseq.u32;
	s24 =	simm.s32 $0x2;
	s26 =	simm.s32 $0x780;
	s21 =	simm.s32 $0xD80  }
.LBB2_1:
0x15: {  	[dreg:$0xc] =	wrdreg s10  }
0x16: {  	s7 =	rddreg [dreg:$0x3]  }
0x17: {  	[tilespmem:s2], [sflag:$0x2] =	stream.linear.gather [hbm4b:s7+s2], $0x80, $0x38;
	[tilespmem:$0x19780] =	vst v63  }
0x18: {  	s23 =	rddreg [dreg:$0x6];
	s25 =	simm.s32 $0x100  }
0x19: {  	[tilespmem:s25], [sflag:$0x2] =	stream.linear.gather [hbm4b:s23+s2], $0x80, $0x38;
	[tilespmem:$0x19780] =	vst v63  }
0x1a: {  	s13 =	rddreg [dreg:$0x7];
	s14 =	simm.s32 $0x200  }
0x1b: {  	[tilespmem:s14], [sflag:$0x2] =	stream.linear.gather [hbm4b:s13+s2], $0x80, $0x38;
	[tilespmem:$0x19780] =	vst v63  }
0x1c: {  	s15 =	rddreg [dreg:$0x8];
	s22 =	simm.s32 $0x300  }
0x1d: {  	[tilespmem:s22], [sflag:$0x2] =	stream.linear.gather [hbm4b:s15+s2], $0x80, $0x38;
	[tilespmem:$0x19780] =	vst v63  }
0x1e: {  	s23 =	rddreg [dreg:$0x9];
	s25 =	simm.s32 $0x400  }
0x1f: {  	[tilespmem:s25], [sflag:$0x2] =	stream.linear.gather [hbm4b:s23+s2], $0x80, $0x38;
	[tilespmem:$0x19780] =	vst v63  }
0x20: {  	s13 =	rddreg [dreg:$0xa];
	s14 =	simm.s32 $0x500  }
0x21: {  	[tilespmem:s14], [sflag:$0x2] =	stream.linear.gather [hbm4b:s13+s2], $0x80, $0x38;
	[tilespmem:$0x19780] =	vst v63  }
0x22: {  	s15 =	rddreg [dreg:$0xb];
	s22 =	simm.s32 $0x600  }
0x23: {  	[tilespmem:s22], [sflag:$0x2] =	stream.linear.gather [hbm4b:s15+s2], $0x80, $0x38;
	[tilespmem:$0x19780] =	vst v63  }
0x24: {  	s23 =	rddreg [dreg:$0x2];
	s25 =	simm.s32 $0xF00  }
0x25: {  	[tilespmem:s25], [sflag:$0x3] =	stream.linear.gather [hbm4b:s23+s2], $0x18800, $0x38;
	[tilespmem:$0x19780] =	vst v63  }
0x26: {  	_ =	swait.ge [sflag:s11], $0x18800  }
0x27: {  	[sflag:s11] =	ssyncset.done $0x0  }
0x28: {  	p1 =	por $0x1, $0x1;
	s7 =	simm.s32 $0x0;
	[sflag:s11] =	ssyncadd.s32 $0xFFFE7800  }
.LBB2_2:
0x29: {  	p0 =	por p1, p1;
	s11 =	sshll.u32 s7, $0x4;
	v1 =	vimm.f32 $0.0e+00;
	s13 =	simm.s32 $0x0  }
.LBB2_3:
0x2a: {  	s14 =	sand.u32 $0x1, s13  }
0x2b: {  	_ =	swait.ge [sflag:s24], $0x380;
	s10 =	sand.u32 $0x700, s12;
	s7 =	sshll.u32 s14, $0x7  }
0x2c: {  	s15 =	sand.u32 $0x70, s12;
	[sflag:s24] =	ssyncset.done $0x0;
	s10 =	sor.u32 s10, s7  }
0x2d: {  	[sflag:s24] =	ssyncadd.s32 $0xFFFFFC80;
	s10 =	sadd.s32 s15, s10  }
0x2e: {  	v2 =	vld [tilespmem:s10+$0x0];
	_ =	sdelay $0x3  }
0x2f: {  	v3 =	vor.u32 s12, v0  }
0x30: {  	(xrf1) =	vsort.dscd.msk.f32 $0xffff, v2, v3;
	_ =	sdelay $0x6  }
0x31: {  	s22 =	simm.s32 $0x20  }
0x32: {  	s23 =	simm.s32 $0x10;
	s10 =	sand.u32 $0x700, s22  }
0x33: {  	s22 =	sand.u32 $0x70, s23;
	s10 =	sor.u32 s10, s7  }
0x34: {  	s10 =	sadd.s32 s22, s10  }
0x35: {  	v2 =	vld [tilespmem:s10+$0x0];
	_ =	sdelay $0x2  }
0x36: {  	v3 =	vimm.f32 $3.000000010e+38;
	v4, v5, _ =	vpop (xrf1)  }
0x37: {  	v6 =	vimm.s32 $0x0;
	v7 =	vor.u32 s23, v0;
	vm0 =	vlt.f32 v4, v3  }
0x38: {  	(xrf1) =	vsort.dscd.msk.f32 $0xffff, v2, v7;
	v2 =	vsel vm0, v4, v3;
	v3 =	vsel vm0, v5, v6  }
0x39: {  	(xrf1) =	vsort.ascd.msk.f32 $0xffff, v2, v3;
	_ =	sdelay $0x6  }
0x3a: {  	s23 =	simm.s32 $0x40  }
0x3b: {  	s15 =	simm.s32 $0x20;
	s25 =	sand.u32 $0x700, s23  }
0x3c: {  	s22 =	sand.u32 $0x70, s15;
	s25 =	sor.u32 s25, s7;
	s10 =	simm.s32 $0x30  }
.LBB2_4:
0x3d: {  	p1 =	sne.s32 s10, $0x300;
	s22 =	sadd.s32 s22, s25  }
0x3e: {  	v2 =	vld [tilespmem:s22+$0x0];
	_ =	sdelay $0x1  }
0x3f: {  	v3, v4, _ =	vpop (xrf1)  }
0x40: {  	v5, v6, _ =	vpop (xrf1)  }
0x41: {  	v7 =	vor.u32 s15, v0;
	s15 =	smov.u32 s10;
	vm0 =	vlt.f32 v3, v5  }
0x42: {  	(xrf1) =	vsort.dscd.msk.f32 $0xffff, v2, v7;
	v2 =	vsel vm0, v3, v5;
	v3 =	vsel vm0, v4, v6  }
0x43: {  	(xrf1) =	vsort.ascd.msk.f32 $0xffff, v2, v3;
	_ =	sdelay $0x4  }
.Ltmp0:
0x44: {  	(pc) =	sbr.rel @p1 .LBB2_4-.Ltmp0, $4  }
0x45: {  	_ = 	snop  }
0x46: {  	s23 =	sadd.s32 $0x20, s23  }
0x47: {  	s25 =	sand.u32 $0x700, s23  }
0x48: {  	s10 =	sadd.s32 $0x10, s10;
	s22 =	sand.u32 $0x70, s15;
	s25 =	sor.u32 s25, s7  }
0x49: {  	s7 =	sadd.s32 s22, s25  }
0x4a: {  	v2 =	vld [tilespmem:s7+$0x0];
	_ =	sdelay $0x1  }
0x4b: {  	v3, v4, _ =	vpop (xrf1)  }
0x4c: {  	v5, v6, _ =	vpop (xrf1)  }
0x4d: {  	v7 =	vor.u32 s15, v0;
	vm0 =	vlt.f32 v3, v5  }
0x4e: {  	(xrf1) =	vsort.dscd.msk.f32 $0xffff, v2, v7;
	v2 =	vsel vm0, v3, v5;
	v3 =	vsel vm0, v4, v6  }
0x4f: {  	(xrf1) =	vsort.ascd.msk.f32 $0xffff, v2, v3;
	_ =	sdelay $0xc  }
0x50: {  	v2, v3, _ =	vpop (xrf1)  }
0x51: {  	v4, v5, _ =	vpop (xrf1)  }
0x52: {  	vm15 =	vlt.f32 v2, v4  }
0x53: {  	v2 =	vsel vm15, v2, v4;
	v3 =	vsel vm15, v3, v5  }
0x54: {  	(xrf1) =	vsort.ascd.msk.f32 $0xffff, v2, v3;
	_ =	sdelay $0xa  }
0x55: {  	s7 =	sadd.s32 s11, s13  }
0x56: {  	s15 =	sor.u32 s3, s7  }
0x57: {  	s10 =	sshrl.u32 s15, $0x3  }
0x58: {  	s10 =	smul.u32 $0xC4000, s10;
	v3, v2, _ =	vpop (xrf1)  }
0x59: {  	v3 =	vshll.u32 v2, $0xA  }
0x5a: {  	v3 =	vadd.s32 s10, v3  }
0x5b: {  	(v2sf) =	vpush v3, $0x0;
	_ =	sdelay $0x5  }
0x5c: {  	(v2sf) =	vpush v3, $0x1;
	_ =	sdelay $0x2  }
0x5d: {  	(v2sf) =	vpush v3, $0x2;
	_ =	sdelay $0x5  }
0x5e: {  	s25 =	sshll.u32 s13, $0x7;
	s22 =	spop (v2sf);
	(v2sf) =	vpush v3, $0x3  }
0x5f: {  	s23 =	sand.u32 $0x380, s25  }
0x60: {  	s10 =	sor.u32 s23, s22  }
0x61: {  	s10 =	sshrl.u32 s10, $0x3  }
0x62: {  	s25 =	simm.s32 $0x700;
	s10 =	sadd.s32 s5, s10  }
0x63: {  	[tilespmem:s25], [sflag:$0x1] =	stream.linear.gather [hbm4b:s10+s2], $0x80, $0x38;
	[tilespmem:$0x19780] =	vst v63  }
0x64: {  	s25 =	spop (v2sf);
	(v2sf) =	vpush v3, $0x4;
	_ =	sdelay $0x2  }
0x65: {  	s22 =	spop (v2sf);
	(v2sf) =	vpush v3, $0x5;
	_ =	sdelay $0x5  }
0x66: {  	s10 =	sor.u32 s23, s25;
	s25 =	spop (v2sf);
	(v2sf) =	vpush v3, $0x6;
	_ =	sdelay $0x1  }
0x67: {  	s10 =	sshrl.u32 s10, $0x3  }
0x68: {  	s10 =	sadd.s32 s5, s10  }
0x69: {  	[tilespmem:s26], [sflag:$0x1] =	stream.linear.gather [hbm4b:s10+s2], $0x80, $0x38;
	[tilespmem:$0x19780] =	vst v63  }
0x6a: {  	s10 =	sor.u32 s23, s22  }
0x6b: {  	s10 =	sshrl.u32 s10, $0x3;
	s22 =	spop (v2sf);
	(v2sf) =	vpush v3, $0x7  }
0x6c: {  	s10 =	sadd.s32 s5, s10  }
0x6d: {  	[tilespmem:s28], [sflag:$0x1] =	stream.linear.gather [hbm4b:s10+s2], $0x80, $0x38;
	[tilespmem:$0x19780] =	vst v63  }
0x6e: {  	s10 =	sor.u32 s23, s25;
	s25 =	spop (v2sf);
	(v2sf) =	vpush v3, $0x8  }
0x6f: {  	s10 =	sshrl.u32 s10, $0x3  }
0x70: {  	s10 =	sadd.s32 s5, s10  }
0x71: {  	[tilespmem:s29], [sflag:$0x1] =	stream.linear.gather [hbm4b:s10+s2], $0x80, $0x38;
	[tilespmem:$0x19780] =	vst v63  }
0x72: {  	s10 =	sor.u32 s23, s22  }
0x73: {  	s10 =	sshrl.u32 s10, $0x3  }
0x74: {  	s10 =	sadd.s32 s5, s10;
	s22 =	spop (v2sf);
	(v2sf) =	vpush v3, $0x9  }
0x75: {  	[tilespmem:s30], [sflag:$0x1] =	stream.linear.gather [hbm4b:s10+s2], $0x80, $0x38;
	[tilespmem:$0x19780] =	vst v63  }
0x76: {  	s10 =	sor.u32 s23, s25  }
0x77: {  	s10 =	sshrl.u32 s10, $0x3  }
0x78: {  	s10 =	sadd.s32 s5, s10  }
0x79: {  	[tilespmem:s31], [sflag:$0x1] =	stream.linear.gather [hbm4b:s10+s2], $0x80, $0x38;
	[tilespmem:$0x19780] =	vst v63  }
0x7a: {  	s25 =	spop (v2sf);
	(v2sf) =	vpush v3, $0xA  }
0x7b: {  	s10 =	sor.u32 s23, s22  }
0x7c: {  	s10 =	sshrl.u32 s10, $0x3  }
0x7d: {  	s10 =	sadd.s32 s5, s10;
	s22 =	spop (v2sf);
	(v2sf) =	vpush v3, $0xB  }
0x7e: {  	[tilespmem:s0], [sflag:$0x1] =	stream.linear.gather [hbm4b:s10+s2], $0x80, $0x38;
	[tilespmem:$0x19780] =	vst v63  }
0x7f: {  	s10 =	sor.u32 s23, s25  }
0x80: {  	s10 =	sshrl.u32 s10, $0x3  }
0x81: {  	s10 =	sadd.s32 s5, s10  }
0x82: {  	[tilespmem:s1], [sflag:$0x1] =	stream.linear.gather [hbm4b:s10+s2], $0x80, $0x38;
	[tilespmem:$0x19780] =	vst v63  }
0x83: {  	s25 =	spop (v2sf);
	(v2sf) =	vpush v3, $0xC  }
0x84: {  	s10 =	sor.u32 s23, s22  }
0x85: {  	s10 =	sshrl.u32 s10, $0x3  }
0x86: {  	s10 =	sadd.s32 s5, s10  }
0x87: {  	[tilespmem:s16], [sflag:$0x1] =	stream.linear.gather [hbm4b:s10+s2], $0x80, $0x38;
	[tilespmem:$0x19780] =	vst v63  }
0x88: {  	s10 =	sor.u32 s23, s25  }
0x89: {  	s10 =	sshrl.u32 s10, $0x3;
	s22 =	spop (v2sf);
	(v2sf) =	vpush v3, $0xD  }
0x8a: {  	s10 =	sadd.s32 s5, s10  }
0x8b: {  	[tilespmem:s17], [sflag:$0x1] =	stream.linear.gather [hbm4b:s10+s2], $0x80, $0x38;
	[tilespmem:$0x19780] =	vst v63  }
0x8c: {  	s10 =	sor.u32 s23, s22;
	s25 =	spop (v2sf);
	(v2sf) =	vpush v3, $0xE  }
0x8d: {  	s10 =	sshrl.u32 s10, $0x3  }
0x8e: {  	s10 =	sadd.s32 s5, s10  }
0x8f: {  	[tilespmem:s18], [sflag:$0x1] =	stream.linear.gather [hbm4b:s10+s2], $0x80, $0x38;
	[tilespmem:$0x19780] =	vst v63  }
0x90: {  	s10 =	sor.u32 s23, s25  }
0x91: {  	s10 =	sshrl.u32 s10, $0x3  }
0x92: {  	s10 =	sadd.s32 s5, s10;
	s22 =	spop (v2sf);
	(v2sf) =	vpush v3, $0xF  }
0x93: {  	[tilespmem:s19], [sflag:$0x1] =	stream.linear.gather [hbm4b:s10+s2], $0x80, $0x38;
	[tilespmem:$0x19780] =	vst v63  }
0x94: {  	s10 =	sor.u32 s23, s22  }
0x95: {  	s10 =	sshrl.u32 s10, $0x3  }
0x96: {  	s10 =	sadd.s32 s5, s10  }
0x97: {  	[tilespmem:s20], [sflag:$0x1] =	stream.linear.gather [hbm4b:s10+s2], $0x80, $0x38;
	[tilespmem:$0x19780] =	vst v63  }
0x98: {  	s25 =	spop (v2sf)  }
0x99: {  	s10 =	sor.u32 s23, s25  }
0x9a: {  	s10 =	sshrl.u32 s10, $0x3  }
0x9b: {  	s22 =	spop (v2sf);
	s10 =	sadd.s32 s5, s10  }
0x9c: {  	[tilespmem:s21], [sflag:$0x1] =	stream.linear.gather [hbm4b:s10+s2], $0x80, $0x38;
	[tilespmem:$0x19780] =	vst v63  }
0x9d: {  	s10 =	sor.u32 s23, s22  }
0x9e: {  	s10 =	sshrl.u32 s10, $0x3  }
0x9f: {  	s10 =	sadd.s32 s5, s10  }
0xa0: {  	[tilespmem:s6], [sflag:$0x1] =	stream.linear.gather [hbm4b:s10+s2], $0x80, $0x38;
	[tilespmem:$0x19780] =	vst v63  }
0xa1: {  	s25 =	spop (v2sf)  }
0xa2: {  	s10 =	sor.u32 s23, s25  }
0xa3: {  	p1 =	sgt.u32 s7, $0x1E;
	s10 =	sshrl.u32 s10, $0x3  }
0xa4: {  	s7 =	sadd.s32 @!p1 $0x1, s15;
	s10 =	sadd.s32 s5, s10  }
0xa5: {  	[tilespmem:s8], [sflag:$0x1] =	stream.linear.gather [hbm4b:s10+s2], $0x80, $0x38;
	[tilespmem:$0x19780] =	vst v63  }
0xa6: {  	s10 =	sshrl.u32 @!p1 s7, $0x3  }
0xa7: {  	s7 =	sshll.u32 @!p1 s7, $0x7;
	s10 =	smul.u32 @!p1 $0x1C00, s10  }
0xa8: {  	s7 =	sand.u32 @!p1 $0x380, s7  }
0xa9: {  	s7 =	sor.u32 @!p1 s7, s10  }
0xaa: {  	s10 =	sshll.u32 @!p1 s14, $0x7;
	s7 =	sshrl.u32 @!p1 s7, $0x3  }
0xab: {  	s14 =	simm.s32 @!p1 $0x0;
	s10 =	sxor.u32 @!p1 $0x80, s10;
	s7 =	sadd.s32 @!p1 s4, s7  }
0xac: {  	[tilespmem:s10], [sflag:$0x2] =	stream.linear.gather @!p1 [hbm4b:s7+s14], $0x80, $0x38;
	[tilespmem:$0x19780] =	vst v63  }
0xad: {  	s22 =	sor.u32 @!p1 $0x100, s10;
	s15 =	sadd.s32 @!p1 $0x80, s7  }
0xae: {  	[tilespmem:s22], [sflag:$0x2] =	stream.linear.gather @!p1 [hbm4b:s15+s14], $0x80, $0x38;
	[tilespmem:$0x19780] =	vst v63  }
0xaf: {  	s15 =	sadd.s32 @!p1 $0x100, s7;
	s22 =	sor.u32 @!p1 $0x200, s10  }
0xb0: {  	[tilespmem:s22], [sflag:$0x2] =	stream.linear.gather @!p1 [hbm4b:s15+s14], $0x80, $0x38;
	[tilespmem:$0x19780] =	vst v63  }
0xb1: {  	s15 =	sadd.s32 @!p1 $0x180, s7;
	s22 =	sor.u32 @!p1 $0x300, s10  }
0xb2: {  	[tilespmem:s22], [sflag:$0x2] =	stream.linear.gather @!p1 [hbm4b:s15+s14], $0x80, $0x38;
	[tilespmem:$0x19780] =	vst v63  }
0xb3: {  	s15 =	sadd.s32 @!p1 $0x200, s7;
	s22 =	sor.u32 @!p1 $0x400, s10  }
0xb4: {  	[tilespmem:s22], [sflag:$0x2] =	stream.linear.gather @!p1 [hbm4b:s15+s14], $0x80, $0x38;
	[tilespmem:$0x19780] =	vst v63  }
0xb5: {  	s15 =	sadd.s32 @!p1 $0x280, s7;
	s22 =	sor.u32 @!p1 $0x500, s10  }
0xb6: {  	[tilespmem:s22], [sflag:$0x2] =	stream.linear.gather @!p1 [hbm4b:s15+s14], $0x80, $0x38;
	[tilespmem:$0x19780] =	vst v63  }
0xb7: {  	s7 =	sadd.s32 @!p1 $0x300, s7;
	s10 =	sor.u32 @!p1 $0x600, s10  }
0xb8: {  	[tilespmem:s10], [sflag:$0x2] =	stream.linear.gather @!p1 [hbm4b:s7+s14], $0x80, $0x38;
	[tilespmem:$0x19780] =	vst v63  }
0xb9: {  	_ =	swait.ge [sflag:s9], $0x80  }
0xba: {  	[sflag:s9] =	ssyncset.done $0x0  }
0xbb: {  	[sflag:s9] =	ssyncadd.s32 $0xFFFFFF80  }
0xbc: {  	_ =	swait.ge [sflag:s9], $0x80  }
0xbd: {  	[sflag:s9] =	ssyncset.done $0x0  }
0xbe: {  	[sflag:s9] =	ssyncadd.s32 $0xFFFFFF80  }
0xbf: {  	_ =	swait.ge [sflag:s9], $0x80  }
0xc0: {  	[sflag:s9] =	ssyncset.done $0x0  }
0xc1: {  	[sflag:s9] =	ssyncadd.s32 $0xFFFFFF80  }
0xc2: {  	_ =	swait.ge [sflag:s9], $0x80  }
0xc3: {  	[sflag:s9] =	ssyncset.done $0x0  }
0xc4: {  	[sflag:s9] =	ssyncadd.s32 $0xFFFFFF80  }
0xc5: {  	_ =	swait.ge [sflag:s9], $0x80  }
0xc6: {  	[sflag:s9] =	ssyncset.done $0x0  }
0xc7: {  	[sflag:s9] =	ssyncadd.s32 $0xFFFFFF80  }
0xc8: {  	_ =	swait.ge [sflag:s9], $0x80  }
0xc9: {  	[sflag:s9] =	ssyncset.done $0x0  }
0xca: {  	[sflag:s9] =	ssyncadd.s32 $0xFFFFFF80  }
0xcb: {  	_ =	swait.ge [sflag:s9], $0x80  }
0xcc: {  	[sflag:s9] =	ssyncset.done $0x0  }
0xcd: {  	[sflag:s9] =	ssyncadd.s32 $0xFFFFFF80  }
0xce: {  	_ =	swait.ge [sflag:s9], $0x80  }
0xcf: {  	[sflag:s9] =	ssyncset.done $0x0  }
0xd0: {  	[sflag:s9] =	ssyncadd.s32 $0xFFFFFF80  }
0xd1: {  	_ =	swait.ge [sflag:s9], $0x80  }
0xd2: {  	[sflag:s9] =	ssyncset.done $0x0  }
0xd3: {  	[sflag:s9] =	ssyncadd.s32 $0xFFFFFF80  }
0xd4: {  	_ =	swait.ge [sflag:s9], $0x80  }
0xd5: {  	[sflag:s9] =	ssyncset.done $0x0  }
0xd6: {  	[sflag:s9] =	ssyncadd.s32 $0xFFFFFF80  }
0xd7: {  	_ =	swait.ge [sflag:s9], $0x80  }
0xd8: {  	[sflag:s9] =	ssyncset.done $0x0  }
0xd9: {  	[sflag:s9] =	ssyncadd.s32 $0xFFFFFF80  }
0xda: {  	_ =	swait.ge [sflag:s9], $0x80  }
0xdb: {  	[sflag:s9] =	ssyncset.done $0x0  }
0xdc: {  	[sflag:s9] =	ssyncadd.s32 $0xFFFFFF80  }
0xdd: {  	_ =	swait.ge [sflag:s9], $0x80  }
0xde: {  	[sflag:s9] =	ssyncset.done $0x0  }
0xdf: {  	[sflag:s9] =	ssyncadd.s32 $0xFFFFFF80  }
0xe0: {  	_ =	swait.ge [sflag:s9], $0x80  }
0xe1: {  	[sflag:s9] =	ssyncset.done $0x0  }
0xe2: {  	[sflag:s9] =	ssyncadd.s32 $0xFFFFFF80  }
0xe3: {  	_ =	swait.ge [sflag:s9], $0x80  }
0xe4: {  	[sflag:s9] =	ssyncset.done $0x0  }
0xe5: {  	[sflag:s9] =	ssyncadd.s32 $0xFFFFFF80  }
0xe6: {  	_ =	swait.ge [sflag:s9], $0x80  }
0xe7: {  	s15 =	simm.s32 $0x0;
	[sflag:s9] =	ssyncset.done $0x0  }
0xe8: {  	v5 =	vimm.f32 $3.000000010e+38;
	v4 =	vimm.s32 $0x0;
	s7 =	simm.s32 $0x0;
	s14 =	simm.s32 $0x700;
	[sflag:s9] =	ssyncadd.s32 $0xFFFFFF80  }
.LBB2_6:
0xe9: {  	v3 =	vmov s14;
	_ =	sdelay $0x3  }
0xea: {  	s10 =	simm.s32 $0x0  }
0xeb: {  	v6 =	vld.idx.msk [tilespmem:v3+s10+$0x0 ss:$0x1], $0xffff;
	_ =	sdelay $0x3  }
0xec: {  	v7 =	vor.u32 s7, v0  }
0xed: {  	(xrf1) =	vsort.dscd.msk.f32 $0xffff, v6, v7;
	_ =	sdelay $0x9  }
0xee: {  	s23 =	simm.s32 $0x10  }
0xef: {  	v6 =	vld.idx.msk [tilespmem:v3+s23+$0x0 ss:$0x1], $0xffff;
	_ =	sdelay $0x2  }
0xf0: {  	s23 =	sadd.s32 $0x10, s7;
	v7, v8, _ =	vpop (xrf1)  }
0xf1: {  	v9 =	vor.u32 s23, v0;
	vm0 =	vlt.f32 v7, v5  }
0xf2: {  	(xrf1) =	vsort.dscd.msk.f32 $0xffff, v6, v9;
	v5 =	vsel vm0, v7, v5;
	v4 =	vsel vm0, v8, v4  }
0xf3: {  	(xrf1) =	vsort.ascd.msk.f32 $0xffff, v5, v4;
	_ =	sdelay $0x8  }
0xf4: {  	s25 =	simm.s32 $0x20  }
0xf5: {  	s10 =	simm.s32 $0xC0;
	v4 =	vld.idx.msk [tilespmem:v3+s25+$0x0 ss:$0x1], $0xffff  }
.LBB2_7:
0xf6: {  	p1 =	sne.s32 s10, $0x1C0;
	_ =	sdelay $0x1  }
0xf7: {  	v5, v6, _ =	vpop (xrf1)  }
0xf8: {  	s23 =	sadd.s32 $0x10, s23;
	v7, v8, _ =	vpop (xrf1)  }
0xf9: {  	v9 =	vor.u32 s23, v0;
	vm0 =	vlt.f32 v5, v7  }
0xfa: {  	(xrf1) =	vsort.dscd.msk.f32 $0xffff, v4, v9;
	v4 =	vsel vm0, v5, v7;
	v5 =	vsel vm0, v6, v8  }
0xfb: {  	(xrf1) =	vsort.ascd.msk.f32 $0xffff, v4, v5;
	_ =	sdelay $0x5  }
.Ltmp1:
0xfc: {  	(pc) =	sbr.rel @p1 .LBB2_7-.Ltmp1, $3  }
0xfd: {  	_ =	sdelay $0x1  }
0xfe: {  	s22 =	sshra.s32 s10, $0x2  }
0xff: {  	s10 =	sadd.s32 $0x40, s10;
	v4 =	vld.idx.msk [tilespmem:v3+s22+$0x0 ss:$0x1], $0xffff  }
0x100: {  	_ =	sdelay $0x1  }
0x101: {  	v3, v5, _ =	vpop (xrf1)  }
0x102: {  	s10 =	sadd.s32 $0x10, s23;
	v6, v7, _ =	vpop (xrf1)  }
0x103: {  	v8 =	vor.u32 s10, v0;
	vm0 =	vlt.f32 v3, v6  }
0x104: {  	(xrf1) =	vsort.dscd.msk.f32 $0xffff, v4, v8;
	v3 =	vsel vm0, v3, v6;
	v4 =	vsel vm0, v5, v7  }
0x105: {  	(xrf1) =	vsort.ascd.msk.f32 $0xffff, v3, v4;
	_ =	sdelay $0xc  }
0x106: {  	v3, v4, _ =	vpop (xrf1)  }
0x107: {  	v5, v6, _ =	vpop (xrf1)  }
0x108: {  	vm15 =	vlt.f32 v3, v5  }
0x109: {  	v3 =	vsel vm15, v3, v5;
	v4 =	vsel vm15, v4, v6  }
0x10a: {  	(xrf1) =	vsort.ascd.msk.f32 $0xffff, v3, v4;
	_ =	sdelay $0x7  }
0x10b: {  	s15 =	sadd.s32 $0x1, s15  }
0x10c: {  	p1 =	sne.s32 s15, $0x10  }
.Ltmp2:
0x10d: {  	_ = 	snop;
	(pc) =	sbr.rel @p1 .LBB2_6-.Ltmp2, $2  }
0x10e: {  	_ =	sdelay $0x2  }
0x10f: {  	s7 =	sadd.s32 $0x80, s7;
	s14 =	sadd.s32 $0x80, s14;
	v5, v4, _ =	vpop (xrf1)  }
0x110: {  	v3 =	vshrl.u32 v4, $0x7  }
0x111: {  	v2 =	vperm.xlane v2, v3;
	_ =	sdelay $0x1  }
0x112: {  	v3 =	vand.u32 $0x7F, v4;
	v2 =	vshll.u32 v2, $0x7  }
0x113: {  	v2 =	vor.u32 v3, v2;
	_ =	sdelay $0x3  }
0x114: {  	s7 =	simm.s32 $0xF00  }
0x115: {  	v2 =	vld.idx.msk [tilespmem:v2+s7+$0x0], $0xffff;
	_ =	sdelay $0x4  }
0x116: {  	(xrf2) =	vadd.scan.msk.f32 $0xffff, v2;
	_ =	sdelay $0x9  }
0x117: {  	v2, _, _ =	vpop (xrf2)  }
0x118: {  	(v2sf) =	vpush v2, $0xF;
	_ =	sdelay $0xb  }
0x119: {  	v2 =	vmov s13;
	s13 =	sadd.s32 $0x1, s13  }
0x11a: {  	p1 =	sne.s32 s13, $0x10  }
.Ltmp3:
0x11b: {  	_ = 	snop;
	(pc) =	sbr.rel @p1 .LBB2_3-.Ltmp3, $4  }
0x11c: {  	s25 =	spop (v2sf)  }
0x11d: {  	s7 =	smul.f32 $6.250000000e-02, s25  }
0x11e: {  	vm0 =	veq.s32 v2, v0  }
0x11f: {  	v1 =	vsel vm0, s7, v1  }
.Ltmp4:
0x120: {  	(pc) =	sbr.rel @p0 .LBB2_2-.Ltmp4, $3  }
0x121: {  	_ =	sdelay $0x1  }
0x122: {  	s7 =	sand.u32 $0x3FFFFFF0, s11  }
0x123: {  	p1 =	por $0x0, $0x0;
	[tilespmem:s7+$0x19700] =	vst v1;
	s7 =	simm.s32 $0x1  }
0x124: {  	s7 =	rddreg [dreg:$0x4];
	s10 =	simm.s32 $0x19700;
	s11 =	simm.s32 $0x3  }
0x125: {  	[hbm4b:s7+s2] =	stream.linear.scatter [tilespmem:s10], [sflag:$0x3], $0x20, $0x38;
	[tilespmem:$0x19780] =	vst v63  }
0x126: {  	_ =	swait.ge [sflag:s11], $0x20  }
0x127: {  	s23 =	rddreg [dreg:$0xc]  }
0x128: {  	s25 =	rddreg [dreg:$0x5];
	s10 =	sadd.s32 $0x1, s23  }
0x129: {  	p0 =	sne.s32 s10, s25  }
.Ltmp5:
0x12a: {  	_ = 	snop;
	(pc) =	sbr.rel @p0 .LBB2_1-.Ltmp5, $3  }
0x12b: {  	_ =	sdelay $0x1  }
0x12c: {  	[sflag:s11] =	ssyncset.done $0x0  }
0x12d: {  	[sflag:s11] =	ssyncadd.s32 $0xFFFFFFE0  }
0x12e: {  	_ =	sfence.sel $0x180000  }
0x12f: {  	[bflag:$0x0] =	sbarrier.arrive $0xFFFF  }
0x130: {  	_ =	strace $0x9000004D  }
0x131: {  	s0 =	stileid.u32;
	[bflag:$0x2] =	sbarrier.arrive $0xFFFF  }
0x132: {  	p0 =	sne.s32 s0, $0x0;
	s0 =	rddreg [dreg:$0x1]  }
0x133: {  	s0 =	sadd.s32 @!p0 $0x100000, s0  }
0x134: {  	[sflag:s0] =	ssyncadd.tile.s32 @!p0 $0x1;
	_ =	shalt  }
.Lfunc_end2:
_tile_overlayer_lowered:
.L_overlay_start_2:
0x135: {  	(tag) =	ssettag $0x2  }
0x136: {  	s0 =	rddreg [dreg:$0x0];
	s2 =	stileid.u32  }
0x137: {  	s1 =	rddreg [dreg:$0x1];
	p0 =	sne.s32 s2, $0x0  }
0x138: {  	s3 =	rddreg [dreg:$0x2];
	[bflag:$0x3] =	sbarrier.arrive $0xFFFF;
	s2 =	simm.s32 @!p0 $0x1C03  }
0x139: {  	[timem:s3], [sflag:s2] =	dma.local @!p0 [hbm:s0], s1  }
0x13a: {  	s0 =	simm.s32 @!p0 $0x3  }
0x13b: {  	_ =	swait.ge @!p0 [sflag:s0], s1  }
0x13c: {  	s1 =	ssub.s32 @!p0 $0x0, s1;
	[sflag:s0] =	ssyncset.done @!p0 $0x0  }
0x13d: {  	[sflag:s0] =	ssyncadd.s32 @!p0 s1  }
0x13e: {  	[bflag:$0x3] =	sbarrier.arrive $0xFFFF  }
0x13f: {  	_ =	shalt  }

// kernel: kernel.23.cloned.1.call-start
scs
__scs_entry_jumppad:
0x0: {  	(pc) =	sbr.rel $0x88, $3  }
0x1: {  	(tag) =	ssettag $0x0;
	lr =	simm.s32 $0x1  }
0x2: {  	[smem:$0x3F9E] =	sst lr;
	_ =	strace $0xD0000000  }
0x3: {  	_ = 	snop  }
0x4: {  	_ = 	snop  }
0x5: {  	_ = 	snop  }
0x6: {  	_ = 	snop  }
0x7: {  	_ = 	snop  }
__scs_overlays_trampoline_lowered:
0x8: {  	[smem:$0x3FAD] =	sst s0  }
0x9: {  	[smem:$0x3FAE] =	sst s1  }
0xa: {  	[smem:$0x3FAF] =	sst s2  }
0xb: {  	[smem:$0x3FB0] =	sst s3  }
0xc: {  	[smem:$0x3FB1] =	sst s4  }
0xd: {  	[smem:$0x3FB2] =	sst s5  }
0xe: {  	[smem:$0x3FB3] =	sst s6  }
0xf: {  	[smem:$0x3FB4] =	sst s7  }
0x10: {  	[smem:$0x3FB5] =	sst s8  }
0x11: {  	[smem:$0x3FB6] =	sst s9;
	s0 =	simm.s32 @!p0 $0x0  }
0x12: {  	s1 =	sld [smem:$0x3F9C];
	s0 =	simm.s32 @p0 $0x1  }
0x13: {  	[smem:$0x3FB7] =	sst s0;
	s0 =	simm.s32 @!p1 $0x0  }
0x14: {  	s2 =	sld [smem:$0x3F9B];
	s0 =	simm.s32 @p1 $0x1  }
0x15: {  	[smem:$0x3FB8] =	sst s0;
	s0 =	simm.s32 @!p2 $0x0  }
0x16: {  	s3 =	sld [smem:$0x3FDB];
	s0 =	simm.s32 @p2 $0x1  }
0x17: {  	s4 =	simm.s32 $0x1BF5;
	[smem:$0x3FBA] =	sst s0  }
0x18: {  	s0 =	sld [smem:$0x3F9D];
	_ =	swait.ge [sflag:s4], $0x0  }
0x19: {  	s7 =	sld [smem:$0x3F9E]  }
0x1a: {  	s8 =	sadd.s32 $0xFFFFE003, lr  }
0x1b: {  	s9 =	sadd.s32 $0xFFFFFEF7, lr;
	s5 =	simm.s32 $0xFFFFFFFF;
	p2 =	slt.u32 s8, $0xFFFFF086  }
0x1c: {  	p1 =	slt.u32 s9, $0xF7A;
	s5 =	simm.s32 @!p2 $0x0  }
0x1d: {  	s5 =	simm.s32 @p1 $0x1;
	p0 =	seq.s32 s7, s2  }
0x1e: {  	s7 =	smul.u32 @!p0 $0xF7A, s2;
	p2 =	seq.s32 @!p0 s5, $0x0  }
0x1f: {  	s9 =	smul.u32 $0xF7A, s1;
	s8 =	simm.s32 @!p0 $0x1BF5;
	p2 =	por !p2, p0  }
0x20: {  	[sflag:s8] =	ssyncset.s32 @!p0 $0xFFFFF086;
	s6 =	sadd.s32 @!p0 s3, s7;
	s7 =	simm.s32 @!p0 $0x108  }
0x21: {  	s3 =	sadd.s32 s3, s9;
	s6 =	sadd.s32 @!p0 $0x88, s6;
	s7 =	simm.s32 @p2 $0x1082  }
0x22: {  	[simem:s7], [sflag:s8] =	dma.local @!p0 [hbm:s6], $0xF7A  }
0x23: {  	s9 =	sor.u32 $0xD0000000, s2;
	s6 =	simm.s32 $0x108;
	_ =	swait.ge @!p0 [sflag:s8], $0x0  }
0x24: {  	s3 =	sadd.s32 $0x88, s3;
	s6 =	simm.s32 @!p1 $0x1082;
	[sflag:s4] =	ssyncset.s32 $0xFFFFF086  }
0x25: {  	[simem:s6], [sflag:s4] =	dma.local [hbm:s3], $0xF7A  }
0x26: {  	[smem:$0x3F9E] =	sst s1;
	(tag) =	ssettag s2;
	_ =	strace s9  }
0x27: {  	s1 =	sld [smem:$0x3FAE]  }
0x28: {  	s2 =	sld [smem:$0x3FAF]  }
0x29: {  	s4 =	sld [smem:$0x3FB1]  }
0x2a: {  	p0 =	seq.s32 s5, $0x0;
	s5 =	sld [smem:$0x3FB2]  }
0x2b: {  	s6 =	sld [smem:$0x3FB3]  }
0x2c: {  	s7 =	sld [smem:$0x3FB4]  }
0x2d: {  	s3 =	simm.s32 $0x108;
	s8 =	sld [smem:$0x3FB5]  }
0x2e: {  	s3 =	simm.s32 @!p0 $0x1082;
	s9 =	sld [smem:$0x3FB6]  }
0x2f: {  	lr =	sadd.s32 s0, s3;
	s0 =	sld [smem:$0x3FAD]  }
0x30: {  	s3 =	sld [smem:$0x3FB0]  }
0x31: {  	[smem:$0x3FB9] =	sst s10  }
0x32: {  	s10 =	sld [smem:$0x3FB7];
	_ =	sdelay $0x3  }
0x33: {  	p0 =	seq.s32 s10, $0x1;
	s10 =	sld [smem:$0x3FB9];
	_ =	sdelay $0x3  }
0x34: {  	[smem:$0x3FB9] =	sst s10  }
0x35: {  	s10 =	sld [smem:$0x3FB8];
	_ =	sdelay $0x3  }
0x36: {  	p1 =	seq.s32 s10, $0x1;
	s10 =	sld [smem:$0x3FB9];
	_ =	sdelay $0x3  }
0x37: {  	[smem:$0x3FB9] =	sst s10  }
0x38: {  	s10 =	sld [smem:$0x3FBA]  }
0x39: {  	_ = 	snop;
	(pc) =	sbr.ind lr, $3  }
0x3a: {  	_ = 	snop  }
0x3b: {  	_ = 	snop  }
0x3c: {  	p2 =	seq.s32 s10, $0x1;
	s10 =	sld [smem:$0x3FB9]  }
0x3d: {  	_ =	shalt  }
0x3e: {  	_ =	shalt  }
0x3f: {  	_ =	shalt  }
0x40: {  	_ =	shalt  }
0x41: {  	_ =	shalt  }
0x42: {  	_ =	shalt  }
0x43: {  	_ =	shalt  }
0x44: {  	_ =	shalt  }
0x45: {  	_ =	shalt  }
0x46: {  	_ =	shalt  }
0x47: {  	_ =	shalt  }
0x48: {  	_ =	shalt  }
0x49: {  	_ =	shalt  }
0x4a: {  	_ =	shalt  }
0x4b: {  	_ =	shalt  }
0x4c: {  	_ =	shalt  }
0x4d: {  	_ =	shalt  }
0x4e: {  	_ =	shalt  }
0x4f: {  	_ =	shalt  }
0x50: {  	_ =	shalt  }
0x51: {  	_ =	shalt  }
0x52: {  	_ =	shalt  }
0x53: {  	_ =	shalt  }
0x54: {  	_ =	shalt  }
0x55: {  	_ =	shalt  }
0x56: {  	_ =	shalt  }
0x57: {  	_ =	shalt  }
0x58: {  	_ =	shalt  }
0x59: {  	_ =	shalt  }
0x5a: {  	_ =	shalt  }
0x5b: {  	_ =	shalt  }
0x5c: {  	_ =	shalt  }
0x5d: {  	_ =	shalt  }
0x5e: {  	_ =	shalt  }
0x5f: {  	_ =	shalt  }
0x60: {  	_ =	shalt  }
0x61: {  	_ =	shalt  }
0x62: {  	_ =	shalt  }
0x63: {  	_ =	shalt  }
0x64: {  	_ =	shalt  }
0x65: {  	_ =	shalt  }
0x66: {  	_ =	shalt  }
0x67: {  	_ =	shalt  }
0x68: {  	_ =	shalt  }
0x69: {  	_ =	shalt  }
0x6a: {  	_ =	shalt  }
0x6b: {  	_ =	shalt  }
0x6c: {  	_ =	shalt  }
0x6d: {  	_ =	shalt  }
0x6e: {  	_ =	shalt  }
0x6f: {  	_ =	shalt  }
0x70: {  	_ =	shalt  }
0x71: {  	_ =	shalt  }
0x72: {  	_ =	shalt  }
0x73: {  	_ =	shalt  }
0x74: {  	_ =	shalt  }
0x75: {  	_ =	shalt  }
0x76: {  	_ =	shalt  }
0x77: {  	_ =	shalt  }
0x78: {  	_ =	shalt  }
0x79: {  	_ =	shalt  }
0x7a: {  	_ =	shalt  }
0x7b: {  	_ =	shalt  }
0x7c: {  	_ =	shalt  }
0x7d: {  	_ =	shalt  }
0x7e: {  	_ =	shalt  }
0x7f: {  	_ =	shalt  }
0x80: {  	_ =	shalt  }
0x81: {  	_ =	shalt  }
0x82: {  	_ =	shalt  }
0x83: {  	_ =	shalt  }
0x84: {  	_ =	shalt  }
0x85: {  	_ =	shalt  }
0x86: {  	_ =	shalt  }
0x87: {  	_ =	shalt  }
.Lfunc_end0:
.L_simem_size_0:
called_computation.3_lowered:
.L_overlay_start_0:
0x88: {  	s2 =	sld [smem:$0x3FD9]  }
0x89: {  	s3 =	sld [smem:$0x3FFE];
	_ =	sdelay $0x1  }
0x8a: {  	s1 =	srdreg.scid  }
0x8b: {  	s0 =	sand.u32 $0x1, s1  }
0x8c: {  	s17 =	sshll.u32 s0, $0xA;
	s2 =	sadd.s32 s3, s2  }
0x8d: {  	s2 =	sadd.s32 s2, s17  }
0x8e: {  	[smem:$0x3FC5] =	sst s2  }
0x8f: {  	_ = 	snop  }
0x90: {  	(tm) =	ssettm $0x1  }
0x91: {  	s18 =	sld [smem:$0x3FFB];
	_ =	sdelay $0x3  }
0x92: {  	_ =	strace s18  }
0x93: {  	s2 =	sld [smem:$0x3FFC];
	_ =	sdelay $0x3  }
0x94: {  	_ =	strace s2  }
0x95: {  	s2 =	sld [smem:$0x3FFD];
	_ =	sdelay $0x3  }
0x96: {  	_ =	strace s2  }
0x97: {  	_ =	strace $0x8FFFFFFF  }
0x98: {  	s19 =	sld [smem:$0x3FDB];
	_ =	sdelay $0x1  }
0x99: {  	s20 =	simm.s32 $_scs_section_size  }
0x9a: {  	s4 =	simm.s32 $_size__tile_overlayer_lowered;
	s5 =	simm.s32 $_tile_overlayer_lowered  }
0x9b: {  	s6 =	simm.s32 $0x1BFF;
	s21 =	sshll.u32 s5, $0x1;
	s3 =	sadd.s32 s20, s19  }
0x9c: {  	s22 =	simm.s32 $0x0;
	s4 =	sshll.u32 s4, $0x1;
	s5 =	sadd.s32 s21, s3  }
0x9d: {  	[timem:s22], [sflag:s6] =	dma.local [hbm:s5], s4  }
0x9e: {  	_ =	swait.ge [sflag:s6], s4  }
0x9f: {  	s4 =	ssub.s32 $0x0, s4;
	[sflag:s6] =	ssyncset.done $0x0  }
0xa0: {  	[sflag:s6] =	ssyncadd.s32 s4;
	_ =	sdelay $0x1  }
0xa1: {  	s23 =	simm.s32 $0x1B8B  }
0xa2: {  	_ =	swait.ge [sflag:s23], $0x1  }
0xa3: {  	[sflag:s23] =	ssyncset.done $0x0  }
0xa4: {  	[sflag:s23] =	ssyncadd.s32 $0xFFFFFFFF  }
0xa5: {  	s4 =	sld [smem:$0x0]  }
0xa6: {  	s5 =	sand.u32 $0xFFFFFFFE, s1  }
0xa7: {  	p0 =	sne.s32 s1, s5  }
0xa8: {  	s5 =	sshll.u32 @p0 s5, $0xE  }
0xa9: {  	s5 =	sadd.s32 @p0 $0x11B8D, s5;
	s6 =	sshll.u32 @p0 s4, $0x11  }
0xaa: {  	s5 =	sor.u32 @p0 s6, s5  }
0xab: {  	[sflag:s5] =	ssyncadd.remote.s32 @p0 $0x1;
	_ =	sdelay $0x1  }
0xac: {  	s5 =	simm.s32 @p0 $0x1B8D  }
0xad: {  	_ =	swait.eq @p0 [sflag:s5], $0x1  }
0xae: {  	[sflag:s5] =	ssyncadd.s32 @p0 $0xFFFFFFFF  }
0xaf: {  	s6 =	sshll.u32 @!p0 s1, $0xE  }
0xb0: {  	s6 =	sor.u32 @!p0 $0x4000, s6;
	s5 =	simm.s32 @!p0 $0x1B8D  }
0xb1: {  	s4 =	sshll.u32 @!p0 s4, $0x11;
	s6 =	sadd.s32 @!p0 $0x11B8D, s6;
	_ =	swait.eq @!p0 [sflag:s5], $0x1  }
0xb2: {  	s4 =	sor.u32 @!p0 s4, s6;
	[sflag:s5] =	ssyncadd.s32 @!p0 $0xFFFFFFFF  }
0xb3: {  	s25 =	simm.s32 $0x1B8E;
	s24 =	sld [smem:$0x3FFE];
	[sflag:s4] =	ssyncadd.remote.s32 @!p0 $0x1  }
0xb4: {  	s26 =	simm.s32 $execute0_lowered;
	[smem:$0x3FD2] =	sst s25  }
0xb5: {  	s5 =	sshll.u32 s26, $0x1;
	_ =	strace $0x8000004F;
	[dreg:$0x1] =	wrdreg $0xFFFFFFFF  }
0xb6: {  	s28 =	simm.s32 $_size_execute0_lowered;
	s3 =	sadd.s32 s3, s5;
	[dreg:$0x0] =	wrdreg $0x0  }
0xb7: {  	s5 =	sshll.u32 s28, $0x1;
	[dreg:$0x2] =	wrdreg s3  }
0xb8: {  	[dreg:$0x3] =	wrdreg s5  }
0xb9: {  	[dreg:$0x4] =	wrdreg $0xC0  }
0xba: {  	_ =	task [dreg:s22], $0x5FFFF  }
0xbb: {  	[dreg:$0x1] =	wrdreg $0xFFFFFFFF  }
0xbc: {  	[dreg:$0x0] =	wrdreg $0x60  }
0xbd: {  	[dreg:$0x2] =	wrdreg s24  }
0xbe: {  	[dreg:$0x3] =	wrdreg $0xC  }
0xbf: {  	_ =	task.clear_ibuf [dreg:s22], $0x4FFFF;
	_ =	strace $0x9000004F  }
0xc0: {  	s29 =	simm.s32 $0xC;
	_ =	strace $0x80000051  }
0xc1: {  	_ =	swait.ge [sflag:s29], $0x1  }
0xc2: {  	[sflag:s29] =	ssyncadd.s32 $0xFFFFFFFF  }
0xc3: {  	_ =	strace $0x90000051  }
0xc4: {  	_ =	sfence  }
0xc5: {  	s30 =	sld [smem:$0x0];
	_ =	sdelay $0x2  }
0xc6: {  	s31 =	sshll.u32 s1, $0xD;
	s1 =	sshrl.u32 s1, $0x2  }
0xc7: {  	s4 =	sand.u32 $0x4000, s31;
	s1 =	sadd.s32 s1, s30  }
0xc8: {  	s0 =	sor.u32 s4, s0;
	s1 =	sshll.u32 s1, $0x11  }
0xc9: {  	s0 =	sor.u32 s1, s0  }
0xca: {  	s0 =	sadd.s32 $0x8F2B, s0  }
0xcb: {  	[sflag:s0] =	ssyncadd.remote.s32 $0x1  }
0xcc: {  	_ =	sfence.sel $0xFFFF  }
0xcd: {  	[dreg:$0x0] =	wrdreg $0xFFFFFFFF;
	(pc) =	sbr.abs _section_cstart, $3  }
0xce: {  	[dreg:$0x1] =	wrdreg $0xFFFFFFFF  }
0xcf: {  	_ =	task.clear_ibuf [dreg:s22], $0x2FFFF;
	_ =	strace $0x9FFFFFFF  }
0xd0: {  	(tm) =	ssettm $0x7FFFFFFF  }
0xd1: {  	_ =	shalt  }
tec
execute0_lowered:
.L_overlay_start_1:
0x0: {  	(tag) =	ssettag $0x1  }
0x1: {  	s0 =	rddreg [dreg:$0x0]  }
0x2: {  	s1 =	srdreg.scid;
	s3 =	stileid.u32;
	s2 =	simm.s32 $0x0  }
0x3: {  	s11 =	simm.s32 $0x3;
	s28 =	simm.s32 $0x800;
	s29 =	simm.s32 $0x880  }
0x4: {  	s30 =	simm.s32 $0x900;
	s31 =	simm.s32 $0x980;
	s16 =	simm.s32 $0xB00  }
0x5: {  	s17 =	simm.s32 $0xB80;
	s1 =	sand.u32 $0x1, s1;
	[smem:$0x7FF] =	sst s2  }
0x6: {  	s3 =	sshll.u32 s3, $0x6;
	s5 =	sadd.s32 $0x2525A00, s0;
	s8 =	sadd.s32 $0xC6A600, s0  }
0x7: {  	s4 =	sshll.u32 s1, $0x5;
	_ =	strace $0x80000050;
	s1 =	ssub.s32 $0x2, s1  }
0x8: {  	[dreg:$0x2] =	wrdreg s8;
	s3 =	sor.u32 s4, s3;
	s18 =	sshrl.u32 s1, $0x1  }
0x9: {  	s4 =	sadd.s32 $0x3165A00, s0;
	s6 =	sshrl.u32 s3, $0x3;
	s1 =	ssub.s32 s1, s18  }
0xa: {  	s7 =	smul.u32 $0x380, s6;
	s0 =	sadd.s32 s6, s0;
	s20 =	smax.u32 s1, $0x1  }
0xb: {  	s9 =	simm.s32 $0x1;
	s0 =	sadd.s32 $0x2A00, s0;
	[dreg:$0x5] =	wrdreg s20  }
0xc: {  	s10 =	simm.s32 $0x0;
	s19 =	sadd.s32 s4, s7;
	[dreg:$0x4] =	wrdreg s0  }
0xd: {  	s12 =	simm.s32 $0x0;
	s21 =	sadd.s32 $0x80, s19;
	[dreg:$0x3] =	wrdreg s19  }
0xe: {  	s8 =	simm.s32 $0xE80;
	s22 =	sadd.s32 $0x100, s19;
	[dreg:$0x6] =	wrdreg s21  }
0xf: {  	s18 =	simm.s32 $0xC00;
	s23 =	sadd.s32 $0x180, s19;
	[dreg:$0x7] =	wrdreg s22  }
0x10: {  	s1 =	simm.s32 $0xA80;
	s24 =	sadd.s32 $0x200, s19;
	[dreg:$0x8] =	wrdreg s23  }
0x11: {  	s6 =	simm.s32 $0xE00;
	s25 =	sadd.s32 $0x280, s19;
	[dreg:$0x9] =	wrdreg s24  }
0x12: {  	s20 =	simm.s32 $0xD00;
	s26 =	sadd.s32 $0x300, s19;
	[dreg:$0xa] =	wrdreg s25  }
0x13: {  	s0 =	simm.s32 $0xA00;
	s19 =	simm.s32 $0xC80;
	[dreg:$0xb] =	wrdreg s26  }
0x14: {  	v0 =	vlaneseq.u32;
	s24 =	simm.s32 $0x2;
	s26 =	simm.s32 $0x780;
	s21 =	simm.s32 $0xD80  }
.LBB2_1:
0x15: {  	[dreg:$0xc] =	wrdreg s10  }
0x16: {  	s7 =	rddreg [dreg:$0x3]  }
0x17: {  	[tilespmem:s2], [sflag:$0x2] =	stream.linear.gather [hbm4b:s7+s2], $0x80, $0x38;
	[tilespmem:$0x19780] =	vst v63  }
0x18: {  	s23 =	rddreg [dreg:$0x6];
	s25 =	simm.s32 $0x100  }
0x19: {  	[tilespmem:s25], [sflag:$0x2] =	stream.linear.gather [hbm4b:s23+s2], $0x80, $0x38;
	[tilespmem:$0x19780] =	vst v63  }
0x1a: {  	s13 =	rddreg [dreg:$0x7];
	s14 =	simm.s32 $0x200  }
0x1b: {  	[tilespmem:s14], [sflag:$0x2] =	stream.linear.gather [hbm4b:s13+s2], $0x80, $0x38;
	[tilespmem:$0x19780] =	vst v63  }
0x1c: {  	s15 =	rddreg [dreg:$0x8];
	s22 =	simm.s32 $0x300  }
0x1d: {  	[tilespmem:s22], [sflag:$0x2] =	stream.linear.gather [hbm4b:s15+s2], $0x80, $0x38;
	[tilespmem:$0x19780] =	vst v63  }
0x1e: {  	s23 =	rddreg [dreg:$0x9];
	s25 =	simm.s32 $0x400  }
0x1f: {  	[tilespmem:s25], [sflag:$0x2] =	stream.linear.gather [hbm4b:s23+s2], $0x80, $0x38;
	[tilespmem:$0x19780] =	vst v63  }
0x20: {  	s13 =	rddreg [dreg:$0xa];
	s14 =	simm.s32 $0x500  }
0x21: {  	[tilespmem:s14], [sflag:$0x2] =	stream.linear.gather [hbm4b:s13+s2], $0x80, $0x38;
	[tilespmem:$0x19780] =	vst v63  }
0x22: {  	s15 =	rddreg [dreg:$0xb];
	s22 =	simm.s32 $0x600  }
0x23: {  	[tilespmem:s22], [sflag:$0x2] =	stream.linear.gather [hbm4b:s15+s2], $0x80, $0x38;
	[tilespmem:$0x19780] =	vst v63  }
0x24: {  	s23 =	rddreg [dreg:$0x2];
	s25 =	simm.s32 $0xF00  }
0x25: {  	[tilespmem:s25], [sflag:$0x3] =	stream.linear.gather [hbm4b:s23+s2], $0x18800, $0x38;
	[tilespmem:$0x19780] =	vst v63  }
0x26: {  	_ =	swait.ge [sflag:s11], $0x18800  }
0x27: {  	[sflag:s11] =	ssyncset.done $0x0  }
0x28: {  	p1 =	por $0x1, $0x1;
	s7 =	simm.s32 $0x0;
	[sflag:s11] =	ssyncadd.s32 $0xFFFE7800  }
.LBB2_2:
0x29: {  	p0 =	por p1, p1;
	s11 =	sshll.u32 s7, $0x4;
	v1 =	vimm.f32 $0.0e+00;
	s13 =	simm.s32 $0x0  }
.LBB2_3:
0x2a: {  	s14 =	sand.u32 $0x1, s13  }
0x2b: {  	_ =	swait.ge [sflag:s24], $0x380;
	s10 =	sand.u32 $0x700, s12;
	s7 =	sshll.u32 s14, $0x7  }
0x2c: {  	s15 =	sand.u32 $0x70, s12;
	[sflag:s24] =	ssyncset.done $0x0;
	s10 =	sor.u32 s10, s7  }
0x2d: {  	[sflag:s24] =	ssyncadd.s32 $0xFFFFFC80;
	s10 =	sadd.s32 s15, s10  }
0x2e: {  	v2 =	vld [tilespmem:s10+$0x0];
	_ =	sdelay $0x3  }
0x2f: {  	v3 =	vor.u32 s12, v0  }
0x30: {  	(xrf1) =	vsort.dscd.msk.f32 $0xffff, v2, v3;
	_ =	sdelay $0x6  }
0x31: {  	s22 =	simm.s32 $0x20  }
0x32: {  	s23 =	simm.s32 $0x10;
	s10 =	sand.u32 $0x700, s22  }
0x33: {  	s22 =	sand.u32 $0x70, s23;
	s10 =	sor.u32 s10, s7  }
0x34: {  	s10 =	sadd.s32 s22, s10  }
0x35: {  	v2 =	vld [tilespmem:s10+$0x0];
	_ =	sdelay $0x2  }
0x36: {  	v3 =	vimm.f32 $3.000000010e+38;
	v4, v5, _ =	vpop (xrf1)  }
0x37: {  	v6 =	vimm.s32 $0x0;
	v7 =	vor.u32 s23, v0;
	vm0 =	vlt.f32 v4, v3  }
0x38: {  	(xrf1) =	vsort.dscd.msk.f32 $0xffff, v2, v7;
	v2 =	vsel vm0, v4, v3;
	v3 =	vsel vm0, v5, v6  }
0x39: {  	(xrf1) =	vsort.ascd.msk.f32 $0xffff, v2, v3;
	_ =	sdelay $0x6  }
0x3a: {  	s23 =	simm.s32 $0x40  }
0x3b: {  	s15 =	simm.s32 $0x20;
	s25 =	sand.u32 $0x700, s23  }
0x3c: {  	s22 =	sand.u32 $0x70, s15;
	s25 =	sor.u32 s25, s7;
	s10 =	simm.s32 $0x30  }
.LBB2_4:
0x3d: {  	p1 =	sne.s32 s10, $0x300;
	s22 =	sadd.s32 s22, s25  }
0x3e: {  	v2 =	vld [tilespmem:s22+$0x0];
	_ =	sdelay $0x1  }
0x3f: {  	v3, v4, _ =	vpop (xrf1)  }
0x40: {  	v5, v6, _ =	vpop (xrf1)  }
0x41: {  	v7 =	vor.u32 s15, v0;
	s15 =	smov.u32 s10;
	vm0 =	vlt.f32 v3, v5  }
0x42: {  	(xrf1) =	vsort.dscd.msk.f32 $0xffff, v2, v7;
	v2 =	vsel vm0, v3, v5;
	v3 =	vsel vm0, v4, v6  }
0x43: {  	(xrf1) =	vsort.ascd.msk.f32 $0xffff, v2, v3;
	_ =	sdelay $0x4  }
.Ltmp0:
0x44: {  	(pc) =	sbr.rel @p1 .LBB2_4-.Ltmp0, $4  }
0x45: {  	_ = 	snop  }
0x46: {  	s23 =	sadd.s32 $0x20, s23  }
0x47: {  	s25 =	sand.u32 $0x700, s23  }
0x48: {  	s10 =	sadd.s32 $0x10, s10;
	s22 =	sand.u32 $0x70, s15;
	s25 =	sor.u32 s25, s7  }
0x49: {  	s7 =	sadd.s32 s22, s25  }
0x4a: {  	v2 =	vld [tilespmem:s7+$0x0];
	_ =	sdelay $0x1  }
0x4b: {  	v3, v4, _ =	vpop (xrf1)  }
0x4c: {  	v5, v6, _ =	vpop (xrf1)  }
0x4d: {  	v7 =	vor.u32 s15, v0;
	vm0 =	vlt.f32 v3, v5  }
0x4e: {  	(xrf1) =	vsort.dscd.msk.f32 $0xffff, v2, v7;
	v2 =	vsel vm0, v3, v5;
	v3 =	vsel vm0, v4, v6  }
0x4f: {  	(xrf1) =	vsort.ascd.msk.f32 $0xffff, v2, v3;
	_ =	sdelay $0xc  }
0x50: {  	v2, v3, _ =	vpop (xrf1)  }
0x51: {  	v4, v5, _ =	vpop (xrf1)  }
0x52: {  	vm15 =	vlt.f32 v2, v4  }
0x53: {  	v2 =	vsel vm15, v2, v4;
	v3 =	vsel vm15, v3, v5  }
0x54: {  	(xrf1) =	vsort.ascd.msk.f32 $0xffff, v2, v3;
	_ =	sdelay $0xa  }
0x55: {  	s7 =	sadd.s32 s11, s13  }
0x56: {  	s15 =	sor.u32 s3, s7  }
0x57: {  	s10 =	sshrl.u32 s15, $0x3  }
0x58: {  	s10 =	smul.u32 $0xC4000, s10;
	v3, v2, _ =	vpop (xrf1)  }
0x59: {  	v3 =	vshll.u32 v2, $0xA  }
0x5a: {  	v3 =	vadd.s32 s10, v3  }
0x5b: {  	(v2sf) =	vpush v3, $0x0;
	_ =	sdelay $0x5  }
0x5c: {  	(v2sf) =	vpush v3, $0x1;
	_ =	sdelay $0x2  }
0x5d: {  	(v2sf) =	vpush v3, $0x2;
	_ =	sdelay $0x5  }
0x5e: {  	s25 =	sshll.u32 s13, $0x7;
	s22 =	spop (v2sf);
	(v2sf) =	vpush v3, $0x3  }
0x5f: {  	s23 =	sand.u32 $0x380, s25  }
0x60: {  	s10 =	sor.u32 s23, s22  }
0x61: {  	s10 =	sshrl.u32 s10, $0x3  }
0x62: {  	s25 =	simm.s32 $0x700;
	s10 =	sadd.s32 s5, s10  }
0x63: {  	[tilespmem:s25], [sflag:$0x1] =	stream.linear.gather [hbm4b:s10+s2], $0x80, $0x38;
	[tilespmem:$0x19780] =	vst v63  }
0x64: {  	s25 =	spop (v2sf);
	(v2sf) =	vpush v3, $0x4;
	_ =	sdelay $0x2  }
0x65: {  	s22 =	spop (v2sf);
	(v2sf) =	vpush v3, $0x5;
	_ =	sdelay $0x5  }
0x66: {  	s10 =	sor.u32 s23, s25;
	s25 =	spop (v2sf);
	(v2sf) =	vpush v3, $0x6;
	_ =	sdelay $0x1  }
0x67: {  	s10 =	sshrl.u32 s10, $0x3  }
0x68: {  	s10 =	sadd.s32 s5, s10  }
0x69: {  	[tilespmem:s26], [sflag:$0x1] =	stream.linear.gather [hbm4b:s10+s2], $0x80, $0x38;
	[tilespmem:$0x19780] =	vst v63  }
0x6a: {  	s10 =	sor.u32 s23, s22  }
0x6b: {  	s10 =	sshrl.u32 s10, $0x3;
	s22 =	spop (v2sf);
	(v2sf) =	vpush v3, $0x7  }
0x6c: {  	s10 =	sadd.s32 s5, s10  }
0x6d: {  	[tilespmem:s28], [sflag:$0x1] =	stream.linear.gather [hbm4b:s10+s2], $0x80, $0x38;
	[tilespmem:$0x19780] =	vst v63  }
0x6e: {  	s10 =	sor.u32 s23, s25;
	s25 =	spop (v2sf);
	(v2sf) =	vpush v3, $0x8  }
0x6f: {  	s10 =	sshrl.u32 s10, $0x3  }
0x70: {  	s10 =	sadd.s32 s5, s10  }
0x71: {  	[tilespmem:s29], [sflag:$0x1] =	stream.linear.gather [hbm4b:s10+s2], $0x80, $0x38;
	[tilespmem:$0x19780] =	vst v63  }
0x72: {  	s10 =	sor.u32 s23, s22  }
0x73: {  	s10 =	sshrl.u32 s10, $0x3  }
0x74: {  	s10 =	sadd.s32 s5, s10;
	s22 =	spop (v2sf);
	(v2sf) =	vpush v3, $0x9  }
0x75: {  	[tilespmem:s30], [sflag:$0x1] =	stream.linear.gather [hbm4b:s10+s2], $0x80, $0x38;
	[tilespmem:$0x19780] =	vst v63  }
0x76: {  	s10 =	sor.u32 s23, s25  }
0x77: {  	s10 =	sshrl.u32 s10, $0x3  }
0x78: {  	s10 =	sadd.s32 s5, s10  }
0x79: {  	[tilespmem:s31], [sflag:$0x1] =	stream.linear.gather [hbm4b:s10+s2], $0x80, $0x38;
	[tilespmem:$0x19780] =	vst v63  }
0x7a: {  	s25 =	spop (v2sf);
	(v2sf) =	vpush v3, $0xA  }
0x7b: {  	s10 =	sor.u32 s23, s22  }
0x7c: {  	s10 =	sshrl.u32 s10, $0x3  }
0x7d: {  	s10 =	sadd.s32 s5, s10;
	s22 =	spop (v2sf);
	(v2sf) =	vpush v3, $0xB  }
0x7e: {  	[tilespmem:s0], [sflag:$0x1] =	stream.linear.gather [hbm4b:s10+s2], $0x80, $0x38;
	[tilespmem:$0x19780] =	vst v63  }
0x7f: {  	s10 =	sor.u32 s23, s25  }
0x80: {  	s10 =	sshrl.u32 s10, $0x3  }
0x81: {  	s10 =	sadd.s32 s5, s10  }
0x82: {  	[tilespmem:s1], [sflag:$0x1] =	stream.linear.gather [hbm4b:s10+s2], $0x80, $0x38;
	[tilespmem:$0x19780] =	vst v63  }
0x83: {  	s25 =	spop (v2sf);
	(v2sf) =	vpush v3, $0xC  }
0x84: {  	s10 =	sor.u32 s23, s22  }
0x85: {  	s10 =	sshrl.u32 s10, $0x3  }
0x86: {  	s10 =	sadd.s32 s5, s10  }
0x87: {  	[tilespmem:s16], [sflag:$0x1] =	stream.linear.gather [hbm4b:s10+s2], $0x80, $0x38;
	[tilespmem:$0x19780] =	vst v63  }
0x88: {  	s10 =	sor.u32 s23, s25  }
0x89: {  	s10 =	sshrl.u32 s10, $0x3;
	s22 =	spop (v2sf);
	(v2sf) =	vpush v3, $0xD  }
0x8a: {  	s10 =	sadd.s32 s5, s10  }
0x8b: {  	[tilespmem:s17], [sflag:$0x1] =	stream.linear.gather [hbm4b:s10+s2], $0x80, $0x38;
	[tilespmem:$0x19780] =	vst v63  }
0x8c: {  	s10 =	sor.u32 s23, s22;
	s25 =	spop (v2sf);
	(v2sf) =	vpush v3, $0xE  }
0x8d: {  	s10 =	sshrl.u32 s10, $0x3  }
0x8e: {  	s10 =	sadd.s32 s5, s10  }
0x8f: {  	[tilespmem:s18], [sflag:$0x1] =	stream.linear.gather [hbm4b:s10+s2], $0x80, $0x38;
	[tilespmem:$0x19780] =	vst v63  }
0x90: {  	s10 =	sor.u32 s23, s25  }
0x91: {  	s10 =	sshrl.u32 s10, $0x3  }
0x92: {  	s10 =	sadd.s32 s5, s10;
	s22 =	spop (v2sf);
	(v2sf) =	vpush v3, $0xF  }
0x93: {  	[tilespmem:s19], [sflag:$0x1] =	stream.linear.gather [hbm4b:s10+s2], $0x80, $0x38;
	[tilespmem:$0x19780] =	vst v63  }
0x94: {  	s10 =	sor.u32 s23, s22  }
0x95: {  	s10 =	sshrl.u32 s10, $0x3  }
0x96: {  	s10 =	sadd.s32 s5, s10  }
0x97: {  	[tilespmem:s20], [sflag:$0x1] =	stream.linear.gather [hbm4b:s10+s2], $0x80, $0x38;
	[tilespmem:$0x19780] =	vst v63  }
0x98: {  	s25 =	spop (v2sf)  }
0x99: {  	s10 =	sor.u32 s23, s25  }
0x9a: {  	s10 =	sshrl.u32 s10, $0x3  }
0x9b: {  	s22 =	spop (v2sf);
	s10 =	sadd.s32 s5, s10  }
0x9c: {  	[tilespmem:s21], [sflag:$0x1] =	stream.linear.gather [hbm4b:s10+s2], $0x80, $0x38;
	[tilespmem:$0x19780] =	vst v63  }
0x9d: {  	s10 =	sor.u32 s23, s22  }
0x9e: {  	s10 =	sshrl.u32 s10, $0x3  }
0x9f: {  	s10 =	sadd.s32 s5, s10  }
0xa0: {  	[tilespmem:s6], [sflag:$0x1] =	stream.linear.gather [hbm4b:s10+s2], $0x80, $0x38;
	[tilespmem:$0x19780] =	vst v63  }
0xa1: {  	s25 =	spop (v2sf)  }
0xa2: {  	s10 =	sor.u32 s23, s25  }
0xa3: {  	p1 =	sgt.u32 s7, $0x1E;
	s10 =	sshrl.u32 s10, $0x3  }
0xa4: {  	s7 =	sadd.s32 @!p1 $0x1, s15;
	s10 =	sadd.s32 s5, s10  }
0xa5: {  	[tilespmem:s8], [sflag:$0x1] =	stream.linear.gather [hbm4b:s10+s2], $0x80, $0x38;
	[tilespmem:$0x19780] =	vst v63  }
0xa6: {  	s10 =	sshrl.u32 @!p1 s7, $0x3  }
0xa7: {  	s7 =	sshll.u32 @!p1 s7, $0x7;
	s10 =	smul.u32 @!p1 $0x1C00, s10  }
0xa8: {  	s7 =	sand.u32 @!p1 $0x380, s7  }
0xa9: {  	s7 =	sor.u32 @!p1 s7, s10  }
0xaa: {  	s10 =	sshll.u32 @!p1 s14, $0x7;
	s7 =	sshrl.u32 @!p1 s7, $0x3  }
0xab: {  	s14 =	simm.s32 @!p1 $0x0;
	s10 =	sxor.u32 @!p1 $0x80, s10;
	s7 =	sadd.s32 @!p1 s4, s7  }
0xac: {  	[tilespmem:s10], [sflag:$0x2] =	stream.linear.gather @!p1 [hbm4b:s7+s14], $0x80, $0x38;
	[tilespmem:$0x19780] =	vst v63  }
0xad: {  	s22 =	sor.u32 @!p1 $0x100, s10;
	s15 =	sadd.s32 @!p1 $0x80, s7  }
0xae: {  	[tilespmem:s22], [sflag:$0x2] =	stream.linear.gather @!p1 [hbm4b:s15+s14], $0x80, $0x38;
	[tilespmem:$0x19780] =	vst v63  }
0xaf: {  	s15 =	sadd.s32 @!p1 $0x100, s7;
	s22 =	sor.u32 @!p1 $0x200, s10  }
0xb0: {  	[tilespmem:s22], [sflag:$0x2] =	stream.linear.gather @!p1 [hbm4b:s15+s14], $0x80, $0x38;
	[tilespmem:$0x19780] =	vst v63  }
0xb1: {  	s15 =	sadd.s32 @!p1 $0x180, s7;
	s22 =	sor.u32 @!p1 $0x300, s10  }
0xb2: {  	[tilespmem:s22], [sflag:$0x2] =	stream.linear.gather @!p1 [hbm4b:s15+s14], $0x80, $0x38;
	[tilespmem:$0x19780] =	vst v63  }
0xb3: {  	s15 =	sadd.s32 @!p1 $0x200, s7;
	s22 =	sor.u32 @!p1 $0x400, s10  }
0xb4: {  	[tilespmem:s22], [sflag:$0x2] =	stream.linear.gather @!p1 [hbm4b:s15+s14], $0x80, $0x38;
	[tilespmem:$0x19780] =	vst v63  }
0xb5: {  	s15 =	sadd.s32 @!p1 $0x280, s7;
	s22 =	sor.u32 @!p1 $0x500, s10  }
0xb6: {  	[tilespmem:s22], [sflag:$0x2] =	stream.linear.gather @!p1 [hbm4b:s15+s14], $0x80, $0x38;
	[tilespmem:$0x19780] =	vst v63  }
0xb7: {  	s7 =	sadd.s32 @!p1 $0x300, s7;
	s10 =	sor.u32 @!p1 $0x600, s10  }
0xb8: {  	[tilespmem:s10], [sflag:$0x2] =	stream.linear.gather @!p1 [hbm4b:s7+s14], $0x80, $0x38;
	[tilespmem:$0x19780] =	vst v63  }
0xb9: {  	_ =	swait.ge [sflag:s9], $0x80  }
0xba: {  	[sflag:s9] =	ssyncset.done $0x0  }
0xbb: {  	[sflag:s9] =	ssyncadd.s32 $0xFFFFFF80  }
0xbc: {  	_ =	swait.ge [sflag:s9], $0x80  }
0xbd: {  	[sflag:s9] =	ssyncset.done $0x0  }
0xbe: {  	[sflag:s9] =	ssyncadd.s32 $0xFFFFFF80  }
0xbf: {  	_ =	swait.ge [sflag:s9], $0x80  }
0xc0: {  	[sflag:s9] =	ssyncset.done $0x0  }
0xc1: {  	[sflag:s9] =	ssyncadd.s32 $0xFFFFFF80  }
0xc2: {  	_ =	swait.ge [sflag:s9], $0x80  }
0xc3: {  	[sflag:s9] =	ssyncset.done $0x0  }
0xc4: {  	[sflag:s9] =	ssyncadd.s32 $0xFFFFFF80  }
0xc5: {  	_ =	swait.ge [sflag:s9], $0x80  }
0xc6: {  	[sflag:s9] =	ssyncset.done $0x0  }
0xc7: {  	[sflag:s9] =	ssyncadd.s32 $0xFFFFFF80  }
0xc8: {  	_ =	swait.ge [sflag:s9], $0x80  }
0xc9: {  	[sflag:s9] =	ssyncset.done $0x0  }
0xca: {  	[sflag:s9] =	ssyncadd.s32 $0xFFFFFF80  }
0xcb: {  	_ =	swait.ge [sflag:s9], $0x80  }
0xcc: {  	[sflag:s9] =	ssyncset.done $0x0  }
0xcd: {  	[sflag:s9] =	ssyncadd.s32 $0xFFFFFF80  }
0xce: {  	_ =	swait.ge [sflag:s9], $0x80  }
0xcf: {  	[sflag:s9] =	ssyncset.done $0x0  }
0xd0: {  	[sflag:s9] =	ssyncadd.s32 $0xFFFFFF80  }
0xd1: {  	_ =	swait.ge [sflag:s9], $0x80  }
0xd2: {  	[sflag:s9] =	ssyncset.done $0x0  }
0xd3: {  	[sflag:s9] =	ssyncadd.s32 $0xFFFFFF80  }
0xd4: {  	_ =	swait.ge [sflag:s9], $0x80  }
0xd5: {  	[sflag:s9] =	ssyncset.done $0x0  }
0xd6: {  	[sflag:s9] =	ssyncadd.s32 $0xFFFFFF80  }
0xd7: {  	_ =	swait.ge [sflag:s9], $0x80  }
0xd8: {  	[sflag:s9] =	ssyncset.done $0x0  }
0xd9: {  	[sflag:s9] =	ssyncadd.s32 $0xFFFFFF80  }
0xda: {  	_ =	swait.ge [sflag:s9], $0x80  }
0xdb: {  	[sflag:s9] =	ssyncset.done $0x0  }
0xdc: {  	[sflag:s9] =	ssyncadd.s32 $0xFFFFFF80  }
0xdd: {  	_ =	swait.ge [sflag:s9], $0x80  }
0xde: {  	[sflag:s9] =	ssyncset.done $0x0  }
0xdf: {  	[sflag:s9] =	ssyncadd.s32 $0xFFFFFF80  }
0xe0: {  	_ =	swait.ge [sflag:s9], $0x80  }
0xe1: {  	[sflag:s9] =	ssyncset.done $0x0  }
0xe2: {  	[sflag:s9] =	ssyncadd.s32 $0xFFFFFF80  }
0xe3: {  	_ =	swait.ge [sflag:s9], $0x80  }
0xe4: {  	[sflag:s9] =	ssyncset.done $0x0  }
0xe5: {  	[sflag:s9] =	ssyncadd.s32 $0xFFFFFF80  }
0xe6: {  	_ =	swait.ge [sflag:s9], $0x80  }
0xe7: {  	s15 =	simm.s32 $0x0;
	[sflag:s9] =	ssyncset.done $0x0  }
0xe8: {  	v5 =	vimm.f32 $3.000000010e+38;
	v4 =	vimm.s32 $0x0;
	s7 =	simm.s32 $0x0;
	s14 =	simm.s32 $0x700;
	[sflag:s9] =	ssyncadd.s32 $0xFFFFFF80  }
.LBB2_6:
0xe9: {  	v3 =	vmov s14;
	_ =	sdelay $0x3  }
0xea: {  	s10 =	simm.s32 $0x0  }
0xeb: {  	v6 =	vld.idx.msk [tilespmem:v3+s10+$0x0 ss:$0x1], $0xffff;
	_ =	sdelay $0x3  }
0xec: {  	v7 =	vor.u32 s7, v0  }
0xed: {  	(xrf1) =	vsort.dscd.msk.f32 $0xffff, v6, v7;
	_ =	sdelay $0x9  }
0xee: {  	s23 =	simm.s32 $0x10  }
0xef: {  	v6 =	vld.idx.msk [tilespmem:v3+s23+$0x0 ss:$0x1], $0xffff;
	_ =	sdelay $0x2  }
0xf0: {  	s23 =	sadd.s32 $0x10, s7;
	v7, v8, _ =	vpop (xrf1)  }
0xf1: {  	v9 =	vor.u32 s23, v0;
	vm0 =	vlt.f32 v7, v5  }
0xf2: {  	(xrf1) =	vsort.dscd.msk.f32 $0xffff, v6, v9;
	v5 =	vsel vm0, v7, v5;
	v4 =	vsel vm0, v8, v4  }
0xf3: {  	(xrf1) =	vsort.ascd.msk.f32 $0xffff, v5, v4;
	_ =	sdelay $0x8  }
0xf4: {  	s25 =	simm.s32 $0x20  }
0xf5: {  	s10 =	simm.s32 $0xC0;
	v4 =	vld.idx.msk [tilespmem:v3+s25+$0x0 ss:$0x1], $0xffff  }
.LBB2_7:
0xf6: {  	p1 =	sne.s32 s10, $0x1C0;
	_ =	sdelay $0x1  }
0xf7: {  	v5, v6, _ =	vpop (xrf1)  }
0xf8: {  	s23 =	sadd.s32 $0x10, s23;
	v7, v8, _ =	vpop (xrf1)  }
0xf9: {  	v9 =	vor.u32 s23, v0;
	vm0 =	vlt.f32 v5, v7  }
0xfa: {  	(xrf1) =	vsort.dscd.msk.f32 $0xffff, v4, v9;
	v4 =	vsel vm0, v5, v7;
	v5 =	vsel vm0, v6, v8  }
0xfb: {  	(xrf1) =	vsort.ascd.msk.f32 $0xffff, v4, v5;
	_ =	sdelay $0x5  }
.Ltmp1:
0xfc: {  	(pc) =	sbr.rel @p1 .LBB2_7-.Ltmp1, $3  }
0xfd: {  	_ =	sdelay $0x1  }
0xfe: {  	s22 =	sshra.s32 s10, $0x2  }
0xff: {  	s10 =	sadd.s32 $0x40, s10;
	v4 =	vld.idx.msk [tilespmem:v3+s22+$0x0 ss:$0x1], $0xffff  }
0x100: {  	_ =	sdelay $0x1  }
0x101: {  	v3, v5, _ =	vpop (xrf1)  }
0x102: {  	s10 =	sadd.s32 $0x10, s23;
	v6, v7, _ =	vpop (xrf1)  }
0x103: {  	v8 =	vor.u32 s10, v0;
	vm0 =	vlt.f32 v3, v6  }
0x104: {  	(xrf1) =	vsort.dscd.msk.f32 $0xffff, v4, v8;
	v3 =	vsel vm0, v3, v6;
	v4 =	vsel vm0, v5, v7  }
0x105: {  	(xrf1) =	vsort.ascd.msk.f32 $0xffff, v3, v4;
	_ =	sdelay $0xc  }
0x106: {  	v3, v4, _ =	vpop (xrf1)  }
0x107: {  	v5, v6, _ =	vpop (xrf1)  }
0x108: {  	vm15 =	vlt.f32 v3, v5  }
0x109: {  	v3 =	vsel vm15, v3, v5;
	v4 =	vsel vm15, v4, v6  }
0x10a: {  	(xrf1) =	vsort.ascd.msk.f32 $0xffff, v3, v4;
	_ =	sdelay $0x7  }
0x10b: {  	s15 =	sadd.s32 $0x1, s15  }
0x10c: {  	p1 =	sne.s32 s15, $0x10  }
.Ltmp2:
0x10d: {  	_ = 	snop;
	(pc) =	sbr.rel @p1 .LBB2_6-.Ltmp2, $2  }
0x10e: {  	_ =	sdelay $0x2  }
0x10f: {  	s7 =	sadd.s32 $0x80, s7;
	s14 =	sadd.s32 $0x80, s14;
	v5, v4, _ =	vpop (xrf1)  }
0x110: {  	v3 =	vshrl.u32 v4, $0x7  }
0x111: {  	v2 =	vperm.xlane v2, v3;
	_ =	sdelay $0x1  }
0x112: {  	v3 =	vand.u32 $0x7F, v4;
	v2 =	vshll.u32 v2, $0x7  }
0x113: {  	v2 =	vor.u32 v3, v2;
	_ =	sdelay $0x3  }
0x114: {  	s7 =	simm.s32 $0xF00  }
0x115: {  	v2 =	vld.idx.msk [tilespmem:v2+s7+$0x0], $0xffff;
	_ =	sdelay $0x4  }
0x116: {  	(xrf2) =	vadd.scan.msk.f32 $0xffff, v2;
	_ =	sdelay $0x9  }
0x117: {  	v2, _, _ =	vpop (xrf2)  }
0x118: {  	(v2sf) =	vpush v2, $0xF;
	_ =	sdelay $0xb  }
0x119: {  	v2 =	vmov s13;
	s13 =	sadd.s32 $0x1, s13  }
0x11a: {  	p1 =	sne.s32 s13, $0x10  }
.Ltmp3:
0x11b: {  	_ = 	snop;
	(pc) =	sbr.rel @p1 .LBB2_3-.Ltmp3, $4  }
0x11c: {  	s25 =	spop (v2sf)  }
0x11d: {  	s7 =	smul.f32 $6.250000000e-02, s25  }
0x11e: {  	vm0 =	veq.s32 v2, v0  }
0x11f: {  	v1 =	vsel vm0, s7, v1  }
.Ltmp4:
0x120: {  	(pc) =	sbr.rel @p0 .LBB2_2-.Ltmp4, $3  }
0x121: {  	_ =	sdelay $0x1  }
0x122: {  	s7 =	sand.u32 $0x3FFFFFF0, s11  }
0x123: {  	p1 =	por $0x0, $0x0;
	[tilespmem:s7+$0x19700] =	vst v1;
	s7 =	simm.s32 $0x1  }
0x124: {  	s7 =	rddreg [dreg:$0x4];
	s10 =	simm.s32 $0x19700;
	s11 =	simm.s32 $0x3  }
0x125: {  	[hbm4b:s7+s2] =	stream.linear.scatter [tilespmem:s10], [sflag:$0x3], $0x20, $0x38;
	[tilespmem:$0x19780] =	vst v63  }
0x126: {  	_ =	swait.ge [sflag:s11], $0x20  }
0x127: {  	s23 =	rddreg [dreg:$0xc]  }
0x128: {  	s25 =	rddreg [dreg:$0x5];
	s10 =	sadd.s32 $0x1, s23  }
0x129: {  	p0 =	sne.s32 s10, s25  }
.Ltmp5:
0x12a: {  	_ = 	snop;
	(pc) =	sbr.rel @p0 .LBB2_1-.Ltmp5, $3  }
0x12b: {  	_ =	sdelay $0x1  }
0x12c: {  	[sflag:s11] =	ssyncset.done $0x0  }
0x12d: {  	[sflag:s11] =	ssyncadd.s32 $0xFFFFFFE0  }
0x12e: {  	_ =	sfence.sel $0x180000  }
0x12f: {  	[bflag:$0x0] =	sbarrier.arrive $0xFFFF  }
0x130: {  	_ =	strace $0x90000050  }
0x131: {  	s0 =	stileid.u32;
	[bflag:$0x2] =	sbarrier.arrive $0xFFFF  }
0x132: {  	p0 =	sne.s32 s0, $0x0;
	s0 =	rddreg [dreg:$0x1]  }
0x133: {  	s0 =	sadd.s32 @!p0 $0x100000, s0  }
0x134: {  	[sflag:s0] =	ssyncadd.tile.s32 @!p0 $0x1;
	_ =	shalt  }
.Lfunc_end2:
_tile_overlayer_lowered:
.L_overlay_start_2:
0x135: {  	(tag) =	ssettag $0x2  }
0x136: {  	s0 =	rddreg [dreg:$0x0];
	s2 =	stileid.u32  }
0x137: {  	s1 =	rddreg [dreg:$0x1];
	p0 =	sne.s32 s2, $0x0  }
0x138: {  	s3 =	rddreg [dreg:$0x2];
	[bflag:$0x3] =	sbarrier.arrive $0xFFFF;
	s2 =	simm.s32 @!p0 $0x1C03  }
0x139: {  	[timem:s3], [sflag:s2] =	dma.local @!p0 [hbm:s0], s1  }
0x13a: {  	s0 =	simm.s32 @!p0 $0x3  }
0x13b: {  	_ =	swait.ge @!p0 [sflag:s0], s1  }
0x13c: {  	s1 =	ssub.s32 @!p0 $0x0, s1;
	[sflag:s0] =	ssyncset.done @!p0 $0x0  }
0x13d: {  	[sflag:s0] =	ssyncadd.s32 @!p0 s1  }
0x13e: {  	[bflag:$0x3] =	sbarrier.arrive $0xFFFF  }
0x13f: {  	_ =	shalt  }

</sc_bundles>
